<compile_context>
chip_gen: v7x
topology: tpu7x:2x2x1
jax: 0.10.2.dev20260603
libtpu: 0.0.44.dev20260713+nightly
codegen_flags: <defaults>
</compile_context>

<pallas_src>
import jax
import jax.numpy as jnp
from jax import lax
from jax.experimental import pallas as pl
from jax.experimental.pallas import tpu as pltpu
from jax.experimental.pallas import tpu_sc as plsc

B, D, N, M = 4, 64, 4096, 4096
BM = 4096

NUM_WORKERS = 32
LANES = 16
CHUNK = (B * N) // NUM_WORKERS
VECS = CHUNK // LANES
ROWS_PER_BATCH = N // CHUNK


SLAB = 8


RC = 2048


def _argmax_into(at_ref, b_ref, idx_ref, val_ref):
    def step(i, carry):
        run_max, run_slab = carry
        a_chunk = at_ref[0, :, pl.ds(pl.multiple_of(i * RC, RC), RC)]
        s = lax.dot_general(
            a_chunk, b_ref[0],
            dimension_numbers=(((0,), (0,)), ((), ())),
            preferred_element_type=jnp.float32,
        )
        for k in range(RC // SLAB):
            v = s[k * SLAB:(k + 1) * SLAB]
            slab_id = (i * (RC // SLAB) + k).astype(jnp.float32)
            better = v > run_max
            run_max = jnp.maximum(v, run_max)
            run_slab = jnp.where(better, slab_id, run_slab)
        return (run_max, run_slab)
    init = (jnp.full((SLAB, BM), -jnp.inf, jnp.float32),
            jnp.zeros((SLAB, BM), jnp.float32))
    run_max, run_slab = lax.fori_loop(0, N // RC, step, init)

    sub = lax.broadcasted_iota(jnp.int32, (SLAB, BM), 0).astype(jnp.float32)
    grow = run_slab * jnp.float32(SLAB) + sub
    mx = jnp.max(run_max, axis=0)
    cand = jnp.where(run_max == mx[None, :], grow, jnp.float32(N))
    idx_ref[0, 0, :] = jnp.min(cand, axis=0).astype(jnp.int32)
    val_ref[0, 0, :] = (mx + 1.0) * 0.5


def _both_directions_body(d0f_ref, d1f_ref, d0s_ref, d1s_ref,
                          m1_ref, s1_ref, m0_ref, s0_ref):
    d = pl.program_id(2)

    @pl.when(d == 0)
    def _():
        _argmax_into(d0f_ref, d1s_ref, m1_ref, s1_ref)

    @pl.when(d == 1)
    def _():
        _argmax_into(d1f_ref, d0s_ref, m0_ref, s0_ref)


def _matmul_argmax_both(d0, d1):
    grid = (B, M // BM, 2)
    outs = pl.pallas_call(
        _both_directions_body,
        grid=grid,
        in_specs=[
            pl.BlockSpec((1, D, N), lambda bi, j, d: (bi, 0, 0)),
            pl.BlockSpec((1, D, N), lambda bi, j, d: (bi, 0, 0)),
            pl.BlockSpec((1, D, BM), lambda bi, j, d: (bi, 0, j)),
            pl.BlockSpec((1, D, BM), lambda bi, j, d: (bi, 0, j)),
        ],
        out_specs=[
            pl.BlockSpec((1, 1, BM), lambda bi, j, d: (bi, 0, j)),
            pl.BlockSpec((1, 1, BM), lambda bi, j, d: (bi, 0, j)),
            pl.BlockSpec((1, 1, BM), lambda bi, j, d: (bi, 0, j)),
            pl.BlockSpec((1, 1, BM), lambda bi, j, d: (bi, 0, j)),
        ],
        out_shape=[
            jax.ShapeDtypeStruct((B, 1, M), jnp.int32),
            jax.ShapeDtypeStruct((B, 1, M), jnp.float32),
            jax.ShapeDtypeStruct((B, 1, M), jnp.int32),
            jax.ShapeDtypeStruct((B, 1, M), jnp.float32),
        ],
        compiler_params=pltpu.CompilerParams(
            dimension_semantics=("parallel", "parallel", "arbitrary"),
        ),
    )(d0, d1, d0, d1)
    return outs


def _mutual_check_body(m0_hbm, m1_hbm, out_hbm, m1_v, m0_v, out_v):
    wid = lax.axis_index("s") * 2 + lax.axis_index("c")
    batch = wid // ROWS_PER_BATCH
    off = (wid % ROWS_PER_BATCH) * CHUNK
    pltpu.sync_copy(m1_hbm.at[batch, 0], m1_v)
    pltpu.sync_copy(m0_hbm.at[batch, 0, pl.ds(off, CHUNK)], m0_v)
    for i in range(VECS):
        idx = m0_v[pl.ds(i * LANES, LANES)]
        loop = plsc.load_gather(m1_v, [idx])
        inds = off + i * LANES + lax.iota(jnp.int32, LANES)
        out_v[pl.ds(i * LANES, LANES)] = jnp.where(loop == inds, idx, -1)
    pltpu.sync_copy(out_v, out_hbm.at[batch, pl.ds(off, CHUNK)])


def _mutual_check(m0, m1):
    run = pl.kernel(
        _mutual_check_body,
        mesh=plsc.VectorSubcoreMesh(core_axis_name="c", subcore_axis_name="s"),
        out_type=jax.ShapeDtypeStruct((B, N), jnp.int32),
        scratch_types=[
            pltpu.VMEM((M,), jnp.int32),
            pltpu.VMEM((CHUNK,), jnp.int32),
            pltpu.VMEM((CHUNK,), jnp.int32),
        ],
        compiler_params=pltpu.CompilerParams(needs_layout_passes=False),
    )
    return run(m0, m1)


@jax.jit
def kernel(descriptors0, descriptors1):
    matches1_3d, scores1_3d, matches0_3d, scores0_3d = _matmul_argmax_both(
        descriptors0, descriptors1)
    matches0 = _mutual_check(matches0_3d, matches1_3d)
    return (matches0, matches1_3d.reshape(B, M),
            scores0_3d.reshape(B, N), scores1_3d.reshape(B, M))

# --- scband reference (transcript-rebuilt; emitter-appended) ---
"""Pipeline reference for scband-nearest-neighbor-matcher-88330297409772 (READ-ONLY COPY).

The authoritative reference and input builder live on the scoring server;
editing this copy changes nothing except your own understanding.
"""

import jax, jax.numpy as jnp
import numpy as np


def find_nn(sim):
    # ratio_thresh=None, distance_thresh=None -> k=1, mask all-true (kept faithful to torch code)
    sim_nn, ind_nn = jax.lax.top_k(sim, 1)
    mask = jnp.ones(ind_nn.shape[:-1], dtype=bool)
    matches = jnp.where(mask, ind_nn[..., 0], -1)
    scores = jnp.where(mask, (sim_nn[..., 0] + 1.0) / 2.0, 0.0)
    return matches, scores


def mutual_check(m0, m1):
    inds0 = jnp.arange(m0.shape[-1])
    safe = jnp.where(m0 > -1, m0, 0)
    loop = jnp.take_along_axis(m1, safe, axis=-1)
    ok = (m0 > -1) & (inds0 == loop)
    m0_new = jnp.where(ok, m0, -1)
    return m0_new, m1


def setup_inputs(seed: int = 0) -> dict:
    key = jax.random.key(seed)
    k0, k1 = jax.random.split(key)
    B, D, N, M = 4, 64, 4096, 4096
    descriptors0 = jax.random.normal(k0, (B, D, N), dtype=jnp.float32)
    descriptors1 = jax.random.normal(k1, (B, D, M), dtype=jnp.float32)
    return {"descriptors0": descriptors0, "descriptors1": descriptors1}


def reference(descriptors0, descriptors1):
    sim = jnp.einsum('bdn,bdm->bnm', descriptors0, descriptors1)
    matches0, scores0 = find_nn(sim)
    matches1, scores1 = find_nn(jnp.transpose(sim, (0, 2, 1)))
    matches0, matches1 = mutual_check(matches0, matches1)
    return matches0, matches1, scores0, scores1

if __name__ == "__main__":
    import jax
    _d = setup_inputs()
    print(jax.jit(kernel)(*tuple(_d.values())))

</pallas_src>

<mosaic_0001>
#map = affine_map<(d0, d1) -> (0, 0, 0)>
#map1 = affine_map<(d0, d1) -> (0, 0)>
module attributes {stable_mosaic.version = 14 : i64} {
  func.func @_mutual_check_body(%arg0: i32, %arg1: i32, %arg2: memref<4x1x4096xi32, #tpu.memory_space<hbm>>, %arg3: memref<4x1x4096xi32, #tpu.memory_space<hbm>>, %arg4: memref<4x4096xi32, #tpu.memory_space<hbm>>, %arg5: memref<4096xi32, #tpu.memory_space<vmem>>, %arg6: memref<512xi32, #tpu.memory_space<vmem>>, %arg7: memref<512xi32, #tpu.memory_space<vmem>>) attributes {dimension_semantics = [#tpu.dimension_semantics<core_parallel>, #tpu.dimension_semantics<subcore_parallel>], iteration_bounds = array<i64: 2, 16>, scalar_prefetch = 0 : i64, scratch_operands = 3 : i64, tpu.core_type = #tpu.core_type<sc_vector_subcore>, window_params = [{transform_indices = #map}, {transform_indices = #map}, {transform_indices = #map1}]} {
    %mul3A = arith.constant 2 : i32
    %mul3A_0 = arith.muli %arg1, %mul3A : i32
    %add3A = arith.addi %mul3A_0, %arg0 : i32
    %jit3A = arith.constant 8 : i32
    %div3A = arith.divsi %add3A, %jit3A : i32
    %sign3A = arith.constant 0 : i32
    %sign3A_1 = arith.cmpi sgt, %add3A, %sign3A : i32
    %sign3A_2 = arith.extui %sign3A_1 : i1 to i32
    %sign3A_3 = arith.constant 0 : i32
    %sign3A_4 = arith.cmpi slt, %add3A, %sign3A_3 : i32
    %sign3A_5 = arith.extui %sign3A_4 : i1 to i32
    %sign3A_6 = arith.subi %sign3A_2, %sign3A_5 : i32
    %sign3A_7 = arith.constant 0 : i32
    %sign3A_8 = arith.cmpi sgt, %jit3A, %sign3A_7 : i32
    %sign3A_9 = arith.extui %sign3A_8 : i1 to i32
    %sign3A_10 = arith.constant 0 : i32
    %sign3A_11 = arith.cmpi slt, %jit3A, %sign3A_10 : i32
    %sign3A_12 = arith.extui %sign3A_11 : i1 to i32
    %sign3A_13 = arith.subi %sign3A_9, %sign3A_12 : i32
    %ne3A = arith.cmpi ne, %sign3A_6, %sign3A_13 : i32
    %rem3A = arith.remsi %add3A, %jit3A : i32
    %ne3A_14 = arith.constant 0 : i32
    %ne3A_15 = arith.cmpi ne, %rem3A, %ne3A_14 : i32
    %and3A = arith.andi %ne3A, %ne3A_15 : i1
    %sub3A = arith.constant 1 : i32
    %sub3A_16 = arith.subi %div3A, %sub3A : i32
    %select_n3A = arith.select %and3A, %sub3A_16, %div3A : i32
    %jit3A_17 = arith.constant 8 : i32
    %eq3A = arith.constant 0 : i32
    %eq3A_18 = arith.cmpi eq, %jit3A_17, %eq3A : i32
    %jit3A_19 = arith.constant 1 : i32
    %select_n3A_20 = arith.select %eq3A_18, %jit3A_19, %jit3A_17 : i32
    %rem3A_21 = arith.remsi %add3A, %select_n3A_20 : i32
    %ne3A_22 = arith.constant 0 : i32
    %ne3A_23 = arith.cmpi ne, %rem3A_21, %ne3A_22 : i32
    %lt3A = arith.constant 0 : i32
    %lt3A_24 = arith.cmpi slt, %rem3A_21, %lt3A : i32
    %lt3A_25 = arith.constant 0 : i32
    %lt3A_26 = arith.cmpi slt, %select_n3A_20, %lt3A_25 : i32
    %ne3A_27 = arith.xori %lt3A_24, %lt3A_26 : i1
    %and3A_28 = arith.andi %ne3A_27, %ne3A_23 : i1
    %add3A_29 = arith.addi %rem3A_21, %select_n3A_20 : i32
    %select_n3A_30 = arith.select %and3A_28, %add3A_29, %rem3A_21 : i32
    %mul3A_31 = arith.constant 512 : i32
    %mul3A_32 = arith.muli %select_n3A_30, %mul3A_31 : i32
    %run_scoped3A = arith.constant 0 : i32
    "tpu.region"() ({
      %run_scoped3A_477 = tpu.sem_alloc : memref<!tpu.dma_semaphore, #tpu.memory_space<semaphore_mem>>
      %dma_start3A = arith.constant 0 : i32
      %dma_start3A_478 = tpu.memref_slice %arg3[%select_n3A, %run_scoped3A, %dma_start3A] : memref<4x1x4096xi32, #tpu.memory_space<hbm>> -> memref<1x1x4096xi32, #tpu.memory_space<hbm>>
      %dma_start3A_479 = tpu.memref_squeeze %dma_start3A_478 : memref<1x1x4096xi32, #tpu.memory_space<hbm>> -> memref<4096xi32, #tpu.memory_space<hbm>>
      %dma_start3A_480 = arith.constant 0 : i32
      %dma_start3A_481 = tpu.memref_slice %arg3[%select_n3A, %run_scoped3A, %dma_start3A_480] : memref<4x1x4096xi32, #tpu.memory_space<hbm>> -> memref<1x1x4096xi32, #tpu.memory_space<hbm>>
      %dma_start3A_482 = tpu.memref_squeeze %dma_start3A_481 : memref<1x1x4096xi32, #tpu.memory_space<hbm>> -> memref<4096xi32, #tpu.memory_space<hbm>>
      tpu.enqueue_dma source(%dma_start3A_482 : memref<4096xi32, #tpu.memory_space<hbm>>) target(%arg5 : memref<4096xi32, #tpu.memory_space<vmem>>) target_semaphore(%run_scoped3A_477 : memref<!tpu.dma_semaphore, #tpu.memory_space<semaphore_mem>>)
      %dma_wait3A = arith.constant 0 : i32
      %dma_wait3A_483 = tpu.memref_slice %arg3[%select_n3A, %run_scoped3A, %dma_wait3A] : memref<4x1x4096xi32, #tpu.memory_space<hbm>> -> memref<1x1x4096xi32, #tpu.memory_space<hbm>>
      %dma_wait3A_484 = tpu.memref_squeeze %dma_wait3A_483 : memref<1x1x4096xi32, #tpu.memory_space<hbm>> -> memref<4096xi32, #tpu.memory_space<hbm>>
      %dma_wait3A_485 = arith.constant 0 : i32
      %dma_wait3A_486 = tpu.memref_slice %arg3[%select_n3A, %run_scoped3A, %dma_wait3A_485] : memref<4x1x4096xi32, #tpu.memory_space<hbm>> -> memref<1x1x4096xi32, #tpu.memory_space<hbm>>
      %dma_wait3A_487 = tpu.memref_squeeze %dma_wait3A_486 : memref<1x1x4096xi32, #tpu.memory_space<hbm>> -> memref<4096xi32, #tpu.memory_space<hbm>>
      tpu.wait_dma2 semaphore(%run_scoped3A_477 : memref<!tpu.dma_semaphore, #tpu.memory_space<semaphore_mem>>) src(%dma_wait3A_487 : memref<4096xi32, #tpu.memory_space<hbm>>) dst(%arg5 : memref<4096xi32, #tpu.memory_space<vmem>>)
      tpu.yield
    }) : () -> ()
    %run_scoped3A_33 = arith.constant 0 : i32
    "tpu.region"() ({
      %run_scoped3A_477 = tpu.sem_alloc : memref<!tpu.dma_semaphore, #tpu.memory_space<semaphore_mem>>
      %dma_start3A = tpu.memref_slice %arg2[%select_n3A, %run_scoped3A_33, %mul3A_32] : memref<4x1x4096xi32, #tpu.memory_space<hbm>> -> memref<1x1x512xi32, #tpu.memory_space<hbm>>
      %dma_start3A_478 = tpu.memref_squeeze %dma_start3A : memref<1x1x512xi32, #tpu.memory_space<hbm>> -> memref<512xi32, #tpu.memory_space<hbm>>
      %dma_start3A_479 = tpu.memref_slice %arg2[%select_n3A, %run_scoped3A_33, %mul3A_32] : memref<4x1x4096xi32, #tpu.memory_space<hbm>> -> memref<1x1x512xi32, #tpu.memory_space<hbm>>
      %dma_start3A_480 = tpu.memref_squeeze %dma_start3A_479 : memref<1x1x512xi32, #tpu.memory_space<hbm>> -> memref<512xi32, #tpu.memory_space<hbm>>
      tpu.enqueue_dma source(%dma_start3A_480 : memref<512xi32, #tpu.memory_space<hbm>>) target(%arg6 : memref<512xi32, #tpu.memory_space<vmem>>) target_semaphore(%run_scoped3A_477 : memref<!tpu.dma_semaphore, #tpu.memory_space<semaphore_mem>>)
      %dma_wait3A = tpu.memref_slice %arg2[%select_n3A, %run_scoped3A_33, %mul3A_32] : memref<4x1x4096xi32, #tpu.memory_space<hbm>> -> memref<1x1x512xi32, #tpu.memory_space<hbm>>
      %dma_wait3A_481 = tpu.memref_squeeze %dma_wait3A : memref<1x1x512xi32, #tpu.memory_space<hbm>> -> memref<512xi32, #tpu.memory_space<hbm>>
      %dma_wait3A_482 = tpu.memref_slice %arg2[%select_n3A, %run_scoped3A_33, %mul3A_32] : memref<4x1x4096xi32, #tpu.memory_space<hbm>> -> memref<1x1x512xi32, #tpu.memory_space<hbm>>
      %dma_wait3A_483 = tpu.memref_squeeze %dma_wait3A_482 : memref<1x1x512xi32, #tpu.memory_space<hbm>> -> memref<512xi32, #tpu.memory_space<hbm>>
      tpu.wait_dma2 semaphore(%run_scoped3A_477 : memref<!tpu.dma_semaphore, #tpu.memory_space<semaphore_mem>>) src(%dma_wait3A_483 : memref<512xi32, #tpu.memory_space<hbm>>) dst(%arg6 : memref<512xi32, #tpu.memory_space<vmem>>)
      tpu.yield
    }) : () -> ()
    %get3A = arith.constant 0 : index
    %get3A_34 = tpu.vector_load %arg6[%get3A] {strides = array<i32>} : memref<512xi32, #tpu.memory_space<vmem>>, vector<16xi32>,
    %gather3A = tpu.vector_load_idx %arg5[%get3A_34] : memref<4096xi32, #tpu.memory_space<vmem>>[vector<16xi32>], vector<16xi32>,
    %add3A_35 = arith.constant 0 : i32
    %add3A_36 = arith.addi %mul3A_32, %add3A_35 : i32
    %iota3A = tpu.iota {dimensions = array<i32: 0>} : vector<16xi32>
    %add3A_37 = vector.broadcast %add3A_36 : i32 to vector<16xi32>
    %add3A_38 = arith.addi %add3A_37, %iota3A : vector<16xi32>
    %eq3A_39 = arith.cmpi eq, %gather3A, %add3A_38 : vector<16xi32>
    %jit3A_40 = arith.constant -1 : i32
    %broadcast_in_dim3A = vector.broadcast %jit3A_40 : i32 to vector<16xi32>
    %select_n3A_41 = arith.select %eq3A_39, %get3A_34, %broadcast_in_dim3A : vector<16xi1>, vector<16xi32>
    %swap3A = arith.constant 0 : index
    %swap3A_42 = tpu.vector_load %arg7[%swap3A] {strides = array<i32>} : memref<512xi32, #tpu.memory_space<vmem>>, vector<16xi32>,
    tpu.vector_store %arg7[%swap3A], %select_n3A_41 {strides = array<i32>} : memref<512xi32, #tpu.memory_space<vmem>>, vector<16xi32>,
    %get3A_43 = arith.constant 16 : index
    %get3A_44 = tpu.vector_load %arg6[%get3A_43] {strides = array<i32>} : memref<512xi32, #tpu.memory_space<vmem>>, vector<16xi32>,
    %gather3A_45 = tpu.vector_load_idx %arg5[%get3A_44] : memref<4096xi32, #tpu.memory_space<vmem>>[vector<16xi32>], vector<16xi32>,
    %add3A_46 = arith.constant 16 : i32
    %add3A_47 = arith.addi %mul3A_32, %add3A_46 : i32
    %iota3A_48 = tpu.iota {dimensions = array<i32: 0>} : vector<16xi32>
    %add3A_49 = vector.broadcast %add3A_47 : i32 to vector<16xi32>
    %add3A_50 = arith.addi %add3A_49, %iota3A_48 : vector<16xi32>
    %eq3A_51 = arith.cmpi eq, %gather3A_45, %add3A_50 : vector<16xi32>
    %jit3A_52 = arith.constant -1 : i32
    %broadcast_in_dim3A_53 = vector.broadcast %jit3A_52 : i32 to vector<16xi32>
    %select_n3A_54 = arith.select %eq3A_51, %get3A_44, %broadcast_in_dim3A_53 : vector<16xi1>, vector<16xi32>
    %swap3A_55 = arith.constant 16 : index
    %swap3A_56 = tpu.vector_load %arg7[%swap3A_55] {strides = array<i32>} : memref<512xi32, #tpu.memory_space<vmem>>, vector<16xi32>,
    tpu.vector_store %arg7[%swap3A_55], %select_n3A_54 {strides = array<i32>} : memref<512xi32, #tpu.memory_space<vmem>>, vector<16xi32>,
    %get3A_57 = arith.constant 32 : index
    %get3A_58 = tpu.vector_load %arg6[%get3A_57] {strides = array<i32>} : memref<512xi32, #tpu.memory_space<vmem>>, vector<16xi32>,
    %gather3A_59 = tpu.vector_load_idx %arg5[%get3A_58] : memref<4096xi32, #tpu.memory_space<vmem>>[vector<16xi32>], vector<16xi32>,
    %add3A_60 = arith.constant 32 : i32
    %add3A_61 = arith.addi %mul3A_32, %add3A_60 : i32
    %iota3A_62 = tpu.iota {dimensions = array<i32: 0>} : vector<16xi32>
    %add3A_63 = vector.broadcast %add3A_61 : i32 to vector<16xi32>
    %add3A_64 = arith.addi %add3A_63, %iota3A_62 : vector<16xi32>
    %eq3A_65 = arith.cmpi eq, %gather3A_59, %add3A_64 : vector<16xi32>
    %jit3A_66 = arith.constant -1 : i32
    %broadcast_in_dim3A_67 = vector.broadcast %jit3A_66 : i32 to vector<16xi32>
    %select_n3A_68 = arith.select %eq3A_65, %get3A_58, %broadcast_in_dim3A_67 : vector<16xi1>, vector<16xi32>
    %swap3A_69 = arith.constant 32 : index
    %swap3A_70 = tpu.vector_load %arg7[%swap3A_69] {strides = array<i32>} : memref<512xi32, #tpu.memory_space<vmem>>, vector<16xi32>,
    tpu.vector_store %arg7[%swap3A_69], %select_n3A_68 {strides = array<i32>} : memref<512xi32, #tpu.memory_space<vmem>>, vector<16xi32>,
    %get3A_71 = arith.constant 48 : index
    %get3A_72 = tpu.vector_load %arg6[%get3A_71] {strides = array<i32>} : memref<512xi32, #tpu.memory_space<vmem>>, vector<16xi32>,
    %gather3A_73 = tpu.vector_load_idx %arg5[%get3A_72] : memref<4096xi32, #tpu.memory_space<vmem>>[vector<16xi32>], vector<16xi32>,
    %add3A_74 = arith.constant 48 : i32
    %add3A_75 = arith.addi %mul3A_32, %add3A_74 : i32
    %iota3A_76 = tpu.iota {dimensions = array<i32: 0>} : vector<16xi32>
    %add3A_77 = vector.broadcast %add3A_75 : i32 to vector<16xi32>
    %add3A_78 = arith.addi %add3A_77, %iota3A_76 : vector<16xi32>
    %eq3A_79 = arith.cmpi eq, %gather3A_73, %add3A_78 : vector<16xi32>
    %jit3A_80 = arith.constant -1 : i32
    %broadcast_in_dim3A_81 = vector.broadcast %jit3A_80 : i32 to vector<16xi32>
    %select_n3A_82 = arith.select %eq3A_79, %get3A_72, %broadcast_in_dim3A_81 : vector<16xi1>, vector<16xi32>
    %swap3A_83 = arith.constant 48 : index
    %swap3A_84 = tpu.vector_load %arg7[%swap3A_83] {strides = array<i32>} : memref<512xi32, #tpu.memory_space<vmem>>, vector<16xi32>,
    tpu.vector_store %arg7[%swap3A_83], %select_n3A_82 {strides = array<i32>} : memref<512xi32, #tpu.memory_space<vmem>>, vector<16xi32>,
    %get3A_85 = arith.constant 64 : index
    %get3A_86 = tpu.vector_load %arg6[%get3A_85] {strides = array<i32>} : memref<512xi32, #tpu.memory_space<vmem>>, vector<16xi32>,
    %gather3A_87 = tpu.vector_load_idx %arg5[%get3A_86] : memref<4096xi32, #tpu.memory_space<vmem>>[vector<16xi32>], vector<16xi32>,
    %add3A_88 = arith.constant 64 : i32
    %add3A_89 = arith.addi %mul3A_32, %add3A_88 : i32
    %iota3A_90 = tpu.iota {dimensions = array<i32: 0>} : vector<16xi32>
    %add3A_91 = vector.broadcast %add3A_89 : i32 to vector<16xi32>
    %add3A_92 = arith.addi %add3A_91, %iota3A_90 : vector<16xi32>
    %eq3A_93 = arith.cmpi eq, %gather3A_87, %add3A_92 : vector<16xi32>
    %jit3A_94 = arith.constant -1 : i32
    %broadcast_in_dim3A_95 = vector.broadcast %jit3A_94 : i32 to vector<16xi32>
    %select_n3A_96 = arith.select %eq3A_93, %get3A_86, %broadcast_in_dim3A_95 : vector<16xi1>, vector<16xi32>
    %swap3A_97 = arith.constant 64 : index
    %swap3A_98 = tpu.vector_load %arg7[%swap3A_97] {strides = array<i32>} : memref<512xi32, #tpu.memory_space<vmem>>, vector<16xi32>,
    tpu.vector_store %arg7[%swap3A_97], %select_n3A_96 {strides = array<i32>} : memref<512xi32, #tpu.memory_space<vmem>>, vector<16xi32>,
    %get3A_99 = arith.constant 80 : index
    %get3A_100 = tpu.vector_load %arg6[%get3A_99] {strides = array<i32>} : memref<512xi32, #tpu.memory_space<vmem>>, vector<16xi32>,
    %gather3A_101 = tpu.vector_load_idx %arg5[%get3A_100] : memref<4096xi32, #tpu.memory_space<vmem>>[vector<16xi32>], vector<16xi32>,
    %add3A_102 = arith.constant 80 : i32
    %add3A_103 = arith.addi %mul3A_32, %add3A_102 : i32
    %iota3A_104 = tpu.iota {dimensions = array<i32: 0>} : vector<16xi32>
    %add3A_105 = vector.broadcast %add3A_103 : i32 to vector<16xi32>
    %add3A_106 = arith.addi %add3A_105, %iota3A_104 : vector<16xi32>
    %eq3A_107 = arith.cmpi eq, %gather3A_101, %add3A_106 : vector<16xi32>
    %jit3A_108 = arith.constant -1 : i32
    %broadcast_in_dim3A_109 = vector.broadcast %jit3A_108 : i32 to vector<16xi32>
    %select_n3A_110 = arith.select %eq3A_107, %get3A_100, %broadcast_in_dim3A_109 : vector<16xi1>, vector<16xi32>
    %swap3A_111 = arith.constant 80 : index
    %swap3A_112 = tpu.vector_load %arg7[%swap3A_111] {strides = array<i32>} : memref<512xi32, #tpu.memory_space<vmem>>, vector<16xi32>,
    tpu.vector_store %arg7[%swap3A_111], %select_n3A_110 {strides = array<i32>} : memref<512xi32, #tpu.memory_space<vmem>>, vector<16xi32>,
    %get3A_113 = arith.constant 96 : index
    %get3A_114 = tpu.vector_load %arg6[%get3A_113] {strides = array<i32>} : memref<512xi32, #tpu.memory_space<vmem>>, vector<16xi32>,
    %gather3A_115 = tpu.vector_load_idx %arg5[%get3A_114] : memref<4096xi32, #tpu.memory_space<vmem>>[vector<16xi32>], vector<16xi32>,
    %add3A_116 = arith.constant 96 : i32
    %add3A_117 = arith.addi %mul3A_32, %add3A_116 : i32
    %iota3A_118 = tpu.iota {dimensions = array<i32: 0>} : vector<16xi32>
    %add3A_119 = vector.broadcast %add3A_117 : i32 to vector<16xi32>
    %add3A_120 = arith.addi %add3A_119, %iota3A_118 : vector<16xi32>
    %eq3A_121 = arith.cmpi eq, %gather3A_115, %add3A_120 : vector<16xi32>
    %jit3A_122 = arith.constant -1 : i32
    %broadcast_in_dim3A_123 = vector.broadcast %jit3A_122 : i32 to vector<16xi32>
    %select_n3A_124 = arith.select %eq3A_121, %get3A_114, %broadcast_in_dim3A_123 : vector<16xi1>, vector<16xi32>
    %swap3A_125 = arith.constant 96 : index
    %swap3A_126 = tpu.vector_load %arg7[%swap3A_125] {strides = array<i32>} : memref<512xi32, #tpu.memory_space<vmem>>, vector<16xi32>,
    tpu.vector_store %arg7[%swap3A_125], %select_n3A_124 {strides = array<i32>} : memref<512xi32, #tpu.memory_space<vmem>>, vector<16xi32>,
    %get3A_127 = arith.constant 112 : index
    %get3A_128 = tpu.vector_load %arg6[%get3A_127] {strides = array<i32>} : memref<512xi32, #tpu.memory_space<vmem>>, vector<16xi32>,
    %gather3A_129 = tpu.vector_load_idx %arg5[%get3A_128] : memref<4096xi32, #tpu.memory_space<vmem>>[vector<16xi32>], vector<16xi32>,
    %add3A_130 = arith.constant 112 : i32
    %add3A_131 = arith.addi %mul3A_32, %add3A_130 : i32
    %iota3A_132 = tpu.iota {dimensions = array<i32: 0>} : vector<16xi32>
    %add3A_133 = vector.broadcast %add3A_131 : i32 to vector<16xi32>
    %add3A_134 = arith.addi %add3A_133, %iota3A_132 : vector<16xi32>
    %eq3A_135 = arith.cmpi eq, %gather3A_129, %add3A_134 : vector<16xi32>
    %jit3A_136 = arith.constant -1 : i32
    %broadcast_in_dim3A_137 = vector.broadcast %jit3A_136 : i32 to vector<16xi32>
    %select_n3A_138 = arith.select %eq3A_135, %get3A_128, %broadcast_in_dim3A_137 : vector<16xi1>, vector<16xi32>
    %swap3A_139 = arith.constant 112 : index
    %swap3A_140 = tpu.vector_load %arg7[%swap3A_139] {strides = array<i32>} : memref<512xi32, #tpu.memory_space<vmem>>, vector<16xi32>,
    tpu.vector_store %arg7[%swap3A_139], %select_n3A_138 {strides = array<i32>} : memref<512xi32, #tpu.memory_space<vmem>>, vector<16xi32>,
    %get3A_141 = arith.constant 128 : index
    %get3A_142 = tpu.vector_load %arg6[%get3A_141] {strides = array<i32>} : memref<512xi32, #tpu.memory_space<vmem>>, vector<16xi32>,
    %gather3A_143 = tpu.vector_load_idx %arg5[%get3A_142] : memref<4096xi32, #tpu.memory_space<vmem>>[vector<16xi32>], vector<16xi32>,
    %add3A_144 = arith.constant 128 : i32
    %add3A_145 = arith.addi %mul3A_32, %add3A_144 : i32
    %iota3A_146 = tpu.iota {dimensions = array<i32: 0>} : vector<16xi32>
    %add3A_147 = vector.broadcast %add3A_145 : i32 to vector<16xi32>
    %add3A_148 = arith.addi %add3A_147, %iota3A_146 : vector<16xi32>
    %eq3A_149 = arith.cmpi eq, %gather3A_143, %add3A_148 : vector<16xi32>
    %jit3A_150 = arith.constant -1 : i32
    %broadcast_in_dim3A_151 = vector.broadcast %jit3A_150 : i32 to vector<16xi32>
    %select_n3A_152 = arith.select %eq3A_149, %get3A_142, %broadcast_in_dim3A_151 : vector<16xi1>, vector<16xi32>
    %swap3A_153 = arith.constant 128 : index
    %swap3A_154 = tpu.vector_load %arg7[%swap3A_153] {strides = array<i32>} : memref<512xi32, #tpu.memory_space<vmem>>, vector<16xi32>,
    tpu.vector_store %arg7[%swap3A_153], %select_n3A_152 {strides = array<i32>} : memref<512xi32, #tpu.memory_space<vmem>>, vector<16xi32>,
    %get3A_155 = arith.constant 144 : index
    %get3A_156 = tpu.vector_load %arg6[%get3A_155] {strides = array<i32>} : memref<512xi32, #tpu.memory_space<vmem>>, vector<16xi32>,
    %gather3A_157 = tpu.vector_load_idx %arg5[%get3A_156] : memref<4096xi32, #tpu.memory_space<vmem>>[vector<16xi32>], vector<16xi32>,
    %add3A_158 = arith.constant 144 : i32
    %add3A_159 = arith.addi %mul3A_32, %add3A_158 : i32
    %iota3A_160 = tpu.iota {dimensions = array<i32: 0>} : vector<16xi32>
    %add3A_161 = vector.broadcast %add3A_159 : i32 to vector<16xi32>
    %add3A_162 = arith.addi %add3A_161, %iota3A_160 : vector<16xi32>
    %eq3A_163 = arith.cmpi eq, %gather3A_157, %add3A_162 : vector<16xi32>
    %jit3A_164 = arith.constant -1 : i32
    %broadcast_in_dim3A_165 = vector.broadcast %jit3A_164 : i32 to vector<16xi32>
    %select_n3A_166 = arith.select %eq3A_163, %get3A_156, %broadcast_in_dim3A_165 : vector<16xi1>, vector<16xi32>
    %swap3A_167 = arith.constant 144 : index
    %swap3A_168 = tpu.vector_load %arg7[%swap3A_167] {strides = array<i32>} : memref<512xi32, #tpu.memory_space<vmem>>, vector<16xi32>,
    tpu.vector_store %arg7[%swap3A_167], %select_n3A_166 {strides = array<i32>} : memref<512xi32, #tpu.memory_space<vmem>>, vector<16xi32>,
    %get3A_169 = arith.constant 160 : index
    %get3A_170 = tpu.vector_load %arg6[%get3A_169] {strides = array<i32>} : memref<512xi32, #tpu.memory_space<vmem>>, vector<16xi32>,
    %gather3A_171 = tpu.vector_load_idx %arg5[%get3A_170] : memref<4096xi32, #tpu.memory_space<vmem>>[vector<16xi32>], vector<16xi32>,
    %add3A_172 = arith.constant 160 : i32
    %add3A_173 = arith.addi %mul3A_32, %add3A_172 : i32
    %iota3A_174 = tpu.iota {dimensions = array<i32: 0>} : vector<16xi32>
    %add3A_175 = vector.broadcast %add3A_173 : i32 to vector<16xi32>
    %add3A_176 = arith.addi %add3A_175, %iota3A_174 : vector<16xi32>
    %eq3A_177 = arith.cmpi eq, %gather3A_171, %add3A_176 : vector<16xi32>
    %jit3A_178 = arith.constant -1 : i32
    %broadcast_in_dim3A_179 = vector.broadcast %jit3A_178 : i32 to vector<16xi32>
    %select_n3A_180 = arith.select %eq3A_177, %get3A_170, %broadcast_in_dim3A_179 : vector<16xi1>, vector<16xi32>
    %swap3A_181 = arith.constant 160 : index
    %swap3A_182 = tpu.vector_load %arg7[%swap3A_181] {strides = array<i32>} : memref<512xi32, #tpu.memory_space<vmem>>, vector<16xi32>,
    tpu.vector_store %arg7[%swap3A_181], %select_n3A_180 {strides = array<i32>} : memref<512xi32, #tpu.memory_space<vmem>>, vector<16xi32>,
    %get3A_183 = arith.constant 176 : index
    %get3A_184 = tpu.vector_load %arg6[%get3A_183] {strides = array<i32>} : memref<512xi32, #tpu.memory_space<vmem>>, vector<16xi32>,
    %gather3A_185 = tpu.vector_load_idx %arg5[%get3A_184] : memref<4096xi32, #tpu.memory_space<vmem>>[vector<16xi32>], vector<16xi32>,
    %add3A_186 = arith.constant 176 : i32
    %add3A_187 = arith.addi %mul3A_32, %add3A_186 : i32
    %iota3A_188 = tpu.iota {dimensions = array<i32: 0>} : vector<16xi32>
    %add3A_189 = vector.broadcast %add3A_187 : i32 to vector<16xi32>
    %add3A_190 = arith.addi %add3A_189, %iota3A_188 : vector<16xi32>
    %eq3A_191 = arith.cmpi eq, %gather3A_185, %add3A_190 : vector<16xi32>
    %jit3A_192 = arith.constant -1 : i32
    %broadcast_in_dim3A_193 = vector.broadcast %jit3A_192 : i32 to vector<16xi32>
    %select_n3A_194 = arith.select %eq3A_191, %get3A_184, %broadcast_in_dim3A_193 : vector<16xi1>, vector<16xi32>
    %swap3A_195 = arith.constant 176 : index
    %swap3A_196 = tpu.vector_load %arg7[%swap3A_195] {strides = array<i32>} : memref<512xi32, #tpu.memory_space<vmem>>, vector<16xi32>,
    tpu.vector_store %arg7[%swap3A_195], %select_n3A_194 {strides = array<i32>} : memref<512xi32, #tpu.memory_space<vmem>>, vector<16xi32>,
    %get3A_197 = arith.constant 192 : index
    %get3A_198 = tpu.vector_load %arg6[%get3A_197] {strides = array<i32>} : memref<512xi32, #tpu.memory_space<vmem>>, vector<16xi32>,
    %gather3A_199 = tpu.vector_load_idx %arg5[%get3A_198] : memref<4096xi32, #tpu.memory_space<vmem>>[vector<16xi32>], vector<16xi32>,
    %add3A_200 = arith.constant 192 : i32
    %add3A_201 = arith.addi %mul3A_32, %add3A_200 : i32
    %iota3A_202 = tpu.iota {dimensions = array<i32: 0>} : vector<16xi32>
    %add3A_203 = vector.broadcast %add3A_201 : i32 to vector<16xi32>
    %add3A_204 = arith.addi %add3A_203, %iota3A_202 : vector<16xi32>
    %eq3A_205 = arith.cmpi eq, %gather3A_199, %add3A_204 : vector<16xi32>
    %jit3A_206 = arith.constant -1 : i32
    %broadcast_in_dim3A_207 = vector.broadcast %jit3A_206 : i32 to vector<16xi32>
    %select_n3A_208 = arith.select %eq3A_205, %get3A_198, %broadcast_in_dim3A_207 : vector<16xi1>, vector<16xi32>
    %swap3A_209 = arith.constant 192 : index
    %swap3A_210 = tpu.vector_load %arg7[%swap3A_209] {strides = array<i32>} : memref<512xi32, #tpu.memory_space<vmem>>, vector<16xi32>,
    tpu.vector_store %arg7[%swap3A_209], %select_n3A_208 {strides = array<i32>} : memref<512xi32, #tpu.memory_space<vmem>>, vector<16xi32>,
    %get3A_211 = arith.constant 208 : index
    %get3A_212 = tpu.vector_load %arg6[%get3A_211] {strides = array<i32>} : memref<512xi32, #tpu.memory_space<vmem>>, vector<16xi32>,
    %gather3A_213 = tpu.vector_load_idx %arg5[%get3A_212] : memref<4096xi32, #tpu.memory_space<vmem>>[vector<16xi32>], vector<16xi32>,
    %add3A_214 = arith.constant 208 : i32
    %add3A_215 = arith.addi %mul3A_32, %add3A_214 : i32
    %iota3A_216 = tpu.iota {dimensions = array<i32: 0>} : vector<16xi32>
    %add3A_217 = vector.broadcast %add3A_215 : i32 to vector<16xi32>
    %add3A_218 = arith.addi %add3A_217, %iota3A_216 : vector<16xi32>
    %eq3A_219 = arith.cmpi eq, %gather3A_213, %add3A_218 : vector<16xi32>
    %jit3A_220 = arith.constant -1 : i32
    %broadcast_in_dim3A_221 = vector.broadcast %jit3A_220 : i32 to vector<16xi32>
    %select_n3A_222 = arith.select %eq3A_219, %get3A_212, %broadcast_in_dim3A_221 : vector<16xi1>, vector<16xi32>
    %swap3A_223 = arith.constant 208 : index
    %swap3A_224 = tpu.vector_load %arg7[%swap3A_223] {strides = array<i32>} : memref<512xi32, #tpu.memory_space<vmem>>, vector<16xi32>,
    tpu.vector_store %arg7[%swap3A_223], %select_n3A_222 {strides = array<i32>} : memref<512xi32, #tpu.memory_space<vmem>>, vector<16xi32>,
    %get3A_225 = arith.constant 224 : index
    %get3A_226 = tpu.vector_load %arg6[%get3A_225] {strides = array<i32>} : memref<512xi32, #tpu.memory_space<vmem>>, vector<16xi32>,
    %gather3A_227 = tpu.vector_load_idx %arg5[%get3A_226] : memref<4096xi32, #tpu.memory_space<vmem>>[vector<16xi32>], vector<16xi32>,
    %add3A_228 = arith.constant 224 : i32
    %add3A_229 = arith.addi %mul3A_32, %add3A_228 : i32
    %iota3A_230 = tpu.iota {dimensions = array<i32: 0>} : vector<16xi32>
    %add3A_231 = vector.broadcast %add3A_229 : i32 to vector<16xi32>
    %add3A_232 = arith.addi %add3A_231, %iota3A_230 : vector<16xi32>
    %eq3A_233 = arith.cmpi eq, %gather3A_227, %add3A_232 : vector<16xi32>
    %jit3A_234 = arith.constant -1 : i32
    %broadcast_in_dim3A_235 = vector.broadcast %jit3A_234 : i32 to vector<16xi32>
    %select_n3A_236 = arith.select %eq3A_233, %get3A_226, %broadcast_in_dim3A_235 : vector<16xi1>, vector<16xi32>
    %swap3A_237 = arith.constant 224 : index
    %swap3A_238 = tpu.vector_load %arg7[%swap3A_237] {strides = array<i32>} : memref<512xi32, #tpu.memory_space<vmem>>, vector<16xi32>,
    tpu.vector_store %arg7[%swap3A_237], %select_n3A_236 {strides = array<i32>} : memref<512xi32, #tpu.memory_space<vmem>>, vector<16xi32>,
    %get3A_239 = arith.constant 240 : index
    %get3A_240 = tpu.vector_load %arg6[%get3A_239] {strides = array<i32>} : memref<512xi32, #tpu.memory_space<vmem>>, vector<16xi32>,
    %gather3A_241 = tpu.vector_load_idx %arg5[%get3A_240] : memref<4096xi32, #tpu.memory_space<vmem>>[vector<16xi32>], vector<16xi32>,
    %add3A_242 = arith.constant 240 : i32
    %add3A_243 = arith.addi %mul3A_32, %add3A_242 : i32
    %iota3A_244 = tpu.iota {dimensions = array<i32: 0>} : vector<16xi32>
    %add3A_245 = vector.broadcast %add3A_243 : i32 to vector<16xi32>
    %add3A_246 = arith.addi %add3A_245, %iota3A_244 : vector<16xi32>
    %eq3A_247 = arith.cmpi eq, %gather3A_241, %add3A_246 : vector<16xi32>
    %jit3A_248 = arith.constant -1 : i32
    %broadcast_in_dim3A_249 = vector.broadcast %jit3A_248 : i32 to vector<16xi32>
    %select_n3A_250 = arith.select %eq3A_247, %get3A_240, %broadcast_in_dim3A_249 : vector<16xi1>, vector<16xi32>
    %swap3A_251 = arith.constant 240 : index
    %swap3A_252 = tpu.vector_load %arg7[%swap3A_251] {strides = array<i32>} : memref<512xi32, #tpu.memory_space<vmem>>, vector<16xi32>,
    tpu.vector_store %arg7[%swap3A_251], %select_n3A_250 {strides = array<i32>} : memref<512xi32, #tpu.memory_space<vmem>>, vector<16xi32>,
    %get3A_253 = arith.constant 256 : index
    %get3A_254 = tpu.vector_load %arg6[%get3A_253] {strides = array<i32>} : memref<512xi32, #tpu.memory_space<vmem>>, vector<16xi32>,
    %gather3A_255 = tpu.vector_load_idx %arg5[%get3A_254] : memref<4096xi32, #tpu.memory_space<vmem>>[vector<16xi32>], vector<16xi32>,
    %add3A_256 = arith.constant 256 : i32
    %add3A_257 = arith.addi %mul3A_32, %add3A_256 : i32
    %iota3A_258 = tpu.iota {dimensions = array<i32: 0>} : vector<16xi32>
    %add3A_259 = vector.broadcast %add3A_257 : i32 to vector<16xi32>
    %add3A_260 = arith.addi %add3A_259, %iota3A_258 : vector<16xi32>
    %eq3A_261 = arith.cmpi eq, %gather3A_255, %add3A_260 : vector<16xi32>
    %jit3A_262 = arith.constant -1 : i32
    %broadcast_in_dim3A_263 = vector.broadcast %jit3A_262 : i32 to vector<16xi32>
    %select_n3A_264 = arith.select %eq3A_261, %get3A_254, %broadcast_in_dim3A_263 : vector<16xi1>, vector<16xi32>
    %swap3A_265 = arith.constant 256 : index
    %swap3A_266 = tpu.vector_load %arg7[%swap3A_265] {strides = array<i32>} : memref<512xi32, #tpu.memory_space<vmem>>, vector<16xi32>,
    tpu.vector_store %arg7[%swap3A_265], %select_n3A_264 {strides = array<i32>} : memref<512xi32, #tpu.memory_space<vmem>>, vector<16xi32>,
    %get3A_267 = arith.constant 272 : index
    %get3A_268 = tpu.vector_load %arg6[%get3A_267] {strides = array<i32>} : memref<512xi32, #tpu.memory_space<vmem>>, vector<16xi32>,
    %gather3A_269 = tpu.vector_load_idx %arg5[%get3A_268] : memref<4096xi32, #tpu.memory_space<vmem>>[vector<16xi32>], vector<16xi32>,
    %add3A_270 = arith.constant 272 : i32
    %add3A_271 = arith.addi %mul3A_32, %add3A_270 : i32
    %iota3A_272 = tpu.iota {dimensions = array<i32: 0>} : vector<16xi32>
    %add3A_273 = vector.broadcast %add3A_271 : i32 to vector<16xi32>
    %add3A_274 = arith.addi %add3A_273, %iota3A_272 : vector<16xi32>
    %eq3A_275 = arith.cmpi eq, %gather3A_269, %add3A_274 : vector<16xi32>
    %jit3A_276 = arith.constant -1 : i32
    %broadcast_in_dim3A_277 = vector.broadcast %jit3A_276 : i32 to vector<16xi32>
    %select_n3A_278 = arith.select %eq3A_275, %get3A_268, %broadcast_in_dim3A_277 : vector<16xi1>, vector<16xi32>
    %swap3A_279 = arith.constant 272 : index
    %swap3A_280 = tpu.vector_load %arg7[%swap3A_279] {strides = array<i32>} : memref<512xi32, #tpu.memory_space<vmem>>, vector<16xi32>,
    tpu.vector_store %arg7[%swap3A_279], %select_n3A_278 {strides = array<i32>} : memref<512xi32, #tpu.memory_space<vmem>>, vector<16xi32>,
    %get3A_281 = arith.constant 288 : index
    %get3A_282 = tpu.vector_load %arg6[%get3A_281] {strides = array<i32>} : memref<512xi32, #tpu.memory_space<vmem>>, vector<16xi32>,
    %gather3A_283 = tpu.vector_load_idx %arg5[%get3A_282] : memref<4096xi32, #tpu.memory_space<vmem>>[vector<16xi32>], vector<16xi32>,
    %add3A_284 = arith.constant 288 : i32
    %add3A_285 = arith.addi %mul3A_32, %add3A_284 : i32
    %iota3A_286 = tpu.iota {dimensions = array<i32: 0>} : vector<16xi32>
    %add3A_287 = vector.broadcast %add3A_285 : i32 to vector<16xi32>
    %add3A_288 = arith.addi %add3A_287, %iota3A_286 : vector<16xi32>
    %eq3A_289 = arith.cmpi eq, %gather3A_283, %add3A_288 : vector<16xi32>
    %jit3A_290 = arith.constant -1 : i32
    %broadcast_in_dim3A_291 = vector.broadcast %jit3A_290 : i32 to vector<16xi32>
    %select_n3A_292 = arith.select %eq3A_289, %get3A_282, %broadcast_in_dim3A_291 : vector<16xi1>, vector<16xi32>
    %swap3A_293 = arith.constant 288 : index
    %swap3A_294 = tpu.vector_load %arg7[%swap3A_293] {strides = array<i32>} : memref<512xi32, #tpu.memory_space<vmem>>, vector<16xi32>,
    tpu.vector_store %arg7[%swap3A_293], %select_n3A_292 {strides = array<i32>} : memref<512xi32, #tpu.memory_space<vmem>>, vector<16xi32>,
    %get3A_295 = arith.constant 304 : index
    %get3A_296 = tpu.vector_load %arg6[%get3A_295] {strides = array<i32>} : memref<512xi32, #tpu.memory_space<vmem>>, vector<16xi32>,
    %gather3A_297 = tpu.vector_load_idx %arg5[%get3A_296] : memref<4096xi32, #tpu.memory_space<vmem>>[vector<16xi32>], vector<16xi32>,
    %add3A_298 = arith.constant 304 : i32
    %add3A_299 = arith.addi %mul3A_32, %add3A_298 : i32
    %iota3A_300 = tpu.iota {dimensions = array<i32: 0>} : vector<16xi32>
    %add3A_301 = vector.broadcast %add3A_299 : i32 to vector<16xi32>
    %add3A_302 = arith.addi %add3A_301, %iota3A_300 : vector<16xi32>
    %eq3A_303 = arith.cmpi eq, %gather3A_297, %add3A_302 : vector<16xi32>
    %jit3A_304 = arith.constant -1 : i32
    %broadcast_in_dim3A_305 = vector.broadcast %jit3A_304 : i32 to vector<16xi32>
    %select_n3A_306 = arith.select %eq3A_303, %get3A_296, %broadcast_in_dim3A_305 : vector<16xi1>, vector<16xi32>
    %swap3A_307 = arith.constant 304 : index
    %swap3A_308 = tpu.vector_load %arg7[%swap3A_307] {strides = array<i32>} : memref<512xi32, #tpu.memory_space<vmem>>, vector<16xi32>,
    tpu.vector_store %arg7[%swap3A_307], %select_n3A_306 {strides = array<i32>} : memref<512xi32, #tpu.memory_space<vmem>>, vector<16xi32>,
    %get3A_309 = arith.constant 320 : index
    %get3A_310 = tpu.vector_load %arg6[%get3A_309] {strides = array<i32>} : memref<512xi32, #tpu.memory_space<vmem>>, vector<16xi32>,
    %gather3A_311 = tpu.vector_load_idx %arg5[%get3A_310] : memref<4096xi32, #tpu.memory_space<vmem>>[vector<16xi32>], vector<16xi32>,
    %add3A_312 = arith.constant 320 : i32
    %add3A_313 = arith.addi %mul3A_32, %add3A_312 : i32
    %iota3A_314 = tpu.iota {dimensions = array<i32: 0>} : vector<16xi32>
    %add3A_315 = vector.broadcast %add3A_313 : i32 to vector<16xi32>
    %add3A_316 = arith.addi %add3A_315, %iota3A_314 : vector<16xi32>
    %eq3A_317 = arith.cmpi eq, %gather3A_311, %add3A_316 : vector<16xi32>
    %jit3A_318 = arith.constant -1 : i32
    %broadcast_in_dim3A_319 = vector.broadcast %jit3A_318 : i32 to vector<16xi32>
    %select_n3A_320 = arith.select %eq3A_317, %get3A_310, %broadcast_in_dim3A_319 : vector<16xi1>, vector<16xi32>
    %swap3A_321 = arith.constant 320 : index
    %swap3A_322 = tpu.vector_load %arg7[%swap3A_321] {strides = array<i32>} : memref<512xi32, #tpu.memory_space<vmem>>, vector<16xi32>,
    tpu.vector_store %arg7[%swap3A_321], %select_n3A_320 {strides = array<i32>} : memref<512xi32, #tpu.memory_space<vmem>>, vector<16xi32>,
    %get3A_323 = arith.constant 336 : index
    %get3A_324 = tpu.vector_load %arg6[%get3A_323] {strides = array<i32>} : memref<512xi32, #tpu.memory_space<vmem>>, vector<16xi32>,
    %gather3A_325 = tpu.vector_load_idx %arg5[%get3A_324] : memref<4096xi32, #tpu.memory_space<vmem>>[vector<16xi32>], vector<16xi32>,
    %add3A_326 = arith.constant 336 : i32
    %add3A_327 = arith.addi %mul3A_32, %add3A_326 : i32
    %iota3A_328 = tpu.iota {dimensions = array<i32: 0>} : vector<16xi32>
    %add3A_329 = vector.broadcast %add3A_327 : i32 to vector<16xi32>
    %add3A_330 = arith.addi %add3A_329, %iota3A_328 : vector<16xi32>
    %eq3A_331 = arith.cmpi eq, %gather3A_325, %add3A_330 : vector<16xi32>
    %jit3A_332 = arith.constant -1 : i32
    %broadcast_in_dim3A_333 = vector.broadcast %jit3A_332 : i32 to vector<16xi32>
    %select_n3A_334 = arith.select %eq3A_331, %get3A_324, %broadcast_in_dim3A_333 : vector<16xi1>, vector<16xi32>
    %swap3A_335 = arith.constant 336 : index
    %swap3A_336 = tpu.vector_load %arg7[%swap3A_335] {strides = array<i32>} : memref<512xi32, #tpu.memory_space<vmem>>, vector<16xi32>,
    tpu.vector_store %arg7[%swap3A_335], %select_n3A_334 {strides = array<i32>} : memref<512xi32, #tpu.memory_space<vmem>>, vector<16xi32>,
    %get3A_337 = arith.constant 352 : index
    %get3A_338 = tpu.vector_load %arg6[%get3A_337] {strides = array<i32>} : memref<512xi32, #tpu.memory_space<vmem>>, vector<16xi32>,
    %gather3A_339 = tpu.vector_load_idx %arg5[%get3A_338] : memref<4096xi32, #tpu.memory_space<vmem>>[vector<16xi32>], vector<16xi32>,
    %add3A_340 = arith.constant 352 : i32
    %add3A_341 = arith.addi %mul3A_32, %add3A_340 : i32
    %iota3A_342 = tpu.iota {dimensions = array<i32: 0>} : vector<16xi32>
    %add3A_343 = vector.broadcast %add3A_341 : i32 to vector<16xi32>
    %add3A_344 = arith.addi %add3A_343, %iota3A_342 : vector<16xi32>
    %eq3A_345 = arith.cmpi eq, %gather3A_339, %add3A_344 : vector<16xi32>
    %jit3A_346 = arith.constant -1 : i32
    %broadcast_in_dim3A_347 = vector.broadcast %jit3A_346 : i32 to vector<16xi32>
    %select_n3A_348 = arith.select %eq3A_345, %get3A_338, %broadcast_in_dim3A_347 : vector<16xi1>, vector<16xi32>
    %swap3A_349 = arith.constant 352 : index
    %swap3A_350 = tpu.vector_load %arg7[%swap3A_349] {strides = array<i32>} : memref<512xi32, #tpu.memory_space<vmem>>, vector<16xi32>,
    tpu.vector_store %arg7[%swap3A_349], %select_n3A_348 {strides = array<i32>} : memref<512xi32, #tpu.memory_space<vmem>>, vector<16xi32>,
    %get3A_351 = arith.constant 368 : index
    %get3A_352 = tpu.vector_load %arg6[%get3A_351] {strides = array<i32>} : memref<512xi32, #tpu.memory_space<vmem>>, vector<16xi32>,
    %gather3A_353 = tpu.vector_load_idx %arg5[%get3A_352] : memref<4096xi32, #tpu.memory_space<vmem>>[vector<16xi32>], vector<16xi32>,
    %add3A_354 = arith.constant 368 : i32
    %add3A_355 = arith.addi %mul3A_32, %add3A_354 : i32
    %iota3A_356 = tpu.iota {dimensions = array<i32: 0>} : vector<16xi32>
    %add3A_357 = vector.broadcast %add3A_355 : i32 to vector<16xi32>
    %add3A_358 = arith.addi %add3A_357, %iota3A_356 : vector<16xi32>
    %eq3A_359 = arith.cmpi eq, %gather3A_353, %add3A_358 : vector<16xi32>
    %jit3A_360 = arith.constant -1 : i32
    %broadcast_in_dim3A_361 = vector.broadcast %jit3A_360 : i32 to vector<16xi32>
    %select_n3A_362 = arith.select %eq3A_359, %get3A_352, %broadcast_in_dim3A_361 : vector<16xi1>, vector<16xi32>
    %swap3A_363 = arith.constant 368 : index
    %swap3A_364 = tpu.vector_load %arg7[%swap3A_363] {strides = array<i32>} : memref<512xi32, #tpu.memory_space<vmem>>, vector<16xi32>,
    tpu.vector_store %arg7[%swap3A_363], %select_n3A_362 {strides = array<i32>} : memref<512xi32, #tpu.memory_space<vmem>>, vector<16xi32>,
    %get3A_365 = arith.constant 384 : index
    %get3A_366 = tpu.vector_load %arg6[%get3A_365] {strides = array<i32>} : memref<512xi32, #tpu.memory_space<vmem>>, vector<16xi32>,
    %gather3A_367 = tpu.vector_load_idx %arg5[%get3A_366] : memref<4096xi32, #tpu.memory_space<vmem>>[vector<16xi32>], vector<16xi32>,
    %add3A_368 = arith.constant 384 : i32
    %add3A_369 = arith.addi %mul3A_32, %add3A_368 : i32
    %iota3A_370 = tpu.iota {dimensions = array<i32: 0>} : vector<16xi32>
    %add3A_371 = vector.broadcast %add3A_369 : i32 to vector<16xi32>
    %add3A_372 = arith.addi %add3A_371, %iota3A_370 : vector<16xi32>
    %eq3A_373 = arith.cmpi eq, %gather3A_367, %add3A_372 : vector<16xi32>
    %jit3A_374 = arith.constant -1 : i32
    %broadcast_in_dim3A_375 = vector.broadcast %jit3A_374 : i32 to vector<16xi32>
    %select_n3A_376 = arith.select %eq3A_373, %get3A_366, %broadcast_in_dim3A_375 : vector<16xi1>, vector<16xi32>
    %swap3A_377 = arith.constant 384 : index
    %swap3A_378 = tpu.vector_load %arg7[%swap3A_377] {strides = array<i32>} : memref<512xi32, #tpu.memory_space<vmem>>, vector<16xi32>,
    tpu.vector_store %arg7[%swap3A_377], %select_n3A_376 {strides = array<i32>} : memref<512xi32, #tpu.memory_space<vmem>>, vector<16xi32>,
    %get3A_379 = arith.constant 400 : index
    %get3A_380 = tpu.vector_load %arg6[%get3A_379] {strides = array<i32>} : memref<512xi32, #tpu.memory_space<vmem>>, vector<16xi32>,
    %gather3A_381 = tpu.vector_load_idx %arg5[%get3A_380] : memref<4096xi32, #tpu.memory_space<vmem>>[vector<16xi32>], vector<16xi32>,
    %add3A_382 = arith.constant 400 : i32
    %add3A_383 = arith.addi %mul3A_32, %add3A_382 : i32
    %iota3A_384 = tpu.iota {dimensions = array<i32: 0>} : vector<16xi32>
    %add3A_385 = vector.broadcast %add3A_383 : i32 to vector<16xi32>
    %add3A_386 = arith.addi %add3A_385, %iota3A_384 : vector<16xi32>
    %eq3A_387 = arith.cmpi eq, %gather3A_381, %add3A_386 : vector<16xi32>
    %jit3A_388 = arith.constant -1 : i32
    %broadcast_in_dim3A_389 = vector.broadcast %jit3A_388 : i32 to vector<16xi32>
    %select_n3A_390 = arith.select %eq3A_387, %get3A_380, %broadcast_in_dim3A_389 : vector<16xi1>, vector<16xi32>
    %swap3A_391 = arith.constant 400 : index
    %swap3A_392 = tpu.vector_load %arg7[%swap3A_391] {strides = array<i32>} : memref<512xi32, #tpu.memory_space<vmem>>, vector<16xi32>,
    tpu.vector_store %arg7[%swap3A_391], %select_n3A_390 {strides = array<i32>} : memref<512xi32, #tpu.memory_space<vmem>>, vector<16xi32>,
    %get3A_393 = arith.constant 416 : index
    %get3A_394 = tpu.vector_load %arg6[%get3A_393] {strides = array<i32>} : memref<512xi32, #tpu.memory_space<vmem>>, vector<16xi32>,
    %gather3A_395 = tpu.vector_load_idx %arg5[%get3A_394] : memref<4096xi32, #tpu.memory_space<vmem>>[vector<16xi32>], vector<16xi32>,
    %add3A_396 = arith.constant 416 : i32
    %add3A_397 = arith.addi %mul3A_32, %add3A_396 : i32
    %iota3A_398 = tpu.iota {dimensions = array<i32: 0>} : vector<16xi32>
    %add3A_399 = vector.broadcast %add3A_397 : i32 to vector<16xi32>
    %add3A_400 = arith.addi %add3A_399, %iota3A_398 : vector<16xi32>
    %eq3A_401 = arith.cmpi eq, %gather3A_395, %add3A_400 : vector<16xi32>
    %jit3A_402 = arith.constant -1 : i32
    %broadcast_in_dim3A_403 = vector.broadcast %jit3A_402 : i32 to vector<16xi32>
    %select_n3A_404 = arith.select %eq3A_401, %get3A_394, %broadcast_in_dim3A_403 : vector<16xi1>, vector<16xi32>
    %swap3A_405 = arith.constant 416 : index
    %swap3A_406 = tpu.vector_load %arg7[%swap3A_405] {strides = array<i32>} : memref<512xi32, #tpu.memory_space<vmem>>, vector<16xi32>,
    tpu.vector_store %arg7[%swap3A_405], %select_n3A_404 {strides = array<i32>} : memref<512xi32, #tpu.memory_space<vmem>>, vector<16xi32>,
    %get3A_407 = arith.constant 432 : index
    %get3A_408 = tpu.vector_load %arg6[%get3A_407] {strides = array<i32>} : memref<512xi32, #tpu.memory_space<vmem>>, vector<16xi32>,
    %gather3A_409 = tpu.vector_load_idx %arg5[%get3A_408] : memref<4096xi32, #tpu.memory_space<vmem>>[vector<16xi32>], vector<16xi32>,
    %add3A_410 = arith.constant 432 : i32
    %add3A_411 = arith.addi %mul3A_32, %add3A_410 : i32
    %iota3A_412 = tpu.iota {dimensions = array<i32: 0>} : vector<16xi32>
    %add3A_413 = vector.broadcast %add3A_411 : i32 to vector<16xi32>
    %add3A_414 = arith.addi %add3A_413, %iota3A_412 : vector<16xi32>
    %eq3A_415 = arith.cmpi eq, %gather3A_409, %add3A_414 : vector<16xi32>
    %jit3A_416 = arith.constant -1 : i32
    %broadcast_in_dim3A_417 = vector.broadcast %jit3A_416 : i32 to vector<16xi32>
    %select_n3A_418 = arith.select %eq3A_415, %get3A_408, %broadcast_in_dim3A_417 : vector<16xi1>, vector<16xi32>
    %swap3A_419 = arith.constant 432 : index
    %swap3A_420 = tpu.vector_load %arg7[%swap3A_419] {strides = array<i32>} : memref<512xi32, #tpu.memory_space<vmem>>, vector<16xi32>,
    tpu.vector_store %arg7[%swap3A_419], %select_n3A_418 {strides = array<i32>} : memref<512xi32, #tpu.memory_space<vmem>>, vector<16xi32>,
    %get3A_421 = arith.constant 448 : index
    %get3A_422 = tpu.vector_load %arg6[%get3A_421] {strides = array<i32>} : memref<512xi32, #tpu.memory_space<vmem>>, vector<16xi32>,
    %gather3A_423 = tpu.vector_load_idx %arg5[%get3A_422] : memref<4096xi32, #tpu.memory_space<vmem>>[vector<16xi32>], vector<16xi32>,
    %add3A_424 = arith.constant 448 : i32
    %add3A_425 = arith.addi %mul3A_32, %add3A_424 : i32
    %iota3A_426 = tpu.iota {dimensions = array<i32: 0>} : vector<16xi32>
    %add3A_427 = vector.broadcast %add3A_425 : i32 to vector<16xi32>
    %add3A_428 = arith.addi %add3A_427, %iota3A_426 : vector<16xi32>
    %eq3A_429 = arith.cmpi eq, %gather3A_423, %add3A_428 : vector<16xi32>
    %jit3A_430 = arith.constant -1 : i32
    %broadcast_in_dim3A_431 = vector.broadcast %jit3A_430 : i32 to vector<16xi32>
    %select_n3A_432 = arith.select %eq3A_429, %get3A_422, %broadcast_in_dim3A_431 : vector<16xi1>, vector<16xi32>
    %swap3A_433 = arith.constant 448 : index
    %swap3A_434 = tpu.vector_load %arg7[%swap3A_433] {strides = array<i32>} : memref<512xi32, #tpu.memory_space<vmem>>, vector<16xi32>,
    tpu.vector_store %arg7[%swap3A_433], %select_n3A_432 {strides = array<i32>} : memref<512xi32, #tpu.memory_space<vmem>>, vector<16xi32>,
    %get3A_435 = arith.constant 464 : index
    %get3A_436 = tpu.vector_load %arg6[%get3A_435] {strides = array<i32>} : memref<512xi32, #tpu.memory_space<vmem>>, vector<16xi32>,
    %gather3A_437 = tpu.vector_load_idx %arg5[%get3A_436] : memref<4096xi32, #tpu.memory_space<vmem>>[vector<16xi32>], vector<16xi32>,
    %add3A_438 = arith.constant 464 : i32
    %add3A_439 = arith.addi %mul3A_32, %add3A_438 : i32
    %iota3A_440 = tpu.iota {dimensions = array<i32: 0>} : vector<16xi32>
    %add3A_441 = vector.broadcast %add3A_439 : i32 to vector<16xi32>
    %add3A_442 = arith.addi %add3A_441, %iota3A_440 : vector<16xi32>
    %eq3A_443 = arith.cmpi eq, %gather3A_437, %add3A_442 : vector<16xi32>
    %jit3A_444 = arith.constant -1 : i32
    %broadcast_in_dim3A_445 = vector.broadcast %jit3A_444 : i32 to vector<16xi32>
    %select_n3A_446 = arith.select %eq3A_443, %get3A_436, %broadcast_in_dim3A_445 : vector<16xi1>, vector<16xi32>
    %swap3A_447 = arith.constant 464 : index
    %swap3A_448 = tpu.vector_load %arg7[%swap3A_447] {strides = array<i32>} : memref<512xi32, #tpu.memory_space<vmem>>, vector<16xi32>,
    tpu.vector_store %arg7[%swap3A_447], %select_n3A_446 {strides = array<i32>} : memref<512xi32, #tpu.memory_space<vmem>>, vector<16xi32>,
    %get3A_449 = arith.constant 480 : index
    %get3A_450 = tpu.vector_load %arg6[%get3A_449] {strides = array<i32>} : memref<512xi32, #tpu.memory_space<vmem>>, vector<16xi32>,
    %gather3A_451 = tpu.vector_load_idx %arg5[%get3A_450] : memref<4096xi32, #tpu.memory_space<vmem>>[vector<16xi32>], vector<16xi32>,
    %add3A_452 = arith.constant 480 : i32
    %add3A_453 = arith.addi %mul3A_32, %add3A_452 : i32
    %iota3A_454 = tpu.iota {dimensions = array<i32: 0>} : vector<16xi32>
    %add3A_455 = vector.broadcast %add3A_453 : i32 to vector<16xi32>
    %add3A_456 = arith.addi %add3A_455, %iota3A_454 : vector<16xi32>
    %eq3A_457 = arith.cmpi eq, %gather3A_451, %add3A_456 : vector<16xi32>
    %jit3A_458 = arith.constant -1 : i32
    %broadcast_in_dim3A_459 = vector.broadcast %jit3A_458 : i32 to vector<16xi32>
    %select_n3A_460 = arith.select %eq3A_457, %get3A_450, %broadcast_in_dim3A_459 : vector<16xi1>, vector<16xi32>
    %swap3A_461 = arith.constant 480 : index
    %swap3A_462 = tpu.vector_load %arg7[%swap3A_461] {strides = array<i32>} : memref<512xi32, #tpu.memory_space<vmem>>, vector<16xi32>,
    tpu.vector_store %arg7[%swap3A_461], %select_n3A_460 {strides = array<i32>} : memref<512xi32, #tpu.memory_space<vmem>>, vector<16xi32>,
    %get3A_463 = arith.constant 496 : index
    %get3A_464 = tpu.vector_load %arg6[%get3A_463] {strides = array<i32>} : memref<512xi32, #tpu.memory_space<vmem>>, vector<16xi32>,
    %gather3A_465 = tpu.vector_load_idx %arg5[%get3A_464] : memref<4096xi32, #tpu.memory_space<vmem>>[vector<16xi32>], vector<16xi32>,
    %add3A_466 = arith.constant 496 : i32
    %add3A_467 = arith.addi %mul3A_32, %add3A_466 : i32
    %iota3A_468 = tpu.iota {dimensions = array<i32: 0>} : vector<16xi32>
    %add3A_469 = vector.broadcast %add3A_467 : i32 to vector<16xi32>
    %add3A_470 = arith.addi %add3A_469, %iota3A_468 : vector<16xi32>
    %eq3A_471 = arith.cmpi eq, %gather3A_465, %add3A_470 : vector<16xi32>
    %jit3A_472 = arith.constant -1 : i32
    %broadcast_in_dim3A_473 = vector.broadcast %jit3A_472 : i32 to vector<16xi32>
    %select_n3A_474 = arith.select %eq3A_471, %get3A_464, %broadcast_in_dim3A_473 : vector<16xi1>, vector<16xi32>
    %swap3A_475 = arith.constant 496 : index
    %swap3A_476 = tpu.vector_load %arg7[%swap3A_475] {strides = array<i32>} : memref<512xi32, #tpu.memory_space<vmem>>, vector<16xi32>,
    tpu.vector_store %arg7[%swap3A_475], %select_n3A_474 {strides = array<i32>} : memref<512xi32, #tpu.memory_space<vmem>>, vector<16xi32>,
    "tpu.region"() ({
      %run_scoped3A_477 = tpu.sem_alloc : memref<!tpu.dma_semaphore, #tpu.memory_space<semaphore_mem>>
      %dma_start3A = tpu.memref_slice %arg4[%select_n3A, %mul3A_32] : memref<4x4096xi32, #tpu.memory_space<hbm>> -> memref<1x512xi32, #tpu.memory_space<hbm>>
      %dma_start3A_478 = tpu.memref_squeeze %dma_start3A : memref<1x512xi32, #tpu.memory_space<hbm>> -> memref<512xi32, #tpu.memory_space<hbm>>
      %dma_start3A_479 = tpu.memref_slice %arg4[%select_n3A, %mul3A_32] : memref<4x4096xi32, #tpu.memory_space<hbm>> -> memref<1x512xi32, #tpu.memory_space<hbm>>
      %dma_start3A_480 = tpu.memref_squeeze %dma_start3A_479 : memref<1x512xi32, #tpu.memory_space<hbm>> -> memref<512xi32, #tpu.memory_space<hbm>>
      tpu.enqueue_dma source(%arg7 : memref<512xi32, #tpu.memory_space<vmem>>) target(%dma_start3A_480 : memref<512xi32, #tpu.memory_space<hbm>>) target_semaphore(%run_scoped3A_477 : memref<!tpu.dma_semaphore, #tpu.memory_space<semaphore_mem>>)
      %dma_wait3A = tpu.memref_slice %arg4[%select_n3A, %mul3A_32] : memref<4x4096xi32, #tpu.memory_space<hbm>> -> memref<1x512xi32, #tpu.memory_space<hbm>>
      %dma_wait3A_481 = tpu.memref_squeeze %dma_wait3A : memref<1x512xi32, #tpu.memory_space<hbm>> -> memref<512xi32, #tpu.memory_space<hbm>>
      %dma_wait3A_482 = tpu.memref_slice %arg4[%select_n3A, %mul3A_32] : memref<4x4096xi32, #tpu.memory_space<hbm>> -> memref<1x512xi32, #tpu.memory_space<hbm>>
      %dma_wait3A_483 = tpu.memref_squeeze %dma_wait3A_482 : memref<1x512xi32, #tpu.memory_space<hbm>> -> memref<512xi32, #tpu.memory_space<hbm>>
      tpu.wait_dma2 semaphore(%run_scoped3A_477 : memref<!tpu.dma_semaphore, #tpu.memory_space<semaphore_mem>>) src(%arg7 : memref<512xi32, #tpu.memory_space<vmem>>) dst(%dma_wait3A_483 : memref<512xi32, #tpu.memory_space<hbm>>)
      tpu.yield
    }) : () -> ()
    return
  }
}

module attributes {stable_mosaic.version = 14 : i64} {
  func.func @_both_directions_body(%arg0: i32, %arg1: i32, %arg2: i32, %arg3: memref<1x64x4096xf32, #tpu.memory_space<vmem>>, %arg4: memref<1x64x4096xf32, #tpu.memory_space<vmem>>, %arg5: memref<1x64x4096xf32, #tpu.memory_space<vmem>>, %arg6: memref<1x64x4096xf32, #tpu.memory_space<vmem>>, %arg7: memref<1x1x4096xi32, #tpu.memory_space<vmem>>, %arg8: memref<1x1x4096xf32, #tpu.memory_space<vmem>>, %arg9: memref<1x1x4096xi32, #tpu.memory_space<vmem>>, %arg10: memref<1x1x4096xf32, #tpu.memory_space<vmem>>) attributes {dimension_semantics = [#tpu.dimension_semantics<parallel>, #tpu.dimension_semantics<parallel>, #tpu.dimension_semantics<arbitrary>], iteration_bounds = array<i64: 4, 1, 2>, scalar_prefetch = 0 : i64, scratch_operands = 0 : i64, tpu.core_type = #tpu.core_type<tc>, window_params = [{transform_indices = @transform_0, window_bounds = array<i64: 1, 64, 4096>}, {transform_indices = @transform_1, window_bounds = array<i64: 1, 64, 4096>}, {transform_indices = @transform_2, window_bounds = array<i64: 1, 64, 4096>}, {transform_indices = @transform_3, window_bounds = array<i64: 1, 64, 4096>}, {transform_indices = @transform_4, window_bounds = array<i64: 1, 1, 4096>}, {transform_indices = @transform_5, window_bounds = array<i64: 1, 1, 4096>}, {transform_indices = @transform_6, window_bounds = array<i64: 1, 1, 4096>}, {transform_indices = @transform_7, window_bounds = array<i64: 1, 1, 4096>}]} {
    %eq3A = arith.constant 0 : i32
    %eq3A_0 = arith.cmpi eq, %arg2, %eq3A : i32
    %convert_element_type3A = arith.extui %eq3A_0 : i1 to i32
    %cond3A = arith.constant 0 : i32
    %cond3A_1 = arith.cmpi ne, %convert_element_type3A, %cond3A : i32
    scf.if %cond3A_1 {
      %broadcast_in_dim3A = arith.constant 0xFF800000 : f32
      %broadcast_in_dim3A_7 = vector.broadcast %broadcast_in_dim3A : f32 to vector<8x4096xf32>
      %broadcast_in_dim3A_8 = arith.constant 0.000000e+00 : f32
      %broadcast_in_dim3A_9 = vector.broadcast %broadcast_in_dim3A_8 : f32 to vector<8x4096xf32>
      %scan3A = arith.constant 0 : i32
      %scan3A_10 = arith.constant 2 : i32
      %scan3A_11 = arith.addi %scan3A, %scan3A_10 : i32
      %scan3A_12 = arith.constant 1 : i32
      %scan3A_13:2 = scf.for %scan3A_42 = %scan3A to %scan3A_11 step %scan3A_12 iter_args(%scan3A_43 = %broadcast_in_dim3A_7, %scan3A_44 = %broadcast_in_dim3A_9) -> (vector<8x4096xf32>, vector<8x4096xf32>)  : i32 {
        %mul3A_45 = arith.constant 2048 : i32
        %mul3A_46 = arith.muli %scan3A_42, %mul3A_45 : i32
        %multiple_of3A = tpu.assume_multiple %mul3A_46, 2048 : i32
        %get3A = arith.constant 0 : index
        %get3A_47 = arith.constant 0 : index
        %get3A_48 = arith.index_cast %multiple_of3A : i32 to index
        %get3A_49 = vector.load %arg3[%get3A, %get3A_47, %get3A_48] : memref<1x64x4096xf32, #tpu.memory_space<vmem>>, vector<1x64x2048xf32>
        %get3A_50 = vector.shape_cast %get3A_49 : vector<1x64x2048xf32> to vector<64x2048xf32>
        %get3A_51 = arith.constant 0 : index
        %get3A_52 = arith.constant 0 : index
        %get3A_53 = arith.constant 0 : index
        %get3A_54 = vector.load %arg6[%get3A_51, %get3A_52, %get3A_53] : memref<1x64x4096xf32, #tpu.memory_space<vmem>>, vector<1x64x4096xf32>
        %get3A_55 = vector.shape_cast %get3A_54 : vector<1x64x4096xf32> to vector<64x4096xf32>
        %dot_general3A = arith.constant dense<0.000000e+00> : vector<2048x4096xf32>
        %dot_general3A_56 = tpu.matmul %get3A_50, %get3A_55, %dot_general3A {dimension_numbers = #tpu.dot_dimension_numbers<[0], [0], [1], [1], [0, 1, 1, 1], [], []>, transpose_lhs_hint = false} : vector<64x2048xf32>, vector<64x4096xf32>, vector<2048x4096xf32> -> vector<2048x4096xf32>
        %slice3A = vector.extract_strided_slice %dot_general3A_56 {offsets = [0, 0], sizes = [8, 4096], strides = [1, 1]} : vector<2048x4096xf32> to vector<8x4096xf32>
        %mul3A_57 = arith.constant 256 : i32
        %mul3A_58 = arith.muli %scan3A_42, %mul3A_57 : i32
        %add3A_59 = arith.constant 0 : i32
        %add3A_60 = arith.addi %mul3A_58, %add3A_59 : i32
        %convert_element_type3A_61 = arith.sitofp %add3A_60 : i32 to f32
        %gt3A = arith.cmpf ogt, %slice3A, %scan3A_43 : vector<8x4096xf32>
        %max3A = arith.maximumf %slice3A, %scan3A_43 : vector<8x4096xf32>
        %broadcast_in_dim3A_62 = vector.broadcast %convert_element_type3A_61 : f32 to vector<8x4096xf32>
        %select_n3A_63 = arith.select %gt3A, %broadcast_in_dim3A_62, %scan3A_44 : vector<8x4096xi1>, vector<8x4096xf32>
        %slice3A_64 = vector.extract_strided_slice %dot_general3A_56 {offsets = [8, 0], sizes = [8, 4096], strides = [1, 1]} : vector<2048x4096xf32> to vector<8x4096xf32>
        %mul3A_65 = arith.constant 256 : i32
        %mul3A_66 = arith.muli %scan3A_42, %mul3A_65 : i32
        %add3A_67 = arith.constant 1 : i32
        %add3A_68 = arith.addi %mul3A_66, %add3A_67 : i32
        %convert_element_type3A_69 = arith.sitofp %add3A_68 : i32 to f32
        %gt3A_70 = arith.cmpf ogt, %slice3A_64, %max3A : vector<8x4096xf32>
        %max3A_71 = arith.maximumf %slice3A_64, %max3A : vector<8x4096xf32>
        %broadcast_in_dim3A_72 = vector.broadcast %convert_element_type3A_69 : f32 to vector<8x4096xf32>
        %select_n3A_73 = arith.select %gt3A_70, %broadcast_in_dim3A_72, %select_n3A_63 : vector<8x4096xi1>, vector<8x4096xf32>
        %slice3A_74 = vector.extract_strided_slice %dot_general3A_56 {offsets = [16, 0], sizes = [8, 4096], strides = [1, 1]} : vector<2048x4096xf32> to vector<8x4096xf32>
        %mul3A_75 = arith.constant 256 : i32
        %mul3A_76 = arith.muli %scan3A_42, %mul3A_75 : i32
        %add3A_77 = arith.constant 2 : i32
        %add3A_78 = arith.addi %mul3A_76, %add3A_77 : i32
        %convert_element_type3A_79 = arith.sitofp %add3A_78 : i32 to f32
        %gt3A_80 = arith.cmpf ogt, %slice3A_74, %max3A_71 : vector<8x4096xf32>
        %max3A_81 = arith.maximumf %slice3A_74, %max3A_71 : vector<8x4096xf32>
        %broadcast_in_dim3A_82 = vector.broadcast %convert_element_type3A_79 : f32 to vector<8x4096xf32>
        %select_n3A_83 = arith.select %gt3A_80, %broadcast_in_dim3A_82, %select_n3A_73 : vector<8x4096xi1>, vector<8x4096xf32>
        %slice3A_84 = vector.extract_strided_slice %dot_general3A_56 {offsets = [24, 0], sizes = [8, 4096], strides = [1, 1]} : vector<2048x4096xf32> to vector<8x4096xf32>
        %mul3A_85 = arith.constant 256 : i32
        %mul3A_86 = arith.muli %scan3A_42, %mul3A_85 : i32
        %add3A_87 = arith.constant 3 : i32
        %add3A_88 = arith.addi %mul3A_86, %add3A_87 : i32
        %convert_element_type3A_89 = arith.sitofp %add3A_88 : i32 to f32
        %gt3A_90 = arith.cmpf ogt, %slice3A_84, %max3A_81 : vector<8x4096xf32>
        %max3A_91 = arith.maximumf %slice3A_84, %max3A_81 : vector<8x4096xf32>
        %broadcast_in_dim3A_92 = vector.broadcast %convert_element_type3A_89 : f32 to vector<8x4096xf32>
        %select_n3A_93 = arith.select %gt3A_90, %broadcast_in_dim3A_92, %select_n3A_83 : vector<8x4096xi1>, vector<8x4096xf32>
        %slice3A_94 = vector.extract_strided_slice %dot_general3A_56 {offsets = [32, 0], sizes = [8, 4096], strides = [1, 1]} : vector<2048x4096xf32> to vector<8x4096xf32>
        %mul3A_95 = arith.constant 256 : i32
        %mul3A_96 = arith.muli %scan3A_42, %mul3A_95 : i32
        %add3A_97 = arith.constant 4 : i32
        %add3A_98 = arith.addi %mul3A_96, %add3A_97 : i32
        %convert_element_type3A_99 = arith.sitofp %add3A_98 : i32 to f32
        %gt3A_100 = arith.cmpf ogt, %slice3A_94, %max3A_91 : vector<8x4096xf32>
        %max3A_101 = arith.maximumf %slice3A_94, %max3A_91 : vector<8x4096xf32>
        %broadcast_in_dim3A_102 = vector.broadcast %convert_element_type3A_99 : f32 to vector<8x4096xf32>
        %select_n3A_103 = arith.select %gt3A_100, %broadcast_in_dim3A_102, %select_n3A_93 : vector<8x4096xi1>, vector<8x4096xf32>
        %slice3A_104 = vector.extract_strided_slice %dot_general3A_56 {offsets = [40, 0], sizes = [8, 4096], strides = [1, 1]} : vector<2048x4096xf32> to vector<8x4096xf32>
        %mul3A_105 = arith.constant 256 : i32
        %mul3A_106 = arith.muli %scan3A_42, %mul3A_105 : i32
        %add3A_107 = arith.constant 5 : i32
        %add3A_108 = arith.addi %mul3A_106, %add3A_107 : i32
        %convert_element_type3A_109 = arith.sitofp %add3A_108 : i32 to f32
        %gt3A_110 = arith.cmpf ogt, %slice3A_104, %max3A_101 : vector<8x4096xf32>
        %max3A_111 = arith.maximumf %slice3A_104, %max3A_101 : vector<8x4096xf32>
        %broadcast_in_dim3A_112 = vector.broadcast %convert_element_type3A_109 : f32 to vector<8x4096xf32>
        %select_n3A_113 = arith.select %gt3A_110, %broadcast_in_dim3A_112, %select_n3A_103 : vector<8x4096xi1>, vector<8x4096xf32>
        %slice3A_114 = vector.extract_strided_slice %dot_general3A_56 {offsets = [48, 0], sizes = [8, 4096], strides = [1, 1]} : vector<2048x4096xf32> to vector<8x4096xf32>
        %mul3A_115 = arith.constant 256 : i32
        %mul3A_116 = arith.muli %scan3A_42, %mul3A_115 : i32
        %add3A_117 = arith.constant 6 : i32
        %add3A_118 = arith.addi %mul3A_116, %add3A_117 : i32
        %convert_element_type3A_119 = arith.sitofp %add3A_118 : i32 to f32
        %gt3A_120 = arith.cmpf ogt, %slice3A_114, %max3A_111 : vector<8x4096xf32>
        %max3A_121 = arith.maximumf %slice3A_114, %max3A_111 : vector<8x4096xf32>
        %broadcast_in_dim3A_122 = vector.broadcast %convert_element_type3A_119 : f32 to vector<8x4096xf32>
        %select_n3A_123 = arith.select %gt3A_120, %broadcast_in_dim3A_122, %select_n3A_113 : vector<8x4096xi1>, vector<8x4096xf32>
        %slice3A_124 = vector.extract_strided_slice %dot_general3A_56 {offsets = [56, 0], sizes = [8, 4096], strides = [1, 1]} : vector<2048x4096xf32> to vector<8x4096xf32>
        %mul3A_125 = arith.constant 256 : i32
        %mul3A_126 = arith.muli %scan3A_42, %mul3A_125 : i32
        %add3A_127 = arith.constant 7 : i32
        %add3A_128 = arith.addi %mul3A_126, %add3A_127 : i32
        %convert_element_type3A_129 = arith.sitofp %add3A_128 : i32 to f32
        %gt3A_130 = arith.cmpf ogt, %slice3A_124, %max3A_121 : vector<8x4096xf32>
        %max3A_131 = arith.maximumf %slice3A_124, %max3A_121 : vector<8x4096xf32>
        %broadcast_in_dim3A_132 = vector.broadcast %convert_element_type3A_129 : f32 to vector<8x4096xf32>
        %select_n3A_133 = arith.select %gt3A_130, %broadcast_in_dim3A_132, %select_n3A_123 : vector<8x4096xi1>, vector<8x4096xf32>
        %slice3A_134 = vector.extract_strided_slice %dot_general3A_56 {offsets = [64, 0], sizes = [8, 4096], strides = [1, 1]} : vector<2048x4096xf32> to vector<8x4096xf32>
        %mul3A_135 = arith.constant 256 : i32
        %mul3A_136 = arith.muli %scan3A_42, %mul3A_135 : i32
        %add3A_137 = arith.constant 8 : i32
        %add3A_138 = arith.addi %mul3A_136, %add3A_137 : i32
        %convert_element_type3A_139 = arith.sitofp %add3A_138 : i32 to f32
        %gt3A_140 = arith.cmpf ogt, %slice3A_134, %max3A_131 : vector<8x4096xf32>
        %max3A_141 = arith.maximumf %slice3A_134, %max3A_131 : vector<8x4096xf32>
        %broadcast_in_dim3A_142 = vector.broadcast %convert_element_type3A_139 : f32 to vector<8x4096xf32>
        %select_n3A_143 = arith.select %gt3A_140, %broadcast_in_dim3A_142, %select_n3A_133 : vector<8x4096xi1>, vector<8x4096xf32>
        %slice3A_144 = vector.extract_strided_slice %dot_general3A_56 {offsets = [72, 0], sizes = [8, 4096], strides = [1, 1]} : vector<2048x4096xf32> to vector<8x4096xf32>
        %mul3A_145 = arith.constant 256 : i32
        %mul3A_146 = arith.muli %scan3A_42, %mul3A_145 : i32
        %add3A_147 = arith.constant 9 : i32
        %add3A_148 = arith.addi %mul3A_146, %add3A_147 : i32
        %convert_element_type3A_149 = arith.sitofp %add3A_148 : i32 to f32
        %gt3A_150 = arith.cmpf ogt, %slice3A_144, %max3A_141 : vector<8x4096xf32>
        %max3A_151 = arith.maximumf %slice3A_144, %max3A_141 : vector<8x4096xf32>
        %broadcast_in_dim3A_152 = vector.broadcast %convert_element_type3A_149 : f32 to vector<8x4096xf32>
        %select_n3A_153 = arith.select %gt3A_150, %broadcast_in_dim3A_152, %select_n3A_143 : vector<8x4096xi1>, vector<8x4096xf32>
        %slice3A_154 = vector.extract_strided_slice %dot_general3A_56 {offsets = [80, 0], sizes = [8, 4096], strides = [1, 1]} : vector<2048x4096xf32> to vector<8x4096xf32>
        %mul3A_155 = arith.constant 256 : i32
        %mul3A_156 = arith.muli %scan3A_42, %mul3A_155 : i32
        %add3A_157 = arith.constant 10 : i32
        %add3A_158 = arith.addi %mul3A_156, %add3A_157 : i32
        %convert_element_type3A_159 = arith.sitofp %add3A_158 : i32 to f32
        %gt3A_160 = arith.cmpf ogt, %slice3A_154, %max3A_151 : vector<8x4096xf32>
        %max3A_161 = arith.maximumf %slice3A_154, %max3A_151 : vector<8x4096xf32>
        %broadcast_in_dim3A_162 = vector.broadcast %convert_element_type3A_159 : f32 to vector<8x4096xf32>
        %select_n3A_163 = arith.select %gt3A_160, %broadcast_in_dim3A_162, %select_n3A_153 : vector<8x4096xi1>, vector<8x4096xf32>
        %slice3A_164 = vector.extract_strided_slice %dot_general3A_56 {offsets = [88, 0], sizes = [8, 4096], strides = [1, 1]} : vector<2048x4096xf32> to vector<8x4096xf32>
        %mul3A_165 = arith.constant 256 : i32
        %mul3A_166 = arith.muli %scan3A_42, %mul3A_165 : i32
        %add3A_167 = arith.constant 11 : i32
        %add3A_168 = arith.addi %mul3A_166, %add3A_167 : i32
        %convert_element_type3A_169 = arith.sitofp %add3A_168 : i32 to f32
        %gt3A_170 = arith.cmpf ogt, %slice3A_164, %max3A_161 : vector<8x4096xf32>
        %max3A_171 = arith.maximumf %slice3A_164, %max3A_161 : vector<8x4096xf32>
        %broadcast_in_dim3A_172 = vector.broadcast %convert_element_type3A_169 : f32 to vector<8x4096xf32>
        %select_n3A_173 = arith.select %gt3A_170, %broadcast_in_dim3A_172, %select_n3A_163 : vector<8x4096xi1>, vector<8x4096xf32>
        %slice3A_174 = vector.extract_strided_slice %dot_general3A_56 {offsets = [96, 0], sizes = [8, 4096], strides = [1, 1]} : vector<2048x4096xf32> to vector<8x4096xf32>
        %mul3A_175 = arith.constant 256 : i32
        %mul3A_176 = arith.muli %scan3A_42, %mul3A_175 : i32
        %add3A_177 = arith.constant 12 : i32
        %add3A_178 = arith.addi %mul3A_176, %add3A_177 : i32
        %convert_element_type3A_179 = arith.sitofp %add3A_178 : i32 to f32
        %gt3A_180 = arith.cmpf ogt, %slice3A_174, %max3A_171 : vector<8x4096xf32>
        %max3A_181 = arith.maximumf %slice3A_174, %max3A_171 : vector<8x4096xf32>
        %broadcast_in_dim3A_182 = vector.broadcast %convert_element_type3A_179 : f32 to vector<8x4096xf32>
        %select_n3A_183 = arith.select %gt3A_180, %broadcast_in_dim3A_182, %select_n3A_173 : vector<8x4096xi1>, vector<8x4096xf32>
        %slice3A_184 = vector.extract_strided_slice %dot_general3A_56 {offsets = [104, 0], sizes = [8, 4096], strides = [1, 1]} : vector<2048x4096xf32> to vector<8x4096xf32>
        %mul3A_185 = arith.constant 256 : i32
        %mul3A_186 = arith.muli %scan3A_42, %mul3A_185 : i32
        %add3A_187 = arith.constant 13 : i32
        %add3A_188 = arith.addi %mul3A_186, %add3A_187 : i32
        %convert_element_type3A_189 = arith.sitofp %add3A_188 : i32 to f32
        %gt3A_190 = arith.cmpf ogt, %slice3A_184, %max3A_181 : vector<8x4096xf32>
        %max3A_191 = arith.maximumf %slice3A_184, %max3A_181 : vector<8x4096xf32>
        %broadcast_in_dim3A_192 = vector.broadcast %convert_element_type3A_189 : f32 to vector<8x4096xf32>
        %select_n3A_193 = arith.select %gt3A_190, %broadcast_in_dim3A_192, %select_n3A_183 : vector<8x4096xi1>, vector<8x4096xf32>
        %slice3A_194 = vector.extract_strided_slice %dot_general3A_56 {offsets = [112, 0], sizes = [8, 4096], strides = [1, 1]} : vector<2048x4096xf32> to vector<8x4096xf32>
        %mul3A_195 = arith.constant 256 : i32
        %mul3A_196 = arith.muli %scan3A_42, %mul3A_195 : i32
        %add3A_197 = arith.constant 14 : i32
        %add3A_198 = arith.addi %mul3A_196, %add3A_197 : i32
        %convert_element_type3A_199 = arith.sitofp %add3A_198 : i32 to f32
        %gt3A_200 = arith.cmpf ogt, %slice3A_194, %max3A_191 : vector<8x4096xf32>
        %max3A_201 = arith.maximumf %slice3A_194, %max3A_191 : vector<8x4096xf32>
        %broadcast_in_dim3A_202 = vector.broadcast %convert_element_type3A_199 : f32 to vector<8x4096xf32>
        %select_n3A_203 = arith.select %gt3A_200, %broadcast_in_dim3A_202, %select_n3A_193 : vector<8x4096xi1>, vector<8x4096xf32>
        %slice3A_204 = vector.extract_strided_slice %dot_general3A_56 {offsets = [120, 0], sizes = [8, 4096], strides = [1, 1]} : vector<2048x4096xf32> to vector<8x4096xf32>
        %mul3A_205 = arith.constant 256 : i32
        %mul3A_206 = arith.muli %scan3A_42, %mul3A_205 : i32
        %add3A_207 = arith.constant 15 : i32
        %add3A_208 = arith.addi %mul3A_206, %add3A_207 : i32
        %convert_element_type3A_209 = arith.sitofp %add3A_208 : i32 to f32
        %gt3A_210 = arith.cmpf ogt, %slice3A_204, %max3A_201 : vector<8x4096xf32>
        %max3A_211 = arith.maximumf %slice3A_204, %max3A_201 : vector<8x4096xf32>
        %broadcast_in_dim3A_212 = vector.broadcast %convert_element_type3A_209 : f32 to vector<8x4096xf32>
        %select_n3A_213 = arith.select %gt3A_210, %broadcast_in_dim3A_212, %select_n3A_203 : vector<8x4096xi1>, vector<8x4096xf32>
        %slice3A_214 = vector.extract_strided_slice %dot_general3A_56 {offsets = [128, 0], sizes = [8, 4096], strides = [1, 1]} : vector<2048x4096xf32> to vector<8x4096xf32>
        %mul3A_215 = arith.constant 256 : i32
        %mul3A_216 = arith.muli %scan3A_42, %mul3A_215 : i32
        %add3A_217 = arith.constant 16 : i32
        %add3A_218 = arith.addi %mul3A_216, %add3A_217 : i32
        %convert_element_type3A_219 = arith.sitofp %add3A_218 : i32 to f32
        %gt3A_220 = arith.cmpf ogt, %slice3A_214, %max3A_211 : vector<8x4096xf32>
        %max3A_221 = arith.maximumf %slice3A_214, %max3A_211 : vector<8x4096xf32>
        %broadcast_in_dim3A_222 = vector.broadcast %convert_element_type3A_219 : f32 to vector<8x4096xf32>
        %select_n3A_223 = arith.select %gt3A_220, %broadcast_in_dim3A_222, %select_n3A_213 : vector<8x4096xi1>, vector<8x4096xf32>
        %slice3A_224 = vector.extract_strided_slice %dot_general3A_56 {offsets = [136, 0], sizes = [8, 4096], strides = [1, 1]} : vector<2048x4096xf32> to vector<8x4096xf32>
        %mul3A_225 = arith.constant 256 : i32
        %mul3A_226 = arith.muli %scan3A_42, %mul3A_225 : i32
        %add3A_227 = arith.constant 17 : i32
        %add3A_228 = arith.addi %mul3A_226, %add3A_227 : i32
        %convert_element_type3A_229 = arith.sitofp %add3A_228 : i32 to f32
        %gt3A_230 = arith.cmpf ogt, %slice3A_224, %max3A_221 : vector<8x4096xf32>
        %max3A_231 = arith.maximumf %slice3A_224, %max3A_221 : vector<8x4096xf32>
        %broadcast_in_dim3A_232 = vector.broadcast %convert_element_type3A_229 : f32 to vector<8x4096xf32>
        %select_n3A_233 = arith.select %gt3A_230, %broadcast_in_dim3A_232, %select_n3A_223 : vector<8x4096xi1>, vector<8x4096xf32>
        %slice3A_234 = vector.extract_strided_slice %dot_general3A_56 {offsets = [144, 0], sizes = [8, 4096], strides = [1, 1]} : vector<2048x4096xf32> to vector<8x4096xf32>
        %mul3A_235 = arith.constant 256 : i32
        %mul3A_236 = arith.muli %scan3A_42, %mul3A_235 : i32
        %add3A_237 = arith.constant 18 : i32
        %add3A_238 = arith.addi %mul3A_236, %add3A_237 : i32
        %convert_element_type3A_239 = arith.sitofp %add3A_238 : i32 to f32
        %gt3A_240 = arith.cmpf ogt, %slice3A_234, %max3A_231 : vector<8x4096xf32>
        %max3A_241 = arith.maximumf %slice3A_234, %max3A_231 : vector<8x4096xf32>
        %broadcast_in_dim3A_242 = vector.broadcast %convert_element_type3A_239 : f32 to vector<8x4096xf32>
        %select_n3A_243 = arith.select %gt3A_240, %broadcast_in_dim3A_242, %select_n3A_233 : vector<8x4096xi1>, vector<8x4096xf32>
        %slice3A_244 = vector.extract_strided_slice %dot_general3A_56 {offsets = [152, 0], sizes = [8, 4096], strides = [1, 1]} : vector<2048x4096xf32> to vector<8x4096xf32>
        %mul3A_245 = arith.constant 256 : i32
        %mul3A_246 = arith.muli %scan3A_42, %mul3A_245 : i32
        %add3A_247 = arith.constant 19 : i32
        %add3A_248 = arith.addi %mul3A_246, %add3A_247 : i32
        %convert_element_type3A_249 = arith.sitofp %add3A_248 : i32 to f32
        %gt3A_250 = arith.cmpf ogt, %slice3A_244, %max3A_241 : vector<8x4096xf32>
        %max3A_251 = arith.maximumf %slice3A_244, %max3A_241 : vector<8x4096xf32>
        %broadcast_in_dim3A_252 = vector.broadcast %convert_element_type3A_249 : f32 to vector<8x4096xf32>
        %select_n3A_253 = arith.select %gt3A_250, %broadcast_in_dim3A_252, %select_n3A_243 : vector<8x4096xi1>, vector<8x4096xf32>
        %slice3A_254 = vector.extract_strided_slice %dot_general3A_56 {offsets = [160, 0], sizes = [8, 4096], strides = [1, 1]} : vector<2048x4096xf32> to vector<8x4096xf32>
        %mul3A_255 = arith.constant 256 : i32
        %mul3A_256 = arith.muli %scan3A_42, %mul3A_255 : i32
        %add3A_257 = arith.constant 20 : i32
        %add3A_258 = arith.addi %mul3A_256, %add3A_257 : i32
        %convert_element_type3A_259 = arith.sitofp %add3A_258 : i32 to f32
        %gt3A_260 = arith.cmpf ogt, %slice3A_254, %max3A_251 : vector<8x4096xf32>
        %max3A_261 = arith.maximumf %slice3A_254, %max3A_251 : vector<8x4096xf32>
        %broadcast_in_dim3A_262 = vector.broadcast %convert_element_type3A_259 : f32 to vector<8x4096xf32>
        %select_n3A_263 = arith.select %gt3A_260, %broadcast_in_dim3A_262, %select_n3A_253 : vector<8x4096xi1>, vector<8x4096xf32>
        %slice3A_264 = vector.extract_strided_slice %dot_general3A_56 {offsets = [168, 0], sizes = [8, 4096], strides = [1, 1]} : vector<2048x4096xf32> to vector<8x4096xf32>
        %mul3A_265 = arith.constant 256 : i32
        %mul3A_266 = arith.muli %scan3A_42, %mul3A_265 : i32
        %add3A_267 = arith.constant 21 : i32
        %add3A_268 = arith.addi %mul3A_266, %add3A_267 : i32
        %convert_element_type3A_269 = arith.sitofp %add3A_268 : i32 to f32
        %gt3A_270 = arith.cmpf ogt, %slice3A_264, %max3A_261 : vector<8x4096xf32>
        %max3A_271 = arith.maximumf %slice3A_264, %max3A_261 : vector<8x4096xf32>
        %broadcast_in_dim3A_272 = vector.broadcast %convert_element_type3A_269 : f32 to vector<8x4096xf32>
        %select_n3A_273 = arith.select %gt3A_270, %broadcast_in_dim3A_272, %select_n3A_263 : vector<8x4096xi1>, vector<8x4096xf32>
        %slice3A_274 = vector.extract_strided_slice %dot_general3A_56 {offsets = [176, 0], sizes = [8, 4096], strides = [1, 1]} : vector<2048x4096xf32> to vector<8x4096xf32>
        %mul3A_275 = arith.constant 256 : i32
        %mul3A_276 = arith.muli %scan3A_42, %mul3A_275 : i32
        %add3A_277 = arith.constant 22 : i32
        %add3A_278 = arith.addi %mul3A_276, %add3A_277 : i32
        %convert_element_type3A_279 = arith.sitofp %add3A_278 : i32 to f32
        %gt3A_280 = arith.cmpf ogt, %slice3A_274, %max3A_271 : vector<8x4096xf32>
        %max3A_281 = arith.maximumf %slice3A_274, %max3A_271 : vector<8x4096xf32>
        %broadcast_in_dim3A_282 = vector.broadcast %convert_element_type3A_279 : f32 to vector<8x4096xf32>
        %select_n3A_283 = arith.select %gt3A_280, %broadcast_in_dim3A_282, %select_n3A_273 : vector<8x4096xi1>, vector<8x4096xf32>
        %slice3A_284 = vector.extract_strided_slice %dot_general3A_56 {offsets = [184, 0], sizes = [8, 4096], strides = [1, 1]} : vector<2048x4096xf32> to vector<8x4096xf32>
        %mul3A_285 = arith.constant 256 : i32
        %mul3A_286 = arith.muli %scan3A_42, %mul3A_285 : i32
        %add3A_287 = arith.constant 23 : i32
        %add3A_288 = arith.addi %mul3A_286, %add3A_287 : i32
        %convert_element_type3A_289 = arith.sitofp %add3A_288 : i32 to f32
        %gt3A_290 = arith.cmpf ogt, %slice3A_284, %max3A_281 : vector<8x4096xf32>
        %max3A_291 = arith.maximumf %slice3A_284, %max3A_281 : vector<8x4096xf32>
        %broadcast_in_dim3A_292 = vector.broadcast %convert_element_type3A_289 : f32 to vector<8x4096xf32>
        %select_n3A_293 = arith.select %gt3A_290, %broadcast_in_dim3A_292, %select_n3A_283 : vector<8x4096xi1>, vector<8x4096xf32>
        %slice3A_294 = vector.extract_strided_slice %dot_general3A_56 {offsets = [192, 0], sizes = [8, 4096], strides = [1, 1]} : vector<2048x4096xf32> to vector<8x4096xf32>
        %mul3A_295 = arith.constant 256 : i32
        %mul3A_296 = arith.muli %scan3A_42, %mul3A_295 : i32
        %add3A_297 = arith.constant 24 : i32
        %add3A_298 = arith.addi %mul3A_296, %add3A_297 : i32
        %convert_element_type3A_299 = arith.sitofp %add3A_298 : i32 to f32
        %gt3A_300 = arith.cmpf ogt, %slice3A_294, %max3A_291 : vector<8x4096xf32>
        %max3A_301 = arith.maximumf %slice3A_294, %max3A_291 : vector<8x4096xf32>
        %broadcast_in_dim3A_302 = vector.broadcast %convert_element_type3A_299 : f32 to vector<8x4096xf32>
        %select_n3A_303 = arith.select %gt3A_300, %broadcast_in_dim3A_302, %select_n3A_293 : vector<8x4096xi1>, vector<8x4096xf32>
        %slice3A_304 = vector.extract_strided_slice %dot_general3A_56 {offsets = [200, 0], sizes = [8, 4096], strides = [1, 1]} : vector<2048x4096xf32> to vector<8x4096xf32>
        %mul3A_305 = arith.constant 256 : i32
        %mul3A_306 = arith.muli %scan3A_42, %mul3A_305 : i32
        %add3A_307 = arith.constant 25 : i32
        %add3A_308 = arith.addi %mul3A_306, %add3A_307 : i32
        %convert_element_type3A_309 = arith.sitofp %add3A_308 : i32 to f32
        %gt3A_310 = arith.cmpf ogt, %slice3A_304, %max3A_301 : vector<8x4096xf32>
        %max3A_311 = arith.maximumf %slice3A_304, %max3A_301 : vector<8x4096xf32>
        %broadcast_in_dim3A_312 = vector.broadcast %convert_element_type3A_309 : f32 to vector<8x4096xf32>
        %select_n3A_313 = arith.select %gt3A_310, %broadcast_in_dim3A_312, %select_n3A_303 : vector<8x4096xi1>, vector<8x4096xf32>
        %slice3A_314 = vector.extract_strided_slice %dot_general3A_56 {offsets = [208, 0], sizes = [8, 4096], strides = [1, 1]} : vector<2048x4096xf32> to vector<8x4096xf32>
        %mul3A_315 = arith.constant 256 : i32
        %mul3A_316 = arith.muli %scan3A_42, %mul3A_315 : i32
        %add3A_317 = arith.constant 26 : i32
        %add3A_318 = arith.addi %mul3A_316, %add3A_317 : i32
        %convert_element_type3A_319 = arith.sitofp %add3A_318 : i32 to f32
        %gt3A_320 = arith.cmpf ogt, %slice3A_314, %max3A_311 : vector<8x4096xf32>
        %max3A_321 = arith.maximumf %slice3A_314, %max3A_311 : vector<8x4096xf32>
        %broadcast_in_dim3A_322 = vector.broadcast %convert_element_type3A_319 : f32 to vector<8x4096xf32>
        %select_n3A_323 = arith.select %gt3A_320, %broadcast_in_dim3A_322, %select_n3A_313 : vector<8x4096xi1>, vector<8x4096xf32>
        %slice3A_324 = vector.extract_strided_slice %dot_general3A_56 {offsets = [216, 0], sizes = [8, 4096], strides = [1, 1]} : vector<2048x4096xf32> to vector<8x4096xf32>
        %mul3A_325 = arith.constant 256 : i32
        %mul3A_326 = arith.muli %scan3A_42, %mul3A_325 : i32
        %add3A_327 = arith.constant 27 : i32
        %add3A_328 = arith.addi %mul3A_326, %add3A_327 : i32
        %convert_element_type3A_329 = arith.sitofp %add3A_328 : i32 to f32
        %gt3A_330 = arith.cmpf ogt, %slice3A_324, %max3A_321 : vector<8x4096xf32>
        %max3A_331 = arith.maximumf %slice3A_324, %max3A_321 : vector<8x4096xf32>
        %broadcast_in_dim3A_332 = vector.broadcast %convert_element_type3A_329 : f32 to vector<8x4096xf32>
        %select_n3A_333 = arith.select %gt3A_330, %broadcast_in_dim3A_332, %select_n3A_323 : vector<8x4096xi1>, vector<8x4096xf32>
        %slice3A_334 = vector.extract_strided_slice %dot_general3A_56 {offsets = [224, 0], sizes = [8, 4096], strides = [1, 1]} : vector<2048x4096xf32> to vector<8x4096xf32>
        %mul3A_335 = arith.constant 256 : i32
        %mul3A_336 = arith.muli %scan3A_42, %mul3A_335 : i32
        %add3A_337 = arith.constant 28 : i32
        %add3A_338 = arith.addi %mul3A_336, %add3A_337 : i32
        %convert_element_type3A_339 = arith.sitofp %add3A_338 : i32 to f32
        %gt3A_340 = arith.cmpf ogt, %slice3A_334, %max3A_331 : vector<8x4096xf32>
        %max3A_341 = arith.maximumf %slice3A_334, %max3A_331 : vector<8x4096xf32>
        %broadcast_in_dim3A_342 = vector.broadcast %convert_element_type3A_339 : f32 to vector<8x4096xf32>
        %select_n3A_343 = arith.select %gt3A_340, %broadcast_in_dim3A_342, %select_n3A_333 : vector<8x4096xi1>, vector<8x4096xf32>
        %slice3A_344 = vector.extract_strided_slice %dot_general3A_56 {offsets = [232, 0], sizes = [8, 4096], strides = [1, 1]} : vector<2048x4096xf32> to vector<8x4096xf32>
        %mul3A_345 = arith.constant 256 : i32
        %mul3A_346 = arith.muli %scan3A_42, %mul3A_345 : i32
        %add3A_347 = arith.constant 29 : i32
        %add3A_348 = arith.addi %mul3A_346, %add3A_347 : i32
        %convert_element_type3A_349 = arith.sitofp %add3A_348 : i32 to f32
        %gt3A_350 = arith.cmpf ogt, %slice3A_344, %max3A_341 : vector<8x4096xf32>
        %max3A_351 = arith.maximumf %slice3A_344, %max3A_341 : vector<8x4096xf32>
        %broadcast_in_dim3A_352 = vector.broadcast %convert_element_type3A_349 : f32 to vector<8x4096xf32>
        %select_n3A_353 = arith.select %gt3A_350, %broadcast_in_dim3A_352, %select_n3A_343 : vector<8x4096xi1>, vector<8x4096xf32>
        %slice3A_354 = vector.extract_strided_slice %dot_general3A_56 {offsets = [240, 0], sizes = [8, 4096], strides = [1, 1]} : vector<2048x4096xf32> to vector<8x4096xf32>
        %mul3A_355 = arith.constant 256 : i32
        %mul3A_356 = arith.muli %scan3A_42, %mul3A_355 : i32
        %add3A_357 = arith.constant 30 : i32
        %add3A_358 = arith.addi %mul3A_356, %add3A_357 : i32
        %convert_element_type3A_359 = arith.sitofp %add3A_358 : i32 to f32
        %gt3A_360 = arith.cmpf ogt, %slice3A_354, %max3A_351 : vector<8x4096xf32>
        %max3A_361 = arith.maximumf %slice3A_354, %max3A_351 : vector<8x4096xf32>
        %broadcast_in_dim3A_362 = vector.broadcast %convert_element_type3A_359 : f32 to vector<8x4096xf32>
        %select_n3A_363 = arith.select %gt3A_360, %broadcast_in_dim3A_362, %select_n3A_353 : vector<8x4096xi1>, vector<8x4096xf32>
        %slice3A_364 = vector.extract_strided_slice %dot_general3A_56 {offsets = [248, 0], sizes = [8, 4096], strides = [1, 1]} : vector<2048x4096xf32> to vector<8x4096xf32>
        %mul3A_365 = arith.constant 256 : i32
        %mul3A_366 = arith.muli %scan3A_42, %mul3A_365 : i32
        %add3A_367 = arith.constant 31 : i32
        %add3A_368 = arith.addi %mul3A_366, %add3A_367 : i32
        %convert_element_type3A_369 = arith.sitofp %add3A_368 : i32 to f32
        %gt3A_370 = arith.cmpf ogt, %slice3A_364, %max3A_361 : vector<8x4096xf32>
        %max3A_371 = arith.maximumf %slice3A_364, %max3A_361 : vector<8x4096xf32>
        %broadcast_in_dim3A_372 = vector.broadcast %convert_element_type3A_369 : f32 to vector<8x4096xf32>
        %select_n3A_373 = arith.select %gt3A_370, %broadcast_in_dim3A_372, %select_n3A_363 : vector<8x4096xi1>, vector<8x4096xf32>
        %slice3A_374 = vector.extract_strided_slice %dot_general3A_56 {offsets = [256, 0], sizes = [8, 4096], strides = [1, 1]} : vector<2048x4096xf32> to vector<8x4096xf32>
        %mul3A_375 = arith.constant 256 : i32
        %mul3A_376 = arith.muli %scan3A_42, %mul3A_375 : i32
        %add3A_377 = arith.constant 32 : i32
        %add3A_378 = arith.addi %mul3A_376, %add3A_377 : i32
        %convert_element_type3A_379 = arith.sitofp %add3A_378 : i32 to f32
        %gt3A_380 = arith.cmpf ogt, %slice3A_374, %max3A_371 : vector<8x4096xf32>
        %max3A_381 = arith.maximumf %slice3A_374, %max3A_371 : vector<8x4096xf32>
        %broadcast_in_dim3A_382 = vector.broadcast %convert_element_type3A_379 : f32 to vector<8x4096xf32>
        %select_n3A_383 = arith.select %gt3A_380, %broadcast_in_dim3A_382, %select_n3A_373 : vector<8x4096xi1>, vector<8x4096xf32>
        %slice3A_384 = vector.extract_strided_slice %dot_general3A_56 {offsets = [264, 0], sizes = [8, 4096], strides = [1, 1]} : vector<2048x4096xf32> to vector<8x4096xf32>
        %mul3A_385 = arith.constant 256 : i32
        %mul3A_386 = arith.muli %scan3A_42, %mul3A_385 : i32
        %add3A_387 = arith.constant 33 : i32
        %add3A_388 = arith.addi %mul3A_386, %add3A_387 : i32
        %convert_element_type3A_389 = arith.sitofp %add3A_388 : i32 to f32
        %gt3A_390 = arith.cmpf ogt, %slice3A_384, %max3A_381 : vector<8x4096xf32>
        %max3A_391 = arith.maximumf %slice3A_384, %max3A_381 : vector<8x4096xf32>
        %broadcast_in_dim3A_392 = vector.broadcast %convert_element_type3A_389 : f32 to vector<8x4096xf32>
        %select_n3A_393 = arith.select %gt3A_390, %broadcast_in_dim3A_392, %select_n3A_383 : vector<8x4096xi1>, vector<8x4096xf32>
        %slice3A_394 = vector.extract_strided_slice %dot_general3A_56 {offsets = [272, 0], sizes = [8, 4096], strides = [1, 1]} : vector<2048x4096xf32> to vector<8x4096xf32>
        %mul3A_395 = arith.constant 256 : i32
        %mul3A_396 = arith.muli %scan3A_42, %mul3A_395 : i32
        %add3A_397 = arith.constant 34 : i32
        %add3A_398 = arith.addi %mul3A_396, %add3A_397 : i32
        %convert_element_type3A_399 = arith.sitofp %add3A_398 : i32 to f32
        %gt3A_400 = arith.cmpf ogt, %slice3A_394, %max3A_391 : vector<8x4096xf32>
        %max3A_401 = arith.maximumf %slice3A_394, %max3A_391 : vector<8x4096xf32>
        %broadcast_in_dim3A_402 = vector.broadcast %convert_element_type3A_399 : f32 to vector<8x4096xf32>
        %select_n3A_403 = arith.select %gt3A_400, %broadcast_in_dim3A_402, %select_n3A_393 : vector<8x4096xi1>, vector<8x4096xf32>
        %slice3A_404 = vector.extract_strided_slice %dot_general3A_56 {offsets = [280, 0], sizes = [8, 4096], strides = [1, 1]} : vector<2048x4096xf32> to vector<8x4096xf32>
        %mul3A_405 = arith.constant 256 : i32
        %mul3A_406 = arith.muli %scan3A_42, %mul3A_405 : i32
        %add3A_407 = arith.constant 35 : i32
        %add3A_408 = arith.addi %mul3A_406, %add3A_407 : i32
        %convert_element_type3A_409 = arith.sitofp %add3A_408 : i32 to f32
        %gt3A_410 = arith.cmpf ogt, %slice3A_404, %max3A_401 : vector<8x4096xf32>
        %max3A_411 = arith.maximumf %slice3A_404, %max3A_401 : vector<8x4096xf32>
        %broadcast_in_dim3A_412 = vector.broadcast %convert_element_type3A_409 : f32 to vector<8x4096xf32>
        %select_n3A_413 = arith.select %gt3A_410, %broadcast_in_dim3A_412, %select_n3A_403 : vector<8x4096xi1>, vector<8x4096xf32>
        %slice3A_414 = vector.extract_strided_slice %dot_general3A_56 {offsets = [288, 0], sizes = [8, 4096], strides = [1, 1]} : vector<2048x4096xf32> to vector<8x4096xf32>
        %mul3A_415 = arith.constant 256 : i32
        %mul3A_416 = arith.muli %scan3A_42, %mul3A_415 : i32
        %add3A_417 = arith.constant 36 : i32
        %add3A_418 = arith.addi %mul3A_416, %add3A_417 : i32
        %convert_element_type3A_419 = arith.sitofp %add3A_418 : i32 to f32
        %gt3A_420 = arith.cmpf ogt, %slice3A_414, %max3A_411 : vector<8x4096xf32>
        %max3A_421 = arith.maximumf %slice3A_414, %max3A_411 : vector<8x4096xf32>
        %broadcast_in_dim3A_422 = vector.broadcast %convert_element_type3A_419 : f32 to vector<8x4096xf32>
        %select_n3A_423 = arith.select %gt3A_420, %broadcast_in_dim3A_422, %select_n3A_413 : vector<8x4096xi1>, vector<8x4096xf32>
        %slice3A_424 = vector.extract_strided_slice %dot_general3A_56 {offsets = [296, 0], sizes = [8, 4096], strides = [1, 1]} : vector<2048x4096xf32> to vector<8x4096xf32>
        %mul3A_425 = arith.constant 256 : i32
        %mul3A_426 = arith.muli %scan3A_42, %mul3A_425 : i32
        %add3A_427 = arith.constant 37 : i32
        %add3A_428 = arith.addi %mul3A_426, %add3A_427 : i32
        %convert_element_type3A_429 = arith.sitofp %add3A_428 : i32 to f32
        %gt3A_430 = arith.cmpf ogt, %slice3A_424, %max3A_421 : vector<8x4096xf32>
        %max3A_431 = arith.maximumf %slice3A_424, %max3A_421 : vector<8x4096xf32>
        %broadcast_in_dim3A_432 = vector.broadcast %convert_element_type3A_429 : f32 to vector<8x4096xf32>
        %select_n3A_433 = arith.select %gt3A_430, %broadcast_in_dim3A_432, %select_n3A_423 : vector<8x4096xi1>, vector<8x4096xf32>
        %slice3A_434 = vector.extract_strided_slice %dot_general3A_56 {offsets = [304, 0], sizes = [8, 4096], strides = [1, 1]} : vector<2048x4096xf32> to vector<8x4096xf32>
        %mul3A_435 = arith.constant 256 : i32
        %mul3A_436 = arith.muli %scan3A_42, %mul3A_435 : i32
        %add3A_437 = arith.constant 38 : i32
        %add3A_438 = arith.addi %mul3A_436, %add3A_437 : i32
        %convert_element_type3A_439 = arith.sitofp %add3A_438 : i32 to f32
        %gt3A_440 = arith.cmpf ogt, %slice3A_434, %max3A_431 : vector<8x4096xf32>
        %max3A_441 = arith.maximumf %slice3A_434, %max3A_431 : vector<8x4096xf32>
        %broadcast_in_dim3A_442 = vector.broadcast %convert_element_type3A_439 : f32 to vector<8x4096xf32>
        %select_n3A_443 = arith.select %gt3A_440, %broadcast_in_dim3A_442, %select_n3A_433 : vector<8x4096xi1>, vector<8x4096xf32>
        %slice3A_444 = vector.extract_strided_slice %dot_general3A_56 {offsets = [312, 0], sizes = [8, 4096], strides = [1, 1]} : vector<2048x4096xf32> to vector<8x4096xf32>
        %mul3A_445 = arith.constant 256 : i32
        %mul3A_446 = arith.muli %scan3A_42, %mul3A_445 : i32
        %add3A_447 = arith.constant 39 : i32
        %add3A_448 = arith.addi %mul3A_446, %add3A_447 : i32
        %convert_element_type3A_449 = arith.sitofp %add3A_448 : i32 to f32
        %gt3A_450 = arith.cmpf ogt, %slice3A_444, %max3A_441 : vector<8x4096xf32>
        %max3A_451 = arith.maximumf %slice3A_444, %max3A_441 : vector<8x4096xf32>
        %broadcast_in_dim3A_452 = vector.broadcast %convert_element_type3A_449 : f32 to vector<8x4096xf32>
        %select_n3A_453 = arith.select %gt3A_450, %broadcast_in_dim3A_452, %select_n3A_443 : vector<8x4096xi1>, vector<8x4096xf32>
        %slice3A_454 = vector.extract_strided_slice %dot_general3A_56 {offsets = [320, 0], sizes = [8, 4096], strides = [1, 1]} : vector<2048x4096xf32> to vector<8x4096xf32>
        %mul3A_455 = arith.constant 256 : i32
        %mul3A_456 = arith.muli %scan3A_42, %mul3A_455 : i32
        %add3A_457 = arith.constant 40 : i32
        %add3A_458 = arith.addi %mul3A_456, %add3A_457 : i32
        %convert_element_type3A_459 = arith.sitofp %add3A_458 : i32 to f32
        %gt3A_460 = arith.cmpf ogt, %slice3A_454, %max3A_451 : vector<8x4096xf32>
        %max3A_461 = arith.maximumf %slice3A_454, %max3A_451 : vector<8x4096xf32>
        %broadcast_in_dim3A_462 = vector.broadcast %convert_element_type3A_459 : f32 to vector<8x4096xf32>
        %select_n3A_463 = arith.select %gt3A_460, %broadcast_in_dim3A_462, %select_n3A_453 : vector<8x4096xi1>, vector<8x4096xf32>
        %slice3A_464 = vector.extract_strided_slice %dot_general3A_56 {offsets = [328, 0], sizes = [8, 4096], strides = [1, 1]} : vector<2048x4096xf32> to vector<8x4096xf32>
        %mul3A_465 = arith.constant 256 : i32
        %mul3A_466 = arith.muli %scan3A_42, %mul3A_465 : i32
        %add3A_467 = arith.constant 41 : i32
        %add3A_468 = arith.addi %mul3A_466, %add3A_467 : i32
        %convert_element_type3A_469 = arith.sitofp %add3A_468 : i32 to f32
        %gt3A_470 = arith.cmpf ogt, %slice3A_464, %max3A_461 : vector<8x4096xf32>
        %max3A_471 = arith.maximumf %slice3A_464, %max3A_461 : vector<8x4096xf32>
        %broadcast_in_dim3A_472 = vector.broadcast %convert_element_type3A_469 : f32 to vector<8x4096xf32>
        %select_n3A_473 = arith.select %gt3A_470, %broadcast_in_dim3A_472, %select_n3A_463 : vector<8x4096xi1>, vector<8x4096xf32>
        %slice3A_474 = vector.extract_strided_slice %dot_general3A_56 {offsets = [336, 0], sizes = [8, 4096], strides = [1, 1]} : vector<2048x4096xf32> to vector<8x4096xf32>
        %mul3A_475 = arith.constant 256 : i32
        %mul3A_476 = arith.muli %scan3A_42, %mul3A_475 : i32
        %add3A_477 = arith.constant 42 : i32
        %add3A_478 = arith.addi %mul3A_476, %add3A_477 : i32
        %convert_element_type3A_479 = arith.sitofp %add3A_478 : i32 to f32
        %gt3A_480 = arith.cmpf ogt, %slice3A_474, %max3A_471 : vector<8x4096xf32>
        %max3A_481 = arith.maximumf %slice3A_474, %max3A_471 : vector<8x4096xf32>
        %broadcast_in_dim3A_482 = vector.broadcast %convert_element_type3A_479 : f32 to vector<8x4096xf32>
        %select_n3A_483 = arith.select %gt3A_480, %broadcast_in_dim3A_482, %select_n3A_473 : vector<8x4096xi1>, vector<8x4096xf32>
        %slice3A_484 = vector.extract_strided_slice %dot_general3A_56 {offsets = [344, 0], sizes = [8, 4096], strides = [1, 1]} : vector<2048x4096xf32> to vector<8x4096xf32>
        %mul3A_485 = arith.constant 256 : i32
        %mul3A_486 = arith.muli %scan3A_42, %mul3A_485 : i32
        %add3A_487 = arith.constant 43 : i32
        %add3A_488 = arith.addi %mul3A_486, %add3A_487 : i32
        %convert_element_type3A_489 = arith.sitofp %add3A_488 : i32 to f32
        %gt3A_490 = arith.cmpf ogt, %slice3A_484, %max3A_481 : vector<8x4096xf32>
        %max3A_491 = arith.maximumf %slice3A_484, %max3A_481 : vector<8x4096xf32>
        %broadcast_in_dim3A_492 = vector.broadcast %convert_element_type3A_489 : f32 to vector<8x4096xf32>
        %select_n3A_493 = arith.select %gt3A_490, %broadcast_in_dim3A_492, %select_n3A_483 : vector<8x4096xi1>, vector<8x4096xf32>
        %slice3A_494 = vector.extract_strided_slice %dot_general3A_56 {offsets = [352, 0], sizes = [8, 4096], strides = [1, 1]} : vector<2048x4096xf32> to vector<8x4096xf32>
        %mul3A_495 = arith.constant 256 : i32
        %mul3A_496 = arith.muli %scan3A_42, %mul3A_495 : i32
        %add3A_497 = arith.constant 44 : i32
        %add3A_498 = arith.addi %mul3A_496, %add3A_497 : i32
        %convert_element_type3A_499 = arith.sitofp %add3A_498 : i32 to f32
        %gt3A_500 = arith.cmpf ogt, %slice3A_494, %max3A_491 : vector<8x4096xf32>
        %max3A_501 = arith.maximumf %slice3A_494, %max3A_491 : vector<8x4096xf32>
        %broadcast_in_dim3A_502 = vector.broadcast %convert_element_type3A_499 : f32 to vector<8x4096xf32>
        %select_n3A_503 = arith.select %gt3A_500, %broadcast_in_dim3A_502, %select_n3A_493 : vector<8x4096xi1>, vector<8x4096xf32>
        %slice3A_504 = vector.extract_strided_slice %dot_general3A_56 {offsets = [360, 0], sizes = [8, 4096], strides = [1, 1]} : vector<2048x4096xf32> to vector<8x4096xf32>
        %mul3A_505 = arith.constant 256 : i32
        %mul3A_506 = arith.muli %scan3A_42, %mul3A_505 : i32
        %add3A_507 = arith.constant 45 : i32
        %add3A_508 = arith.addi %mul3A_506, %add3A_507 : i32
        %convert_element_type3A_509 = arith.sitofp %add3A_508 : i32 to f32
        %gt3A_510 = arith.cmpf ogt, %slice3A_504, %max3A_501 : vector<8x4096xf32>
        %max3A_511 = arith.maximumf %slice3A_504, %max3A_501 : vector<8x4096xf32>
        %broadcast_in_dim3A_512 = vector.broadcast %convert_element_type3A_509 : f32 to vector<8x4096xf32>
        %select_n3A_513 = arith.select %gt3A_510, %broadcast_in_dim3A_512, %select_n3A_503 : vector<8x4096xi1>, vector<8x4096xf32>
        %slice3A_514 = vector.extract_strided_slice %dot_general3A_56 {offsets = [368, 0], sizes = [8, 4096], strides = [1, 1]} : vector<2048x4096xf32> to vector<8x4096xf32>
        %mul3A_515 = arith.constant 256 : i32
        %mul3A_516 = arith.muli %scan3A_42, %mul3A_515 : i32
        %add3A_517 = arith.constant 46 : i32
        %add3A_518 = arith.addi %mul3A_516, %add3A_517 : i32
        %convert_element_type3A_519 = arith.sitofp %add3A_518 : i32 to f32
        %gt3A_520 = arith.cmpf ogt, %slice3A_514, %max3A_511 : vector<8x4096xf32>
        %max3A_521 = arith.maximumf %slice3A_514, %max3A_511 : vector<8x4096xf32>
        %broadcast_in_dim3A_522 = vector.broadcast %convert_element_type3A_519 : f32 to vector<8x4096xf32>
        %select_n3A_523 = arith.select %gt3A_520, %broadcast_in_dim3A_522, %select_n3A_513 : vector<8x4096xi1>, vector<8x4096xf32>
        %slice3A_524 = vector.extract_strided_slice %dot_general3A_56 {offsets = [376, 0], sizes = [8, 4096], strides = [1, 1]} : vector<2048x4096xf32> to vector<8x4096xf32>
        %mul3A_525 = arith.constant 256 : i32
        %mul3A_526 = arith.muli %scan3A_42, %mul3A_525 : i32
        %add3A_527 = arith.constant 47 : i32
        %add3A_528 = arith.addi %mul3A_526, %add3A_527 : i32
        %convert_element_type3A_529 = arith.sitofp %add3A_528 : i32 to f32
        %gt3A_530 = arith.cmpf ogt, %slice3A_524, %max3A_521 : vector<8x4096xf32>
        %max3A_531 = arith.maximumf %slice3A_524, %max3A_521 : vector<8x4096xf32>
        %broadcast_in_dim3A_532 = vector.broadcast %convert_element_type3A_529 : f32 to vector<8x4096xf32>
        %select_n3A_533 = arith.select %gt3A_530, %broadcast_in_dim3A_532, %select_n3A_523 : vector<8x4096xi1>, vector<8x4096xf32>
        %slice3A_534 = vector.extract_strided_slice %dot_general3A_56 {offsets = [384, 0], sizes = [8, 4096], strides = [1, 1]} : vector<2048x4096xf32> to vector<8x4096xf32>
        %mul3A_535 = arith.constant 256 : i32
        %mul3A_536 = arith.muli %scan3A_42, %mul3A_535 : i32
        %add3A_537 = arith.constant 48 : i32
        %add3A_538 = arith.addi %mul3A_536, %add3A_537 : i32
        %convert_element_type3A_539 = arith.sitofp %add3A_538 : i32 to f32
        %gt3A_540 = arith.cmpf ogt, %slice3A_534, %max3A_531 : vector<8x4096xf32>
        %max3A_541 = arith.maximumf %slice3A_534, %max3A_531 : vector<8x4096xf32>
        %broadcast_in_dim3A_542 = vector.broadcast %convert_element_type3A_539 : f32 to vector<8x4096xf32>
        %select_n3A_543 = arith.select %gt3A_540, %broadcast_in_dim3A_542, %select_n3A_533 : vector<8x4096xi1>, vector<8x4096xf32>
        %slice3A_544 = vector.extract_strided_slice %dot_general3A_56 {offsets = [392, 0], sizes = [8, 4096], strides = [1, 1]} : vector<2048x4096xf32> to vector<8x4096xf32>
        %mul3A_545 = arith.constant 256 : i32
        %mul3A_546 = arith.muli %scan3A_42, %mul3A_545 : i32
        %add3A_547 = arith.constant 49 : i32
        %add3A_548 = arith.addi %mul3A_546, %add3A_547 : i32
        %convert_element_type3A_549 = arith.sitofp %add3A_548 : i32 to f32
        %gt3A_550 = arith.cmpf ogt, %slice3A_544, %max3A_541 : vector<8x4096xf32>
        %max3A_551 = arith.maximumf %slice3A_544, %max3A_541 : vector<8x4096xf32>
        %broadcast_in_dim3A_552 = vector.broadcast %convert_element_type3A_549 : f32 to vector<8x4096xf32>
        %select_n3A_553 = arith.select %gt3A_550, %broadcast_in_dim3A_552, %select_n3A_543 : vector<8x4096xi1>, vector<8x4096xf32>
        %slice3A_554 = vector.extract_strided_slice %dot_general3A_56 {offsets = [400, 0], sizes = [8, 4096], strides = [1, 1]} : vector<2048x4096xf32> to vector<8x4096xf32>
        %mul3A_555 = arith.constant 256 : i32
        %mul3A_556 = arith.muli %scan3A_42, %mul3A_555 : i32
        %add3A_557 = arith.constant 50 : i32
        %add3A_558 = arith.addi %mul3A_556, %add3A_557 : i32
        %convert_element_type3A_559 = arith.sitofp %add3A_558 : i32 to f32
        %gt3A_560 = arith.cmpf ogt, %slice3A_554, %max3A_551 : vector<8x4096xf32>
        %max3A_561 = arith.maximumf %slice3A_554, %max3A_551 : vector<8x4096xf32>
        %broadcast_in_dim3A_562 = vector.broadcast %convert_element_type3A_559 : f32 to vector<8x4096xf32>
        %select_n3A_563 = arith.select %gt3A_560, %broadcast_in_dim3A_562, %select_n3A_553 : vector<8x4096xi1>, vector<8x4096xf32>
        %slice3A_564 = vector.extract_strided_slice %dot_general3A_56 {offsets = [408, 0], sizes = [8, 4096], strides = [1, 1]} : vector<2048x4096xf32> to vector<8x4096xf32>
        %mul3A_565 = arith.constant 256 : i32
        %mul3A_566 = arith.muli %scan3A_42, %mul3A_565 : i32
        %add3A_567 = arith.constant 51 : i32
        %add3A_568 = arith.addi %mul3A_566, %add3A_567 : i32
        %convert_element_type3A_569 = arith.sitofp %add3A_568 : i32 to f32
        %gt3A_570 = arith.cmpf ogt, %slice3A_564, %max3A_561 : vector<8x4096xf32>
        %max3A_571 = arith.maximumf %slice3A_564, %max3A_561 : vector<8x4096xf32>
        %broadcast_in_dim3A_572 = vector.broadcast %convert_element_type3A_569 : f32 to vector<8x4096xf32>
        %select_n3A_573 = arith.select %gt3A_570, %broadcast_in_dim3A_572, %select_n3A_563 : vector<8x4096xi1>, vector<8x4096xf32>
        %slice3A_574 = vector.extract_strided_slice %dot_general3A_56 {offsets = [416, 0], sizes = [8, 4096], strides = [1, 1]} : vector<2048x4096xf32> to vector<8x4096xf32>
        %mul3A_575 = arith.constant 256 : i32
        %mul3A_576 = arith.muli %scan3A_42, %mul3A_575 : i32
        %add3A_577 = arith.constant 52 : i32
        %add3A_578 = arith.addi %mul3A_576, %add3A_577 : i32
        %convert_element_type3A_579 = arith.sitofp %add3A_578 : i32 to f32
        %gt3A_580 = arith.cmpf ogt, %slice3A_574, %max3A_571 : vector<8x4096xf32>
        %max3A_581 = arith.maximumf %slice3A_574, %max3A_571 : vector<8x4096xf32>
        %broadcast_in_dim3A_582 = vector.broadcast %convert_element_type3A_579 : f32 to vector<8x4096xf32>
        %select_n3A_583 = arith.select %gt3A_580, %broadcast_in_dim3A_582, %select_n3A_573 : vector<8x4096xi1>, vector<8x4096xf32>
        %slice3A_584 = vector.extract_strided_slice %dot_general3A_56 {offsets = [424, 0], sizes = [8, 4096], strides = [1, 1]} : vector<2048x4096xf32> to vector<8x4096xf32>
        %mul3A_585 = arith.constant 256 : i32
        %mul3A_586 = arith.muli %scan3A_42, %mul3A_585 : i32
        %add3A_587 = arith.constant 53 : i32
        %add3A_588 = arith.addi %mul3A_586, %add3A_587 : i32
        %convert_element_type3A_589 = arith.sitofp %add3A_588 : i32 to f32
        %gt3A_590 = arith.cmpf ogt, %slice3A_584, %max3A_581 : vector<8x4096xf32>
        %max3A_591 = arith.maximumf %slice3A_584, %max3A_581 : vector<8x4096xf32>
        %broadcast_in_dim3A_592 = vector.broadcast %convert_element_type3A_589 : f32 to vector<8x4096xf32>
        %select_n3A_593 = arith.select %gt3A_590, %broadcast_in_dim3A_592, %select_n3A_583 : vector<8x4096xi1>, vector<8x4096xf32>
        %slice3A_594 = vector.extract_strided_slice %dot_general3A_56 {offsets = [432, 0], sizes = [8, 4096], strides = [1, 1]} : vector<2048x4096xf32> to vector<8x4096xf32>
        %mul3A_595 = arith.constant 256 : i32
        %mul3A_596 = arith.muli %scan3A_42, %mul3A_595 : i32
        %add3A_597 = arith.constant 54 : i32
        %add3A_598 = arith.addi %mul3A_596, %add3A_597 : i32
        %convert_element_type3A_599 = arith.sitofp %add3A_598 : i32 to f32
        %gt3A_600 = arith.cmpf ogt, %slice3A_594, %max3A_591 : vector<8x4096xf32>
        %max3A_601 = arith.maximumf %slice3A_594, %max3A_591 : vector<8x4096xf32>
        %broadcast_in_dim3A_602 = vector.broadcast %convert_element_type3A_599 : f32 to vector<8x4096xf32>
        %select_n3A_603 = arith.select %gt3A_600, %broadcast_in_dim3A_602, %select_n3A_593 : vector<8x4096xi1>, vector<8x4096xf32>
        %slice3A_604 = vector.extract_strided_slice %dot_general3A_56 {offsets = [440, 0], sizes = [8, 4096], strides = [1, 1]} : vector<2048x4096xf32> to vector<8x4096xf32>
        %mul3A_605 = arith.constant 256 : i32
        %mul3A_606 = arith.muli %scan3A_42, %mul3A_605 : i32
        %add3A_607 = arith.constant 55 : i32
        %add3A_608 = arith.addi %mul3A_606, %add3A_607 : i32
        %convert_element_type3A_609 = arith.sitofp %add3A_608 : i32 to f32
        %gt3A_610 = arith.cmpf ogt, %slice3A_604, %max3A_601 : vector<8x4096xf32>
        %max3A_611 = arith.maximumf %slice3A_604, %max3A_601 : vector<8x4096xf32>
        %broadcast_in_dim3A_612 = vector.broadcast %convert_element_type3A_609 : f32 to vector<8x4096xf32>
        %select_n3A_613 = arith.select %gt3A_610, %broadcast_in_dim3A_612, %select_n3A_603 : vector<8x4096xi1>, vector<8x4096xf32>
        %slice3A_614 = vector.extract_strided_slice %dot_general3A_56 {offsets = [448, 0], sizes = [8, 4096], strides = [1, 1]} : vector<2048x4096xf32> to vector<8x4096xf32>
        %mul3A_615 = arith.constant 256 : i32
        %mul3A_616 = arith.muli %scan3A_42, %mul3A_615 : i32
        %add3A_617 = arith.constant 56 : i32
        %add3A_618 = arith.addi %mul3A_616, %add3A_617 : i32
        %convert_element_type3A_619 = arith.sitofp %add3A_618 : i32 to f32
        %gt3A_620 = arith.cmpf ogt, %slice3A_614, %max3A_611 : vector<8x4096xf32>
        %max3A_621 = arith.maximumf %slice3A_614, %max3A_611 : vector<8x4096xf32>
        %broadcast_in_dim3A_622 = vector.broadcast %convert_element_type3A_619 : f32 to vector<8x4096xf32>
        %select_n3A_623 = arith.select %gt3A_620, %broadcast_in_dim3A_622, %select_n3A_613 : vector<8x4096xi1>, vector<8x4096xf32>
        %slice3A_624 = vector.extract_strided_slice %dot_general3A_56 {offsets = [456, 0], sizes = [8, 4096], strides = [1, 1]} : vector<2048x4096xf32> to vector<8x4096xf32>
        %mul3A_625 = arith.constant 256 : i32
        %mul3A_626 = arith.muli %scan3A_42, %mul3A_625 : i32
        %add3A_627 = arith.constant 57 : i32
        %add3A_628 = arith.addi %mul3A_626, %add3A_627 : i32
        %convert_element_type3A_629 = arith.sitofp %add3A_628 : i32 to f32
        %gt3A_630 = arith.cmpf ogt, %slice3A_624, %max3A_621 : vector<8x4096xf32>
        %max3A_631 = arith.maximumf %slice3A_624, %max3A_621 : vector<8x4096xf32>
        %broadcast_in_dim3A_632 = vector.broadcast %convert_element_type3A_629 : f32 to vector<8x4096xf32>
        %select_n3A_633 = arith.select %gt3A_630, %broadcast_in_dim3A_632, %select_n3A_623 : vector<8x4096xi1>, vector<8x4096xf32>
        %slice3A_634 = vector.extract_strided_slice %dot_general3A_56 {offsets = [464, 0], sizes = [8, 4096], strides = [1, 1]} : vector<2048x4096xf32> to vector<8x4096xf32>
        %mul3A_635 = arith.constant 256 : i32
        %mul3A_636 = arith.muli %scan3A_42, %mul3A_635 : i32
        %add3A_637 = arith.constant 58 : i32
        %add3A_638 = arith.addi %mul3A_636, %add3A_637 : i32
        %convert_element_type3A_639 = arith.sitofp %add3A_638 : i32 to f32
        %gt3A_640 = arith.cmpf ogt, %slice3A_634, %max3A_631 : vector<8x4096xf32>
        %max3A_641 = arith.maximumf %slice3A_634, %max3A_631 : vector<8x4096xf32>
        %broadcast_in_dim3A_642 = vector.broadcast %convert_element_type3A_639 : f32 to vector<8x4096xf32>
        %select_n3A_643 = arith.select %gt3A_640, %broadcast_in_dim3A_642, %select_n3A_633 : vector<8x4096xi1>, vector<8x4096xf32>
        %slice3A_644 = vector.extract_strided_slice %dot_general3A_56 {offsets = [472, 0], sizes = [8, 4096], strides = [1, 1]} : vector<2048x4096xf32> to vector<8x4096xf32>
        %mul3A_645 = arith.constant 256 : i32
        %mul3A_646 = arith.muli %scan3A_42, %mul3A_645 : i32
        %add3A_647 = arith.constant 59 : i32
        %add3A_648 = arith.addi %mul3A_646, %add3A_647 : i32
        %convert_element_type3A_649 = arith.sitofp %add3A_648 : i32 to f32
        %gt3A_650 = arith.cmpf ogt, %slice3A_644, %max3A_641 : vector<8x4096xf32>
        %max3A_651 = arith.maximumf %slice3A_644, %max3A_641 : vector<8x4096xf32>
        %broadcast_in_dim3A_652 = vector.broadcast %convert_element_type3A_649 : f32 to vector<8x4096xf32>
        %select_n3A_653 = arith.select %gt3A_650, %broadcast_in_dim3A_652, %select_n3A_643 : vector<8x4096xi1>, vector<8x4096xf32>
        %slice3A_654 = vector.extract_strided_slice %dot_general3A_56 {offsets = [480, 0], sizes = [8, 4096], strides = [1, 1]} : vector<2048x4096xf32> to vector<8x4096xf32>
        %mul3A_655 = arith.constant 256 : i32
        %mul3A_656 = arith.muli %scan3A_42, %mul3A_655 : i32
        %add3A_657 = arith.constant 60 : i32
        %add3A_658 = arith.addi %mul3A_656, %add3A_657 : i32
        %convert_element_type3A_659 = arith.sitofp %add3A_658 : i32 to f32
        %gt3A_660 = arith.cmpf ogt, %slice3A_654, %max3A_651 : vector<8x4096xf32>
        %max3A_661 = arith.maximumf %slice3A_654, %max3A_651 : vector<8x4096xf32>
        %broadcast_in_dim3A_662 = vector.broadcast %convert_element_type3A_659 : f32 to vector<8x4096xf32>
        %select_n3A_663 = arith.select %gt3A_660, %broadcast_in_dim3A_662, %select_n3A_653 : vector<8x4096xi1>, vector<8x4096xf32>
        %slice3A_664 = vector.extract_strided_slice %dot_general3A_56 {offsets = [488, 0], sizes = [8, 4096], strides = [1, 1]} : vector<2048x4096xf32> to vector<8x4096xf32>
        %mul3A_665 = arith.constant 256 : i32
        %mul3A_666 = arith.muli %scan3A_42, %mul3A_665 : i32
        %add3A_667 = arith.constant 61 : i32
        %add3A_668 = arith.addi %mul3A_666, %add3A_667 : i32
        %convert_element_type3A_669 = arith.sitofp %add3A_668 : i32 to f32
        %gt3A_670 = arith.cmpf ogt, %slice3A_664, %max3A_661 : vector<8x4096xf32>
        %max3A_671 = arith.maximumf %slice3A_664, %max3A_661 : vector<8x4096xf32>
        %broadcast_in_dim3A_672 = vector.broadcast %convert_element_type3A_669 : f32 to vector<8x4096xf32>
        %select_n3A_673 = arith.select %gt3A_670, %broadcast_in_dim3A_672, %select_n3A_663 : vector<8x4096xi1>, vector<8x4096xf32>
        %slice3A_674 = vector.extract_strided_slice %dot_general3A_56 {offsets = [496, 0], sizes = [8, 4096], strides = [1, 1]} : vector<2048x4096xf32> to vector<8x4096xf32>
        %mul3A_675 = arith.constant 256 : i32
        %mul3A_676 = arith.muli %scan3A_42, %mul3A_675 : i32
        %add3A_677 = arith.constant 62 : i32
        %add3A_678 = arith.addi %mul3A_676, %add3A_677 : i32
        %convert_element_type3A_679 = arith.sitofp %add3A_678 : i32 to f32
        %gt3A_680 = arith.cmpf ogt, %slice3A_674, %max3A_671 : vector<8x4096xf32>
        %max3A_681 = arith.maximumf %slice3A_674, %max3A_671 : vector<8x4096xf32>
        %broadcast_in_dim3A_682 = vector.broadcast %convert_element_type3A_679 : f32 to vector<8x4096xf32>
        %select_n3A_683 = arith.select %gt3A_680, %broadcast_in_dim3A_682, %select_n3A_673 : vector<8x4096xi1>, vector<8x4096xf32>
        %slice3A_684 = vector.extract_strided_slice %dot_general3A_56 {offsets = [504, 0], sizes = [8, 4096], strides = [1, 1]} : vector<2048x4096xf32> to vector<8x4096xf32>
        %mul3A_685 = arith.constant 256 : i32
        %mul3A_686 = arith.muli %scan3A_42, %mul3A_685 : i32
        %add3A_687 = arith.constant 63 : i32
        %add3A_688 = arith.addi %mul3A_686, %add3A_687 : i32
        %convert_element_type3A_689 = arith.sitofp %add3A_688 : i32 to f32
        %gt3A_690 = arith.cmpf ogt, %slice3A_684, %max3A_681 : vector<8x4096xf32>
        %max3A_691 = arith.maximumf %slice3A_684, %max3A_681 : vector<8x4096xf32>
        %broadcast_in_dim3A_692 = vector.broadcast %convert_element_type3A_689 : f32 to vector<8x4096xf32>
        %select_n3A_693 = arith.select %gt3A_690, %broadcast_in_dim3A_692, %select_n3A_683 : vector<8x4096xi1>, vector<8x4096xf32>
        %slice3A_694 = vector.extract_strided_slice %dot_general3A_56 {offsets = [512, 0], sizes = [8, 4096], strides = [1, 1]} : vector<2048x4096xf32> to vector<8x4096xf32>
        %mul3A_695 = arith.constant 256 : i32
        %mul3A_696 = arith.muli %scan3A_42, %mul3A_695 : i32
        %add3A_697 = arith.constant 64 : i32
        %add3A_698 = arith.addi %mul3A_696, %add3A_697 : i32
        %convert_element_type3A_699 = arith.sitofp %add3A_698 : i32 to f32
        %gt3A_700 = arith.cmpf ogt, %slice3A_694, %max3A_691 : vector<8x4096xf32>
        %max3A_701 = arith.maximumf %slice3A_694, %max3A_691 : vector<8x4096xf32>
        %broadcast_in_dim3A_702 = vector.broadcast %convert_element_type3A_699 : f32 to vector<8x4096xf32>
        %select_n3A_703 = arith.select %gt3A_700, %broadcast_in_dim3A_702, %select_n3A_693 : vector<8x4096xi1>, vector<8x4096xf32>
        %slice3A_704 = vector.extract_strided_slice %dot_general3A_56 {offsets = [520, 0], sizes = [8, 4096], strides = [1, 1]} : vector<2048x4096xf32> to vector<8x4096xf32>
        %mul3A_705 = arith.constant 256 : i32
        %mul3A_706 = arith.muli %scan3A_42, %mul3A_705 : i32
        %add3A_707 = arith.constant 65 : i32
        %add3A_708 = arith.addi %mul3A_706, %add3A_707 : i32
        %convert_element_type3A_709 = arith.sitofp %add3A_708 : i32 to f32
        %gt3A_710 = arith.cmpf ogt, %slice3A_704, %max3A_701 : vector<8x4096xf32>
        %max3A_711 = arith.maximumf %slice3A_704, %max3A_701 : vector<8x4096xf32>
        %broadcast_in_dim3A_712 = vector.broadcast %convert_element_type3A_709 : f32 to vector<8x4096xf32>
        %select_n3A_713 = arith.select %gt3A_710, %broadcast_in_dim3A_712, %select_n3A_703 : vector<8x4096xi1>, vector<8x4096xf32>
        %slice3A_714 = vector.extract_strided_slice %dot_general3A_56 {offsets = [528, 0], sizes = [8, 4096], strides = [1, 1]} : vector<2048x4096xf32> to vector<8x4096xf32>
        %mul3A_715 = arith.constant 256 : i32
        %mul3A_716 = arith.muli %scan3A_42, %mul3A_715 : i32
        %add3A_717 = arith.constant 66 : i32
        %add3A_718 = arith.addi %mul3A_716, %add3A_717 : i32
        %convert_element_type3A_719 = arith.sitofp %add3A_718 : i32 to f32
        %gt3A_720 = arith.cmpf ogt, %slice3A_714, %max3A_711 : vector<8x4096xf32>
        %max3A_721 = arith.maximumf %slice3A_714, %max3A_711 : vector<8x4096xf32>
        %broadcast_in_dim3A_722 = vector.broadcast %convert_element_type3A_719 : f32 to vector<8x4096xf32>
        %select_n3A_723 = arith.select %gt3A_720, %broadcast_in_dim3A_722, %select_n3A_713 : vector<8x4096xi1>, vector<8x4096xf32>
        %slice3A_724 = vector.extract_strided_slice %dot_general3A_56 {offsets = [536, 0], sizes = [8, 4096], strides = [1, 1]} : vector<2048x4096xf32> to vector<8x4096xf32>
        %mul3A_725 = arith.constant 256 : i32
        %mul3A_726 = arith.muli %scan3A_42, %mul3A_725 : i32
        %add3A_727 = arith.constant 67 : i32
        %add3A_728 = arith.addi %mul3A_726, %add3A_727 : i32
        %convert_element_type3A_729 = arith.sitofp %add3A_728 : i32 to f32
        %gt3A_730 = arith.cmpf ogt, %slice3A_724, %max3A_721 : vector<8x4096xf32>
        %max3A_731 = arith.maximumf %slice3A_724, %max3A_721 : vector<8x4096xf32>
        %broadcast_in_dim3A_732 = vector.broadcast %convert_element_type3A_729 : f32 to vector<8x4096xf32>
        %select_n3A_733 = arith.select %gt3A_730, %broadcast_in_dim3A_732, %select_n3A_723 : vector<8x4096xi1>, vector<8x4096xf32>
        %slice3A_734 = vector.extract_strided_slice %dot_general3A_56 {offsets = [544, 0], sizes = [8, 4096], strides = [1, 1]} : vector<2048x4096xf32> to vector<8x4096xf32>
        %mul3A_735 = arith.constant 256 : i32
        %mul3A_736 = arith.muli %scan3A_42, %mul3A_735 : i32
        %add3A_737 = arith.constant 68 : i32
        %add3A_738 = arith.addi %mul3A_736, %add3A_737 : i32
        %convert_element_type3A_739 = arith.sitofp %add3A_738 : i32 to f32
        %gt3A_740 = arith.cmpf ogt, %slice3A_734, %max3A_731 : vector<8x4096xf32>
        %max3A_741 = arith.maximumf %slice3A_734, %max3A_731 : vector<8x4096xf32>
        %broadcast_in_dim3A_742 = vector.broadcast %convert_element_type3A_739 : f32 to vector<8x4096xf32>
        %select_n3A_743 = arith.select %gt3A_740, %broadcast_in_dim3A_742, %select_n3A_733 : vector<8x4096xi1>, vector<8x4096xf32>
        %slice3A_744 = vector.extract_strided_slice %dot_general3A_56 {offsets = [552, 0], sizes = [8, 4096], strides = [1, 1]} : vector<2048x4096xf32> to vector<8x4096xf32>
        %mul3A_745 = arith.constant 256 : i32
        %mul3A_746 = arith.muli %scan3A_42, %mul3A_745 : i32
        %add3A_747 = arith.constant 69 : i32
        %add3A_748 = arith.addi %mul3A_746, %add3A_747 : i32
        %convert_element_type3A_749 = arith.sitofp %add3A_748 : i32 to f32
        %gt3A_750 = arith.cmpf ogt, %slice3A_744, %max3A_741 : vector<8x4096xf32>
        %max3A_751 = arith.maximumf %slice3A_744, %max3A_741 : vector<8x4096xf32>
        %broadcast_in_dim3A_752 = vector.broadcast %convert_element_type3A_749 : f32 to vector<8x4096xf32>
        %select_n3A_753 = arith.select %gt3A_750, %broadcast_in_dim3A_752, %select_n3A_743 : vector<8x4096xi1>, vector<8x4096xf32>
        %slice3A_754 = vector.extract_strided_slice %dot_general3A_56 {offsets = [560, 0], sizes = [8, 4096], strides = [1, 1]} : vector<2048x4096xf32> to vector<8x4096xf32>
        %mul3A_755 = arith.constant 256 : i32
        %mul3A_756 = arith.muli %scan3A_42, %mul3A_755 : i32
        %add3A_757 = arith.constant 70 : i32
        %add3A_758 = arith.addi %mul3A_756, %add3A_757 : i32
        %convert_element_type3A_759 = arith.sitofp %add3A_758 : i32 to f32
        %gt3A_760 = arith.cmpf ogt, %slice3A_754, %max3A_751 : vector<8x4096xf32>
        %max3A_761 = arith.maximumf %slice3A_754, %max3A_751 : vector<8x4096xf32>
        %broadcast_in_dim3A_762 = vector.broadcast %convert_element_type3A_759 : f32 to vector<8x4096xf32>
        %select_n3A_763 = arith.select %gt3A_760, %broadcast_in_dim3A_762, %select_n3A_753 : vector<8x4096xi1>, vector<8x4096xf32>
        %slice3A_764 = vector.extract_strided_slice %dot_general3A_56 {offsets = [568, 0], sizes = [8, 4096], strides = [1, 1]} : vector<2048x4096xf32> to vector<8x4096xf32>
        %mul3A_765 = arith.constant 256 : i32
        %mul3A_766 = arith.muli %scan3A_42, %mul3A_765 : i32
        %add3A_767 = arith.constant 71 : i32
        %add3A_768 = arith.addi %mul3A_766, %add3A_767 : i32
        %convert_element_type3A_769 = arith.sitofp %add3A_768 : i32 to f32
        %gt3A_770 = arith.cmpf ogt, %slice3A_764, %max3A_761 : vector<8x4096xf32>
        %max3A_771 = arith.maximumf %slice3A_764, %max3A_761 : vector<8x4096xf32>
        %broadcast_in_dim3A_772 = vector.broadcast %convert_element_type3A_769 : f32 to vector<8x4096xf32>
        %select_n3A_773 = arith.select %gt3A_770, %broadcast_in_dim3A_772, %select_n3A_763 : vector<8x4096xi1>, vector<8x4096xf32>
        %slice3A_774 = vector.extract_strided_slice %dot_general3A_56 {offsets = [576, 0], sizes = [8, 4096], strides = [1, 1]} : vector<2048x4096xf32> to vector<8x4096xf32>
        %mul3A_775 = arith.constant 256 : i32
        %mul3A_776 = arith.muli %scan3A_42, %mul3A_775 : i32
        %add3A_777 = arith.constant 72 : i32
        %add3A_778 = arith.addi %mul3A_776, %add3A_777 : i32
        %convert_element_type3A_779 = arith.sitofp %add3A_778 : i32 to f32
        %gt3A_780 = arith.cmpf ogt, %slice3A_774, %max3A_771 : vector<8x4096xf32>
        %max3A_781 = arith.maximumf %slice3A_774, %max3A_771 : vector<8x4096xf32>
        %broadcast_in_dim3A_782 = vector.broadcast %convert_element_type3A_779 : f32 to vector<8x4096xf32>
        %select_n3A_783 = arith.select %gt3A_780, %broadcast_in_dim3A_782, %select_n3A_773 : vector<8x4096xi1>, vector<8x4096xf32>
        %slice3A_784 = vector.extract_strided_slice %dot_general3A_56 {offsets = [584, 0], sizes = [8, 4096], strides = [1, 1]} : vector<2048x4096xf32> to vector<8x4096xf32>
        %mul3A_785 = arith.constant 256 : i32
        %mul3A_786 = arith.muli %scan3A_42, %mul3A_785 : i32
        %add3A_787 = arith.constant 73 : i32
        %add3A_788 = arith.addi %mul3A_786, %add3A_787 : i32
        %convert_element_type3A_789 = arith.sitofp %add3A_788 : i32 to f32
        %gt3A_790 = arith.cmpf ogt, %slice3A_784, %max3A_781 : vector<8x4096xf32>
        %max3A_791 = arith.maximumf %slice3A_784, %max3A_781 : vector<8x4096xf32>
        %broadcast_in_dim3A_792 = vector.broadcast %convert_element_type3A_789 : f32 to vector<8x4096xf32>
        %select_n3A_793 = arith.select %gt3A_790, %broadcast_in_dim3A_792, %select_n3A_783 : vector<8x4096xi1>, vector<8x4096xf32>
        %slice3A_794 = vector.extract_strided_slice %dot_general3A_56 {offsets = [592, 0], sizes = [8, 4096], strides = [1, 1]} : vector<2048x4096xf32> to vector<8x4096xf32>
        %mul3A_795 = arith.constant 256 : i32
        %mul3A_796 = arith.muli %scan3A_42, %mul3A_795 : i32
        %add3A_797 = arith.constant 74 : i32
        %add3A_798 = arith.addi %mul3A_796, %add3A_797 : i32
        %convert_element_type3A_799 = arith.sitofp %add3A_798 : i32 to f32
        %gt3A_800 = arith.cmpf ogt, %slice3A_794, %max3A_791 : vector<8x4096xf32>
        %max3A_801 = arith.maximumf %slice3A_794, %max3A_791 : vector<8x4096xf32>
        %broadcast_in_dim3A_802 = vector.broadcast %convert_element_type3A_799 : f32 to vector<8x4096xf32>
        %select_n3A_803 = arith.select %gt3A_800, %broadcast_in_dim3A_802, %select_n3A_793 : vector<8x4096xi1>, vector<8x4096xf32>
        %slice3A_804 = vector.extract_strided_slice %dot_general3A_56 {offsets = [600, 0], sizes = [8, 4096], strides = [1, 1]} : vector<2048x4096xf32> to vector<8x4096xf32>
        %mul3A_805 = arith.constant 256 : i32
        %mul3A_806 = arith.muli %scan3A_42, %mul3A_805 : i32
        %add3A_807 = arith.constant 75 : i32
        %add3A_808 = arith.addi %mul3A_806, %add3A_807 : i32
        %convert_element_type3A_809 = arith.sitofp %add3A_808 : i32 to f32
        %gt3A_810 = arith.cmpf ogt, %slice3A_804, %max3A_801 : vector<8x4096xf32>
        %max3A_811 = arith.maximumf %slice3A_804, %max3A_801 : vector<8x4096xf32>
        %broadcast_in_dim3A_812 = vector.broadcast %convert_element_type3A_809 : f32 to vector<8x4096xf32>
        %select_n3A_813 = arith.select %gt3A_810, %broadcast_in_dim3A_812, %select_n3A_803 : vector<8x4096xi1>, vector<8x4096xf32>
        %slice3A_814 = vector.extract_strided_slice %dot_general3A_56 {offsets = [608, 0], sizes = [8, 4096], strides = [1, 1]} : vector<2048x4096xf32> to vector<8x4096xf32>
        %mul3A_815 = arith.constant 256 : i32
        %mul3A_816 = arith.muli %scan3A_42, %mul3A_815 : i32
        %add3A_817 = arith.constant 76 : i32
        %add3A_818 = arith.addi %mul3A_816, %add3A_817 : i32
        %convert_element_type3A_819 = arith.sitofp %add3A_818 : i32 to f32
        %gt3A_820 = arith.cmpf ogt, %slice3A_814, %max3A_811 : vector<8x4096xf32>
        %max3A_821 = arith.maximumf %slice3A_814, %max3A_811 : vector<8x4096xf32>
        %broadcast_in_dim3A_822 = vector.broadcast %convert_element_type3A_819 : f32 to vector<8x4096xf32>
        %select_n3A_823 = arith.select %gt3A_820, %broadcast_in_dim3A_822, %select_n3A_813 : vector<8x4096xi1>, vector<8x4096xf32>
        %slice3A_824 = vector.extract_strided_slice %dot_general3A_56 {offsets = [616, 0], sizes = [8, 4096], strides = [1, 1]} : vector<2048x4096xf32> to vector<8x4096xf32>
        %mul3A_825 = arith.constant 256 : i32
        %mul3A_826 = arith.muli %scan3A_42, %mul3A_825 : i32
        %add3A_827 = arith.constant 77 : i32
        %add3A_828 = arith.addi %mul3A_826, %add3A_827 : i32
        %convert_element_type3A_829 = arith.sitofp %add3A_828 : i32 to f32
        %gt3A_830 = arith.cmpf ogt, %slice3A_824, %max3A_821 : vector<8x4096xf32>
        %max3A_831 = arith.maximumf %slice3A_824, %max3A_821 : vector<8x4096xf32>
        %broadcast_in_dim3A_832 = vector.broadcast %convert_element_type3A_829 : f32 to vector<8x4096xf32>
        %select_n3A_833 = arith.select %gt3A_830, %broadcast_in_dim3A_832, %select_n3A_823 : vector<8x4096xi1>, vector<8x4096xf32>
        %slice3A_834 = vector.extract_strided_slice %dot_general3A_56 {offsets = [624, 0], sizes = [8, 4096], strides = [1, 1]} : vector<2048x4096xf32> to vector<8x4096xf32>
        %mul3A_835 = arith.constant 256 : i32
        %mul3A_836 = arith.muli %scan3A_42, %mul3A_835 : i32
        %add3A_837 = arith.constant 78 : i32
        %add3A_838 = arith.addi %mul3A_836, %add3A_837 : i32
        %convert_element_type3A_839 = arith.sitofp %add3A_838 : i32 to f32
        %gt3A_840 = arith.cmpf ogt, %slice3A_834, %max3A_831 : vector<8x4096xf32>
        %max3A_841 = arith.maximumf %slice3A_834, %max3A_831 : vector<8x4096xf32>
        %broadcast_in_dim3A_842 = vector.broadcast %convert_element_type3A_839 : f32 to vector<8x4096xf32>
        %select_n3A_843 = arith.select %gt3A_840, %broadcast_in_dim3A_842, %select_n3A_833 : vector<8x4096xi1>, vector<8x4096xf32>
        %slice3A_844 = vector.extract_strided_slice %dot_general3A_56 {offsets = [632, 0], sizes = [8, 4096], strides = [1, 1]} : vector<2048x4096xf32> to vector<8x4096xf32>
        %mul3A_845 = arith.constant 256 : i32
        %mul3A_846 = arith.muli %scan3A_42, %mul3A_845 : i32
        %add3A_847 = arith.constant 79 : i32
        %add3A_848 = arith.addi %mul3A_846, %add3A_847 : i32
        %convert_element_type3A_849 = arith.sitofp %add3A_848 : i32 to f32
        %gt3A_850 = arith.cmpf ogt, %slice3A_844, %max3A_841 : vector<8x4096xf32>
        %max3A_851 = arith.maximumf %slice3A_844, %max3A_841 : vector<8x4096xf32>
        %broadcast_in_dim3A_852 = vector.broadcast %convert_element_type3A_849 : f32 to vector<8x4096xf32>
        %select_n3A_853 = arith.select %gt3A_850, %broadcast_in_dim3A_852, %select_n3A_843 : vector<8x4096xi1>, vector<8x4096xf32>
        %slice3A_854 = vector.extract_strided_slice %dot_general3A_56 {offsets = [640, 0], sizes = [8, 4096], strides = [1, 1]} : vector<2048x4096xf32> to vector<8x4096xf32>
        %mul3A_855 = arith.constant 256 : i32
        %mul3A_856 = arith.muli %scan3A_42, %mul3A_855 : i32
        %add3A_857 = arith.constant 80 : i32
        %add3A_858 = arith.addi %mul3A_856, %add3A_857 : i32
        %convert_element_type3A_859 = arith.sitofp %add3A_858 : i32 to f32
        %gt3A_860 = arith.cmpf ogt, %slice3A_854, %max3A_851 : vector<8x4096xf32>
        %max3A_861 = arith.maximumf %slice3A_854, %max3A_851 : vector<8x4096xf32>
        %broadcast_in_dim3A_862 = vector.broadcast %convert_element_type3A_859 : f32 to vector<8x4096xf32>
        %select_n3A_863 = arith.select %gt3A_860, %broadcast_in_dim3A_862, %select_n3A_853 : vector<8x4096xi1>, vector<8x4096xf32>
        %slice3A_864 = vector.extract_strided_slice %dot_general3A_56 {offsets = [648, 0], sizes = [8, 4096], strides = [1, 1]} : vector<2048x4096xf32> to vector<8x4096xf32>
        %mul3A_865 = arith.constant 256 : i32
        %mul3A_866 = arith.muli %scan3A_42, %mul3A_865 : i32
        %add3A_867 = arith.constant 81 : i32
        %add3A_868 = arith.addi %mul3A_866, %add3A_867 : i32
        %convert_element_type3A_869 = arith.sitofp %add3A_868 : i32 to f32
        %gt3A_870 = arith.cmpf ogt, %slice3A_864, %max3A_861 : vector<8x4096xf32>
        %max3A_871 = arith.maximumf %slice3A_864, %max3A_861 : vector<8x4096xf32>
        %broadcast_in_dim3A_872 = vector.broadcast %convert_element_type3A_869 : f32 to vector<8x4096xf32>
        %select_n3A_873 = arith.select %gt3A_870, %broadcast_in_dim3A_872, %select_n3A_863 : vector<8x4096xi1>, vector<8x4096xf32>
        %slice3A_874 = vector.extract_strided_slice %dot_general3A_56 {offsets = [656, 0], sizes = [8, 4096], strides = [1, 1]} : vector<2048x4096xf32> to vector<8x4096xf32>
        %mul3A_875 = arith.constant 256 : i32
        %mul3A_876 = arith.muli %scan3A_42, %mul3A_875 : i32
        %add3A_877 = arith.constant 82 : i32
        %add3A_878 = arith.addi %mul3A_876, %add3A_877 : i32
        %convert_element_type3A_879 = arith.sitofp %add3A_878 : i32 to f32
        %gt3A_880 = arith.cmpf ogt, %slice3A_874, %max3A_871 : vector<8x4096xf32>
        %max3A_881 = arith.maximumf %slice3A_874, %max3A_871 : vector<8x4096xf32>
        %broadcast_in_dim3A_882 = vector.broadcast %convert_element_type3A_879 : f32 to vector<8x4096xf32>
        %select_n3A_883 = arith.select %gt3A_880, %broadcast_in_dim3A_882, %select_n3A_873 : vector<8x4096xi1>, vector<8x4096xf32>
        %slice3A_884 = vector.extract_strided_slice %dot_general3A_56 {offsets = [664, 0], sizes = [8, 4096], strides = [1, 1]} : vector<2048x4096xf32> to vector<8x4096xf32>
        %mul3A_885 = arith.constant 256 : i32
        %mul3A_886 = arith.muli %scan3A_42, %mul3A_885 : i32
        %add3A_887 = arith.constant 83 : i32
        %add3A_888 = arith.addi %mul3A_886, %add3A_887 : i32
        %convert_element_type3A_889 = arith.sitofp %add3A_888 : i32 to f32
        %gt3A_890 = arith.cmpf ogt, %slice3A_884, %max3A_881 : vector<8x4096xf32>
        %max3A_891 = arith.maximumf %slice3A_884, %max3A_881 : vector<8x4096xf32>
        %broadcast_in_dim3A_892 = vector.broadcast %convert_element_type3A_889 : f32 to vector<8x4096xf32>
        %select_n3A_893 = arith.select %gt3A_890, %broadcast_in_dim3A_892, %select_n3A_883 : vector<8x4096xi1>, vector<8x4096xf32>
        %slice3A_894 = vector.extract_strided_slice %dot_general3A_56 {offsets = [672, 0], sizes = [8, 4096], strides = [1, 1]} : vector<2048x4096xf32> to vector<8x4096xf32>
        %mul3A_895 = arith.constant 256 : i32
        %mul3A_896 = arith.muli %scan3A_42, %mul3A_895 : i32
        %add3A_897 = arith.constant 84 : i32
        %add3A_898 = arith.addi %mul3A_896, %add3A_897 : i32
        %convert_element_type3A_899 = arith.sitofp %add3A_898 : i32 to f32
        %gt3A_900 = arith.cmpf ogt, %slice3A_894, %max3A_891 : vector<8x4096xf32>
        %max3A_901 = arith.maximumf %slice3A_894, %max3A_891 : vector<8x4096xf32>
        %broadcast_in_dim3A_902 = vector.broadcast %convert_element_type3A_899 : f32 to vector<8x4096xf32>
        %select_n3A_903 = arith.select %gt3A_900, %broadcast_in_dim3A_902, %select_n3A_893 : vector<8x4096xi1>, vector<8x4096xf32>
        %slice3A_904 = vector.extract_strided_slice %dot_general3A_56 {offsets = [680, 0], sizes = [8, 4096], strides = [1, 1]} : vector<2048x4096xf32> to vector<8x4096xf32>
        %mul3A_905 = arith.constant 256 : i32
        %mul3A_906 = arith.muli %scan3A_42, %mul3A_905 : i32
        %add3A_907 = arith.constant 85 : i32
        %add3A_908 = arith.addi %mul3A_906, %add3A_907 : i32
        %convert_element_type3A_909 = arith.sitofp %add3A_908 : i32 to f32
        %gt3A_910 = arith.cmpf ogt, %slice3A_904, %max3A_901 : vector<8x4096xf32>
        %max3A_911 = arith.maximumf %slice3A_904, %max3A_901 : vector<8x4096xf32>
        %broadcast_in_dim3A_912 = vector.broadcast %convert_element_type3A_909 : f32 to vector<8x4096xf32>
        %select_n3A_913 = arith.select %gt3A_910, %broadcast_in_dim3A_912, %select_n3A_903 : vector<8x4096xi1>, vector<8x4096xf32>
        %slice3A_914 = vector.extract_strided_slice %dot_general3A_56 {offsets = [688, 0], sizes = [8, 4096], strides = [1, 1]} : vector<2048x4096xf32> to vector<8x4096xf32>
        %mul3A_915 = arith.constant 256 : i32
        %mul3A_916 = arith.muli %scan3A_42, %mul3A_915 : i32
        %add3A_917 = arith.constant 86 : i32
        %add3A_918 = arith.addi %mul3A_916, %add3A_917 : i32
        %convert_element_type3A_919 = arith.sitofp %add3A_918 : i32 to f32
        %gt3A_920 = arith.cmpf ogt, %slice3A_914, %max3A_911 : vector<8x4096xf32>
        %max3A_921 = arith.maximumf %slice3A_914, %max3A_911 : vector<8x4096xf32>
        %broadcast_in_dim3A_922 = vector.broadcast %convert_element_type3A_919 : f32 to vector<8x4096xf32>
        %select_n3A_923 = arith.select %gt3A_920, %broadcast_in_dim3A_922, %select_n3A_913 : vector<8x4096xi1>, vector<8x4096xf32>
        %slice3A_924 = vector.extract_strided_slice %dot_general3A_56 {offsets = [696, 0], sizes = [8, 4096], strides = [1, 1]} : vector<2048x4096xf32> to vector<8x4096xf32>
        %mul3A_925 = arith.constant 256 : i32
        %mul3A_926 = arith.muli %scan3A_42, %mul3A_925 : i32
        %add3A_927 = arith.constant 87 : i32
        %add3A_928 = arith.addi %mul3A_926, %add3A_927 : i32
        %convert_element_type3A_929 = arith.sitofp %add3A_928 : i32 to f32
        %gt3A_930 = arith.cmpf ogt, %slice3A_924, %max3A_921 : vector<8x4096xf32>
        %max3A_931 = arith.maximumf %slice3A_924, %max3A_921 : vector<8x4096xf32>
        %broadcast_in_dim3A_932 = vector.broadcast %convert_element_type3A_929 : f32 to vector<8x4096xf32>
        %select_n3A_933 = arith.select %gt3A_930, %broadcast_in_dim3A_932, %select_n3A_923 : vector<8x4096xi1>, vector<8x4096xf32>
        %slice3A_934 = vector.extract_strided_slice %dot_general3A_56 {offsets = [704, 0], sizes = [8, 4096], strides = [1, 1]} : vector<2048x4096xf32> to vector<8x4096xf32>
        %mul3A_935 = arith.constant 256 : i32
        %mul3A_936 = arith.muli %scan3A_42, %mul3A_935 : i32
        %add3A_937 = arith.constant 88 : i32
        %add3A_938 = arith.addi %mul3A_936, %add3A_937 : i32
        %convert_element_type3A_939 = arith.sitofp %add3A_938 : i32 to f32
        %gt3A_940 = arith.cmpf ogt, %slice3A_934, %max3A_931 : vector<8x4096xf32>
        %max3A_941 = arith.maximumf %slice3A_934, %max3A_931 : vector<8x4096xf32>
        %broadcast_in_dim3A_942 = vector.broadcast %convert_element_type3A_939 : f32 to vector<8x4096xf32>
        %select_n3A_943 = arith.select %gt3A_940, %broadcast_in_dim3A_942, %select_n3A_933 : vector<8x4096xi1>, vector<8x4096xf32>
        %slice3A_944 = vector.extract_strided_slice %dot_general3A_56 {offsets = [712, 0], sizes = [8, 4096], strides = [1, 1]} : vector<2048x4096xf32> to vector<8x4096xf32>
        %mul3A_945 = arith.constant 256 : i32
        %mul3A_946 = arith.muli %scan3A_42, %mul3A_945 : i32
        %add3A_947 = arith.constant 89 : i32
        %add3A_948 = arith.addi %mul3A_946, %add3A_947 : i32
        %convert_element_type3A_949 = arith.sitofp %add3A_948 : i32 to f32
        %gt3A_950 = arith.cmpf ogt, %slice3A_944, %max3A_941 : vector<8x4096xf32>
        %max3A_951 = arith.maximumf %slice3A_944, %max3A_941 : vector<8x4096xf32>
        %broadcast_in_dim3A_952 = vector.broadcast %convert_element_type3A_949 : f32 to vector<8x4096xf32>
        %select_n3A_953 = arith.select %gt3A_950, %broadcast_in_dim3A_952, %select_n3A_943 : vector<8x4096xi1>, vector<8x4096xf32>
        %slice3A_954 = vector.extract_strided_slice %dot_general3A_56 {offsets = [720, 0], sizes = [8, 4096], strides = [1, 1]} : vector<2048x4096xf32> to vector<8x4096xf32>
        %mul3A_955 = arith.constant 256 : i32
        %mul3A_956 = arith.muli %scan3A_42, %mul3A_955 : i32
        %add3A_957 = arith.constant 90 : i32
        %add3A_958 = arith.addi %mul3A_956, %add3A_957 : i32
        %convert_element_type3A_959 = arith.sitofp %add3A_958 : i32 to f32
        %gt3A_960 = arith.cmpf ogt, %slice3A_954, %max3A_951 : vector<8x4096xf32>
        %max3A_961 = arith.maximumf %slice3A_954, %max3A_951 : vector<8x4096xf32>
        %broadcast_in_dim3A_962 = vector.broadcast %convert_element_type3A_959 : f32 to vector<8x4096xf32>
        %select_n3A_963 = arith.select %gt3A_960, %broadcast_in_dim3A_962, %select_n3A_953 : vector<8x4096xi1>, vector<8x4096xf32>
        %slice3A_964 = vector.extract_strided_slice %dot_general3A_56 {offsets = [728, 0], sizes = [8, 4096], strides = [1, 1]} : vector<2048x4096xf32> to vector<8x4096xf32>
        %mul3A_965 = arith.constant 256 : i32
        %mul3A_966 = arith.muli %scan3A_42, %mul3A_965 : i32
        %add3A_967 = arith.constant 91 : i32
        %add3A_968 = arith.addi %mul3A_966, %add3A_967 : i32
        %convert_element_type3A_969 = arith.sitofp %add3A_968 : i32 to f32
        %gt3A_970 = arith.cmpf ogt, %slice3A_964, %max3A_961 : vector<8x4096xf32>
        %max3A_971 = arith.maximumf %slice3A_964, %max3A_961 : vector<8x4096xf32>
        %broadcast_in_dim3A_972 = vector.broadcast %convert_element_type3A_969 : f32 to vector<8x4096xf32>
        %select_n3A_973 = arith.select %gt3A_970, %broadcast_in_dim3A_972, %select_n3A_963 : vector<8x4096xi1>, vector<8x4096xf32>
        %slice3A_974 = vector.extract_strided_slice %dot_general3A_56 {offsets = [736, 0], sizes = [8, 4096], strides = [1, 1]} : vector<2048x4096xf32> to vector<8x4096xf32>
        %mul3A_975 = arith.constant 256 : i32
        %mul3A_976 = arith.muli %scan3A_42, %mul3A_975 : i32
        %add3A_977 = arith.constant 92 : i32
        %add3A_978 = arith.addi %mul3A_976, %add3A_977 : i32
        %convert_element_type3A_979 = arith.sitofp %add3A_978 : i32 to f32
        %gt3A_980 = arith.cmpf ogt, %slice3A_974, %max3A_971 : vector<8x4096xf32>
        %max3A_981 = arith.maximumf %slice3A_974, %max3A_971 : vector<8x4096xf32>
        %broadcast_in_dim3A_982 = vector.broadcast %convert_element_type3A_979 : f32 to vector<8x4096xf32>
        %select_n3A_983 = arith.select %gt3A_980, %broadcast_in_dim3A_982, %select_n3A_973 : vector<8x4096xi1>, vector<8x4096xf32>
        %slice3A_984 = vector.extract_strided_slice %dot_general3A_56 {offsets = [744, 0], sizes = [8, 4096], strides = [1, 1]} : vector<2048x4096xf32> to vector<8x4096xf32>
        %mul3A_985 = arith.constant 256 : i32
        %mul3A_986 = arith.muli %scan3A_42, %mul3A_985 : i32
        %add3A_987 = arith.constant 93 : i32
        %add3A_988 = arith.addi %mul3A_986, %add3A_987 : i32
        %convert_element_type3A_989 = arith.sitofp %add3A_988 : i32 to f32
        %gt3A_990 = arith.cmpf ogt, %slice3A_984, %max3A_981 : vector<8x4096xf32>
        %max3A_991 = arith.maximumf %slice3A_984, %max3A_981 : vector<8x4096xf32>
        %broadcast_in_dim3A_992 = vector.broadcast %convert_element_type3A_989 : f32 to vector<8x4096xf32>
        %select_n3A_993 = arith.select %gt3A_990, %broadcast_in_dim3A_992, %select_n3A_983 : vector<8x4096xi1>, vector<8x4096xf32>
        %slice3A_994 = vector.extract_strided_slice %dot_general3A_56 {offsets = [752, 0], sizes = [8, 4096], strides = [1, 1]} : vector<2048x4096xf32> to vector<8x4096xf32>
        %mul3A_995 = arith.constant 256 : i32
        %mul3A_996 = arith.muli %scan3A_42, %mul3A_995 : i32
        %add3A_997 = arith.constant 94 : i32
        %add3A_998 = arith.addi %mul3A_996, %add3A_997 : i32
        %convert_element_type3A_999 = arith.sitofp %add3A_998 : i32 to f32
        %gt3A_1000 = arith.cmpf ogt, %slice3A_994, %max3A_991 : vector<8x4096xf32>
        %max3A_1001 = arith.maximumf %slice3A_994, %max3A_991 : vector<8x4096xf32>
        %broadcast_in_dim3A_1002 = vector.broadcast %convert_element_type3A_999 : f32 to vector<8x4096xf32>
        %select_n3A_1003 = arith.select %gt3A_1000, %broadcast_in_dim3A_1002, %select_n3A_993 : vector<8x4096xi1>, vector<8x4096xf32>
        %slice3A_1004 = vector.extract_strided_slice %dot_general3A_56 {offsets = [760, 0], sizes = [8, 4096], strides = [1, 1]} : vector<2048x4096xf32> to vector<8x4096xf32>
        %mul3A_1005 = arith.constant 256 : i32
        %mul3A_1006 = arith.muli %scan3A_42, %mul3A_1005 : i32
        %add3A_1007 = arith.constant 95 : i32
        %add3A_1008 = arith.addi %mul3A_1006, %add3A_1007 : i32
        %convert_element_type3A_1009 = arith.sitofp %add3A_1008 : i32 to f32
        %gt3A_1010 = arith.cmpf ogt, %slice3A_1004, %max3A_1001 : vector<8x4096xf32>
        %max3A_1011 = arith.maximumf %slice3A_1004, %max3A_1001 : vector<8x4096xf32>
        %broadcast_in_dim3A_1012 = vector.broadcast %convert_element_type3A_1009 : f32 to vector<8x4096xf32>
        %select_n3A_1013 = arith.select %gt3A_1010, %broadcast_in_dim3A_1012, %select_n3A_1003 : vector<8x4096xi1>, vector<8x4096xf32>
        %slice3A_1014 = vector.extract_strided_slice %dot_general3A_56 {offsets = [768, 0], sizes = [8, 4096], strides = [1, 1]} : vector<2048x4096xf32> to vector<8x4096xf32>
        %mul3A_1015 = arith.constant 256 : i32
        %mul3A_1016 = arith.muli %scan3A_42, %mul3A_1015 : i32
        %add3A_1017 = arith.constant 96 : i32
        %add3A_1018 = arith.addi %mul3A_1016, %add3A_1017 : i32
        %convert_element_type3A_1019 = arith.sitofp %add3A_1018 : i32 to f32
        %gt3A_1020 = arith.cmpf ogt, %slice3A_1014, %max3A_1011 : vector<8x4096xf32>
        %max3A_1021 = arith.maximumf %slice3A_1014, %max3A_1011 : vector<8x4096xf32>
        %broadcast_in_dim3A_1022 = vector.broadcast %convert_element_type3A_1019 : f32 to vector<8x4096xf32>
        %select_n3A_1023 = arith.select %gt3A_1020, %broadcast_in_dim3A_1022, %select_n3A_1013 : vector<8x4096xi1>, vector<8x4096xf32>
        %slice3A_1024 = vector.extract_strided_slice %dot_general3A_56 {offsets = [776, 0], sizes = [8, 4096], strides = [1, 1]} : vector<2048x4096xf32> to vector<8x4096xf32>
        %mul3A_1025 = arith.constant 256 : i32
        %mul3A_1026 = arith.muli %scan3A_42, %mul3A_1025 : i32
        %add3A_1027 = arith.constant 97 : i32
        %add3A_1028 = arith.addi %mul3A_1026, %add3A_1027 : i32
        %convert_element_type3A_1029 = arith.sitofp %add3A_1028 : i32 to f32
        %gt3A_1030 = arith.cmpf ogt, %slice3A_1024, %max3A_1021 : vector<8x4096xf32>
        %max3A_1031 = arith.maximumf %slice3A_1024, %max3A_1021 : vector<8x4096xf32>
        %broadcast_in_dim3A_1032 = vector.broadcast %convert_element_type3A_1029 : f32 to vector<8x4096xf32>
        %select_n3A_1033 = arith.select %gt3A_1030, %broadcast_in_dim3A_1032, %select_n3A_1023 : vector<8x4096xi1>, vector<8x4096xf32>
        %slice3A_1034 = vector.extract_strided_slice %dot_general3A_56 {offsets = [784, 0], sizes = [8, 4096], strides = [1, 1]} : vector<2048x4096xf32> to vector<8x4096xf32>
        %mul3A_1035 = arith.constant 256 : i32
        %mul3A_1036 = arith.muli %scan3A_42, %mul3A_1035 : i32
        %add3A_1037 = arith.constant 98 : i32
        %add3A_1038 = arith.addi %mul3A_1036, %add3A_1037 : i32
        %convert_element_type3A_1039 = arith.sitofp %add3A_1038 : i32 to f32
        %gt3A_1040 = arith.cmpf ogt, %slice3A_1034, %max3A_1031 : vector<8x4096xf32>
        %max3A_1041 = arith.maximumf %slice3A_1034, %max3A_1031 : vector<8x4096xf32>
        %broadcast_in_dim3A_1042 = vector.broadcast %convert_element_type3A_1039 : f32 to vector<8x4096xf32>
        %select_n3A_1043 = arith.select %gt3A_1040, %broadcast_in_dim3A_1042, %select_n3A_1033 : vector<8x4096xi1>, vector<8x4096xf32>
        %slice3A_1044 = vector.extract_strided_slice %dot_general3A_56 {offsets = [792, 0], sizes = [8, 4096], strides = [1, 1]} : vector<2048x4096xf32> to vector<8x4096xf32>
        %mul3A_1045 = arith.constant 256 : i32
        %mul3A_1046 = arith.muli %scan3A_42, %mul3A_1045 : i32
        %add3A_1047 = arith.constant 99 : i32
        %add3A_1048 = arith.addi %mul3A_1046, %add3A_1047 : i32
        %convert_element_type3A_1049 = arith.sitofp %add3A_1048 : i32 to f32
        %gt3A_1050 = arith.cmpf ogt, %slice3A_1044, %max3A_1041 : vector<8x4096xf32>
        %max3A_1051 = arith.maximumf %slice3A_1044, %max3A_1041 : vector<8x4096xf32>
        %broadcast_in_dim3A_1052 = vector.broadcast %convert_element_type3A_1049 : f32 to vector<8x4096xf32>
        %select_n3A_1053 = arith.select %gt3A_1050, %broadcast_in_dim3A_1052, %select_n3A_1043 : vector<8x4096xi1>, vector<8x4096xf32>
        %slice3A_1054 = vector.extract_strided_slice %dot_general3A_56 {offsets = [800, 0], sizes = [8, 4096], strides = [1, 1]} : vector<2048x4096xf32> to vector<8x4096xf32>
        %mul3A_1055 = arith.constant 256 : i32
        %mul3A_1056 = arith.muli %scan3A_42, %mul3A_1055 : i32
        %add3A_1057 = arith.constant 100 : i32
        %add3A_1058 = arith.addi %mul3A_1056, %add3A_1057 : i32
        %convert_element_type3A_1059 = arith.sitofp %add3A_1058 : i32 to f32
        %gt3A_1060 = arith.cmpf ogt, %slice3A_1054, %max3A_1051 : vector<8x4096xf32>
        %max3A_1061 = arith.maximumf %slice3A_1054, %max3A_1051 : vector<8x4096xf32>
        %broadcast_in_dim3A_1062 = vector.broadcast %convert_element_type3A_1059 : f32 to vector<8x4096xf32>
        %select_n3A_1063 = arith.select %gt3A_1060, %broadcast_in_dim3A_1062, %select_n3A_1053 : vector<8x4096xi1>, vector<8x4096xf32>
        %slice3A_1064 = vector.extract_strided_slice %dot_general3A_56 {offsets = [808, 0], sizes = [8, 4096], strides = [1, 1]} : vector<2048x4096xf32> to vector<8x4096xf32>
        %mul3A_1065 = arith.constant 256 : i32
        %mul3A_1066 = arith.muli %scan3A_42, %mul3A_1065 : i32
        %add3A_1067 = arith.constant 101 : i32
        %add3A_1068 = arith.addi %mul3A_1066, %add3A_1067 : i32
        %convert_element_type3A_1069 = arith.sitofp %add3A_1068 : i32 to f32
        %gt3A_1070 = arith.cmpf ogt, %slice3A_1064, %max3A_1061 : vector<8x4096xf32>
        %max3A_1071 = arith.maximumf %slice3A_1064, %max3A_1061 : vector<8x4096xf32>
        %broadcast_in_dim3A_1072 = vector.broadcast %convert_element_type3A_1069 : f32 to vector<8x4096xf32>
        %select_n3A_1073 = arith.select %gt3A_1070, %broadcast_in_dim3A_1072, %select_n3A_1063 : vector<8x4096xi1>, vector<8x4096xf32>
        %slice3A_1074 = vector.extract_strided_slice %dot_general3A_56 {offsets = [816, 0], sizes = [8, 4096], strides = [1, 1]} : vector<2048x4096xf32> to vector<8x4096xf32>
        %mul3A_1075 = arith.constant 256 : i32
        %mul3A_1076 = arith.muli %scan3A_42, %mul3A_1075 : i32
        %add3A_1077 = arith.constant 102 : i32
        %add3A_1078 = arith.addi %mul3A_1076, %add3A_1077 : i32
        %convert_element_type3A_1079 = arith.sitofp %add3A_1078 : i32 to f32
        %gt3A_1080 = arith.cmpf ogt, %slice3A_1074, %max3A_1071 : vector<8x4096xf32>
        %max3A_1081 = arith.maximumf %slice3A_1074, %max3A_1071 : vector<8x4096xf32>
        %broadcast_in_dim3A_1082 = vector.broadcast %convert_element_type3A_1079 : f32 to vector<8x4096xf32>
        %select_n3A_1083 = arith.select %gt3A_1080, %broadcast_in_dim3A_1082, %select_n3A_1073 : vector<8x4096xi1>, vector<8x4096xf32>
        %slice3A_1084 = vector.extract_strided_slice %dot_general3A_56 {offsets = [824, 0], sizes = [8, 4096], strides = [1, 1]} : vector<2048x4096xf32> to vector<8x4096xf32>
        %mul3A_1085 = arith.constant 256 : i32
        %mul3A_1086 = arith.muli %scan3A_42, %mul3A_1085 : i32
        %add3A_1087 = arith.constant 103 : i32
        %add3A_1088 = arith.addi %mul3A_1086, %add3A_1087 : i32
        %convert_element_type3A_1089 = arith.sitofp %add3A_1088 : i32 to f32
        %gt3A_1090 = arith.cmpf ogt, %slice3A_1084, %max3A_1081 : vector<8x4096xf32>
        %max3A_1091 = arith.maximumf %slice3A_1084, %max3A_1081 : vector<8x4096xf32>
        %broadcast_in_dim3A_1092 = vector.broadcast %convert_element_type3A_1089 : f32 to vector<8x4096xf32>
        %select_n3A_1093 = arith.select %gt3A_1090, %broadcast_in_dim3A_1092, %select_n3A_1083 : vector<8x4096xi1>, vector<8x4096xf32>
        %slice3A_1094 = vector.extract_strided_slice %dot_general3A_56 {offsets = [832, 0], sizes = [8, 4096], strides = [1, 1]} : vector<2048x4096xf32> to vector<8x4096xf32>
        %mul3A_1095 = arith.constant 256 : i32
        %mul3A_1096 = arith.muli %scan3A_42, %mul3A_1095 : i32
        %add3A_1097 = arith.constant 104 : i32
        %add3A_1098 = arith.addi %mul3A_1096, %add3A_1097 : i32
        %convert_element_type3A_1099 = arith.sitofp %add3A_1098 : i32 to f32
        %gt3A_1100 = arith.cmpf ogt, %slice3A_1094, %max3A_1091 : vector<8x4096xf32>
        %max3A_1101 = arith.maximumf %slice3A_1094, %max3A_1091 : vector<8x4096xf32>
        %broadcast_in_dim3A_1102 = vector.broadcast %convert_element_type3A_1099 : f32 to vector<8x4096xf32>
        %select_n3A_1103 = arith.select %gt3A_1100, %broadcast_in_dim3A_1102, %select_n3A_1093 : vector<8x4096xi1>, vector<8x4096xf32>
        %slice3A_1104 = vector.extract_strided_slice %dot_general3A_56 {offsets = [840, 0], sizes = [8, 4096], strides = [1, 1]} : vector<2048x4096xf32> to vector<8x4096xf32>
        %mul3A_1105 = arith.constant 256 : i32
        %mul3A_1106 = arith.muli %scan3A_42, %mul3A_1105 : i32
        %add3A_1107 = arith.constant 105 : i32
        %add3A_1108 = arith.addi %mul3A_1106, %add3A_1107 : i32
        %convert_element_type3A_1109 = arith.sitofp %add3A_1108 : i32 to f32
        %gt3A_1110 = arith.cmpf ogt, %slice3A_1104, %max3A_1101 : vector<8x4096xf32>
        %max3A_1111 = arith.maximumf %slice3A_1104, %max3A_1101 : vector<8x4096xf32>
        %broadcast_in_dim3A_1112 = vector.broadcast %convert_element_type3A_1109 : f32 to vector<8x4096xf32>
        %select_n3A_1113 = arith.select %gt3A_1110, %broadcast_in_dim3A_1112, %select_n3A_1103 : vector<8x4096xi1>, vector<8x4096xf32>
        %slice3A_1114 = vector.extract_strided_slice %dot_general3A_56 {offsets = [848, 0], sizes = [8, 4096], strides = [1, 1]} : vector<2048x4096xf32> to vector<8x4096xf32>
        %mul3A_1115 = arith.constant 256 : i32
        %mul3A_1116 = arith.muli %scan3A_42, %mul3A_1115 : i32
        %add3A_1117 = arith.constant 106 : i32
        %add3A_1118 = arith.addi %mul3A_1116, %add3A_1117 : i32
        %convert_element_type3A_1119 = arith.sitofp %add3A_1118 : i32 to f32
        %gt3A_1120 = arith.cmpf ogt, %slice3A_1114, %max3A_1111 : vector<8x4096xf32>
        %max3A_1121 = arith.maximumf %slice3A_1114, %max3A_1111 : vector<8x4096xf32>
        %broadcast_in_dim3A_1122 = vector.broadcast %convert_element_type3A_1119 : f32 to vector<8x4096xf32>
        %select_n3A_1123 = arith.select %gt3A_1120, %broadcast_in_dim3A_1122, %select_n3A_1113 : vector<8x4096xi1>, vector<8x4096xf32>
        %slice3A_1124 = vector.extract_strided_slice %dot_general3A_56 {offsets = [856, 0], sizes = [8, 4096], strides = [1, 1]} : vector<2048x4096xf32> to vector<8x4096xf32>
        %mul3A_1125 = arith.constant 256 : i32
        %mul3A_1126 = arith.muli %scan3A_42, %mul3A_1125 : i32
        %add3A_1127 = arith.constant 107 : i32
        %add3A_1128 = arith.addi %mul3A_1126, %add3A_1127 : i32
        %convert_element_type3A_1129 = arith.sitofp %add3A_1128 : i32 to f32
        %gt3A_1130 = arith.cmpf ogt, %slice3A_1124, %max3A_1121 : vector<8x4096xf32>
        %max3A_1131 = arith.maximumf %slice3A_1124, %max3A_1121 : vector<8x4096xf32>
        %broadcast_in_dim3A_1132 = vector.broadcast %convert_element_type3A_1129 : f32 to vector<8x4096xf32>
        %select_n3A_1133 = arith.select %gt3A_1130, %broadcast_in_dim3A_1132, %select_n3A_1123 : vector<8x4096xi1>, vector<8x4096xf32>
        %slice3A_1134 = vector.extract_strided_slice %dot_general3A_56 {offsets = [864, 0], sizes = [8, 4096], strides = [1, 1]} : vector<2048x4096xf32> to vector<8x4096xf32>
        %mul3A_1135 = arith.constant 256 : i32
        %mul3A_1136 = arith.muli %scan3A_42, %mul3A_1135 : i32
        %add3A_1137 = arith.constant 108 : i32
        %add3A_1138 = arith.addi %mul3A_1136, %add3A_1137 : i32
        %convert_element_type3A_1139 = arith.sitofp %add3A_1138 : i32 to f32
        %gt3A_1140 = arith.cmpf ogt, %slice3A_1134, %max3A_1131 : vector<8x4096xf32>
        %max3A_1141 = arith.maximumf %slice3A_1134, %max3A_1131 : vector<8x4096xf32>
        %broadcast_in_dim3A_1142 = vector.broadcast %convert_element_type3A_1139 : f32 to vector<8x4096xf32>
        %select_n3A_1143 = arith.select %gt3A_1140, %broadcast_in_dim3A_1142, %select_n3A_1133 : vector<8x4096xi1>, vector<8x4096xf32>
        %slice3A_1144 = vector.extract_strided_slice %dot_general3A_56 {offsets = [872, 0], sizes = [8, 4096], strides = [1, 1]} : vector<2048x4096xf32> to vector<8x4096xf32>
        %mul3A_1145 = arith.constant 256 : i32
        %mul3A_1146 = arith.muli %scan3A_42, %mul3A_1145 : i32
        %add3A_1147 = arith.constant 109 : i32
        %add3A_1148 = arith.addi %mul3A_1146, %add3A_1147 : i32
        %convert_element_type3A_1149 = arith.sitofp %add3A_1148 : i32 to f32
        %gt3A_1150 = arith.cmpf ogt, %slice3A_1144, %max3A_1141 : vector<8x4096xf32>
        %max3A_1151 = arith.maximumf %slice3A_1144, %max3A_1141 : vector<8x4096xf32>
        %broadcast_in_dim3A_1152 = vector.broadcast %convert_element_type3A_1149 : f32 to vector<8x4096xf32>
        %select_n3A_1153 = arith.select %gt3A_1150, %broadcast_in_dim3A_1152, %select_n3A_1143 : vector<8x4096xi1>, vector<8x4096xf32>
        %slice3A_1154 = vector.extract_strided_slice %dot_general3A_56 {offsets = [880, 0], sizes = [8, 4096], strides = [1, 1]} : vector<2048x4096xf32> to vector<8x4096xf32>
        %mul3A_1155 = arith.constant 256 : i32
        %mul3A_1156 = arith.muli %scan3A_42, %mul3A_1155 : i32
        %add3A_1157 = arith.constant 110 : i32
        %add3A_1158 = arith.addi %mul3A_1156, %add3A_1157 : i32
        %convert_element_type3A_1159 = arith.sitofp %add3A_1158 : i32 to f32
        %gt3A_1160 = arith.cmpf ogt, %slice3A_1154, %max3A_1151 : vector<8x4096xf32>
        %max3A_1161 = arith.maximumf %slice3A_1154, %max3A_1151 : vector<8x4096xf32>
        %broadcast_in_dim3A_1162 = vector.broadcast %convert_element_type3A_1159 : f32 to vector<8x4096xf32>
        %select_n3A_1163 = arith.select %gt3A_1160, %broadcast_in_dim3A_1162, %select_n3A_1153 : vector<8x4096xi1>, vector<8x4096xf32>
        %slice3A_1164 = vector.extract_strided_slice %dot_general3A_56 {offsets = [888, 0], sizes = [8, 4096], strides = [1, 1]} : vector<2048x4096xf32> to vector<8x4096xf32>
        %mul3A_1165 = arith.constant 256 : i32
        %mul3A_1166 = arith.muli %scan3A_42, %mul3A_1165 : i32
        %add3A_1167 = arith.constant 111 : i32
        %add3A_1168 = arith.addi %mul3A_1166, %add3A_1167 : i32
        %convert_element_type3A_1169 = arith.sitofp %add3A_1168 : i32 to f32
        %gt3A_1170 = arith.cmpf ogt, %slice3A_1164, %max3A_1161 : vector<8x4096xf32>
        %max3A_1171 = arith.maximumf %slice3A_1164, %max3A_1161 : vector<8x4096xf32>
        %broadcast_in_dim3A_1172 = vector.broadcast %convert_element_type3A_1169 : f32 to vector<8x4096xf32>
        %select_n3A_1173 = arith.select %gt3A_1170, %broadcast_in_dim3A_1172, %select_n3A_1163 : vector<8x4096xi1>, vector<8x4096xf32>
        %slice3A_1174 = vector.extract_strided_slice %dot_general3A_56 {offsets = [896, 0], sizes = [8, 4096], strides = [1, 1]} : vector<2048x4096xf32> to vector<8x4096xf32>
        %mul3A_1175 = arith.constant 256 : i32
        %mul3A_1176 = arith.muli %scan3A_42, %mul3A_1175 : i32
        %add3A_1177 = arith.constant 112 : i32
        %add3A_1178 = arith.addi %mul3A_1176, %add3A_1177 : i32
        %convert_element_type3A_1179 = arith.sitofp %add3A_1178 : i32 to f32
        %gt3A_1180 = arith.cmpf ogt, %slice3A_1174, %max3A_1171 : vector<8x4096xf32>
        %max3A_1181 = arith.maximumf %slice3A_1174, %max3A_1171 : vector<8x4096xf32>
        %broadcast_in_dim3A_1182 = vector.broadcast %convert_element_type3A_1179 : f32 to vector<8x4096xf32>
        %select_n3A_1183 = arith.select %gt3A_1180, %broadcast_in_dim3A_1182, %select_n3A_1173 : vector<8x4096xi1>, vector<8x4096xf32>
        %slice3A_1184 = vector.extract_strided_slice %dot_general3A_56 {offsets = [904, 0], sizes = [8, 4096], strides = [1, 1]} : vector<2048x4096xf32> to vector<8x4096xf32>
        %mul3A_1185 = arith.constant 256 : i32
        %mul3A_1186 = arith.muli %scan3A_42, %mul3A_1185 : i32
        %add3A_1187 = arith.constant 113 : i32
        %add3A_1188 = arith.addi %mul3A_1186, %add3A_1187 : i32
        %convert_element_type3A_1189 = arith.sitofp %add3A_1188 : i32 to f32
        %gt3A_1190 = arith.cmpf ogt, %slice3A_1184, %max3A_1181 : vector<8x4096xf32>
        %max3A_1191 = arith.maximumf %slice3A_1184, %max3A_1181 : vector<8x4096xf32>
        %broadcast_in_dim3A_1192 = vector.broadcast %convert_element_type3A_1189 : f32 to vector<8x4096xf32>
        %select_n3A_1193 = arith.select %gt3A_1190, %broadcast_in_dim3A_1192, %select_n3A_1183 : vector<8x4096xi1>, vector<8x4096xf32>
        %slice3A_1194 = vector.extract_strided_slice %dot_general3A_56 {offsets = [912, 0], sizes = [8, 4096], strides = [1, 1]} : vector<2048x4096xf32> to vector<8x4096xf32>
        %mul3A_1195 = arith.constant 256 : i32
        %mul3A_1196 = arith.muli %scan3A_42, %mul3A_1195 : i32
        %add3A_1197 = arith.constant 114 : i32
        %add3A_1198 = arith.addi %mul3A_1196, %add3A_1197 : i32
        %convert_element_type3A_1199 = arith.sitofp %add3A_1198 : i32 to f32
        %gt3A_1200 = arith.cmpf ogt, %slice3A_1194, %max3A_1191 : vector<8x4096xf32>
        %max3A_1201 = arith.maximumf %slice3A_1194, %max3A_1191 : vector<8x4096xf32>
        %broadcast_in_dim3A_1202 = vector.broadcast %convert_element_type3A_1199 : f32 to vector<8x4096xf32>
        %select_n3A_1203 = arith.select %gt3A_1200, %broadcast_in_dim3A_1202, %select_n3A_1193 : vector<8x4096xi1>, vector<8x4096xf32>
        %slice3A_1204 = vector.extract_strided_slice %dot_general3A_56 {offsets = [920, 0], sizes = [8, 4096], strides = [1, 1]} : vector<2048x4096xf32> to vector<8x4096xf32>
        %mul3A_1205 = arith.constant 256 : i32
        %mul3A_1206 = arith.muli %scan3A_42, %mul3A_1205 : i32
        %add3A_1207 = arith.constant 115 : i32
        %add3A_1208 = arith.addi %mul3A_1206, %add3A_1207 : i32
        %convert_element_type3A_1209 = arith.sitofp %add3A_1208 : i32 to f32
        %gt3A_1210 = arith.cmpf ogt, %slice3A_1204, %max3A_1201 : vector<8x4096xf32>
        %max3A_1211 = arith.maximumf %slice3A_1204, %max3A_1201 : vector<8x4096xf32>
        %broadcast_in_dim3A_1212 = vector.broadcast %convert_element_type3A_1209 : f32 to vector<8x4096xf32>
        %select_n3A_1213 = arith.select %gt3A_1210, %broadcast_in_dim3A_1212, %select_n3A_1203 : vector<8x4096xi1>, vector<8x4096xf32>
        %slice3A_1214 = vector.extract_strided_slice %dot_general3A_56 {offsets = [928, 0], sizes = [8, 4096], strides = [1, 1]} : vector<2048x4096xf32> to vector<8x4096xf32>
        %mul3A_1215 = arith.constant 256 : i32
        %mul3A_1216 = arith.muli %scan3A_42, %mul3A_1215 : i32
        %add3A_1217 = arith.constant 116 : i32
        %add3A_1218 = arith.addi %mul3A_1216, %add3A_1217 : i32
        %convert_element_type3A_1219 = arith.sitofp %add3A_1218 : i32 to f32
        %gt3A_1220 = arith.cmpf ogt, %slice3A_1214, %max3A_1211 : vector<8x4096xf32>
        %max3A_1221 = arith.maximumf %slice3A_1214, %max3A_1211 : vector<8x4096xf32>
        %broadcast_in_dim3A_1222 = vector.broadcast %convert_element_type3A_1219 : f32 to vector<8x4096xf32>
        %select_n3A_1223 = arith.select %gt3A_1220, %broadcast_in_dim3A_1222, %select_n3A_1213 : vector<8x4096xi1>, vector<8x4096xf32>
        %slice3A_1224 = vector.extract_strided_slice %dot_general3A_56 {offsets = [936, 0], sizes = [8, 4096], strides = [1, 1]} : vector<2048x4096xf32> to vector<8x4096xf32>
        %mul3A_1225 = arith.constant 256 : i32
        %mul3A_1226 = arith.muli %scan3A_42, %mul3A_1225 : i32
        %add3A_1227 = arith.constant 117 : i32
        %add3A_1228 = arith.addi %mul3A_1226, %add3A_1227 : i32
        %convert_element_type3A_1229 = arith.sitofp %add3A_1228 : i32 to f32
        %gt3A_1230 = arith.cmpf ogt, %slice3A_1224, %max3A_1221 : vector<8x4096xf32>
        %max3A_1231 = arith.maximumf %slice3A_1224, %max3A_1221 : vector<8x4096xf32>
        %broadcast_in_dim3A_1232 = vector.broadcast %convert_element_type3A_1229 : f32 to vector<8x4096xf32>
        %select_n3A_1233 = arith.select %gt3A_1230, %broadcast_in_dim3A_1232, %select_n3A_1223 : vector<8x4096xi1>, vector<8x4096xf32>
        %slice3A_1234 = vector.extract_strided_slice %dot_general3A_56 {offsets = [944, 0], sizes = [8, 4096], strides = [1, 1]} : vector<2048x4096xf32> to vector<8x4096xf32>
        %mul3A_1235 = arith.constant 256 : i32
        %mul3A_1236 = arith.muli %scan3A_42, %mul3A_1235 : i32
        %add3A_1237 = arith.constant 118 : i32
        %add3A_1238 = arith.addi %mul3A_1236, %add3A_1237 : i32
        %convert_element_type3A_1239 = arith.sitofp %add3A_1238 : i32 to f32
        %gt3A_1240 = arith.cmpf ogt, %slice3A_1234, %max3A_1231 : vector<8x4096xf32>
        %max3A_1241 = arith.maximumf %slice3A_1234, %max3A_1231 : vector<8x4096xf32>
        %broadcast_in_dim3A_1242 = vector.broadcast %convert_element_type3A_1239 : f32 to vector<8x4096xf32>
        %select_n3A_1243 = arith.select %gt3A_1240, %broadcast_in_dim3A_1242, %select_n3A_1233 : vector<8x4096xi1>, vector<8x4096xf32>
        %slice3A_1244 = vector.extract_strided_slice %dot_general3A_56 {offsets = [952, 0], sizes = [8, 4096], strides = [1, 1]} : vector<2048x4096xf32> to vector<8x4096xf32>
        %mul3A_1245 = arith.constant 256 : i32
        %mul3A_1246 = arith.muli %scan3A_42, %mul3A_1245 : i32
        %add3A_1247 = arith.constant 119 : i32
        %add3A_1248 = arith.addi %mul3A_1246, %add3A_1247 : i32
        %convert_element_type3A_1249 = arith.sitofp %add3A_1248 : i32 to f32
        %gt3A_1250 = arith.cmpf ogt, %slice3A_1244, %max3A_1241 : vector<8x4096xf32>
        %max3A_1251 = arith.maximumf %slice3A_1244, %max3A_1241 : vector<8x4096xf32>
        %broadcast_in_dim3A_1252 = vector.broadcast %convert_element_type3A_1249 : f32 to vector<8x4096xf32>
        %select_n3A_1253 = arith.select %gt3A_1250, %broadcast_in_dim3A_1252, %select_n3A_1243 : vector<8x4096xi1>, vector<8x4096xf32>
        %slice3A_1254 = vector.extract_strided_slice %dot_general3A_56 {offsets = [960, 0], sizes = [8, 4096], strides = [1, 1]} : vector<2048x4096xf32> to vector<8x4096xf32>
        %mul3A_1255 = arith.constant 256 : i32
        %mul3A_1256 = arith.muli %scan3A_42, %mul3A_1255 : i32
        %add3A_1257 = arith.constant 120 : i32
        %add3A_1258 = arith.addi %mul3A_1256, %add3A_1257 : i32
        %convert_element_type3A_1259 = arith.sitofp %add3A_1258 : i32 to f32
        %gt3A_1260 = arith.cmpf ogt, %slice3A_1254, %max3A_1251 : vector<8x4096xf32>
        %max3A_1261 = arith.maximumf %slice3A_1254, %max3A_1251 : vector<8x4096xf32>
        %broadcast_in_dim3A_1262 = vector.broadcast %convert_element_type3A_1259 : f32 to vector<8x4096xf32>
        %select_n3A_1263 = arith.select %gt3A_1260, %broadcast_in_dim3A_1262, %select_n3A_1253 : vector<8x4096xi1>, vector<8x4096xf32>
        %slice3A_1264 = vector.extract_strided_slice %dot_general3A_56 {offsets = [968, 0], sizes = [8, 4096], strides = [1, 1]} : vector<2048x4096xf32> to vector<8x4096xf32>
        %mul3A_1265 = arith.constant 256 : i32
        %mul3A_1266 = arith.muli %scan3A_42, %mul3A_1265 : i32
        %add3A_1267 = arith.constant 121 : i32
        %add3A_1268 = arith.addi %mul3A_1266, %add3A_1267 : i32
        %convert_element_type3A_1269 = arith.sitofp %add3A_1268 : i32 to f32
        %gt3A_1270 = arith.cmpf ogt, %slice3A_1264, %max3A_1261 : vector<8x4096xf32>
        %max3A_1271 = arith.maximumf %slice3A_1264, %max3A_1261 : vector<8x4096xf32>
        %broadcast_in_dim3A_1272 = vector.broadcast %convert_element_type3A_1269 : f32 to vector<8x4096xf32>
        %select_n3A_1273 = arith.select %gt3A_1270, %broadcast_in_dim3A_1272, %select_n3A_1263 : vector<8x4096xi1>, vector<8x4096xf32>
        %slice3A_1274 = vector.extract_strided_slice %dot_general3A_56 {offsets = [976, 0], sizes = [8, 4096], strides = [1, 1]} : vector<2048x4096xf32> to vector<8x4096xf32>
        %mul3A_1275 = arith.constant 256 : i32
        %mul3A_1276 = arith.muli %scan3A_42, %mul3A_1275 : i32
        %add3A_1277 = arith.constant 122 : i32
        %add3A_1278 = arith.addi %mul3A_1276, %add3A_1277 : i32
        %convert_element_type3A_1279 = arith.sitofp %add3A_1278 : i32 to f32
        %gt3A_1280 = arith.cmpf ogt, %slice3A_1274, %max3A_1271 : vector<8x4096xf32>
        %max3A_1281 = arith.maximumf %slice3A_1274, %max3A_1271 : vector<8x4096xf32>
        %broadcast_in_dim3A_1282 = vector.broadcast %convert_element_type3A_1279 : f32 to vector<8x4096xf32>
        %select_n3A_1283 = arith.select %gt3A_1280, %broadcast_in_dim3A_1282, %select_n3A_1273 : vector<8x4096xi1>, vector<8x4096xf32>
        %slice3A_1284 = vector.extract_strided_slice %dot_general3A_56 {offsets = [984, 0], sizes = [8, 4096], strides = [1, 1]} : vector<2048x4096xf32> to vector<8x4096xf32>
        %mul3A_1285 = arith.constant 256 : i32
        %mul3A_1286 = arith.muli %scan3A_42, %mul3A_1285 : i32
        %add3A_1287 = arith.constant 123 : i32
        %add3A_1288 = arith.addi %mul3A_1286, %add3A_1287 : i32
        %convert_element_type3A_1289 = arith.sitofp %add3A_1288 : i32 to f32
        %gt3A_1290 = arith.cmpf ogt, %slice3A_1284, %max3A_1281 : vector<8x4096xf32>
        %max3A_1291 = arith.maximumf %slice3A_1284, %max3A_1281 : vector<8x4096xf32>
        %broadcast_in_dim3A_1292 = vector.broadcast %convert_element_type3A_1289 : f32 to vector<8x4096xf32>
        %select_n3A_1293 = arith.select %gt3A_1290, %broadcast_in_dim3A_1292, %select_n3A_1283 : vector<8x4096xi1>, vector<8x4096xf32>
        %slice3A_1294 = vector.extract_strided_slice %dot_general3A_56 {offsets = [992, 0], sizes = [8, 4096], strides = [1, 1]} : vector<2048x4096xf32> to vector<8x4096xf32>
        %mul3A_1295 = arith.constant 256 : i32
        %mul3A_1296 = arith.muli %scan3A_42, %mul3A_1295 : i32
        %add3A_1297 = arith.constant 124 : i32
        %add3A_1298 = arith.addi %mul3A_1296, %add3A_1297 : i32
        %convert_element_type3A_1299 = arith.sitofp %add3A_1298 : i32 to f32
        %gt3A_1300 = arith.cmpf ogt, %slice3A_1294, %max3A_1291 : vector<8x4096xf32>
        %max3A_1301 = arith.maximumf %slice3A_1294, %max3A_1291 : vector<8x4096xf32>
        %broadcast_in_dim3A_1302 = vector.broadcast %convert_element_type3A_1299 : f32 to vector<8x4096xf32>
        %select_n3A_1303 = arith.select %gt3A_1300, %broadcast_in_dim3A_1302, %select_n3A_1293 : vector<8x4096xi1>, vector<8x4096xf32>
        %slice3A_1304 = vector.extract_strided_slice %dot_general3A_56 {offsets = [1000, 0], sizes = [8, 4096], strides = [1, 1]} : vector<2048x4096xf32> to vector<8x4096xf32>
        %mul3A_1305 = arith.constant 256 : i32
        %mul3A_1306 = arith.muli %scan3A_42, %mul3A_1305 : i32
        %add3A_1307 = arith.constant 125 : i32
        %add3A_1308 = arith.addi %mul3A_1306, %add3A_1307 : i32
        %convert_element_type3A_1309 = arith.sitofp %add3A_1308 : i32 to f32
        %gt3A_1310 = arith.cmpf ogt, %slice3A_1304, %max3A_1301 : vector<8x4096xf32>
        %max3A_1311 = arith.maximumf %slice3A_1304, %max3A_1301 : vector<8x4096xf32>
        %broadcast_in_dim3A_1312 = vector.broadcast %convert_element_type3A_1309 : f32 to vector<8x4096xf32>
        %select_n3A_1313 = arith.select %gt3A_1310, %broadcast_in_dim3A_1312, %select_n3A_1303 : vector<8x4096xi1>, vector<8x4096xf32>
        %slice3A_1314 = vector.extract_strided_slice %dot_general3A_56 {offsets = [1008, 0], sizes = [8, 4096], strides = [1, 1]} : vector<2048x4096xf32> to vector<8x4096xf32>
        %mul3A_1315 = arith.constant 256 : i32
        %mul3A_1316 = arith.muli %scan3A_42, %mul3A_1315 : i32
        %add3A_1317 = arith.constant 126 : i32
        %add3A_1318 = arith.addi %mul3A_1316, %add3A_1317 : i32
        %convert_element_type3A_1319 = arith.sitofp %add3A_1318 : i32 to f32
        %gt3A_1320 = arith.cmpf ogt, %slice3A_1314, %max3A_1311 : vector<8x4096xf32>
        %max3A_1321 = arith.maximumf %slice3A_1314, %max3A_1311 : vector<8x4096xf32>
        %broadcast_in_dim3A_1322 = vector.broadcast %convert_element_type3A_1319 : f32 to vector<8x4096xf32>
        %select_n3A_1323 = arith.select %gt3A_1320, %broadcast_in_dim3A_1322, %select_n3A_1313 : vector<8x4096xi1>, vector<8x4096xf32>
        %slice3A_1324 = vector.extract_strided_slice %dot_general3A_56 {offsets = [1016, 0], sizes = [8, 4096], strides = [1, 1]} : vector<2048x4096xf32> to vector<8x4096xf32>
        %mul3A_1325 = arith.constant 256 : i32
        %mul3A_1326 = arith.muli %scan3A_42, %mul3A_1325 : i32
        %add3A_1327 = arith.constant 127 : i32
        %add3A_1328 = arith.addi %mul3A_1326, %add3A_1327 : i32
        %convert_element_type3A_1329 = arith.sitofp %add3A_1328 : i32 to f32
        %gt3A_1330 = arith.cmpf ogt, %slice3A_1324, %max3A_1321 : vector<8x4096xf32>
        %max3A_1331 = arith.maximumf %slice3A_1324, %max3A_1321 : vector<8x4096xf32>
        %broadcast_in_dim3A_1332 = vector.broadcast %convert_element_type3A_1329 : f32 to vector<8x4096xf32>
        %select_n3A_1333 = arith.select %gt3A_1330, %broadcast_in_dim3A_1332, %select_n3A_1323 : vector<8x4096xi1>, vector<8x4096xf32>
        %slice3A_1334 = vector.extract_strided_slice %dot_general3A_56 {offsets = [1024, 0], sizes = [8, 4096], strides = [1, 1]} : vector<2048x4096xf32> to vector<8x4096xf32>
        %mul3A_1335 = arith.constant 256 : i32
        %mul3A_1336 = arith.muli %scan3A_42, %mul3A_1335 : i32
        %add3A_1337 = arith.constant 128 : i32
        %add3A_1338 = arith.addi %mul3A_1336, %add3A_1337 : i32
        %convert_element_type3A_1339 = arith.sitofp %add3A_1338 : i32 to f32
        %gt3A_1340 = arith.cmpf ogt, %slice3A_1334, %max3A_1331 : vector<8x4096xf32>
        %max3A_1341 = arith.maximumf %slice3A_1334, %max3A_1331 : vector<8x4096xf32>
        %broadcast_in_dim3A_1342 = vector.broadcast %convert_element_type3A_1339 : f32 to vector<8x4096xf32>
        %select_n3A_1343 = arith.select %gt3A_1340, %broadcast_in_dim3A_1342, %select_n3A_1333 : vector<8x4096xi1>, vector<8x4096xf32>
        %slice3A_1344 = vector.extract_strided_slice %dot_general3A_56 {offsets = [1032, 0], sizes = [8, 4096], strides = [1, 1]} : vector<2048x4096xf32> to vector<8x4096xf32>
        %mul3A_1345 = arith.constant 256 : i32
        %mul3A_1346 = arith.muli %scan3A_42, %mul3A_1345 : i32
        %add3A_1347 = arith.constant 129 : i32
        %add3A_1348 = arith.addi %mul3A_1346, %add3A_1347 : i32
        %convert_element_type3A_1349 = arith.sitofp %add3A_1348 : i32 to f32
        %gt3A_1350 = arith.cmpf ogt, %slice3A_1344, %max3A_1341 : vector<8x4096xf32>
        %max3A_1351 = arith.maximumf %slice3A_1344, %max3A_1341 : vector<8x4096xf32>
        %broadcast_in_dim3A_1352 = vector.broadcast %convert_element_type3A_1349 : f32 to vector<8x4096xf32>
        %select_n3A_1353 = arith.select %gt3A_1350, %broadcast_in_dim3A_1352, %select_n3A_1343 : vector<8x4096xi1>, vector<8x4096xf32>
        %slice3A_1354 = vector.extract_strided_slice %dot_general3A_56 {offsets = [1040, 0], sizes = [8, 4096], strides = [1, 1]} : vector<2048x4096xf32> to vector<8x4096xf32>
        %mul3A_1355 = arith.constant 256 : i32
        %mul3A_1356 = arith.muli %scan3A_42, %mul3A_1355 : i32
        %add3A_1357 = arith.constant 130 : i32
        %add3A_1358 = arith.addi %mul3A_1356, %add3A_1357 : i32
        %convert_element_type3A_1359 = arith.sitofp %add3A_1358 : i32 to f32
        %gt3A_1360 = arith.cmpf ogt, %slice3A_1354, %max3A_1351 : vector<8x4096xf32>
        %max3A_1361 = arith.maximumf %slice3A_1354, %max3A_1351 : vector<8x4096xf32>
        %broadcast_in_dim3A_1362 = vector.broadcast %convert_element_type3A_1359 : f32 to vector<8x4096xf32>
        %select_n3A_1363 = arith.select %gt3A_1360, %broadcast_in_dim3A_1362, %select_n3A_1353 : vector<8x4096xi1>, vector<8x4096xf32>
        %slice3A_1364 = vector.extract_strided_slice %dot_general3A_56 {offsets = [1048, 0], sizes = [8, 4096], strides = [1, 1]} : vector<2048x4096xf32> to vector<8x4096xf32>
        %mul3A_1365 = arith.constant 256 : i32
        %mul3A_1366 = arith.muli %scan3A_42, %mul3A_1365 : i32
        %add3A_1367 = arith.constant 131 : i32
        %add3A_1368 = arith.addi %mul3A_1366, %add3A_1367 : i32
        %convert_element_type3A_1369 = arith.sitofp %add3A_1368 : i32 to f32
        %gt3A_1370 = arith.cmpf ogt, %slice3A_1364, %max3A_1361 : vector<8x4096xf32>
        %max3A_1371 = arith.maximumf %slice3A_1364, %max3A_1361 : vector<8x4096xf32>
        %broadcast_in_dim3A_1372 = vector.broadcast %convert_element_type3A_1369 : f32 to vector<8x4096xf32>
        %select_n3A_1373 = arith.select %gt3A_1370, %broadcast_in_dim3A_1372, %select_n3A_1363 : vector<8x4096xi1>, vector<8x4096xf32>
        %slice3A_1374 = vector.extract_strided_slice %dot_general3A_56 {offsets = [1056, 0], sizes = [8, 4096], strides = [1, 1]} : vector<2048x4096xf32> to vector<8x4096xf32>
        %mul3A_1375 = arith.constant 256 : i32
        %mul3A_1376 = arith.muli %scan3A_42, %mul3A_1375 : i32
        %add3A_1377 = arith.constant 132 : i32
        %add3A_1378 = arith.addi %mul3A_1376, %add3A_1377 : i32
        %convert_element_type3A_1379 = arith.sitofp %add3A_1378 : i32 to f32
        %gt3A_1380 = arith.cmpf ogt, %slice3A_1374, %max3A_1371 : vector<8x4096xf32>
        %max3A_1381 = arith.maximumf %slice3A_1374, %max3A_1371 : vector<8x4096xf32>
        %broadcast_in_dim3A_1382 = vector.broadcast %convert_element_type3A_1379 : f32 to vector<8x4096xf32>
        %select_n3A_1383 = arith.select %gt3A_1380, %broadcast_in_dim3A_1382, %select_n3A_1373 : vector<8x4096xi1>, vector<8x4096xf32>
        %slice3A_1384 = vector.extract_strided_slice %dot_general3A_56 {offsets = [1064, 0], sizes = [8, 4096], strides = [1, 1]} : vector<2048x4096xf32> to vector<8x4096xf32>
        %mul3A_1385 = arith.constant 256 : i32
        %mul3A_1386 = arith.muli %scan3A_42, %mul3A_1385 : i32
        %add3A_1387 = arith.constant 133 : i32
        %add3A_1388 = arith.addi %mul3A_1386, %add3A_1387 : i32
        %convert_element_type3A_1389 = arith.sitofp %add3A_1388 : i32 to f32
        %gt3A_1390 = arith.cmpf ogt, %slice3A_1384, %max3A_1381 : vector<8x4096xf32>
        %max3A_1391 = arith.maximumf %slice3A_1384, %max3A_1381 : vector<8x4096xf32>
        %broadcast_in_dim3A_1392 = vector.broadcast %convert_element_type3A_1389 : f32 to vector<8x4096xf32>
        %select_n3A_1393 = arith.select %gt3A_1390, %broadcast_in_dim3A_1392, %select_n3A_1383 : vector<8x4096xi1>, vector<8x4096xf32>
        %slice3A_1394 = vector.extract_strided_slice %dot_general3A_56 {offsets = [1072, 0], sizes = [8, 4096], strides = [1, 1]} : vector<2048x4096xf32> to vector<8x4096xf32>
        %mul3A_1395 = arith.constant 256 : i32
        %mul3A_1396 = arith.muli %scan3A_42, %mul3A_1395 : i32
        %add3A_1397 = arith.constant 134 : i32
        %add3A_1398 = arith.addi %mul3A_1396, %add3A_1397 : i32
        %convert_element_type3A_1399 = arith.sitofp %add3A_1398 : i32 to f32
        %gt3A_1400 = arith.cmpf ogt, %slice3A_1394, %max3A_1391 : vector<8x4096xf32>
        %max3A_1401 = arith.maximumf %slice3A_1394, %max3A_1391 : vector<8x4096xf32>
        %broadcast_in_dim3A_1402 = vector.broadcast %convert_element_type3A_1399 : f32 to vector<8x4096xf32>
        %select_n3A_1403 = arith.select %gt3A_1400, %broadcast_in_dim3A_1402, %select_n3A_1393 : vector<8x4096xi1>, vector<8x4096xf32>
        %slice3A_1404 = vector.extract_strided_slice %dot_general3A_56 {offsets = [1080, 0], sizes = [8, 4096], strides = [1, 1]} : vector<2048x4096xf32> to vector<8x4096xf32>
        %mul3A_1405 = arith.constant 256 : i32
        %mul3A_1406 = arith.muli %scan3A_42, %mul3A_1405 : i32
        %add3A_1407 = arith.constant 135 : i32
        %add3A_1408 = arith.addi %mul3A_1406, %add3A_1407 : i32
        %convert_element_type3A_1409 = arith.sitofp %add3A_1408 : i32 to f32
        %gt3A_1410 = arith.cmpf ogt, %slice3A_1404, %max3A_1401 : vector<8x4096xf32>
        %max3A_1411 = arith.maximumf %slice3A_1404, %max3A_1401 : vector<8x4096xf32>
        %broadcast_in_dim3A_1412 = vector.broadcast %convert_element_type3A_1409 : f32 to vector<8x4096xf32>
        %select_n3A_1413 = arith.select %gt3A_1410, %broadcast_in_dim3A_1412, %select_n3A_1403 : vector<8x4096xi1>, vector<8x4096xf32>
        %slice3A_1414 = vector.extract_strided_slice %dot_general3A_56 {offsets = [1088, 0], sizes = [8, 4096], strides = [1, 1]} : vector<2048x4096xf32> to vector<8x4096xf32>
        %mul3A_1415 = arith.constant 256 : i32
        %mul3A_1416 = arith.muli %scan3A_42, %mul3A_1415 : i32
        %add3A_1417 = arith.constant 136 : i32
        %add3A_1418 = arith.addi %mul3A_1416, %add3A_1417 : i32
        %convert_element_type3A_1419 = arith.sitofp %add3A_1418 : i32 to f32
        %gt3A_1420 = arith.cmpf ogt, %slice3A_1414, %max3A_1411 : vector<8x4096xf32>
        %max3A_1421 = arith.maximumf %slice3A_1414, %max3A_1411 : vector<8x4096xf32>
        %broadcast_in_dim3A_1422 = vector.broadcast %convert_element_type3A_1419 : f32 to vector<8x4096xf32>
        %select_n3A_1423 = arith.select %gt3A_1420, %broadcast_in_dim3A_1422, %select_n3A_1413 : vector<8x4096xi1>, vector<8x4096xf32>
        %slice3A_1424 = vector.extract_strided_slice %dot_general3A_56 {offsets = [1096, 0], sizes = [8, 4096], strides = [1, 1]} : vector<2048x4096xf32> to vector<8x4096xf32>
        %mul3A_1425 = arith.constant 256 : i32
        %mul3A_1426 = arith.muli %scan3A_42, %mul3A_1425 : i32
        %add3A_1427 = arith.constant 137 : i32
        %add3A_1428 = arith.addi %mul3A_1426, %add3A_1427 : i32
        %convert_element_type3A_1429 = arith.sitofp %add3A_1428 : i32 to f32
        %gt3A_1430 = arith.cmpf ogt, %slice3A_1424, %max3A_1421 : vector<8x4096xf32>
        %max3A_1431 = arith.maximumf %slice3A_1424, %max3A_1421 : vector<8x4096xf32>
        %broadcast_in_dim3A_1432 = vector.broadcast %convert_element_type3A_1429 : f32 to vector<8x4096xf32>
        %select_n3A_1433 = arith.select %gt3A_1430, %broadcast_in_dim3A_1432, %select_n3A_1423 : vector<8x4096xi1>, vector<8x4096xf32>
        %slice3A_1434 = vector.extract_strided_slice %dot_general3A_56 {offsets = [1104, 0], sizes = [8, 4096], strides = [1, 1]} : vector<2048x4096xf32> to vector<8x4096xf32>
        %mul3A_1435 = arith.constant 256 : i32
        %mul3A_1436 = arith.muli %scan3A_42, %mul3A_1435 : i32
        %add3A_1437 = arith.constant 138 : i32
        %add3A_1438 = arith.addi %mul3A_1436, %add3A_1437 : i32
        %convert_element_type3A_1439 = arith.sitofp %add3A_1438 : i32 to f32
        %gt3A_1440 = arith.cmpf ogt, %slice3A_1434, %max3A_1431 : vector<8x4096xf32>
        %max3A_1441 = arith.maximumf %slice3A_1434, %max3A_1431 : vector<8x4096xf32>
        %broadcast_in_dim3A_1442 = vector.broadcast %convert_element_type3A_1439 : f32 to vector<8x4096xf32>
        %select_n3A_1443 = arith.select %gt3A_1440, %broadcast_in_dim3A_1442, %select_n3A_1433 : vector<8x4096xi1>, vector<8x4096xf32>
        %slice3A_1444 = vector.extract_strided_slice %dot_general3A_56 {offsets = [1112, 0], sizes = [8, 4096], strides = [1, 1]} : vector<2048x4096xf32> to vector<8x4096xf32>
        %mul3A_1445 = arith.constant 256 : i32
        %mul3A_1446 = arith.muli %scan3A_42, %mul3A_1445 : i32
        %add3A_1447 = arith.constant 139 : i32
        %add3A_1448 = arith.addi %mul3A_1446, %add3A_1447 : i32
        %convert_element_type3A_1449 = arith.sitofp %add3A_1448 : i32 to f32
        %gt3A_1450 = arith.cmpf ogt, %slice3A_1444, %max3A_1441 : vector<8x4096xf32>
        %max3A_1451 = arith.maximumf %slice3A_1444, %max3A_1441 : vector<8x4096xf32>
        %broadcast_in_dim3A_1452 = vector.broadcast %convert_element_type3A_1449 : f32 to vector<8x4096xf32>
        %select_n3A_1453 = arith.select %gt3A_1450, %broadcast_in_dim3A_1452, %select_n3A_1443 : vector<8x4096xi1>, vector<8x4096xf32>
        %slice3A_1454 = vector.extract_strided_slice %dot_general3A_56 {offsets = [1120, 0], sizes = [8, 4096], strides = [1, 1]} : vector<2048x4096xf32> to vector<8x4096xf32>
        %mul3A_1455 = arith.constant 256 : i32
        %mul3A_1456 = arith.muli %scan3A_42, %mul3A_1455 : i32
        %add3A_1457 = arith.constant 140 : i32
        %add3A_1458 = arith.addi %mul3A_1456, %add3A_1457 : i32
        %convert_element_type3A_1459 = arith.sitofp %add3A_1458 : i32 to f32
        %gt3A_1460 = arith.cmpf ogt, %slice3A_1454, %max3A_1451 : vector<8x4096xf32>
        %max3A_1461 = arith.maximumf %slice3A_1454, %max3A_1451 : vector<8x4096xf32>
        %broadcast_in_dim3A_1462 = vector.broadcast %convert_element_type3A_1459 : f32 to vector<8x4096xf32>
        %select_n3A_1463 = arith.select %gt3A_1460, %broadcast_in_dim3A_1462, %select_n3A_1453 : vector<8x4096xi1>, vector<8x4096xf32>
        %slice3A_1464 = vector.extract_strided_slice %dot_general3A_56 {offsets = [1128, 0], sizes = [8, 4096], strides = [1, 1]} : vector<2048x4096xf32> to vector<8x4096xf32>
        %mul3A_1465 = arith.constant 256 : i32
        %mul3A_1466 = arith.muli %scan3A_42, %mul3A_1465 : i32
        %add3A_1467 = arith.constant 141 : i32
        %add3A_1468 = arith.addi %mul3A_1466, %add3A_1467 : i32
        %convert_element_type3A_1469 = arith.sitofp %add3A_1468 : i32 to f32
        %gt3A_1470 = arith.cmpf ogt, %slice3A_1464, %max3A_1461 : vector<8x4096xf32>
        %max3A_1471 = arith.maximumf %slice3A_1464, %max3A_1461 : vector<8x4096xf32>
        %broadcast_in_dim3A_1472 = vector.broadcast %convert_element_type3A_1469 : f32 to vector<8x4096xf32>
        %select_n3A_1473 = arith.select %gt3A_1470, %broadcast_in_dim3A_1472, %select_n3A_1463 : vector<8x4096xi1>, vector<8x4096xf32>
        %slice3A_1474 = vector.extract_strided_slice %dot_general3A_56 {offsets = [1136, 0], sizes = [8, 4096], strides = [1, 1]} : vector<2048x4096xf32> to vector<8x4096xf32>
        %mul3A_1475 = arith.constant 256 : i32
        %mul3A_1476 = arith.muli %scan3A_42, %mul3A_1475 : i32
        %add3A_1477 = arith.constant 142 : i32
        %add3A_1478 = arith.addi %mul3A_1476, %add3A_1477 : i32
        %convert_element_type3A_1479 = arith.sitofp %add3A_1478 : i32 to f32
        %gt3A_1480 = arith.cmpf ogt, %slice3A_1474, %max3A_1471 : vector<8x4096xf32>
        %max3A_1481 = arith.maximumf %slice3A_1474, %max3A_1471 : vector<8x4096xf32>
        %broadcast_in_dim3A_1482 = vector.broadcast %convert_element_type3A_1479 : f32 to vector<8x4096xf32>
        %select_n3A_1483 = arith.select %gt3A_1480, %broadcast_in_dim3A_1482, %select_n3A_1473 : vector<8x4096xi1>, vector<8x4096xf32>
        %slice3A_1484 = vector.extract_strided_slice %dot_general3A_56 {offsets = [1144, 0], sizes = [8, 4096], strides = [1, 1]} : vector<2048x4096xf32> to vector<8x4096xf32>
        %mul3A_1485 = arith.constant 256 : i32
        %mul3A_1486 = arith.muli %scan3A_42, %mul3A_1485 : i32
        %add3A_1487 = arith.constant 143 : i32
        %add3A_1488 = arith.addi %mul3A_1486, %add3A_1487 : i32
        %convert_element_type3A_1489 = arith.sitofp %add3A_1488 : i32 to f32
        %gt3A_1490 = arith.cmpf ogt, %slice3A_1484, %max3A_1481 : vector<8x4096xf32>
        %max3A_1491 = arith.maximumf %slice3A_1484, %max3A_1481 : vector<8x4096xf32>
        %broadcast_in_dim3A_1492 = vector.broadcast %convert_element_type3A_1489 : f32 to vector<8x4096xf32>
        %select_n3A_1493 = arith.select %gt3A_1490, %broadcast_in_dim3A_1492, %select_n3A_1483 : vector<8x4096xi1>, vector<8x4096xf32>
        %slice3A_1494 = vector.extract_strided_slice %dot_general3A_56 {offsets = [1152, 0], sizes = [8, 4096], strides = [1, 1]} : vector<2048x4096xf32> to vector<8x4096xf32>
        %mul3A_1495 = arith.constant 256 : i32
        %mul3A_1496 = arith.muli %scan3A_42, %mul3A_1495 : i32
        %add3A_1497 = arith.constant 144 : i32
        %add3A_1498 = arith.addi %mul3A_1496, %add3A_1497 : i32
        %convert_element_type3A_1499 = arith.sitofp %add3A_1498 : i32 to f32
        %gt3A_1500 = arith.cmpf ogt, %slice3A_1494, %max3A_1491 : vector<8x4096xf32>
        %max3A_1501 = arith.maximumf %slice3A_1494, %max3A_1491 : vector<8x4096xf32>
        %broadcast_in_dim3A_1502 = vector.broadcast %convert_element_type3A_1499 : f32 to vector<8x4096xf32>
        %select_n3A_1503 = arith.select %gt3A_1500, %broadcast_in_dim3A_1502, %select_n3A_1493 : vector<8x4096xi1>, vector<8x4096xf32>
        %slice3A_1504 = vector.extract_strided_slice %dot_general3A_56 {offsets = [1160, 0], sizes = [8, 4096], strides = [1, 1]} : vector<2048x4096xf32> to vector<8x4096xf32>
        %mul3A_1505 = arith.constant 256 : i32
        %mul3A_1506 = arith.muli %scan3A_42, %mul3A_1505 : i32
        %add3A_1507 = arith.constant 145 : i32
        %add3A_1508 = arith.addi %mul3A_1506, %add3A_1507 : i32
        %convert_element_type3A_1509 = arith.sitofp %add3A_1508 : i32 to f32
        %gt3A_1510 = arith.cmpf ogt, %slice3A_1504, %max3A_1501 : vector<8x4096xf32>
        %max3A_1511 = arith.maximumf %slice3A_1504, %max3A_1501 : vector<8x4096xf32>
        %broadcast_in_dim3A_1512 = vector.broadcast %convert_element_type3A_1509 : f32 to vector<8x4096xf32>
        %select_n3A_1513 = arith.select %gt3A_1510, %broadcast_in_dim3A_1512, %select_n3A_1503 : vector<8x4096xi1>, vector<8x4096xf32>
        %slice3A_1514 = vector.extract_strided_slice %dot_general3A_56 {offsets = [1168, 0], sizes = [8, 4096], strides = [1, 1]} : vector<2048x4096xf32> to vector<8x4096xf32>
        %mul3A_1515 = arith.constant 256 : i32
        %mul3A_1516 = arith.muli %scan3A_42, %mul3A_1515 : i32
        %add3A_1517 = arith.constant 146 : i32
        %add3A_1518 = arith.addi %mul3A_1516, %add3A_1517 : i32
        %convert_element_type3A_1519 = arith.sitofp %add3A_1518 : i32 to f32
        %gt3A_1520 = arith.cmpf ogt, %slice3A_1514, %max3A_1511 : vector<8x4096xf32>
        %max3A_1521 = arith.maximumf %slice3A_1514, %max3A_1511 : vector<8x4096xf32>
        %broadcast_in_dim3A_1522 = vector.broadcast %convert_element_type3A_1519 : f32 to vector<8x4096xf32>
        %select_n3A_1523 = arith.select %gt3A_1520, %broadcast_in_dim3A_1522, %select_n3A_1513 : vector<8x4096xi1>, vector<8x4096xf32>
        %slice3A_1524 = vector.extract_strided_slice %dot_general3A_56 {offsets = [1176, 0], sizes = [8, 4096], strides = [1, 1]} : vector<2048x4096xf32> to vector<8x4096xf32>
        %mul3A_1525 = arith.constant 256 : i32
        %mul3A_1526 = arith.muli %scan3A_42, %mul3A_1525 : i32
        %add3A_1527 = arith.constant 147 : i32
        %add3A_1528 = arith.addi %mul3A_1526, %add3A_1527 : i32
        %convert_element_type3A_1529 = arith.sitofp %add3A_1528 : i32 to f32
        %gt3A_1530 = arith.cmpf ogt, %slice3A_1524, %max3A_1521 : vector<8x4096xf32>
        %max3A_1531 = arith.maximumf %slice3A_1524, %max3A_1521 : vector<8x4096xf32>
        %broadcast_in_dim3A_1532 = vector.broadcast %convert_element_type3A_1529 : f32 to vector<8x4096xf32>
        %select_n3A_1533 = arith.select %gt3A_1530, %broadcast_in_dim3A_1532, %select_n3A_1523 : vector<8x4096xi1>, vector<8x4096xf32>
        %slice3A_1534 = vector.extract_strided_slice %dot_general3A_56 {offsets = [1184, 0], sizes = [8, 4096], strides = [1, 1]} : vector<2048x4096xf32> to vector<8x4096xf32>
        %mul3A_1535 = arith.constant 256 : i32
        %mul3A_1536 = arith.muli %scan3A_42, %mul3A_1535 : i32
        %add3A_1537 = arith.constant 148 : i32
        %add3A_1538 = arith.addi %mul3A_1536, %add3A_1537 : i32
        %convert_element_type3A_1539 = arith.sitofp %add3A_1538 : i32 to f32
        %gt3A_1540 = arith.cmpf ogt, %slice3A_1534, %max3A_1531 : vector<8x4096xf32>
        %max3A_1541 = arith.maximumf %slice3A_1534, %max3A_1531 : vector<8x4096xf32>
        %broadcast_in_dim3A_1542 = vector.broadcast %convert_element_type3A_1539 : f32 to vector<8x4096xf32>
        %select_n3A_1543 = arith.select %gt3A_1540, %broadcast_in_dim3A_1542, %select_n3A_1533 : vector<8x4096xi1>, vector<8x4096xf32>
        %slice3A_1544 = vector.extract_strided_slice %dot_general3A_56 {offsets = [1192, 0], sizes = [8, 4096], strides = [1, 1]} : vector<2048x4096xf32> to vector<8x4096xf32>
        %mul3A_1545 = arith.constant 256 : i32
        %mul3A_1546 = arith.muli %scan3A_42, %mul3A_1545 : i32
        %add3A_1547 = arith.constant 149 : i32
        %add3A_1548 = arith.addi %mul3A_1546, %add3A_1547 : i32
        %convert_element_type3A_1549 = arith.sitofp %add3A_1548 : i32 to f32
        %gt3A_1550 = arith.cmpf ogt, %slice3A_1544, %max3A_1541 : vector<8x4096xf32>
        %max3A_1551 = arith.maximumf %slice3A_1544, %max3A_1541 : vector<8x4096xf32>
        %broadcast_in_dim3A_1552 = vector.broadcast %convert_element_type3A_1549 : f32 to vector<8x4096xf32>
        %select_n3A_1553 = arith.select %gt3A_1550, %broadcast_in_dim3A_1552, %select_n3A_1543 : vector<8x4096xi1>, vector<8x4096xf32>
        %slice3A_1554 = vector.extract_strided_slice %dot_general3A_56 {offsets = [1200, 0], sizes = [8, 4096], strides = [1, 1]} : vector<2048x4096xf32> to vector<8x4096xf32>
        %mul3A_1555 = arith.constant 256 : i32
        %mul3A_1556 = arith.muli %scan3A_42, %mul3A_1555 : i32
        %add3A_1557 = arith.constant 150 : i32
        %add3A_1558 = arith.addi %mul3A_1556, %add3A_1557 : i32
        %convert_element_type3A_1559 = arith.sitofp %add3A_1558 : i32 to f32
        %gt3A_1560 = arith.cmpf ogt, %slice3A_1554, %max3A_1551 : vector<8x4096xf32>
        %max3A_1561 = arith.maximumf %slice3A_1554, %max3A_1551 : vector<8x4096xf32>
        %broadcast_in_dim3A_1562 = vector.broadcast %convert_element_type3A_1559 : f32 to vector<8x4096xf32>
        %select_n3A_1563 = arith.select %gt3A_1560, %broadcast_in_dim3A_1562, %select_n3A_1553 : vector<8x4096xi1>, vector<8x4096xf32>
        %slice3A_1564 = vector.extract_strided_slice %dot_general3A_56 {offsets = [1208, 0], sizes = [8, 4096], strides = [1, 1]} : vector<2048x4096xf32> to vector<8x4096xf32>
        %mul3A_1565 = arith.constant 256 : i32
        %mul3A_1566 = arith.muli %scan3A_42, %mul3A_1565 : i32
        %add3A_1567 = arith.constant 151 : i32
        %add3A_1568 = arith.addi %mul3A_1566, %add3A_1567 : i32
        %convert_element_type3A_1569 = arith.sitofp %add3A_1568 : i32 to f32
        %gt3A_1570 = arith.cmpf ogt, %slice3A_1564, %max3A_1561 : vector<8x4096xf32>
        %max3A_1571 = arith.maximumf %slice3A_1564, %max3A_1561 : vector<8x4096xf32>
        %broadcast_in_dim3A_1572 = vector.broadcast %convert_element_type3A_1569 : f32 to vector<8x4096xf32>
        %select_n3A_1573 = arith.select %gt3A_1570, %broadcast_in_dim3A_1572, %select_n3A_1563 : vector<8x4096xi1>, vector<8x4096xf32>
        %slice3A_1574 = vector.extract_strided_slice %dot_general3A_56 {offsets = [1216, 0], sizes = [8, 4096], strides = [1, 1]} : vector<2048x4096xf32> to vector<8x4096xf32>
        %mul3A_1575 = arith.constant 256 : i32
        %mul3A_1576 = arith.muli %scan3A_42, %mul3A_1575 : i32
        %add3A_1577 = arith.constant 152 : i32
        %add3A_1578 = arith.addi %mul3A_1576, %add3A_1577 : i32
        %convert_element_type3A_1579 = arith.sitofp %add3A_1578 : i32 to f32
        %gt3A_1580 = arith.cmpf ogt, %slice3A_1574, %max3A_1571 : vector<8x4096xf32>
        %max3A_1581 = arith.maximumf %slice3A_1574, %max3A_1571 : vector<8x4096xf32>
        %broadcast_in_dim3A_1582 = vector.broadcast %convert_element_type3A_1579 : f32 to vector<8x4096xf32>
        %select_n3A_1583 = arith.select %gt3A_1580, %broadcast_in_dim3A_1582, %select_n3A_1573 : vector<8x4096xi1>, vector<8x4096xf32>
        %slice3A_1584 = vector.extract_strided_slice %dot_general3A_56 {offsets = [1224, 0], sizes = [8, 4096], strides = [1, 1]} : vector<2048x4096xf32> to vector<8x4096xf32>
        %mul3A_1585 = arith.constant 256 : i32
        %mul3A_1586 = arith.muli %scan3A_42, %mul3A_1585 : i32
        %add3A_1587 = arith.constant 153 : i32
        %add3A_1588 = arith.addi %mul3A_1586, %add3A_1587 : i32
        %convert_element_type3A_1589 = arith.sitofp %add3A_1588 : i32 to f32
        %gt3A_1590 = arith.cmpf ogt, %slice3A_1584, %max3A_1581 : vector<8x4096xf32>
        %max3A_1591 = arith.maximumf %slice3A_1584, %max3A_1581 : vector<8x4096xf32>
        %broadcast_in_dim3A_1592 = vector.broadcast %convert_element_type3A_1589 : f32 to vector<8x4096xf32>
        %select_n3A_1593 = arith.select %gt3A_1590, %broadcast_in_dim3A_1592, %select_n3A_1583 : vector<8x4096xi1>, vector<8x4096xf32>
        %slice3A_1594 = vector.extract_strided_slice %dot_general3A_56 {offsets = [1232, 0], sizes = [8, 4096], strides = [1, 1]} : vector<2048x4096xf32> to vector<8x4096xf32>
        %mul3A_1595 = arith.constant 256 : i32
        %mul3A_1596 = arith.muli %scan3A_42, %mul3A_1595 : i32
        %add3A_1597 = arith.constant 154 : i32
        %add3A_1598 = arith.addi %mul3A_1596, %add3A_1597 : i32
        %convert_element_type3A_1599 = arith.sitofp %add3A_1598 : i32 to f32
        %gt3A_1600 = arith.cmpf ogt, %slice3A_1594, %max3A_1591 : vector<8x4096xf32>
        %max3A_1601 = arith.maximumf %slice3A_1594, %max3A_1591 : vector<8x4096xf32>
        %broadcast_in_dim3A_1602 = vector.broadcast %convert_element_type3A_1599 : f32 to vector<8x4096xf32>
        %select_n3A_1603 = arith.select %gt3A_1600, %broadcast_in_dim3A_1602, %select_n3A_1593 : vector<8x4096xi1>, vector<8x4096xf32>
        %slice3A_1604 = vector.extract_strided_slice %dot_general3A_56 {offsets = [1240, 0], sizes = [8, 4096], strides = [1, 1]} : vector<2048x4096xf32> to vector<8x4096xf32>
        %mul3A_1605 = arith.constant 256 : i32
        %mul3A_1606 = arith.muli %scan3A_42, %mul3A_1605 : i32
        %add3A_1607 = arith.constant 155 : i32
        %add3A_1608 = arith.addi %mul3A_1606, %add3A_1607 : i32
        %convert_element_type3A_1609 = arith.sitofp %add3A_1608 : i32 to f32
        %gt3A_1610 = arith.cmpf ogt, %slice3A_1604, %max3A_1601 : vector<8x4096xf32>
        %max3A_1611 = arith.maximumf %slice3A_1604, %max3A_1601 : vector<8x4096xf32>
        %broadcast_in_dim3A_1612 = vector.broadcast %convert_element_type3A_1609 : f32 to vector<8x4096xf32>
        %select_n3A_1613 = arith.select %gt3A_1610, %broadcast_in_dim3A_1612, %select_n3A_1603 : vector<8x4096xi1>, vector<8x4096xf32>
        %slice3A_1614 = vector.extract_strided_slice %dot_general3A_56 {offsets = [1248, 0], sizes = [8, 4096], strides = [1, 1]} : vector<2048x4096xf32> to vector<8x4096xf32>
        %mul3A_1615 = arith.constant 256 : i32
        %mul3A_1616 = arith.muli %scan3A_42, %mul3A_1615 : i32
        %add3A_1617 = arith.constant 156 : i32
        %add3A_1618 = arith.addi %mul3A_1616, %add3A_1617 : i32
        %convert_element_type3A_1619 = arith.sitofp %add3A_1618 : i32 to f32
        %gt3A_1620 = arith.cmpf ogt, %slice3A_1614, %max3A_1611 : vector<8x4096xf32>
        %max3A_1621 = arith.maximumf %slice3A_1614, %max3A_1611 : vector<8x4096xf32>
        %broadcast_in_dim3A_1622 = vector.broadcast %convert_element_type3A_1619 : f32 to vector<8x4096xf32>
        %select_n3A_1623 = arith.select %gt3A_1620, %broadcast_in_dim3A_1622, %select_n3A_1613 : vector<8x4096xi1>, vector<8x4096xf32>
        %slice3A_1624 = vector.extract_strided_slice %dot_general3A_56 {offsets = [1256, 0], sizes = [8, 4096], strides = [1, 1]} : vector<2048x4096xf32> to vector<8x4096xf32>
        %mul3A_1625 = arith.constant 256 : i32
        %mul3A_1626 = arith.muli %scan3A_42, %mul3A_1625 : i32
        %add3A_1627 = arith.constant 157 : i32
        %add3A_1628 = arith.addi %mul3A_1626, %add3A_1627 : i32
        %convert_element_type3A_1629 = arith.sitofp %add3A_1628 : i32 to f32
        %gt3A_1630 = arith.cmpf ogt, %slice3A_1624, %max3A_1621 : vector<8x4096xf32>
        %max3A_1631 = arith.maximumf %slice3A_1624, %max3A_1621 : vector<8x4096xf32>
        %broadcast_in_dim3A_1632 = vector.broadcast %convert_element_type3A_1629 : f32 to vector<8x4096xf32>
        %select_n3A_1633 = arith.select %gt3A_1630, %broadcast_in_dim3A_1632, %select_n3A_1623 : vector<8x4096xi1>, vector<8x4096xf32>
        %slice3A_1634 = vector.extract_strided_slice %dot_general3A_56 {offsets = [1264, 0], sizes = [8, 4096], strides = [1, 1]} : vector<2048x4096xf32> to vector<8x4096xf32>
        %mul3A_1635 = arith.constant 256 : i32
        %mul3A_1636 = arith.muli %scan3A_42, %mul3A_1635 : i32
        %add3A_1637 = arith.constant 158 : i32
        %add3A_1638 = arith.addi %mul3A_1636, %add3A_1637 : i32
        %convert_element_type3A_1639 = arith.sitofp %add3A_1638 : i32 to f32
        %gt3A_1640 = arith.cmpf ogt, %slice3A_1634, %max3A_1631 : vector<8x4096xf32>
        %max3A_1641 = arith.maximumf %slice3A_1634, %max3A_1631 : vector<8x4096xf32>
        %broadcast_in_dim3A_1642 = vector.broadcast %convert_element_type3A_1639 : f32 to vector<8x4096xf32>
        %select_n3A_1643 = arith.select %gt3A_1640, %broadcast_in_dim3A_1642, %select_n3A_1633 : vector<8x4096xi1>, vector<8x4096xf32>
        %slice3A_1644 = vector.extract_strided_slice %dot_general3A_56 {offsets = [1272, 0], sizes = [8, 4096], strides = [1, 1]} : vector<2048x4096xf32> to vector<8x4096xf32>
        %mul3A_1645 = arith.constant 256 : i32
        %mul3A_1646 = arith.muli %scan3A_42, %mul3A_1645 : i32
        %add3A_1647 = arith.constant 159 : i32
        %add3A_1648 = arith.addi %mul3A_1646, %add3A_1647 : i32
        %convert_element_type3A_1649 = arith.sitofp %add3A_1648 : i32 to f32
        %gt3A_1650 = arith.cmpf ogt, %slice3A_1644, %max3A_1641 : vector<8x4096xf32>
        %max3A_1651 = arith.maximumf %slice3A_1644, %max3A_1641 : vector<8x4096xf32>
        %broadcast_in_dim3A_1652 = vector.broadcast %convert_element_type3A_1649 : f32 to vector<8x4096xf32>
        %select_n3A_1653 = arith.select %gt3A_1650, %broadcast_in_dim3A_1652, %select_n3A_1643 : vector<8x4096xi1>, vector<8x4096xf32>
        %slice3A_1654 = vector.extract_strided_slice %dot_general3A_56 {offsets = [1280, 0], sizes = [8, 4096], strides = [1, 1]} : vector<2048x4096xf32> to vector<8x4096xf32>
        %mul3A_1655 = arith.constant 256 : i32
        %mul3A_1656 = arith.muli %scan3A_42, %mul3A_1655 : i32
        %add3A_1657 = arith.constant 160 : i32
        %add3A_1658 = arith.addi %mul3A_1656, %add3A_1657 : i32
        %convert_element_type3A_1659 = arith.sitofp %add3A_1658 : i32 to f32
        %gt3A_1660 = arith.cmpf ogt, %slice3A_1654, %max3A_1651 : vector<8x4096xf32>
        %max3A_1661 = arith.maximumf %slice3A_1654, %max3A_1651 : vector<8x4096xf32>
        %broadcast_in_dim3A_1662 = vector.broadcast %convert_element_type3A_1659 : f32 to vector<8x4096xf32>
        %select_n3A_1663 = arith.select %gt3A_1660, %broadcast_in_dim3A_1662, %select_n3A_1653 : vector<8x4096xi1>, vector<8x4096xf32>
        %slice3A_1664 = vector.extract_strided_slice %dot_general3A_56 {offsets = [1288, 0], sizes = [8, 4096], strides = [1, 1]} : vector<2048x4096xf32> to vector<8x4096xf32>
        %mul3A_1665 = arith.constant 256 : i32
        %mul3A_1666 = arith.muli %scan3A_42, %mul3A_1665 : i32
        %add3A_1667 = arith.constant 161 : i32
        %add3A_1668 = arith.addi %mul3A_1666, %add3A_1667 : i32
        %convert_element_type3A_1669 = arith.sitofp %add3A_1668 : i32 to f32
        %gt3A_1670 = arith.cmpf ogt, %slice3A_1664, %max3A_1661 : vector<8x4096xf32>
        %max3A_1671 = arith.maximumf %slice3A_1664, %max3A_1661 : vector<8x4096xf32>
        %broadcast_in_dim3A_1672 = vector.broadcast %convert_element_type3A_1669 : f32 to vector<8x4096xf32>
        %select_n3A_1673 = arith.select %gt3A_1670, %broadcast_in_dim3A_1672, %select_n3A_1663 : vector<8x4096xi1>, vector<8x4096xf32>
        %slice3A_1674 = vector.extract_strided_slice %dot_general3A_56 {offsets = [1296, 0], sizes = [8, 4096], strides = [1, 1]} : vector<2048x4096xf32> to vector<8x4096xf32>
        %mul3A_1675 = arith.constant 256 : i32
        %mul3A_1676 = arith.muli %scan3A_42, %mul3A_1675 : i32
        %add3A_1677 = arith.constant 162 : i32
        %add3A_1678 = arith.addi %mul3A_1676, %add3A_1677 : i32
        %convert_element_type3A_1679 = arith.sitofp %add3A_1678 : i32 to f32
        %gt3A_1680 = arith.cmpf ogt, %slice3A_1674, %max3A_1671 : vector<8x4096xf32>
        %max3A_1681 = arith.maximumf %slice3A_1674, %max3A_1671 : vector<8x4096xf32>
        %broadcast_in_dim3A_1682 = vector.broadcast %convert_element_type3A_1679 : f32 to vector<8x4096xf32>
        %select_n3A_1683 = arith.select %gt3A_1680, %broadcast_in_dim3A_1682, %select_n3A_1673 : vector<8x4096xi1>, vector<8x4096xf32>
        %slice3A_1684 = vector.extract_strided_slice %dot_general3A_56 {offsets = [1304, 0], sizes = [8, 4096], strides = [1, 1]} : vector<2048x4096xf32> to vector<8x4096xf32>
        %mul3A_1685 = arith.constant 256 : i32
        %mul3A_1686 = arith.muli %scan3A_42, %mul3A_1685 : i32
        %add3A_1687 = arith.constant 163 : i32
        %add3A_1688 = arith.addi %mul3A_1686, %add3A_1687 : i32
        %convert_element_type3A_1689 = arith.sitofp %add3A_1688 : i32 to f32
        %gt3A_1690 = arith.cmpf ogt, %slice3A_1684, %max3A_1681 : vector<8x4096xf32>
        %max3A_1691 = arith.maximumf %slice3A_1684, %max3A_1681 : vector<8x4096xf32>
        %broadcast_in_dim3A_1692 = vector.broadcast %convert_element_type3A_1689 : f32 to vector<8x4096xf32>
        %select_n3A_1693 = arith.select %gt3A_1690, %broadcast_in_dim3A_1692, %select_n3A_1683 : vector<8x4096xi1>, vector<8x4096xf32>
        %slice3A_1694 = vector.extract_strided_slice %dot_general3A_56 {offsets = [1312, 0], sizes = [8, 4096], strides = [1, 1]} : vector<2048x4096xf32> to vector<8x4096xf32>
        %mul3A_1695 = arith.constant 256 : i32
        %mul3A_1696 = arith.muli %scan3A_42, %mul3A_1695 : i32
        %add3A_1697 = arith.constant 164 : i32
        %add3A_1698 = arith.addi %mul3A_1696, %add3A_1697 : i32
        %convert_element_type3A_1699 = arith.sitofp %add3A_1698 : i32 to f32
        %gt3A_1700 = arith.cmpf ogt, %slice3A_1694, %max3A_1691 : vector<8x4096xf32>
        %max3A_1701 = arith.maximumf %slice3A_1694, %max3A_1691 : vector<8x4096xf32>
        %broadcast_in_dim3A_1702 = vector.broadcast %convert_element_type3A_1699 : f32 to vector<8x4096xf32>
        %select_n3A_1703 = arith.select %gt3A_1700, %broadcast_in_dim3A_1702, %select_n3A_1693 : vector<8x4096xi1>, vector<8x4096xf32>
        %slice3A_1704 = vector.extract_strided_slice %dot_general3A_56 {offsets = [1320, 0], sizes = [8, 4096], strides = [1, 1]} : vector<2048x4096xf32> to vector<8x4096xf32>
        %mul3A_1705 = arith.constant 256 : i32
        %mul3A_1706 = arith.muli %scan3A_42, %mul3A_1705 : i32
        %add3A_1707 = arith.constant 165 : i32
        %add3A_1708 = arith.addi %mul3A_1706, %add3A_1707 : i32
        %convert_element_type3A_1709 = arith.sitofp %add3A_1708 : i32 to f32
        %gt3A_1710 = arith.cmpf ogt, %slice3A_1704, %max3A_1701 : vector<8x4096xf32>
        %max3A_1711 = arith.maximumf %slice3A_1704, %max3A_1701 : vector<8x4096xf32>
        %broadcast_in_dim3A_1712 = vector.broadcast %convert_element_type3A_1709 : f32 to vector<8x4096xf32>
        %select_n3A_1713 = arith.select %gt3A_1710, %broadcast_in_dim3A_1712, %select_n3A_1703 : vector<8x4096xi1>, vector<8x4096xf32>
        %slice3A_1714 = vector.extract_strided_slice %dot_general3A_56 {offsets = [1328, 0], sizes = [8, 4096], strides = [1, 1]} : vector<2048x4096xf32> to vector<8x4096xf32>
        %mul3A_1715 = arith.constant 256 : i32
        %mul3A_1716 = arith.muli %scan3A_42, %mul3A_1715 : i32
        %add3A_1717 = arith.constant 166 : i32
        %add3A_1718 = arith.addi %mul3A_1716, %add3A_1717 : i32
        %convert_element_type3A_1719 = arith.sitofp %add3A_1718 : i32 to f32
        %gt3A_1720 = arith.cmpf ogt, %slice3A_1714, %max3A_1711 : vector<8x4096xf32>
        %max3A_1721 = arith.maximumf %slice3A_1714, %max3A_1711 : vector<8x4096xf32>
        %broadcast_in_dim3A_1722 = vector.broadcast %convert_element_type3A_1719 : f32 to vector<8x4096xf32>
        %select_n3A_1723 = arith.select %gt3A_1720, %broadcast_in_dim3A_1722, %select_n3A_1713 : vector<8x4096xi1>, vector<8x4096xf32>
        %slice3A_1724 = vector.extract_strided_slice %dot_general3A_56 {offsets = [1336, 0], sizes = [8, 4096], strides = [1, 1]} : vector<2048x4096xf32> to vector<8x4096xf32>
        %mul3A_1725 = arith.constant 256 : i32
        %mul3A_1726 = arith.muli %scan3A_42, %mul3A_1725 : i32
        %add3A_1727 = arith.constant 167 : i32
        %add3A_1728 = arith.addi %mul3A_1726, %add3A_1727 : i32
        %convert_element_type3A_1729 = arith.sitofp %add3A_1728 : i32 to f32
        %gt3A_1730 = arith.cmpf ogt, %slice3A_1724, %max3A_1721 : vector<8x4096xf32>
        %max3A_1731 = arith.maximumf %slice3A_1724, %max3A_1721 : vector<8x4096xf32>
        %broadcast_in_dim3A_1732 = vector.broadcast %convert_element_type3A_1729 : f32 to vector<8x4096xf32>
        %select_n3A_1733 = arith.select %gt3A_1730, %broadcast_in_dim3A_1732, %select_n3A_1723 : vector<8x4096xi1>, vector<8x4096xf32>
        %slice3A_1734 = vector.extract_strided_slice %dot_general3A_56 {offsets = [1344, 0], sizes = [8, 4096], strides = [1, 1]} : vector<2048x4096xf32> to vector<8x4096xf32>
        %mul3A_1735 = arith.constant 256 : i32
        %mul3A_1736 = arith.muli %scan3A_42, %mul3A_1735 : i32
        %add3A_1737 = arith.constant 168 : i32
        %add3A_1738 = arith.addi %mul3A_1736, %add3A_1737 : i32
        %convert_element_type3A_1739 = arith.sitofp %add3A_1738 : i32 to f32
        %gt3A_1740 = arith.cmpf ogt, %slice3A_1734, %max3A_1731 : vector<8x4096xf32>
        %max3A_1741 = arith.maximumf %slice3A_1734, %max3A_1731 : vector<8x4096xf32>
        %broadcast_in_dim3A_1742 = vector.broadcast %convert_element_type3A_1739 : f32 to vector<8x4096xf32>
        %select_n3A_1743 = arith.select %gt3A_1740, %broadcast_in_dim3A_1742, %select_n3A_1733 : vector<8x4096xi1>, vector<8x4096xf32>
        %slice3A_1744 = vector.extract_strided_slice %dot_general3A_56 {offsets = [1352, 0], sizes = [8, 4096], strides = [1, 1]} : vector<2048x4096xf32> to vector<8x4096xf32>
        %mul3A_1745 = arith.constant 256 : i32
        %mul3A_1746 = arith.muli %scan3A_42, %mul3A_1745 : i32
        %add3A_1747 = arith.constant 169 : i32
        %add3A_1748 = arith.addi %mul3A_1746, %add3A_1747 : i32
        %convert_element_type3A_1749 = arith.sitofp %add3A_1748 : i32 to f32
        %gt3A_1750 = arith.cmpf ogt, %slice3A_1744, %max3A_1741 : vector<8x4096xf32>
        %max3A_1751 = arith.maximumf %slice3A_1744, %max3A_1741 : vector<8x4096xf32>
        %broadcast_in_dim3A_1752 = vector.broadcast %convert_element_type3A_1749 : f32 to vector<8x4096xf32>
        %select_n3A_1753 = arith.select %gt3A_1750, %broadcast_in_dim3A_1752, %select_n3A_1743 : vector<8x4096xi1>, vector<8x4096xf32>
        %slice3A_1754 = vector.extract_strided_slice %dot_general3A_56 {offsets = [1360, 0], sizes = [8, 4096], strides = [1, 1]} : vector<2048x4096xf32> to vector<8x4096xf32>
        %mul3A_1755 = arith.constant 256 : i32
        %mul3A_1756 = arith.muli %scan3A_42, %mul3A_1755 : i32
        %add3A_1757 = arith.constant 170 : i32
        %add3A_1758 = arith.addi %mul3A_1756, %add3A_1757 : i32
        %convert_element_type3A_1759 = arith.sitofp %add3A_1758 : i32 to f32
        %gt3A_1760 = arith.cmpf ogt, %slice3A_1754, %max3A_1751 : vector<8x4096xf32>
        %max3A_1761 = arith.maximumf %slice3A_1754, %max3A_1751 : vector<8x4096xf32>
        %broadcast_in_dim3A_1762 = vector.broadcast %convert_element_type3A_1759 : f32 to vector<8x4096xf32>
        %select_n3A_1763 = arith.select %gt3A_1760, %broadcast_in_dim3A_1762, %select_n3A_1753 : vector<8x4096xi1>, vector<8x4096xf32>
        %slice3A_1764 = vector.extract_strided_slice %dot_general3A_56 {offsets = [1368, 0], sizes = [8, 4096], strides = [1, 1]} : vector<2048x4096xf32> to vector<8x4096xf32>
        %mul3A_1765 = arith.constant 256 : i32
        %mul3A_1766 = arith.muli %scan3A_42, %mul3A_1765 : i32
        %add3A_1767 = arith.constant 171 : i32
        %add3A_1768 = arith.addi %mul3A_1766, %add3A_1767 : i32
        %convert_element_type3A_1769 = arith.sitofp %add3A_1768 : i32 to f32
        %gt3A_1770 = arith.cmpf ogt, %slice3A_1764, %max3A_1761 : vector<8x4096xf32>
        %max3A_1771 = arith.maximumf %slice3A_1764, %max3A_1761 : vector<8x4096xf32>
        %broadcast_in_dim3A_1772 = vector.broadcast %convert_element_type3A_1769 : f32 to vector<8x4096xf32>
        %select_n3A_1773 = arith.select %gt3A_1770, %broadcast_in_dim3A_1772, %select_n3A_1763 : vector<8x4096xi1>, vector<8x4096xf32>
        %slice3A_1774 = vector.extract_strided_slice %dot_general3A_56 {offsets = [1376, 0], sizes = [8, 4096], strides = [1, 1]} : vector<2048x4096xf32> to vector<8x4096xf32>
        %mul3A_1775 = arith.constant 256 : i32
        %mul3A_1776 = arith.muli %scan3A_42, %mul3A_1775 : i32
        %add3A_1777 = arith.constant 172 : i32
        %add3A_1778 = arith.addi %mul3A_1776, %add3A_1777 : i32
        %convert_element_type3A_1779 = arith.sitofp %add3A_1778 : i32 to f32
        %gt3A_1780 = arith.cmpf ogt, %slice3A_1774, %max3A_1771 : vector<8x4096xf32>
        %max3A_1781 = arith.maximumf %slice3A_1774, %max3A_1771 : vector<8x4096xf32>
        %broadcast_in_dim3A_1782 = vector.broadcast %convert_element_type3A_1779 : f32 to vector<8x4096xf32>
        %select_n3A_1783 = arith.select %gt3A_1780, %broadcast_in_dim3A_1782, %select_n3A_1773 : vector<8x4096xi1>, vector<8x4096xf32>
        %slice3A_1784 = vector.extract_strided_slice %dot_general3A_56 {offsets = [1384, 0], sizes = [8, 4096], strides = [1, 1]} : vector<2048x4096xf32> to vector<8x4096xf32>
        %mul3A_1785 = arith.constant 256 : i32
        %mul3A_1786 = arith.muli %scan3A_42, %mul3A_1785 : i32
        %add3A_1787 = arith.constant 173 : i32
        %add3A_1788 = arith.addi %mul3A_1786, %add3A_1787 : i32
        %convert_element_type3A_1789 = arith.sitofp %add3A_1788 : i32 to f32
        %gt3A_1790 = arith.cmpf ogt, %slice3A_1784, %max3A_1781 : vector<8x4096xf32>
        %max3A_1791 = arith.maximumf %slice3A_1784, %max3A_1781 : vector<8x4096xf32>
        %broadcast_in_dim3A_1792 = vector.broadcast %convert_element_type3A_1789 : f32 to vector<8x4096xf32>
        %select_n3A_1793 = arith.select %gt3A_1790, %broadcast_in_dim3A_1792, %select_n3A_1783 : vector<8x4096xi1>, vector<8x4096xf32>
        %slice3A_1794 = vector.extract_strided_slice %dot_general3A_56 {offsets = [1392, 0], sizes = [8, 4096], strides = [1, 1]} : vector<2048x4096xf32> to vector<8x4096xf32>
        %mul3A_1795 = arith.constant 256 : i32
        %mul3A_1796 = arith.muli %scan3A_42, %mul3A_1795 : i32
        %add3A_1797 = arith.constant 174 : i32
        %add3A_1798 = arith.addi %mul3A_1796, %add3A_1797 : i32
        %convert_element_type3A_1799 = arith.sitofp %add3A_1798 : i32 to f32
        %gt3A_1800 = arith.cmpf ogt, %slice3A_1794, %max3A_1791 : vector<8x4096xf32>
        %max3A_1801 = arith.maximumf %slice3A_1794, %max3A_1791 : vector<8x4096xf32>
        %broadcast_in_dim3A_1802 = vector.broadcast %convert_element_type3A_1799 : f32 to vector<8x4096xf32>
        %select_n3A_1803 = arith.select %gt3A_1800, %broadcast_in_dim3A_1802, %select_n3A_1793 : vector<8x4096xi1>, vector<8x4096xf32>
        %slice3A_1804 = vector.extract_strided_slice %dot_general3A_56 {offsets = [1400, 0], sizes = [8, 4096], strides = [1, 1]} : vector<2048x4096xf32> to vector<8x4096xf32>
        %mul3A_1805 = arith.constant 256 : i32
        %mul3A_1806 = arith.muli %scan3A_42, %mul3A_1805 : i32
        %add3A_1807 = arith.constant 175 : i32
        %add3A_1808 = arith.addi %mul3A_1806, %add3A_1807 : i32
        %convert_element_type3A_1809 = arith.sitofp %add3A_1808 : i32 to f32
        %gt3A_1810 = arith.cmpf ogt, %slice3A_1804, %max3A_1801 : vector<8x4096xf32>
        %max3A_1811 = arith.maximumf %slice3A_1804, %max3A_1801 : vector<8x4096xf32>
        %broadcast_in_dim3A_1812 = vector.broadcast %convert_element_type3A_1809 : f32 to vector<8x4096xf32>
        %select_n3A_1813 = arith.select %gt3A_1810, %broadcast_in_dim3A_1812, %select_n3A_1803 : vector<8x4096xi1>, vector<8x4096xf32>
        %slice3A_1814 = vector.extract_strided_slice %dot_general3A_56 {offsets = [1408, 0], sizes = [8, 4096], strides = [1, 1]} : vector<2048x4096xf32> to vector<8x4096xf32>
        %mul3A_1815 = arith.constant 256 : i32
        %mul3A_1816 = arith.muli %scan3A_42, %mul3A_1815 : i32
        %add3A_1817 = arith.constant 176 : i32
        %add3A_1818 = arith.addi %mul3A_1816, %add3A_1817 : i32
        %convert_element_type3A_1819 = arith.sitofp %add3A_1818 : i32 to f32
        %gt3A_1820 = arith.cmpf ogt, %slice3A_1814, %max3A_1811 : vector<8x4096xf32>
        %max3A_1821 = arith.maximumf %slice3A_1814, %max3A_1811 : vector<8x4096xf32>
        %broadcast_in_dim3A_1822 = vector.broadcast %convert_element_type3A_1819 : f32 to vector<8x4096xf32>
        %select_n3A_1823 = arith.select %gt3A_1820, %broadcast_in_dim3A_1822, %select_n3A_1813 : vector<8x4096xi1>, vector<8x4096xf32>
        %slice3A_1824 = vector.extract_strided_slice %dot_general3A_56 {offsets = [1416, 0], sizes = [8, 4096], strides = [1, 1]} : vector<2048x4096xf32> to vector<8x4096xf32>
        %mul3A_1825 = arith.constant 256 : i32
        %mul3A_1826 = arith.muli %scan3A_42, %mul3A_1825 : i32
        %add3A_1827 = arith.constant 177 : i32
        %add3A_1828 = arith.addi %mul3A_1826, %add3A_1827 : i32
        %convert_element_type3A_1829 = arith.sitofp %add3A_1828 : i32 to f32
        %gt3A_1830 = arith.cmpf ogt, %slice3A_1824, %max3A_1821 : vector<8x4096xf32>
        %max3A_1831 = arith.maximumf %slice3A_1824, %max3A_1821 : vector<8x4096xf32>
        %broadcast_in_dim3A_1832 = vector.broadcast %convert_element_type3A_1829 : f32 to vector<8x4096xf32>
        %select_n3A_1833 = arith.select %gt3A_1830, %broadcast_in_dim3A_1832, %select_n3A_1823 : vector<8x4096xi1>, vector<8x4096xf32>
        %slice3A_1834 = vector.extract_strided_slice %dot_general3A_56 {offsets = [1424, 0], sizes = [8, 4096], strides = [1, 1]} : vector<2048x4096xf32> to vector<8x4096xf32>
        %mul3A_1835 = arith.constant 256 : i32
        %mul3A_1836 = arith.muli %scan3A_42, %mul3A_1835 : i32
        %add3A_1837 = arith.constant 178 : i32
        %add3A_1838 = arith.addi %mul3A_1836, %add3A_1837 : i32
        %convert_element_type3A_1839 = arith.sitofp %add3A_1838 : i32 to f32
        %gt3A_1840 = arith.cmpf ogt, %slice3A_1834, %max3A_1831 : vector<8x4096xf32>
        %max3A_1841 = arith.maximumf %slice3A_1834, %max3A_1831 : vector<8x4096xf32>
        %broadcast_in_dim3A_1842 = vector.broadcast %convert_element_type3A_1839 : f32 to vector<8x4096xf32>
        %select_n3A_1843 = arith.select %gt3A_1840, %broadcast_in_dim3A_1842, %select_n3A_1833 : vector<8x4096xi1>, vector<8x4096xf32>
        %slice3A_1844 = vector.extract_strided_slice %dot_general3A_56 {offsets = [1432, 0], sizes = [8, 4096], strides = [1, 1]} : vector<2048x4096xf32> to vector<8x4096xf32>
        %mul3A_1845 = arith.constant 256 : i32
        %mul3A_1846 = arith.muli %scan3A_42, %mul3A_1845 : i32
        %add3A_1847 = arith.constant 179 : i32
        %add3A_1848 = arith.addi %mul3A_1846, %add3A_1847 : i32
        %convert_element_type3A_1849 = arith.sitofp %add3A_1848 : i32 to f32
        %gt3A_1850 = arith.cmpf ogt, %slice3A_1844, %max3A_1841 : vector<8x4096xf32>
        %max3A_1851 = arith.maximumf %slice3A_1844, %max3A_1841 : vector<8x4096xf32>
        %broadcast_in_dim3A_1852 = vector.broadcast %convert_element_type3A_1849 : f32 to vector<8x4096xf32>
        %select_n3A_1853 = arith.select %gt3A_1850, %broadcast_in_dim3A_1852, %select_n3A_1843 : vector<8x4096xi1>, vector<8x4096xf32>
        %slice3A_1854 = vector.extract_strided_slice %dot_general3A_56 {offsets = [1440, 0], sizes = [8, 4096], strides = [1, 1]} : vector<2048x4096xf32> to vector<8x4096xf32>
        %mul3A_1855 = arith.constant 256 : i32
        %mul3A_1856 = arith.muli %scan3A_42, %mul3A_1855 : i32
        %add3A_1857 = arith.constant 180 : i32
        %add3A_1858 = arith.addi %mul3A_1856, %add3A_1857 : i32
        %convert_element_type3A_1859 = arith.sitofp %add3A_1858 : i32 to f32
        %gt3A_1860 = arith.cmpf ogt, %slice3A_1854, %max3A_1851 : vector<8x4096xf32>
        %max3A_1861 = arith.maximumf %slice3A_1854, %max3A_1851 : vector<8x4096xf32>
        %broadcast_in_dim3A_1862 = vector.broadcast %convert_element_type3A_1859 : f32 to vector<8x4096xf32>
        %select_n3A_1863 = arith.select %gt3A_1860, %broadcast_in_dim3A_1862, %select_n3A_1853 : vector<8x4096xi1>, vector<8x4096xf32>
        %slice3A_1864 = vector.extract_strided_slice %dot_general3A_56 {offsets = [1448, 0], sizes = [8, 4096], strides = [1, 1]} : vector<2048x4096xf32> to vector<8x4096xf32>
        %mul3A_1865 = arith.constant 256 : i32
        %mul3A_1866 = arith.muli %scan3A_42, %mul3A_1865 : i32
        %add3A_1867 = arith.constant 181 : i32
        %add3A_1868 = arith.addi %mul3A_1866, %add3A_1867 : i32
        %convert_element_type3A_1869 = arith.sitofp %add3A_1868 : i32 to f32
        %gt3A_1870 = arith.cmpf ogt, %slice3A_1864, %max3A_1861 : vector<8x4096xf32>
        %max3A_1871 = arith.maximumf %slice3A_1864, %max3A_1861 : vector<8x4096xf32>
        %broadcast_in_dim3A_1872 = vector.broadcast %convert_element_type3A_1869 : f32 to vector<8x4096xf32>
        %select_n3A_1873 = arith.select %gt3A_1870, %broadcast_in_dim3A_1872, %select_n3A_1863 : vector<8x4096xi1>, vector<8x4096xf32>
        %slice3A_1874 = vector.extract_strided_slice %dot_general3A_56 {offsets = [1456, 0], sizes = [8, 4096], strides = [1, 1]} : vector<2048x4096xf32> to vector<8x4096xf32>
        %mul3A_1875 = arith.constant 256 : i32
        %mul3A_1876 = arith.muli %scan3A_42, %mul3A_1875 : i32
        %add3A_1877 = arith.constant 182 : i32
        %add3A_1878 = arith.addi %mul3A_1876, %add3A_1877 : i32
        %convert_element_type3A_1879 = arith.sitofp %add3A_1878 : i32 to f32
        %gt3A_1880 = arith.cmpf ogt, %slice3A_1874, %max3A_1871 : vector<8x4096xf32>
        %max3A_1881 = arith.maximumf %slice3A_1874, %max3A_1871 : vector<8x4096xf32>
        %broadcast_in_dim3A_1882 = vector.broadcast %convert_element_type3A_1879 : f32 to vector<8x4096xf32>
        %select_n3A_1883 = arith.select %gt3A_1880, %broadcast_in_dim3A_1882, %select_n3A_1873 : vector<8x4096xi1>, vector<8x4096xf32>
        %slice3A_1884 = vector.extract_strided_slice %dot_general3A_56 {offsets = [1464, 0], sizes = [8, 4096], strides = [1, 1]} : vector<2048x4096xf32> to vector<8x4096xf32>
        %mul3A_1885 = arith.constant 256 : i32
        %mul3A_1886 = arith.muli %scan3A_42, %mul3A_1885 : i32
        %add3A_1887 = arith.constant 183 : i32
        %add3A_1888 = arith.addi %mul3A_1886, %add3A_1887 : i32
        %convert_element_type3A_1889 = arith.sitofp %add3A_1888 : i32 to f32
        %gt3A_1890 = arith.cmpf ogt, %slice3A_1884, %max3A_1881 : vector<8x4096xf32>
        %max3A_1891 = arith.maximumf %slice3A_1884, %max3A_1881 : vector<8x4096xf32>
        %broadcast_in_dim3A_1892 = vector.broadcast %convert_element_type3A_1889 : f32 to vector<8x4096xf32>
        %select_n3A_1893 = arith.select %gt3A_1890, %broadcast_in_dim3A_1892, %select_n3A_1883 : vector<8x4096xi1>, vector<8x4096xf32>
        %slice3A_1894 = vector.extract_strided_slice %dot_general3A_56 {offsets = [1472, 0], sizes = [8, 4096], strides = [1, 1]} : vector<2048x4096xf32> to vector<8x4096xf32>
        %mul3A_1895 = arith.constant 256 : i32
        %mul3A_1896 = arith.muli %scan3A_42, %mul3A_1895 : i32
        %add3A_1897 = arith.constant 184 : i32
        %add3A_1898 = arith.addi %mul3A_1896, %add3A_1897 : i32
        %convert_element_type3A_1899 = arith.sitofp %add3A_1898 : i32 to f32
        %gt3A_1900 = arith.cmpf ogt, %slice3A_1894, %max3A_1891 : vector<8x4096xf32>
        %max3A_1901 = arith.maximumf %slice3A_1894, %max3A_1891 : vector<8x4096xf32>
        %broadcast_in_dim3A_1902 = vector.broadcast %convert_element_type3A_1899 : f32 to vector<8x4096xf32>
        %select_n3A_1903 = arith.select %gt3A_1900, %broadcast_in_dim3A_1902, %select_n3A_1893 : vector<8x4096xi1>, vector<8x4096xf32>
        %slice3A_1904 = vector.extract_strided_slice %dot_general3A_56 {offsets = [1480, 0], sizes = [8, 4096], strides = [1, 1]} : vector<2048x4096xf32> to vector<8x4096xf32>
        %mul3A_1905 = arith.constant 256 : i32
        %mul3A_1906 = arith.muli %scan3A_42, %mul3A_1905 : i32
        %add3A_1907 = arith.constant 185 : i32
        %add3A_1908 = arith.addi %mul3A_1906, %add3A_1907 : i32
        %convert_element_type3A_1909 = arith.sitofp %add3A_1908 : i32 to f32
        %gt3A_1910 = arith.cmpf ogt, %slice3A_1904, %max3A_1901 : vector<8x4096xf32>
        %max3A_1911 = arith.maximumf %slice3A_1904, %max3A_1901 : vector<8x4096xf32>
        %broadcast_in_dim3A_1912 = vector.broadcast %convert_element_type3A_1909 : f32 to vector<8x4096xf32>
        %select_n3A_1913 = arith.select %gt3A_1910, %broadcast_in_dim3A_1912, %select_n3A_1903 : vector<8x4096xi1>, vector<8x4096xf32>
        %slice3A_1914 = vector.extract_strided_slice %dot_general3A_56 {offsets = [1488, 0], sizes = [8, 4096], strides = [1, 1]} : vector<2048x4096xf32> to vector<8x4096xf32>
        %mul3A_1915 = arith.constant 256 : i32
        %mul3A_1916 = arith.muli %scan3A_42, %mul3A_1915 : i32
        %add3A_1917 = arith.constant 186 : i32
        %add3A_1918 = arith.addi %mul3A_1916, %add3A_1917 : i32
        %convert_element_type3A_1919 = arith.sitofp %add3A_1918 : i32 to f32
        %gt3A_1920 = arith.cmpf ogt, %slice3A_1914, %max3A_1911 : vector<8x4096xf32>
        %max3A_1921 = arith.maximumf %slice3A_1914, %max3A_1911 : vector<8x4096xf32>
        %broadcast_in_dim3A_1922 = vector.broadcast %convert_element_type3A_1919 : f32 to vector<8x4096xf32>
        %select_n3A_1923 = arith.select %gt3A_1920, %broadcast_in_dim3A_1922, %select_n3A_1913 : vector<8x4096xi1>, vector<8x4096xf32>
        %slice3A_1924 = vector.extract_strided_slice %dot_general3A_56 {offsets = [1496, 0], sizes = [8, 4096], strides = [1, 1]} : vector<2048x4096xf32> to vector<8x4096xf32>
        %mul3A_1925 = arith.constant 256 : i32
        %mul3A_1926 = arith.muli %scan3A_42, %mul3A_1925 : i32
        %add3A_1927 = arith.constant 187 : i32
        %add3A_1928 = arith.addi %mul3A_1926, %add3A_1927 : i32
        %convert_element_type3A_1929 = arith.sitofp %add3A_1928 : i32 to f32
        %gt3A_1930 = arith.cmpf ogt, %slice3A_1924, %max3A_1921 : vector<8x4096xf32>
        %max3A_1931 = arith.maximumf %slice3A_1924, %max3A_1921 : vector<8x4096xf32>
        %broadcast_in_dim3A_1932 = vector.broadcast %convert_element_type3A_1929 : f32 to vector<8x4096xf32>
        %select_n3A_1933 = arith.select %gt3A_1930, %broadcast_in_dim3A_1932, %select_n3A_1923 : vector<8x4096xi1>, vector<8x4096xf32>
        %slice3A_1934 = vector.extract_strided_slice %dot_general3A_56 {offsets = [1504, 0], sizes = [8, 4096], strides = [1, 1]} : vector<2048x4096xf32> to vector<8x4096xf32>
        %mul3A_1935 = arith.constant 256 : i32
        %mul3A_1936 = arith.muli %scan3A_42, %mul3A_1935 : i32
        %add3A_1937 = arith.constant 188 : i32
        %add3A_1938 = arith.addi %mul3A_1936, %add3A_1937 : i32
        %convert_element_type3A_1939 = arith.sitofp %add3A_1938 : i32 to f32
        %gt3A_1940 = arith.cmpf ogt, %slice3A_1934, %max3A_1931 : vector<8x4096xf32>
        %max3A_1941 = arith.maximumf %slice3A_1934, %max3A_1931 : vector<8x4096xf32>
        %broadcast_in_dim3A_1942 = vector.broadcast %convert_element_type3A_1939 : f32 to vector<8x4096xf32>
        %select_n3A_1943 = arith.select %gt3A_1940, %broadcast_in_dim3A_1942, %select_n3A_1933 : vector<8x4096xi1>, vector<8x4096xf32>
        %slice3A_1944 = vector.extract_strided_slice %dot_general3A_56 {offsets = [1512, 0], sizes = [8, 4096], strides = [1, 1]} : vector<2048x4096xf32> to vector<8x4096xf32>
        %mul3A_1945 = arith.constant 256 : i32
        %mul3A_1946 = arith.muli %scan3A_42, %mul3A_1945 : i32
        %add3A_1947 = arith.constant 189 : i32
        %add3A_1948 = arith.addi %mul3A_1946, %add3A_1947 : i32
        %convert_element_type3A_1949 = arith.sitofp %add3A_1948 : i32 to f32
        %gt3A_1950 = arith.cmpf ogt, %slice3A_1944, %max3A_1941 : vector<8x4096xf32>
        %max3A_1951 = arith.maximumf %slice3A_1944, %max3A_1941 : vector<8x4096xf32>
        %broadcast_in_dim3A_1952 = vector.broadcast %convert_element_type3A_1949 : f32 to vector<8x4096xf32>
        %select_n3A_1953 = arith.select %gt3A_1950, %broadcast_in_dim3A_1952, %select_n3A_1943 : vector<8x4096xi1>, vector<8x4096xf32>
        %slice3A_1954 = vector.extract_strided_slice %dot_general3A_56 {offsets = [1520, 0], sizes = [8, 4096], strides = [1, 1]} : vector<2048x4096xf32> to vector<8x4096xf32>
        %mul3A_1955 = arith.constant 256 : i32
        %mul3A_1956 = arith.muli %scan3A_42, %mul3A_1955 : i32
        %add3A_1957 = arith.constant 190 : i32
        %add3A_1958 = arith.addi %mul3A_1956, %add3A_1957 : i32
        %convert_element_type3A_1959 = arith.sitofp %add3A_1958 : i32 to f32
        %gt3A_1960 = arith.cmpf ogt, %slice3A_1954, %max3A_1951 : vector<8x4096xf32>
        %max3A_1961 = arith.maximumf %slice3A_1954, %max3A_1951 : vector<8x4096xf32>
        %broadcast_in_dim3A_1962 = vector.broadcast %convert_element_type3A_1959 : f32 to vector<8x4096xf32>
        %select_n3A_1963 = arith.select %gt3A_1960, %broadcast_in_dim3A_1962, %select_n3A_1953 : vector<8x4096xi1>, vector<8x4096xf32>
        %slice3A_1964 = vector.extract_strided_slice %dot_general3A_56 {offsets = [1528, 0], sizes = [8, 4096], strides = [1, 1]} : vector<2048x4096xf32> to vector<8x4096xf32>
        %mul3A_1965 = arith.constant 256 : i32
        %mul3A_1966 = arith.muli %scan3A_42, %mul3A_1965 : i32
        %add3A_1967 = arith.constant 191 : i32
        %add3A_1968 = arith.addi %mul3A_1966, %add3A_1967 : i32
        %convert_element_type3A_1969 = arith.sitofp %add3A_1968 : i32 to f32
        %gt3A_1970 = arith.cmpf ogt, %slice3A_1964, %max3A_1961 : vector<8x4096xf32>
        %max3A_1971 = arith.maximumf %slice3A_1964, %max3A_1961 : vector<8x4096xf32>
        %broadcast_in_dim3A_1972 = vector.broadcast %convert_element_type3A_1969 : f32 to vector<8x4096xf32>
        %select_n3A_1973 = arith.select %gt3A_1970, %broadcast_in_dim3A_1972, %select_n3A_1963 : vector<8x4096xi1>, vector<8x4096xf32>
        %slice3A_1974 = vector.extract_strided_slice %dot_general3A_56 {offsets = [1536, 0], sizes = [8, 4096], strides = [1, 1]} : vector<2048x4096xf32> to vector<8x4096xf32>
        %mul3A_1975 = arith.constant 256 : i32
        %mul3A_1976 = arith.muli %scan3A_42, %mul3A_1975 : i32
        %add3A_1977 = arith.constant 192 : i32
        %add3A_1978 = arith.addi %mul3A_1976, %add3A_1977 : i32
        %convert_element_type3A_1979 = arith.sitofp %add3A_1978 : i32 to f32
        %gt3A_1980 = arith.cmpf ogt, %slice3A_1974, %max3A_1971 : vector<8x4096xf32>
        %max3A_1981 = arith.maximumf %slice3A_1974, %max3A_1971 : vector<8x4096xf32>
        %broadcast_in_dim3A_1982 = vector.broadcast %convert_element_type3A_1979 : f32 to vector<8x4096xf32>
        %select_n3A_1983 = arith.select %gt3A_1980, %broadcast_in_dim3A_1982, %select_n3A_1973 : vector<8x4096xi1>, vector<8x4096xf32>
        %slice3A_1984 = vector.extract_strided_slice %dot_general3A_56 {offsets = [1544, 0], sizes = [8, 4096], strides = [1, 1]} : vector<2048x4096xf32> to vector<8x4096xf32>
        %mul3A_1985 = arith.constant 256 : i32
        %mul3A_1986 = arith.muli %scan3A_42, %mul3A_1985 : i32
        %add3A_1987 = arith.constant 193 : i32
        %add3A_1988 = arith.addi %mul3A_1986, %add3A_1987 : i32
        %convert_element_type3A_1989 = arith.sitofp %add3A_1988 : i32 to f32
        %gt3A_1990 = arith.cmpf ogt, %slice3A_1984, %max3A_1981 : vector<8x4096xf32>
        %max3A_1991 = arith.maximumf %slice3A_1984, %max3A_1981 : vector<8x4096xf32>
        %broadcast_in_dim3A_1992 = vector.broadcast %convert_element_type3A_1989 : f32 to vector<8x4096xf32>
        %select_n3A_1993 = arith.select %gt3A_1990, %broadcast_in_dim3A_1992, %select_n3A_1983 : vector<8x4096xi1>, vector<8x4096xf32>
        %slice3A_1994 = vector.extract_strided_slice %dot_general3A_56 {offsets = [1552, 0], sizes = [8, 4096], strides = [1, 1]} : vector<2048x4096xf32> to vector<8x4096xf32>
        %mul3A_1995 = arith.constant 256 : i32
        %mul3A_1996 = arith.muli %scan3A_42, %mul3A_1995 : i32
        %add3A_1997 = arith.constant 194 : i32
        %add3A_1998 = arith.addi %mul3A_1996, %add3A_1997 : i32
        %convert_element_type3A_1999 = arith.sitofp %add3A_1998 : i32 to f32
        %gt3A_2000 = arith.cmpf ogt, %slice3A_1994, %max3A_1991 : vector<8x4096xf32>
        %max3A_2001 = arith.maximumf %slice3A_1994, %max3A_1991 : vector<8x4096xf32>
        %broadcast_in_dim3A_2002 = vector.broadcast %convert_element_type3A_1999 : f32 to vector<8x4096xf32>
        %select_n3A_2003 = arith.select %gt3A_2000, %broadcast_in_dim3A_2002, %select_n3A_1993 : vector<8x4096xi1>, vector<8x4096xf32>
        %slice3A_2004 = vector.extract_strided_slice %dot_general3A_56 {offsets = [1560, 0], sizes = [8, 4096], strides = [1, 1]} : vector<2048x4096xf32> to vector<8x4096xf32>
        %mul3A_2005 = arith.constant 256 : i32
        %mul3A_2006 = arith.muli %scan3A_42, %mul3A_2005 : i32
        %add3A_2007 = arith.constant 195 : i32
        %add3A_2008 = arith.addi %mul3A_2006, %add3A_2007 : i32
        %convert_element_type3A_2009 = arith.sitofp %add3A_2008 : i32 to f32
        %gt3A_2010 = arith.cmpf ogt, %slice3A_2004, %max3A_2001 : vector<8x4096xf32>
        %max3A_2011 = arith.maximumf %slice3A_2004, %max3A_2001 : vector<8x4096xf32>
        %broadcast_in_dim3A_2012 = vector.broadcast %convert_element_type3A_2009 : f32 to vector<8x4096xf32>
        %select_n3A_2013 = arith.select %gt3A_2010, %broadcast_in_dim3A_2012, %select_n3A_2003 : vector<8x4096xi1>, vector<8x4096xf32>
        %slice3A_2014 = vector.extract_strided_slice %dot_general3A_56 {offsets = [1568, 0], sizes = [8, 4096], strides = [1, 1]} : vector<2048x4096xf32> to vector<8x4096xf32>
        %mul3A_2015 = arith.constant 256 : i32
        %mul3A_2016 = arith.muli %scan3A_42, %mul3A_2015 : i32
        %add3A_2017 = arith.constant 196 : i32
        %add3A_2018 = arith.addi %mul3A_2016, %add3A_2017 : i32
        %convert_element_type3A_2019 = arith.sitofp %add3A_2018 : i32 to f32
        %gt3A_2020 = arith.cmpf ogt, %slice3A_2014, %max3A_2011 : vector<8x4096xf32>
        %max3A_2021 = arith.maximumf %slice3A_2014, %max3A_2011 : vector<8x4096xf32>
        %broadcast_in_dim3A_2022 = vector.broadcast %convert_element_type3A_2019 : f32 to vector<8x4096xf32>
        %select_n3A_2023 = arith.select %gt3A_2020, %broadcast_in_dim3A_2022, %select_n3A_2013 : vector<8x4096xi1>, vector<8x4096xf32>
        %slice3A_2024 = vector.extract_strided_slice %dot_general3A_56 {offsets = [1576, 0], sizes = [8, 4096], strides = [1, 1]} : vector<2048x4096xf32> to vector<8x4096xf32>
        %mul3A_2025 = arith.constant 256 : i32
        %mul3A_2026 = arith.muli %scan3A_42, %mul3A_2025 : i32
        %add3A_2027 = arith.constant 197 : i32
        %add3A_2028 = arith.addi %mul3A_2026, %add3A_2027 : i32
        %convert_element_type3A_2029 = arith.sitofp %add3A_2028 : i32 to f32
        %gt3A_2030 = arith.cmpf ogt, %slice3A_2024, %max3A_2021 : vector<8x4096xf32>
        %max3A_2031 = arith.maximumf %slice3A_2024, %max3A_2021 : vector<8x4096xf32>
        %broadcast_in_dim3A_2032 = vector.broadcast %convert_element_type3A_2029 : f32 to vector<8x4096xf32>
        %select_n3A_2033 = arith.select %gt3A_2030, %broadcast_in_dim3A_2032, %select_n3A_2023 : vector<8x4096xi1>, vector<8x4096xf32>
        %slice3A_2034 = vector.extract_strided_slice %dot_general3A_56 {offsets = [1584, 0], sizes = [8, 4096], strides = [1, 1]} : vector<2048x4096xf32> to vector<8x4096xf32>
        %mul3A_2035 = arith.constant 256 : i32
        %mul3A_2036 = arith.muli %scan3A_42, %mul3A_2035 : i32
        %add3A_2037 = arith.constant 198 : i32
        %add3A_2038 = arith.addi %mul3A_2036, %add3A_2037 : i32
        %convert_element_type3A_2039 = arith.sitofp %add3A_2038 : i32 to f32
        %gt3A_2040 = arith.cmpf ogt, %slice3A_2034, %max3A_2031 : vector<8x4096xf32>
        %max3A_2041 = arith.maximumf %slice3A_2034, %max3A_2031 : vector<8x4096xf32>
        %broadcast_in_dim3A_2042 = vector.broadcast %convert_element_type3A_2039 : f32 to vector<8x4096xf32>
        %select_n3A_2043 = arith.select %gt3A_2040, %broadcast_in_dim3A_2042, %select_n3A_2033 : vector<8x4096xi1>, vector<8x4096xf32>
        %slice3A_2044 = vector.extract_strided_slice %dot_general3A_56 {offsets = [1592, 0], sizes = [8, 4096], strides = [1, 1]} : vector<2048x4096xf32> to vector<8x4096xf32>
        %mul3A_2045 = arith.constant 256 : i32
        %mul3A_2046 = arith.muli %scan3A_42, %mul3A_2045 : i32
        %add3A_2047 = arith.constant 199 : i32
        %add3A_2048 = arith.addi %mul3A_2046, %add3A_2047 : i32
        %convert_element_type3A_2049 = arith.sitofp %add3A_2048 : i32 to f32
        %gt3A_2050 = arith.cmpf ogt, %slice3A_2044, %max3A_2041 : vector<8x4096xf32>
        %max3A_2051 = arith.maximumf %slice3A_2044, %max3A_2041 : vector<8x4096xf32>
        %broadcast_in_dim3A_2052 = vector.broadcast %convert_element_type3A_2049 : f32 to vector<8x4096xf32>
        %select_n3A_2053 = arith.select %gt3A_2050, %broadcast_in_dim3A_2052, %select_n3A_2043 : vector<8x4096xi1>, vector<8x4096xf32>
        %slice3A_2054 = vector.extract_strided_slice %dot_general3A_56 {offsets = [1600, 0], sizes = [8, 4096], strides = [1, 1]} : vector<2048x4096xf32> to vector<8x4096xf32>
        %mul3A_2055 = arith.constant 256 : i32
        %mul3A_2056 = arith.muli %scan3A_42, %mul3A_2055 : i32
        %add3A_2057 = arith.constant 200 : i32
        %add3A_2058 = arith.addi %mul3A_2056, %add3A_2057 : i32
        %convert_element_type3A_2059 = arith.sitofp %add3A_2058 : i32 to f32
        %gt3A_2060 = arith.cmpf ogt, %slice3A_2054, %max3A_2051 : vector<8x4096xf32>
        %max3A_2061 = arith.maximumf %slice3A_2054, %max3A_2051 : vector<8x4096xf32>
        %broadcast_in_dim3A_2062 = vector.broadcast %convert_element_type3A_2059 : f32 to vector<8x4096xf32>
        %select_n3A_2063 = arith.select %gt3A_2060, %broadcast_in_dim3A_2062, %select_n3A_2053 : vector<8x4096xi1>, vector<8x4096xf32>
        %slice3A_2064 = vector.extract_strided_slice %dot_general3A_56 {offsets = [1608, 0], sizes = [8, 4096], strides = [1, 1]} : vector<2048x4096xf32> to vector<8x4096xf32>
        %mul3A_2065 = arith.constant 256 : i32
        %mul3A_2066 = arith.muli %scan3A_42, %mul3A_2065 : i32
        %add3A_2067 = arith.constant 201 : i32
        %add3A_2068 = arith.addi %mul3A_2066, %add3A_2067 : i32
        %convert_element_type3A_2069 = arith.sitofp %add3A_2068 : i32 to f32
        %gt3A_2070 = arith.cmpf ogt, %slice3A_2064, %max3A_2061 : vector<8x4096xf32>
        %max3A_2071 = arith.maximumf %slice3A_2064, %max3A_2061 : vector<8x4096xf32>
        %broadcast_in_dim3A_2072 = vector.broadcast %convert_element_type3A_2069 : f32 to vector<8x4096xf32>
        %select_n3A_2073 = arith.select %gt3A_2070, %broadcast_in_dim3A_2072, %select_n3A_2063 : vector<8x4096xi1>, vector<8x4096xf32>
        %slice3A_2074 = vector.extract_strided_slice %dot_general3A_56 {offsets = [1616, 0], sizes = [8, 4096], strides = [1, 1]} : vector<2048x4096xf32> to vector<8x4096xf32>
        %mul3A_2075 = arith.constant 256 : i32
        %mul3A_2076 = arith.muli %scan3A_42, %mul3A_2075 : i32
        %add3A_2077 = arith.constant 202 : i32
        %add3A_2078 = arith.addi %mul3A_2076, %add3A_2077 : i32
        %convert_element_type3A_2079 = arith.sitofp %add3A_2078 : i32 to f32
        %gt3A_2080 = arith.cmpf ogt, %slice3A_2074, %max3A_2071 : vector<8x4096xf32>
        %max3A_2081 = arith.maximumf %slice3A_2074, %max3A_2071 : vector<8x4096xf32>
        %broadcast_in_dim3A_2082 = vector.broadcast %convert_element_type3A_2079 : f32 to vector<8x4096xf32>
        %select_n3A_2083 = arith.select %gt3A_2080, %broadcast_in_dim3A_2082, %select_n3A_2073 : vector<8x4096xi1>, vector<8x4096xf32>
        %slice3A_2084 = vector.extract_strided_slice %dot_general3A_56 {offsets = [1624, 0], sizes = [8, 4096], strides = [1, 1]} : vector<2048x4096xf32> to vector<8x4096xf32>
        %mul3A_2085 = arith.constant 256 : i32
        %mul3A_2086 = arith.muli %scan3A_42, %mul3A_2085 : i32
        %add3A_2087 = arith.constant 203 : i32
        %add3A_2088 = arith.addi %mul3A_2086, %add3A_2087 : i32
        %convert_element_type3A_2089 = arith.sitofp %add3A_2088 : i32 to f32
        %gt3A_2090 = arith.cmpf ogt, %slice3A_2084, %max3A_2081 : vector<8x4096xf32>
        %max3A_2091 = arith.maximumf %slice3A_2084, %max3A_2081 : vector<8x4096xf32>
        %broadcast_in_dim3A_2092 = vector.broadcast %convert_element_type3A_2089 : f32 to vector<8x4096xf32>
        %select_n3A_2093 = arith.select %gt3A_2090, %broadcast_in_dim3A_2092, %select_n3A_2083 : vector<8x4096xi1>, vector<8x4096xf32>
        %slice3A_2094 = vector.extract_strided_slice %dot_general3A_56 {offsets = [1632, 0], sizes = [8, 4096], strides = [1, 1]} : vector<2048x4096xf32> to vector<8x4096xf32>
        %mul3A_2095 = arith.constant 256 : i32
        %mul3A_2096 = arith.muli %scan3A_42, %mul3A_2095 : i32
        %add3A_2097 = arith.constant 204 : i32
        %add3A_2098 = arith.addi %mul3A_2096, %add3A_2097 : i32
        %convert_element_type3A_2099 = arith.sitofp %add3A_2098 : i32 to f32
        %gt3A_2100 = arith.cmpf ogt, %slice3A_2094, %max3A_2091 : vector<8x4096xf32>
        %max3A_2101 = arith.maximumf %slice3A_2094, %max3A_2091 : vector<8x4096xf32>
        %broadcast_in_dim3A_2102 = vector.broadcast %convert_element_type3A_2099 : f32 to vector<8x4096xf32>
        %select_n3A_2103 = arith.select %gt3A_2100, %broadcast_in_dim3A_2102, %select_n3A_2093 : vector<8x4096xi1>, vector<8x4096xf32>
        %slice3A_2104 = vector.extract_strided_slice %dot_general3A_56 {offsets = [1640, 0], sizes = [8, 4096], strides = [1, 1]} : vector<2048x4096xf32> to vector<8x4096xf32>
        %mul3A_2105 = arith.constant 256 : i32
        %mul3A_2106 = arith.muli %scan3A_42, %mul3A_2105 : i32
        %add3A_2107 = arith.constant 205 : i32
        %add3A_2108 = arith.addi %mul3A_2106, %add3A_2107 : i32
        %convert_element_type3A_2109 = arith.sitofp %add3A_2108 : i32 to f32
        %gt3A_2110 = arith.cmpf ogt, %slice3A_2104, %max3A_2101 : vector<8x4096xf32>
        %max3A_2111 = arith.maximumf %slice3A_2104, %max3A_2101 : vector<8x4096xf32>
        %broadcast_in_dim3A_2112 = vector.broadcast %convert_element_type3A_2109 : f32 to vector<8x4096xf32>
        %select_n3A_2113 = arith.select %gt3A_2110, %broadcast_in_dim3A_2112, %select_n3A_2103 : vector<8x4096xi1>, vector<8x4096xf32>
        %slice3A_2114 = vector.extract_strided_slice %dot_general3A_56 {offsets = [1648, 0], sizes = [8, 4096], strides = [1, 1]} : vector<2048x4096xf32> to vector<8x4096xf32>
        %mul3A_2115 = arith.constant 256 : i32
        %mul3A_2116 = arith.muli %scan3A_42, %mul3A_2115 : i32
        %add3A_2117 = arith.constant 206 : i32
        %add3A_2118 = arith.addi %mul3A_2116, %add3A_2117 : i32
        %convert_element_type3A_2119 = arith.sitofp %add3A_2118 : i32 to f32
        %gt3A_2120 = arith.cmpf ogt, %slice3A_2114, %max3A_2111 : vector<8x4096xf32>
        %max3A_2121 = arith.maximumf %slice3A_2114, %max3A_2111 : vector<8x4096xf32>
        %broadcast_in_dim3A_2122 = vector.broadcast %convert_element_type3A_2119 : f32 to vector<8x4096xf32>
        %select_n3A_2123 = arith.select %gt3A_2120, %broadcast_in_dim3A_2122, %select_n3A_2113 : vector<8x4096xi1>, vector<8x4096xf32>
        %slice3A_2124 = vector.extract_strided_slice %dot_general3A_56 {offsets = [1656, 0], sizes = [8, 4096], strides = [1, 1]} : vector<2048x4096xf32> to vector<8x4096xf32>
        %mul3A_2125 = arith.constant 256 : i32
        %mul3A_2126 = arith.muli %scan3A_42, %mul3A_2125 : i32
        %add3A_2127 = arith.constant 207 : i32
        %add3A_2128 = arith.addi %mul3A_2126, %add3A_2127 : i32
        %convert_element_type3A_2129 = arith.sitofp %add3A_2128 : i32 to f32
        %gt3A_2130 = arith.cmpf ogt, %slice3A_2124, %max3A_2121 : vector<8x4096xf32>
        %max3A_2131 = arith.maximumf %slice3A_2124, %max3A_2121 : vector<8x4096xf32>
        %broadcast_in_dim3A_2132 = vector.broadcast %convert_element_type3A_2129 : f32 to vector<8x4096xf32>
        %select_n3A_2133 = arith.select %gt3A_2130, %broadcast_in_dim3A_2132, %select_n3A_2123 : vector<8x4096xi1>, vector<8x4096xf32>
        %slice3A_2134 = vector.extract_strided_slice %dot_general3A_56 {offsets = [1664, 0], sizes = [8, 4096], strides = [1, 1]} : vector<2048x4096xf32> to vector<8x4096xf32>
        %mul3A_2135 = arith.constant 256 : i32
        %mul3A_2136 = arith.muli %scan3A_42, %mul3A_2135 : i32
        %add3A_2137 = arith.constant 208 : i32
        %add3A_2138 = arith.addi %mul3A_2136, %add3A_2137 : i32
        %convert_element_type3A_2139 = arith.sitofp %add3A_2138 : i32 to f32
        %gt3A_2140 = arith.cmpf ogt, %slice3A_2134, %max3A_2131 : vector<8x4096xf32>
        %max3A_2141 = arith.maximumf %slice3A_2134, %max3A_2131 : vector<8x4096xf32>
        %broadcast_in_dim3A_2142 = vector.broadcast %convert_element_type3A_2139 : f32 to vector<8x4096xf32>
        %select_n3A_2143 = arith.select %gt3A_2140, %broadcast_in_dim3A_2142, %select_n3A_2133 : vector<8x4096xi1>, vector<8x4096xf32>
        %slice3A_2144 = vector.extract_strided_slice %dot_general3A_56 {offsets = [1672, 0], sizes = [8, 4096], strides = [1, 1]} : vector<2048x4096xf32> to vector<8x4096xf32>
        %mul3A_2145 = arith.constant 256 : i32
        %mul3A_2146 = arith.muli %scan3A_42, %mul3A_2145 : i32
        %add3A_2147 = arith.constant 209 : i32
        %add3A_2148 = arith.addi %mul3A_2146, %add3A_2147 : i32
        %convert_element_type3A_2149 = arith.sitofp %add3A_2148 : i32 to f32
        %gt3A_2150 = arith.cmpf ogt, %slice3A_2144, %max3A_2141 : vector<8x4096xf32>
        %max3A_2151 = arith.maximumf %slice3A_2144, %max3A_2141 : vector<8x4096xf32>
        %broadcast_in_dim3A_2152 = vector.broadcast %convert_element_type3A_2149 : f32 to vector<8x4096xf32>
        %select_n3A_2153 = arith.select %gt3A_2150, %broadcast_in_dim3A_2152, %select_n3A_2143 : vector<8x4096xi1>, vector<8x4096xf32>
        %slice3A_2154 = vector.extract_strided_slice %dot_general3A_56 {offsets = [1680, 0], sizes = [8, 4096], strides = [1, 1]} : vector<2048x4096xf32> to vector<8x4096xf32>
        %mul3A_2155 = arith.constant 256 : i32
        %mul3A_2156 = arith.muli %scan3A_42, %mul3A_2155 : i32
        %add3A_2157 = arith.constant 210 : i32
        %add3A_2158 = arith.addi %mul3A_2156, %add3A_2157 : i32
        %convert_element_type3A_2159 = arith.sitofp %add3A_2158 : i32 to f32
        %gt3A_2160 = arith.cmpf ogt, %slice3A_2154, %max3A_2151 : vector<8x4096xf32>
        %max3A_2161 = arith.maximumf %slice3A_2154, %max3A_2151 : vector<8x4096xf32>
        %broadcast_in_dim3A_2162 = vector.broadcast %convert_element_type3A_2159 : f32 to vector<8x4096xf32>
        %select_n3A_2163 = arith.select %gt3A_2160, %broadcast_in_dim3A_2162, %select_n3A_2153 : vector<8x4096xi1>, vector<8x4096xf32>
        %slice3A_2164 = vector.extract_strided_slice %dot_general3A_56 {offsets = [1688, 0], sizes = [8, 4096], strides = [1, 1]} : vector<2048x4096xf32> to vector<8x4096xf32>
        %mul3A_2165 = arith.constant 256 : i32
        %mul3A_2166 = arith.muli %scan3A_42, %mul3A_2165 : i32
        %add3A_2167 = arith.constant 211 : i32
        %add3A_2168 = arith.addi %mul3A_2166, %add3A_2167 : i32
        %convert_element_type3A_2169 = arith.sitofp %add3A_2168 : i32 to f32
        %gt3A_2170 = arith.cmpf ogt, %slice3A_2164, %max3A_2161 : vector<8x4096xf32>
        %max3A_2171 = arith.maximumf %slice3A_2164, %max3A_2161 : vector<8x4096xf32>
        %broadcast_in_dim3A_2172 = vector.broadcast %convert_element_type3A_2169 : f32 to vector<8x4096xf32>
        %select_n3A_2173 = arith.select %gt3A_2170, %broadcast_in_dim3A_2172, %select_n3A_2163 : vector<8x4096xi1>, vector<8x4096xf32>
        %slice3A_2174 = vector.extract_strided_slice %dot_general3A_56 {offsets = [1696, 0], sizes = [8, 4096], strides = [1, 1]} : vector<2048x4096xf32> to vector<8x4096xf32>
        %mul3A_2175 = arith.constant 256 : i32
        %mul3A_2176 = arith.muli %scan3A_42, %mul3A_2175 : i32
        %add3A_2177 = arith.constant 212 : i32
        %add3A_2178 = arith.addi %mul3A_2176, %add3A_2177 : i32
        %convert_element_type3A_2179 = arith.sitofp %add3A_2178 : i32 to f32
        %gt3A_2180 = arith.cmpf ogt, %slice3A_2174, %max3A_2171 : vector<8x4096xf32>
        %max3A_2181 = arith.maximumf %slice3A_2174, %max3A_2171 : vector<8x4096xf32>
        %broadcast_in_dim3A_2182 = vector.broadcast %convert_element_type3A_2179 : f32 to vector<8x4096xf32>
        %select_n3A_2183 = arith.select %gt3A_2180, %broadcast_in_dim3A_2182, %select_n3A_2173 : vector<8x4096xi1>, vector<8x4096xf32>
        %slice3A_2184 = vector.extract_strided_slice %dot_general3A_56 {offsets = [1704, 0], sizes = [8, 4096], strides = [1, 1]} : vector<2048x4096xf32> to vector<8x4096xf32>
        %mul3A_2185 = arith.constant 256 : i32
        %mul3A_2186 = arith.muli %scan3A_42, %mul3A_2185 : i32
        %add3A_2187 = arith.constant 213 : i32
        %add3A_2188 = arith.addi %mul3A_2186, %add3A_2187 : i32
        %convert_element_type3A_2189 = arith.sitofp %add3A_2188 : i32 to f32
        %gt3A_2190 = arith.cmpf ogt, %slice3A_2184, %max3A_2181 : vector<8x4096xf32>
        %max3A_2191 = arith.maximumf %slice3A_2184, %max3A_2181 : vector<8x4096xf32>
        %broadcast_in_dim3A_2192 = vector.broadcast %convert_element_type3A_2189 : f32 to vector<8x4096xf32>
        %select_n3A_2193 = arith.select %gt3A_2190, %broadcast_in_dim3A_2192, %select_n3A_2183 : vector<8x4096xi1>, vector<8x4096xf32>
        %slice3A_2194 = vector.extract_strided_slice %dot_general3A_56 {offsets = [1712, 0], sizes = [8, 4096], strides = [1, 1]} : vector<2048x4096xf32> to vector<8x4096xf32>
        %mul3A_2195 = arith.constant 256 : i32
        %mul3A_2196 = arith.muli %scan3A_42, %mul3A_2195 : i32
        %add3A_2197 = arith.constant 214 : i32
        %add3A_2198 = arith.addi %mul3A_2196, %add3A_2197 : i32
        %convert_element_type3A_2199 = arith.sitofp %add3A_2198 : i32 to f32
        %gt3A_2200 = arith.cmpf ogt, %slice3A_2194, %max3A_2191 : vector<8x4096xf32>
        %max3A_2201 = arith.maximumf %slice3A_2194, %max3A_2191 : vector<8x4096xf32>
        %broadcast_in_dim3A_2202 = vector.broadcast %convert_element_type3A_2199 : f32 to vector<8x4096xf32>
        %select_n3A_2203 = arith.select %gt3A_2200, %broadcast_in_dim3A_2202, %select_n3A_2193 : vector<8x4096xi1>, vector<8x4096xf32>
        %slice3A_2204 = vector.extract_strided_slice %dot_general3A_56 {offsets = [1720, 0], sizes = [8, 4096], strides = [1, 1]} : vector<2048x4096xf32> to vector<8x4096xf32>
        %mul3A_2205 = arith.constant 256 : i32
        %mul3A_2206 = arith.muli %scan3A_42, %mul3A_2205 : i32
        %add3A_2207 = arith.constant 215 : i32
        %add3A_2208 = arith.addi %mul3A_2206, %add3A_2207 : i32
        %convert_element_type3A_2209 = arith.sitofp %add3A_2208 : i32 to f32
        %gt3A_2210 = arith.cmpf ogt, %slice3A_2204, %max3A_2201 : vector<8x4096xf32>
        %max3A_2211 = arith.maximumf %slice3A_2204, %max3A_2201 : vector<8x4096xf32>
        %broadcast_in_dim3A_2212 = vector.broadcast %convert_element_type3A_2209 : f32 to vector<8x4096xf32>
        %select_n3A_2213 = arith.select %gt3A_2210, %broadcast_in_dim3A_2212, %select_n3A_2203 : vector<8x4096xi1>, vector<8x4096xf32>
        %slice3A_2214 = vector.extract_strided_slice %dot_general3A_56 {offsets = [1728, 0], sizes = [8, 4096], strides = [1, 1]} : vector<2048x4096xf32> to vector<8x4096xf32>
        %mul3A_2215 = arith.constant 256 : i32
        %mul3A_2216 = arith.muli %scan3A_42, %mul3A_2215 : i32
        %add3A_2217 = arith.constant 216 : i32
        %add3A_2218 = arith.addi %mul3A_2216, %add3A_2217 : i32
        %convert_element_type3A_2219 = arith.sitofp %add3A_2218 : i32 to f32
        %gt3A_2220 = arith.cmpf ogt, %slice3A_2214, %max3A_2211 : vector<8x4096xf32>
        %max3A_2221 = arith.maximumf %slice3A_2214, %max3A_2211 : vector<8x4096xf32>
        %broadcast_in_dim3A_2222 = vector.broadcast %convert_element_type3A_2219 : f32 to vector<8x4096xf32>
        %select_n3A_2223 = arith.select %gt3A_2220, %broadcast_in_dim3A_2222, %select_n3A_2213 : vector<8x4096xi1>, vector<8x4096xf32>
        %slice3A_2224 = vector.extract_strided_slice %dot_general3A_56 {offsets = [1736, 0], sizes = [8, 4096], strides = [1, 1]} : vector<2048x4096xf32> to vector<8x4096xf32>
        %mul3A_2225 = arith.constant 256 : i32
        %mul3A_2226 = arith.muli %scan3A_42, %mul3A_2225 : i32
        %add3A_2227 = arith.constant 217 : i32
        %add3A_2228 = arith.addi %mul3A_2226, %add3A_2227 : i32
        %convert_element_type3A_2229 = arith.sitofp %add3A_2228 : i32 to f32
        %gt3A_2230 = arith.cmpf ogt, %slice3A_2224, %max3A_2221 : vector<8x4096xf32>
        %max3A_2231 = arith.maximumf %slice3A_2224, %max3A_2221 : vector<8x4096xf32>
        %broadcast_in_dim3A_2232 = vector.broadcast %convert_element_type3A_2229 : f32 to vector<8x4096xf32>
        %select_n3A_2233 = arith.select %gt3A_2230, %broadcast_in_dim3A_2232, %select_n3A_2223 : vector<8x4096xi1>, vector<8x4096xf32>
        %slice3A_2234 = vector.extract_strided_slice %dot_general3A_56 {offsets = [1744, 0], sizes = [8, 4096], strides = [1, 1]} : vector<2048x4096xf32> to vector<8x4096xf32>
        %mul3A_2235 = arith.constant 256 : i32
        %mul3A_2236 = arith.muli %scan3A_42, %mul3A_2235 : i32
        %add3A_2237 = arith.constant 218 : i32
        %add3A_2238 = arith.addi %mul3A_2236, %add3A_2237 : i32
        %convert_element_type3A_2239 = arith.sitofp %add3A_2238 : i32 to f32
        %gt3A_2240 = arith.cmpf ogt, %slice3A_2234, %max3A_2231 : vector<8x4096xf32>
        %max3A_2241 = arith.maximumf %slice3A_2234, %max3A_2231 : vector<8x4096xf32>
        %broadcast_in_dim3A_2242 = vector.broadcast %convert_element_type3A_2239 : f32 to vector<8x4096xf32>
        %select_n3A_2243 = arith.select %gt3A_2240, %broadcast_in_dim3A_2242, %select_n3A_2233 : vector<8x4096xi1>, vector<8x4096xf32>
        %slice3A_2244 = vector.extract_strided_slice %dot_general3A_56 {offsets = [1752, 0], sizes = [8, 4096], strides = [1, 1]} : vector<2048x4096xf32> to vector<8x4096xf32>
        %mul3A_2245 = arith.constant 256 : i32
        %mul3A_2246 = arith.muli %scan3A_42, %mul3A_2245 : i32
        %add3A_2247 = arith.constant 219 : i32
        %add3A_2248 = arith.addi %mul3A_2246, %add3A_2247 : i32
        %convert_element_type3A_2249 = arith.sitofp %add3A_2248 : i32 to f32
        %gt3A_2250 = arith.cmpf ogt, %slice3A_2244, %max3A_2241 : vector<8x4096xf32>
        %max3A_2251 = arith.maximumf %slice3A_2244, %max3A_2241 : vector<8x4096xf32>
        %broadcast_in_dim3A_2252 = vector.broadcast %convert_element_type3A_2249 : f32 to vector<8x4096xf32>
        %select_n3A_2253 = arith.select %gt3A_2250, %broadcast_in_dim3A_2252, %select_n3A_2243 : vector<8x4096xi1>, vector<8x4096xf32>
        %slice3A_2254 = vector.extract_strided_slice %dot_general3A_56 {offsets = [1760, 0], sizes = [8, 4096], strides = [1, 1]} : vector<2048x4096xf32> to vector<8x4096xf32>
        %mul3A_2255 = arith.constant 256 : i32
        %mul3A_2256 = arith.muli %scan3A_42, %mul3A_2255 : i32
        %add3A_2257 = arith.constant 220 : i32
        %add3A_2258 = arith.addi %mul3A_2256, %add3A_2257 : i32
        %convert_element_type3A_2259 = arith.sitofp %add3A_2258 : i32 to f32
        %gt3A_2260 = arith.cmpf ogt, %slice3A_2254, %max3A_2251 : vector<8x4096xf32>
        %max3A_2261 = arith.maximumf %slice3A_2254, %max3A_2251 : vector<8x4096xf32>
        %broadcast_in_dim3A_2262 = vector.broadcast %convert_element_type3A_2259 : f32 to vector<8x4096xf32>
        %select_n3A_2263 = arith.select %gt3A_2260, %broadcast_in_dim3A_2262, %select_n3A_2253 : vector<8x4096xi1>, vector<8x4096xf32>
        %slice3A_2264 = vector.extract_strided_slice %dot_general3A_56 {offsets = [1768, 0], sizes = [8, 4096], strides = [1, 1]} : vector<2048x4096xf32> to vector<8x4096xf32>
        %mul3A_2265 = arith.constant 256 : i32
        %mul3A_2266 = arith.muli %scan3A_42, %mul3A_2265 : i32
        %add3A_2267 = arith.constant 221 : i32
        %add3A_2268 = arith.addi %mul3A_2266, %add3A_2267 : i32
        %convert_element_type3A_2269 = arith.sitofp %add3A_2268 : i32 to f32
        %gt3A_2270 = arith.cmpf ogt, %slice3A_2264, %max3A_2261 : vector<8x4096xf32>
        %max3A_2271 = arith.maximumf %slice3A_2264, %max3A_2261 : vector<8x4096xf32>
        %broadcast_in_dim3A_2272 = vector.broadcast %convert_element_type3A_2269 : f32 to vector<8x4096xf32>
        %select_n3A_2273 = arith.select %gt3A_2270, %broadcast_in_dim3A_2272, %select_n3A_2263 : vector<8x4096xi1>, vector<8x4096xf32>
        %slice3A_2274 = vector.extract_strided_slice %dot_general3A_56 {offsets = [1776, 0], sizes = [8, 4096], strides = [1, 1]} : vector<2048x4096xf32> to vector<8x4096xf32>
        %mul3A_2275 = arith.constant 256 : i32
        %mul3A_2276 = arith.muli %scan3A_42, %mul3A_2275 : i32
        %add3A_2277 = arith.constant 222 : i32
        %add3A_2278 = arith.addi %mul3A_2276, %add3A_2277 : i32
        %convert_element_type3A_2279 = arith.sitofp %add3A_2278 : i32 to f32
        %gt3A_2280 = arith.cmpf ogt, %slice3A_2274, %max3A_2271 : vector<8x4096xf32>
        %max3A_2281 = arith.maximumf %slice3A_2274, %max3A_2271 : vector<8x4096xf32>
        %broadcast_in_dim3A_2282 = vector.broadcast %convert_element_type3A_2279 : f32 to vector<8x4096xf32>
        %select_n3A_2283 = arith.select %gt3A_2280, %broadcast_in_dim3A_2282, %select_n3A_2273 : vector<8x4096xi1>, vector<8x4096xf32>
        %slice3A_2284 = vector.extract_strided_slice %dot_general3A_56 {offsets = [1784, 0], sizes = [8, 4096], strides = [1, 1]} : vector<2048x4096xf32> to vector<8x4096xf32>
        %mul3A_2285 = arith.constant 256 : i32
        %mul3A_2286 = arith.muli %scan3A_42, %mul3A_2285 : i32
        %add3A_2287 = arith.constant 223 : i32
        %add3A_2288 = arith.addi %mul3A_2286, %add3A_2287 : i32
        %convert_element_type3A_2289 = arith.sitofp %add3A_2288 : i32 to f32
        %gt3A_2290 = arith.cmpf ogt, %slice3A_2284, %max3A_2281 : vector<8x4096xf32>
        %max3A_2291 = arith.maximumf %slice3A_2284, %max3A_2281 : vector<8x4096xf32>
        %broadcast_in_dim3A_2292 = vector.broadcast %convert_element_type3A_2289 : f32 to vector<8x4096xf32>
        %select_n3A_2293 = arith.select %gt3A_2290, %broadcast_in_dim3A_2292, %select_n3A_2283 : vector<8x4096xi1>, vector<8x4096xf32>
        %slice3A_2294 = vector.extract_strided_slice %dot_general3A_56 {offsets = [1792, 0], sizes = [8, 4096], strides = [1, 1]} : vector<2048x4096xf32> to vector<8x4096xf32>
        %mul3A_2295 = arith.constant 256 : i32
        %mul3A_2296 = arith.muli %scan3A_42, %mul3A_2295 : i32
        %add3A_2297 = arith.constant 224 : i32
        %add3A_2298 = arith.addi %mul3A_2296, %add3A_2297 : i32
        %convert_element_type3A_2299 = arith.sitofp %add3A_2298 : i32 to f32
        %gt3A_2300 = arith.cmpf ogt, %slice3A_2294, %max3A_2291 : vector<8x4096xf32>
        %max3A_2301 = arith.maximumf %slice3A_2294, %max3A_2291 : vector<8x4096xf32>
        %broadcast_in_dim3A_2302 = vector.broadcast %convert_element_type3A_2299 : f32 to vector<8x4096xf32>
        %select_n3A_2303 = arith.select %gt3A_2300, %broadcast_in_dim3A_2302, %select_n3A_2293 : vector<8x4096xi1>, vector<8x4096xf32>
        %slice3A_2304 = vector.extract_strided_slice %dot_general3A_56 {offsets = [1800, 0], sizes = [8, 4096], strides = [1, 1]} : vector<2048x4096xf32> to vector<8x4096xf32>
        %mul3A_2305 = arith.constant 256 : i32
        %mul3A_2306 = arith.muli %scan3A_42, %mul3A_2305 : i32
        %add3A_2307 = arith.constant 225 : i32
        %add3A_2308 = arith.addi %mul3A_2306, %add3A_2307 : i32
        %convert_element_type3A_2309 = arith.sitofp %add3A_2308 : i32 to f32
        %gt3A_2310 = arith.cmpf ogt, %slice3A_2304, %max3A_2301 : vector<8x4096xf32>
        %max3A_2311 = arith.maximumf %slice3A_2304, %max3A_2301 : vector<8x4096xf32>
        %broadcast_in_dim3A_2312 = vector.broadcast %convert_element_type3A_2309 : f32 to vector<8x4096xf32>
        %select_n3A_2313 = arith.select %gt3A_2310, %broadcast_in_dim3A_2312, %select_n3A_2303 : vector<8x4096xi1>, vector<8x4096xf32>
        %slice3A_2314 = vector.extract_strided_slice %dot_general3A_56 {offsets = [1808, 0], sizes = [8, 4096], strides = [1, 1]} : vector<2048x4096xf32> to vector<8x4096xf32>
        %mul3A_2315 = arith.constant 256 : i32
        %mul3A_2316 = arith.muli %scan3A_42, %mul3A_2315 : i32
        %add3A_2317 = arith.constant 226 : i32
        %add3A_2318 = arith.addi %mul3A_2316, %add3A_2317 : i32
        %convert_element_type3A_2319 = arith.sitofp %add3A_2318 : i32 to f32
        %gt3A_2320 = arith.cmpf ogt, %slice3A_2314, %max3A_2311 : vector<8x4096xf32>
        %max3A_2321 = arith.maximumf %slice3A_2314, %max3A_2311 : vector<8x4096xf32>
        %broadcast_in_dim3A_2322 = vector.broadcast %convert_element_type3A_2319 : f32 to vector<8x4096xf32>
        %select_n3A_2323 = arith.select %gt3A_2320, %broadcast_in_dim3A_2322, %select_n3A_2313 : vector<8x4096xi1>, vector<8x4096xf32>
        %slice3A_2324 = vector.extract_strided_slice %dot_general3A_56 {offsets = [1816, 0], sizes = [8, 4096], strides = [1, 1]} : vector<2048x4096xf32> to vector<8x4096xf32>
        %mul3A_2325 = arith.constant 256 : i32
        %mul3A_2326 = arith.muli %scan3A_42, %mul3A_2325 : i32
        %add3A_2327 = arith.constant 227 : i32
        %add3A_2328 = arith.addi %mul3A_2326, %add3A_2327 : i32
        %convert_element_type3A_2329 = arith.sitofp %add3A_2328 : i32 to f32
        %gt3A_2330 = arith.cmpf ogt, %slice3A_2324, %max3A_2321 : vector<8x4096xf32>
        %max3A_2331 = arith.maximumf %slice3A_2324, %max3A_2321 : vector<8x4096xf32>
        %broadcast_in_dim3A_2332 = vector.broadcast %convert_element_type3A_2329 : f32 to vector<8x4096xf32>
        %select_n3A_2333 = arith.select %gt3A_2330, %broadcast_in_dim3A_2332, %select_n3A_2323 : vector<8x4096xi1>, vector<8x4096xf32>
        %slice3A_2334 = vector.extract_strided_slice %dot_general3A_56 {offsets = [1824, 0], sizes = [8, 4096], strides = [1, 1]} : vector<2048x4096xf32> to vector<8x4096xf32>
        %mul3A_2335 = arith.constant 256 : i32
        %mul3A_2336 = arith.muli %scan3A_42, %mul3A_2335 : i32
        %add3A_2337 = arith.constant 228 : i32
        %add3A_2338 = arith.addi %mul3A_2336, %add3A_2337 : i32
        %convert_element_type3A_2339 = arith.sitofp %add3A_2338 : i32 to f32
        %gt3A_2340 = arith.cmpf ogt, %slice3A_2334, %max3A_2331 : vector<8x4096xf32>
        %max3A_2341 = arith.maximumf %slice3A_2334, %max3A_2331 : vector<8x4096xf32>
        %broadcast_in_dim3A_2342 = vector.broadcast %convert_element_type3A_2339 : f32 to vector<8x4096xf32>
        %select_n3A_2343 = arith.select %gt3A_2340, %broadcast_in_dim3A_2342, %select_n3A_2333 : vector<8x4096xi1>, vector<8x4096xf32>
        %slice3A_2344 = vector.extract_strided_slice %dot_general3A_56 {offsets = [1832, 0], sizes = [8, 4096], strides = [1, 1]} : vector<2048x4096xf32> to vector<8x4096xf32>
        %mul3A_2345 = arith.constant 256 : i32
        %mul3A_2346 = arith.muli %scan3A_42, %mul3A_2345 : i32
        %add3A_2347 = arith.constant 229 : i32
        %add3A_2348 = arith.addi %mul3A_2346, %add3A_2347 : i32
        %convert_element_type3A_2349 = arith.sitofp %add3A_2348 : i32 to f32
        %gt3A_2350 = arith.cmpf ogt, %slice3A_2344, %max3A_2341 : vector<8x4096xf32>
        %max3A_2351 = arith.maximumf %slice3A_2344, %max3A_2341 : vector<8x4096xf32>
        %broadcast_in_dim3A_2352 = vector.broadcast %convert_element_type3A_2349 : f32 to vector<8x4096xf32>
        %select_n3A_2353 = arith.select %gt3A_2350, %broadcast_in_dim3A_2352, %select_n3A_2343 : vector<8x4096xi1>, vector<8x4096xf32>
        %slice3A_2354 = vector.extract_strided_slice %dot_general3A_56 {offsets = [1840, 0], sizes = [8, 4096], strides = [1, 1]} : vector<2048x4096xf32> to vector<8x4096xf32>
        %mul3A_2355 = arith.constant 256 : i32
        %mul3A_2356 = arith.muli %scan3A_42, %mul3A_2355 : i32
        %add3A_2357 = arith.constant 230 : i32
        %add3A_2358 = arith.addi %mul3A_2356, %add3A_2357 : i32
        %convert_element_type3A_2359 = arith.sitofp %add3A_2358 : i32 to f32
        %gt3A_2360 = arith.cmpf ogt, %slice3A_2354, %max3A_2351 : vector<8x4096xf32>
        %max3A_2361 = arith.maximumf %slice3A_2354, %max3A_2351 : vector<8x4096xf32>
        %broadcast_in_dim3A_2362 = vector.broadcast %convert_element_type3A_2359 : f32 to vector<8x4096xf32>
        %select_n3A_2363 = arith.select %gt3A_2360, %broadcast_in_dim3A_2362, %select_n3A_2353 : vector<8x4096xi1>, vector<8x4096xf32>
        %slice3A_2364 = vector.extract_strided_slice %dot_general3A_56 {offsets = [1848, 0], sizes = [8, 4096], strides = [1, 1]} : vector<2048x4096xf32> to vector<8x4096xf32>
        %mul3A_2365 = arith.constant 256 : i32
        %mul3A_2366 = arith.muli %scan3A_42, %mul3A_2365 : i32
        %add3A_2367 = arith.constant 231 : i32
        %add3A_2368 = arith.addi %mul3A_2366, %add3A_2367 : i32
        %convert_element_type3A_2369 = arith.sitofp %add3A_2368 : i32 to f32
        %gt3A_2370 = arith.cmpf ogt, %slice3A_2364, %max3A_2361 : vector<8x4096xf32>
        %max3A_2371 = arith.maximumf %slice3A_2364, %max3A_2361 : vector<8x4096xf32>
        %broadcast_in_dim3A_2372 = vector.broadcast %convert_element_type3A_2369 : f32 to vector<8x4096xf32>
        %select_n3A_2373 = arith.select %gt3A_2370, %broadcast_in_dim3A_2372, %select_n3A_2363 : vector<8x4096xi1>, vector<8x4096xf32>
        %slice3A_2374 = vector.extract_strided_slice %dot_general3A_56 {offsets = [1856, 0], sizes = [8, 4096], strides = [1, 1]} : vector<2048x4096xf32> to vector<8x4096xf32>
        %mul3A_2375 = arith.constant 256 : i32
        %mul3A_2376 = arith.muli %scan3A_42, %mul3A_2375 : i32
        %add3A_2377 = arith.constant 232 : i32
        %add3A_2378 = arith.addi %mul3A_2376, %add3A_2377 : i32
        %convert_element_type3A_2379 = arith.sitofp %add3A_2378 : i32 to f32
        %gt3A_2380 = arith.cmpf ogt, %slice3A_2374, %max3A_2371 : vector<8x4096xf32>
        %max3A_2381 = arith.maximumf %slice3A_2374, %max3A_2371 : vector<8x4096xf32>
        %broadcast_in_dim3A_2382 = vector.broadcast %convert_element_type3A_2379 : f32 to vector<8x4096xf32>
        %select_n3A_2383 = arith.select %gt3A_2380, %broadcast_in_dim3A_2382, %select_n3A_2373 : vector<8x4096xi1>, vector<8x4096xf32>
        %slice3A_2384 = vector.extract_strided_slice %dot_general3A_56 {offsets = [1864, 0], sizes = [8, 4096], strides = [1, 1]} : vector<2048x4096xf32> to vector<8x4096xf32>
        %mul3A_2385 = arith.constant 256 : i32
        %mul3A_2386 = arith.muli %scan3A_42, %mul3A_2385 : i32
        %add3A_2387 = arith.constant 233 : i32
        %add3A_2388 = arith.addi %mul3A_2386, %add3A_2387 : i32
        %convert_element_type3A_2389 = arith.sitofp %add3A_2388 : i32 to f32
        %gt3A_2390 = arith.cmpf ogt, %slice3A_2384, %max3A_2381 : vector<8x4096xf32>
        %max3A_2391 = arith.maximumf %slice3A_2384, %max3A_2381 : vector<8x4096xf32>
        %broadcast_in_dim3A_2392 = vector.broadcast %convert_element_type3A_2389 : f32 to vector<8x4096xf32>
        %select_n3A_2393 = arith.select %gt3A_2390, %broadcast_in_dim3A_2392, %select_n3A_2383 : vector<8x4096xi1>, vector<8x4096xf32>
        %slice3A_2394 = vector.extract_strided_slice %dot_general3A_56 {offsets = [1872, 0], sizes = [8, 4096], strides = [1, 1]} : vector<2048x4096xf32> to vector<8x4096xf32>
        %mul3A_2395 = arith.constant 256 : i32
        %mul3A_2396 = arith.muli %scan3A_42, %mul3A_2395 : i32
        %add3A_2397 = arith.constant 234 : i32
        %add3A_2398 = arith.addi %mul3A_2396, %add3A_2397 : i32
        %convert_element_type3A_2399 = arith.sitofp %add3A_2398 : i32 to f32
        %gt3A_2400 = arith.cmpf ogt, %slice3A_2394, %max3A_2391 : vector<8x4096xf32>
        %max3A_2401 = arith.maximumf %slice3A_2394, %max3A_2391 : vector<8x4096xf32>
        %broadcast_in_dim3A_2402 = vector.broadcast %convert_element_type3A_2399 : f32 to vector<8x4096xf32>
        %select_n3A_2403 = arith.select %gt3A_2400, %broadcast_in_dim3A_2402, %select_n3A_2393 : vector<8x4096xi1>, vector<8x4096xf32>
        %slice3A_2404 = vector.extract_strided_slice %dot_general3A_56 {offsets = [1880, 0], sizes = [8, 4096], strides = [1, 1]} : vector<2048x4096xf32> to vector<8x4096xf32>
        %mul3A_2405 = arith.constant 256 : i32
        %mul3A_2406 = arith.muli %scan3A_42, %mul3A_2405 : i32
        %add3A_2407 = arith.constant 235 : i32
        %add3A_2408 = arith.addi %mul3A_2406, %add3A_2407 : i32
        %convert_element_type3A_2409 = arith.sitofp %add3A_2408 : i32 to f32
        %gt3A_2410 = arith.cmpf ogt, %slice3A_2404, %max3A_2401 : vector<8x4096xf32>
        %max3A_2411 = arith.maximumf %slice3A_2404, %max3A_2401 : vector<8x4096xf32>
        %broadcast_in_dim3A_2412 = vector.broadcast %convert_element_type3A_2409 : f32 to vector<8x4096xf32>
        %select_n3A_2413 = arith.select %gt3A_2410, %broadcast_in_dim3A_2412, %select_n3A_2403 : vector<8x4096xi1>, vector<8x4096xf32>
        %slice3A_2414 = vector.extract_strided_slice %dot_general3A_56 {offsets = [1888, 0], sizes = [8, 4096], strides = [1, 1]} : vector<2048x4096xf32> to vector<8x4096xf32>
        %mul3A_2415 = arith.constant 256 : i32
        %mul3A_2416 = arith.muli %scan3A_42, %mul3A_2415 : i32
        %add3A_2417 = arith.constant 236 : i32
        %add3A_2418 = arith.addi %mul3A_2416, %add3A_2417 : i32
        %convert_element_type3A_2419 = arith.sitofp %add3A_2418 : i32 to f32
        %gt3A_2420 = arith.cmpf ogt, %slice3A_2414, %max3A_2411 : vector<8x4096xf32>
        %max3A_2421 = arith.maximumf %slice3A_2414, %max3A_2411 : vector<8x4096xf32>
        %broadcast_in_dim3A_2422 = vector.broadcast %convert_element_type3A_2419 : f32 to vector<8x4096xf32>
        %select_n3A_2423 = arith.select %gt3A_2420, %broadcast_in_dim3A_2422, %select_n3A_2413 : vector<8x4096xi1>, vector<8x4096xf32>
        %slice3A_2424 = vector.extract_strided_slice %dot_general3A_56 {offsets = [1896, 0], sizes = [8, 4096], strides = [1, 1]} : vector<2048x4096xf32> to vector<8x4096xf32>
        %mul3A_2425 = arith.constant 256 : i32
        %mul3A_2426 = arith.muli %scan3A_42, %mul3A_2425 : i32
        %add3A_2427 = arith.constant 237 : i32
        %add3A_2428 = arith.addi %mul3A_2426, %add3A_2427 : i32
        %convert_element_type3A_2429 = arith.sitofp %add3A_2428 : i32 to f32
        %gt3A_2430 = arith.cmpf ogt, %slice3A_2424, %max3A_2421 : vector<8x4096xf32>
        %max3A_2431 = arith.maximumf %slice3A_2424, %max3A_2421 : vector<8x4096xf32>
        %broadcast_in_dim3A_2432 = vector.broadcast %convert_element_type3A_2429 : f32 to vector<8x4096xf32>
        %select_n3A_2433 = arith.select %gt3A_2430, %broadcast_in_dim3A_2432, %select_n3A_2423 : vector<8x4096xi1>, vector<8x4096xf32>
        %slice3A_2434 = vector.extract_strided_slice %dot_general3A_56 {offsets = [1904, 0], sizes = [8, 4096], strides = [1, 1]} : vector<2048x4096xf32> to vector<8x4096xf32>
        %mul3A_2435 = arith.constant 256 : i32
        %mul3A_2436 = arith.muli %scan3A_42, %mul3A_2435 : i32
        %add3A_2437 = arith.constant 238 : i32
        %add3A_2438 = arith.addi %mul3A_2436, %add3A_2437 : i32
        %convert_element_type3A_2439 = arith.sitofp %add3A_2438 : i32 to f32
        %gt3A_2440 = arith.cmpf ogt, %slice3A_2434, %max3A_2431 : vector<8x4096xf32>
        %max3A_2441 = arith.maximumf %slice3A_2434, %max3A_2431 : vector<8x4096xf32>
        %broadcast_in_dim3A_2442 = vector.broadcast %convert_element_type3A_2439 : f32 to vector<8x4096xf32>
        %select_n3A_2443 = arith.select %gt3A_2440, %broadcast_in_dim3A_2442, %select_n3A_2433 : vector<8x4096xi1>, vector<8x4096xf32>
        %slice3A_2444 = vector.extract_strided_slice %dot_general3A_56 {offsets = [1912, 0], sizes = [8, 4096], strides = [1, 1]} : vector<2048x4096xf32> to vector<8x4096xf32>
        %mul3A_2445 = arith.constant 256 : i32
        %mul3A_2446 = arith.muli %scan3A_42, %mul3A_2445 : i32
        %add3A_2447 = arith.constant 239 : i32
        %add3A_2448 = arith.addi %mul3A_2446, %add3A_2447 : i32
        %convert_element_type3A_2449 = arith.sitofp %add3A_2448 : i32 to f32
        %gt3A_2450 = arith.cmpf ogt, %slice3A_2444, %max3A_2441 : vector<8x4096xf32>
        %max3A_2451 = arith.maximumf %slice3A_2444, %max3A_2441 : vector<8x4096xf32>
        %broadcast_in_dim3A_2452 = vector.broadcast %convert_element_type3A_2449 : f32 to vector<8x4096xf32>
        %select_n3A_2453 = arith.select %gt3A_2450, %broadcast_in_dim3A_2452, %select_n3A_2443 : vector<8x4096xi1>, vector<8x4096xf32>
        %slice3A_2454 = vector.extract_strided_slice %dot_general3A_56 {offsets = [1920, 0], sizes = [8, 4096], strides = [1, 1]} : vector<2048x4096xf32> to vector<8x4096xf32>
        %mul3A_2455 = arith.constant 256 : i32
        %mul3A_2456 = arith.muli %scan3A_42, %mul3A_2455 : i32
        %add3A_2457 = arith.constant 240 : i32
        %add3A_2458 = arith.addi %mul3A_2456, %add3A_2457 : i32
        %convert_element_type3A_2459 = arith.sitofp %add3A_2458 : i32 to f32
        %gt3A_2460 = arith.cmpf ogt, %slice3A_2454, %max3A_2451 : vector<8x4096xf32>
        %max3A_2461 = arith.maximumf %slice3A_2454, %max3A_2451 : vector<8x4096xf32>
        %broadcast_in_dim3A_2462 = vector.broadcast %convert_element_type3A_2459 : f32 to vector<8x4096xf32>
        %select_n3A_2463 = arith.select %gt3A_2460, %broadcast_in_dim3A_2462, %select_n3A_2453 : vector<8x4096xi1>, vector<8x4096xf32>
        %slice3A_2464 = vector.extract_strided_slice %dot_general3A_56 {offsets = [1928, 0], sizes = [8, 4096], strides = [1, 1]} : vector<2048x4096xf32> to vector<8x4096xf32>
        %mul3A_2465 = arith.constant 256 : i32
        %mul3A_2466 = arith.muli %scan3A_42, %mul3A_2465 : i32
        %add3A_2467 = arith.constant 241 : i32
        %add3A_2468 = arith.addi %mul3A_2466, %add3A_2467 : i32
        %convert_element_type3A_2469 = arith.sitofp %add3A_2468 : i32 to f32
        %gt3A_2470 = arith.cmpf ogt, %slice3A_2464, %max3A_2461 : vector<8x4096xf32>
        %max3A_2471 = arith.maximumf %slice3A_2464, %max3A_2461 : vector<8x4096xf32>
        %broadcast_in_dim3A_2472 = vector.broadcast %convert_element_type3A_2469 : f32 to vector<8x4096xf32>
        %select_n3A_2473 = arith.select %gt3A_2470, %broadcast_in_dim3A_2472, %select_n3A_2463 : vector<8x4096xi1>, vector<8x4096xf32>
        %slice3A_2474 = vector.extract_strided_slice %dot_general3A_56 {offsets = [1936, 0], sizes = [8, 4096], strides = [1, 1]} : vector<2048x4096xf32> to vector<8x4096xf32>
        %mul3A_2475 = arith.constant 256 : i32
        %mul3A_2476 = arith.muli %scan3A_42, %mul3A_2475 : i32
        %add3A_2477 = arith.constant 242 : i32
        %add3A_2478 = arith.addi %mul3A_2476, %add3A_2477 : i32
        %convert_element_type3A_2479 = arith.sitofp %add3A_2478 : i32 to f32
        %gt3A_2480 = arith.cmpf ogt, %slice3A_2474, %max3A_2471 : vector<8x4096xf32>
        %max3A_2481 = arith.maximumf %slice3A_2474, %max3A_2471 : vector<8x4096xf32>
        %broadcast_in_dim3A_2482 = vector.broadcast %convert_element_type3A_2479 : f32 to vector<8x4096xf32>
        %select_n3A_2483 = arith.select %gt3A_2480, %broadcast_in_dim3A_2482, %select_n3A_2473 : vector<8x4096xi1>, vector<8x4096xf32>
        %slice3A_2484 = vector.extract_strided_slice %dot_general3A_56 {offsets = [1944, 0], sizes = [8, 4096], strides = [1, 1]} : vector<2048x4096xf32> to vector<8x4096xf32>
        %mul3A_2485 = arith.constant 256 : i32
        %mul3A_2486 = arith.muli %scan3A_42, %mul3A_2485 : i32
        %add3A_2487 = arith.constant 243 : i32
        %add3A_2488 = arith.addi %mul3A_2486, %add3A_2487 : i32
        %convert_element_type3A_2489 = arith.sitofp %add3A_2488 : i32 to f32
        %gt3A_2490 = arith.cmpf ogt, %slice3A_2484, %max3A_2481 : vector<8x4096xf32>
        %max3A_2491 = arith.maximumf %slice3A_2484, %max3A_2481 : vector<8x4096xf32>
        %broadcast_in_dim3A_2492 = vector.broadcast %convert_element_type3A_2489 : f32 to vector<8x4096xf32>
        %select_n3A_2493 = arith.select %gt3A_2490, %broadcast_in_dim3A_2492, %select_n3A_2483 : vector<8x4096xi1>, vector<8x4096xf32>
        %slice3A_2494 = vector.extract_strided_slice %dot_general3A_56 {offsets = [1952, 0], sizes = [8, 4096], strides = [1, 1]} : vector<2048x4096xf32> to vector<8x4096xf32>
        %mul3A_2495 = arith.constant 256 : i32
        %mul3A_2496 = arith.muli %scan3A_42, %mul3A_2495 : i32
        %add3A_2497 = arith.constant 244 : i32
        %add3A_2498 = arith.addi %mul3A_2496, %add3A_2497 : i32
        %convert_element_type3A_2499 = arith.sitofp %add3A_2498 : i32 to f32
        %gt3A_2500 = arith.cmpf ogt, %slice3A_2494, %max3A_2491 : vector<8x4096xf32>
        %max3A_2501 = arith.maximumf %slice3A_2494, %max3A_2491 : vector<8x4096xf32>
        %broadcast_in_dim3A_2502 = vector.broadcast %convert_element_type3A_2499 : f32 to vector<8x4096xf32>
        %select_n3A_2503 = arith.select %gt3A_2500, %broadcast_in_dim3A_2502, %select_n3A_2493 : vector<8x4096xi1>, vector<8x4096xf32>
        %slice3A_2504 = vector.extract_strided_slice %dot_general3A_56 {offsets = [1960, 0], sizes = [8, 4096], strides = [1, 1]} : vector<2048x4096xf32> to vector<8x4096xf32>
        %mul3A_2505 = arith.constant 256 : i32
        %mul3A_2506 = arith.muli %scan3A_42, %mul3A_2505 : i32
        %add3A_2507 = arith.constant 245 : i32
        %add3A_2508 = arith.addi %mul3A_2506, %add3A_2507 : i32
        %convert_element_type3A_2509 = arith.sitofp %add3A_2508 : i32 to f32
        %gt3A_2510 = arith.cmpf ogt, %slice3A_2504, %max3A_2501 : vector<8x4096xf32>
        %max3A_2511 = arith.maximumf %slice3A_2504, %max3A_2501 : vector<8x4096xf32>
        %broadcast_in_dim3A_2512 = vector.broadcast %convert_element_type3A_2509 : f32 to vector<8x4096xf32>
        %select_n3A_2513 = arith.select %gt3A_2510, %broadcast_in_dim3A_2512, %select_n3A_2503 : vector<8x4096xi1>, vector<8x4096xf32>
        %slice3A_2514 = vector.extract_strided_slice %dot_general3A_56 {offsets = [1968, 0], sizes = [8, 4096], strides = [1, 1]} : vector<2048x4096xf32> to vector<8x4096xf32>
        %mul3A_2515 = arith.constant 256 : i32
        %mul3A_2516 = arith.muli %scan3A_42, %mul3A_2515 : i32
        %add3A_2517 = arith.constant 246 : i32
        %add3A_2518 = arith.addi %mul3A_2516, %add3A_2517 : i32
        %convert_element_type3A_2519 = arith.sitofp %add3A_2518 : i32 to f32
        %gt3A_2520 = arith.cmpf ogt, %slice3A_2514, %max3A_2511 : vector<8x4096xf32>
        %max3A_2521 = arith.maximumf %slice3A_2514, %max3A_2511 : vector<8x4096xf32>
        %broadcast_in_dim3A_2522 = vector.broadcast %convert_element_type3A_2519 : f32 to vector<8x4096xf32>
        %select_n3A_2523 = arith.select %gt3A_2520, %broadcast_in_dim3A_2522, %select_n3A_2513 : vector<8x4096xi1>, vector<8x4096xf32>
        %slice3A_2524 = vector.extract_strided_slice %dot_general3A_56 {offsets = [1976, 0], sizes = [8, 4096], strides = [1, 1]} : vector<2048x4096xf32> to vector<8x4096xf32>
        %mul3A_2525 = arith.constant 256 : i32
        %mul3A_2526 = arith.muli %scan3A_42, %mul3A_2525 : i32
        %add3A_2527 = arith.constant 247 : i32
        %add3A_2528 = arith.addi %mul3A_2526, %add3A_2527 : i32
        %convert_element_type3A_2529 = arith.sitofp %add3A_2528 : i32 to f32
        %gt3A_2530 = arith.cmpf ogt, %slice3A_2524, %max3A_2521 : vector<8x4096xf32>
        %max3A_2531 = arith.maximumf %slice3A_2524, %max3A_2521 : vector<8x4096xf32>
        %broadcast_in_dim3A_2532 = vector.broadcast %convert_element_type3A_2529 : f32 to vector<8x4096xf32>
        %select_n3A_2533 = arith.select %gt3A_2530, %broadcast_in_dim3A_2532, %select_n3A_2523 : vector<8x4096xi1>, vector<8x4096xf32>
        %slice3A_2534 = vector.extract_strided_slice %dot_general3A_56 {offsets = [1984, 0], sizes = [8, 4096], strides = [1, 1]} : vector<2048x4096xf32> to vector<8x4096xf32>
        %mul3A_2535 = arith.constant 256 : i32
        %mul3A_2536 = arith.muli %scan3A_42, %mul3A_2535 : i32
        %add3A_2537 = arith.constant 248 : i32
        %add3A_2538 = arith.addi %mul3A_2536, %add3A_2537 : i32
        %convert_element_type3A_2539 = arith.sitofp %add3A_2538 : i32 to f32
        %gt3A_2540 = arith.cmpf ogt, %slice3A_2534, %max3A_2531 : vector<8x4096xf32>
        %max3A_2541 = arith.maximumf %slice3A_2534, %max3A_2531 : vector<8x4096xf32>
        %broadcast_in_dim3A_2542 = vector.broadcast %convert_element_type3A_2539 : f32 to vector<8x4096xf32>
        %select_n3A_2543 = arith.select %gt3A_2540, %broadcast_in_dim3A_2542, %select_n3A_2533 : vector<8x4096xi1>, vector<8x4096xf32>
        %slice3A_2544 = vector.extract_strided_slice %dot_general3A_56 {offsets = [1992, 0], sizes = [8, 4096], strides = [1, 1]} : vector<2048x4096xf32> to vector<8x4096xf32>
        %mul3A_2545 = arith.constant 256 : i32
        %mul3A_2546 = arith.muli %scan3A_42, %mul3A_2545 : i32
        %add3A_2547 = arith.constant 249 : i32
        %add3A_2548 = arith.addi %mul3A_2546, %add3A_2547 : i32
        %convert_element_type3A_2549 = arith.sitofp %add3A_2548 : i32 to f32
        %gt3A_2550 = arith.cmpf ogt, %slice3A_2544, %max3A_2541 : vector<8x4096xf32>
        %max3A_2551 = arith.maximumf %slice3A_2544, %max3A_2541 : vector<8x4096xf32>
        %broadcast_in_dim3A_2552 = vector.broadcast %convert_element_type3A_2549 : f32 to vector<8x4096xf32>
        %select_n3A_2553 = arith.select %gt3A_2550, %broadcast_in_dim3A_2552, %select_n3A_2543 : vector<8x4096xi1>, vector<8x4096xf32>
        %slice3A_2554 = vector.extract_strided_slice %dot_general3A_56 {offsets = [2000, 0], sizes = [8, 4096], strides = [1, 1]} : vector<2048x4096xf32> to vector<8x4096xf32>
        %mul3A_2555 = arith.constant 256 : i32
        %mul3A_2556 = arith.muli %scan3A_42, %mul3A_2555 : i32
        %add3A_2557 = arith.constant 250 : i32
        %add3A_2558 = arith.addi %mul3A_2556, %add3A_2557 : i32
        %convert_element_type3A_2559 = arith.sitofp %add3A_2558 : i32 to f32
        %gt3A_2560 = arith.cmpf ogt, %slice3A_2554, %max3A_2551 : vector<8x4096xf32>
        %max3A_2561 = arith.maximumf %slice3A_2554, %max3A_2551 : vector<8x4096xf32>
        %broadcast_in_dim3A_2562 = vector.broadcast %convert_element_type3A_2559 : f32 to vector<8x4096xf32>
        %select_n3A_2563 = arith.select %gt3A_2560, %broadcast_in_dim3A_2562, %select_n3A_2553 : vector<8x4096xi1>, vector<8x4096xf32>
        %slice3A_2564 = vector.extract_strided_slice %dot_general3A_56 {offsets = [2008, 0], sizes = [8, 4096], strides = [1, 1]} : vector<2048x4096xf32> to vector<8x4096xf32>
        %mul3A_2565 = arith.constant 256 : i32
        %mul3A_2566 = arith.muli %scan3A_42, %mul3A_2565 : i32
        %add3A_2567 = arith.constant 251 : i32
        %add3A_2568 = arith.addi %mul3A_2566, %add3A_2567 : i32
        %convert_element_type3A_2569 = arith.sitofp %add3A_2568 : i32 to f32
        %gt3A_2570 = arith.cmpf ogt, %slice3A_2564, %max3A_2561 : vector<8x4096xf32>
        %max3A_2571 = arith.maximumf %slice3A_2564, %max3A_2561 : vector<8x4096xf32>
        %broadcast_in_dim3A_2572 = vector.broadcast %convert_element_type3A_2569 : f32 to vector<8x4096xf32>
        %select_n3A_2573 = arith.select %gt3A_2570, %broadcast_in_dim3A_2572, %select_n3A_2563 : vector<8x4096xi1>, vector<8x4096xf32>
        %slice3A_2574 = vector.extract_strided_slice %dot_general3A_56 {offsets = [2016, 0], sizes = [8, 4096], strides = [1, 1]} : vector<2048x4096xf32> to vector<8x4096xf32>
        %mul3A_2575 = arith.constant 256 : i32
        %mul3A_2576 = arith.muli %scan3A_42, %mul3A_2575 : i32
        %add3A_2577 = arith.constant 252 : i32
        %add3A_2578 = arith.addi %mul3A_2576, %add3A_2577 : i32
        %convert_element_type3A_2579 = arith.sitofp %add3A_2578 : i32 to f32
        %gt3A_2580 = arith.cmpf ogt, %slice3A_2574, %max3A_2571 : vector<8x4096xf32>
        %max3A_2581 = arith.maximumf %slice3A_2574, %max3A_2571 : vector<8x4096xf32>
        %broadcast_in_dim3A_2582 = vector.broadcast %convert_element_type3A_2579 : f32 to vector<8x4096xf32>
        %select_n3A_2583 = arith.select %gt3A_2580, %broadcast_in_dim3A_2582, %select_n3A_2573 : vector<8x4096xi1>, vector<8x4096xf32>
        %slice3A_2584 = vector.extract_strided_slice %dot_general3A_56 {offsets = [2024, 0], sizes = [8, 4096], strides = [1, 1]} : vector<2048x4096xf32> to vector<8x4096xf32>
        %mul3A_2585 = arith.constant 256 : i32
        %mul3A_2586 = arith.muli %scan3A_42, %mul3A_2585 : i32
        %add3A_2587 = arith.constant 253 : i32
        %add3A_2588 = arith.addi %mul3A_2586, %add3A_2587 : i32
        %convert_element_type3A_2589 = arith.sitofp %add3A_2588 : i32 to f32
        %gt3A_2590 = arith.cmpf ogt, %slice3A_2584, %max3A_2581 : vector<8x4096xf32>
        %max3A_2591 = arith.maximumf %slice3A_2584, %max3A_2581 : vector<8x4096xf32>
        %broadcast_in_dim3A_2592 = vector.broadcast %convert_element_type3A_2589 : f32 to vector<8x4096xf32>
        %select_n3A_2593 = arith.select %gt3A_2590, %broadcast_in_dim3A_2592, %select_n3A_2583 : vector<8x4096xi1>, vector<8x4096xf32>
        %slice3A_2594 = vector.extract_strided_slice %dot_general3A_56 {offsets = [2032, 0], sizes = [8, 4096], strides = [1, 1]} : vector<2048x4096xf32> to vector<8x4096xf32>
        %mul3A_2595 = arith.constant 256 : i32
        %mul3A_2596 = arith.muli %scan3A_42, %mul3A_2595 : i32
        %add3A_2597 = arith.constant 254 : i32
        %add3A_2598 = arith.addi %mul3A_2596, %add3A_2597 : i32
        %convert_element_type3A_2599 = arith.sitofp %add3A_2598 : i32 to f32
        %gt3A_2600 = arith.cmpf ogt, %slice3A_2594, %max3A_2591 : vector<8x4096xf32>
        %max3A_2601 = arith.maximumf %slice3A_2594, %max3A_2591 : vector<8x4096xf32>
        %broadcast_in_dim3A_2602 = vector.broadcast %convert_element_type3A_2599 : f32 to vector<8x4096xf32>
        %select_n3A_2603 = arith.select %gt3A_2600, %broadcast_in_dim3A_2602, %select_n3A_2593 : vector<8x4096xi1>, vector<8x4096xf32>
        %slice3A_2604 = vector.extract_strided_slice %dot_general3A_56 {offsets = [2040, 0], sizes = [8, 4096], strides = [1, 1]} : vector<2048x4096xf32> to vector<8x4096xf32>
        %mul3A_2605 = arith.constant 256 : i32
        %mul3A_2606 = arith.muli %scan3A_42, %mul3A_2605 : i32
        %add3A_2607 = arith.constant 255 : i32
        %add3A_2608 = arith.addi %mul3A_2606, %add3A_2607 : i32
        %convert_element_type3A_2609 = arith.sitofp %add3A_2608 : i32 to f32
        %gt3A_2610 = arith.cmpf ogt, %slice3A_2604, %max3A_2601 : vector<8x4096xf32>
        %max3A_2611 = arith.maximumf %slice3A_2604, %max3A_2601 : vector<8x4096xf32>
        %broadcast_in_dim3A_2612 = vector.broadcast %convert_element_type3A_2609 : f32 to vector<8x4096xf32>
        %select_n3A_2613 = arith.select %gt3A_2610, %broadcast_in_dim3A_2612, %select_n3A_2603 : vector<8x4096xi1>, vector<8x4096xf32>
        scf.yield %max3A_2611, %select_n3A_2613 : vector<8x4096xf32>, vector<8x4096xf32>
      }
      %scan3A_14 = arith.constant 2 : i32
      %iota3A = tpu.iota {dimensions = array<i32: 0>} : vector<8x4096xi32>
      %convert_element_type3A_15 = arith.sitofp %iota3A : vector<8x4096xi32> to vector<8x4096xf32>
      %mul3A = arith.constant 8.000000e+00 : f32
      %mul3A_16 = vector.broadcast %mul3A : f32 to vector<8x4096xf32>
      %mul3A_17 = arith.mulf %scan3A_13#1, %mul3A_16 : vector<8x4096xf32>
      %add3A = arith.addf %mul3A_17, %convert_element_type3A_15 : vector<8x4096xf32>
      %reduce_max3A = arith.constant dense<0xFF800000> : vector<4096xf32>
      %reduce_max3A_18 = vector.multi_reduction <maximumf>, %scan3A_13#0, %reduce_max3A [0] : vector<8x4096xf32> to vector<4096xf32>
      %broadcast_in_dim3A_19 = vector.shape_cast %reduce_max3A_18 : vector<4096xf32> to vector<1x4096xf32>
      %eq3A_20 = vector.broadcast %broadcast_in_dim3A_19 : vector<1x4096xf32> to vector<8x4096xf32>
      %eq3A_21 = arith.cmpf oeq, %scan3A_13#0, %eq3A_20 : vector<8x4096xf32>
      %jit3A = arith.constant 4.096000e+03 : f32
      %broadcast_in_dim3A_22 = vector.broadcast %jit3A : f32 to vector<8x4096xf32>
      %select_n3A = arith.select %eq3A_21, %add3A, %broadcast_in_dim3A_22 : vector<8x4096xi1>, vector<8x4096xf32>
      %reduce_min3A = arith.constant dense<0x7F800000> : vector<4096xf32>
      %reduce_min3A_23 = vector.multi_reduction <minimumf>, %select_n3A, %reduce_min3A [0] : vector<8x4096xf32> to vector<4096xf32>
      %convert_element_type3A_24 = arith.fptosi %reduce_min3A_23 : vector<4096xf32> to vector<4096xi32>
      %swap3A = arith.constant 0 : index
      %swap3A_25 = arith.constant 0 : index
      %swap3A_26 = arith.constant 0 : index
      %swap3A_27 = vector.load %arg7[%swap3A, %swap3A_25, %swap3A_26] : memref<1x1x4096xi32, #tpu.memory_space<vmem>>, vector<1x1x4096xi32>
      %swap3A_28 = vector.shape_cast %swap3A_27 : vector<1x1x4096xi32> to vector<4096xi32>
      %swap3A_29 = vector.shape_cast %convert_element_type3A_24 : vector<4096xi32> to vector<1x1x4096xi32>
      tpu.vector_store %arg7[%swap3A, %swap3A_25, %swap3A_26], %swap3A_29 {strides = array<i32>} : memref<1x1x4096xi32, #tpu.memory_space<vmem>>, vector<1x1x4096xi32>,
      %add3A_30 = arith.constant 1.000000e+00 : f32
      %add3A_31 = vector.broadcast %add3A_30 : f32 to vector<4096xf32>
      %add3A_32 = arith.addf %reduce_max3A_18, %add3A_31 : vector<4096xf32>
      %mul3A_33 = arith.constant 5.000000e-01 : f32
      %mul3A_34 = vector.broadcast %mul3A_33 : f32 to vector<4096xf32>
      %mul3A_35 = arith.mulf %add3A_32, %mul3A_34 : vector<4096xf32>
      %swap3A_36 = arith.constant 0 : index
      %swap3A_37 = arith.constant 0 : index
      %swap3A_38 = arith.constant 0 : index
      %swap3A_39 = vector.load %arg8[%swap3A_36, %swap3A_37, %swap3A_38] : memref<1x1x4096xf32, #tpu.memory_space<vmem>>, vector<1x1x4096xf32>
      %swap3A_40 = vector.shape_cast %swap3A_39 : vector<1x1x4096xf32> to vector<4096xf32>
      %swap3A_41 = vector.shape_cast %mul3A_35 : vector<4096xf32> to vector<1x1x4096xf32>
      tpu.vector_store %arg8[%swap3A_36, %swap3A_37, %swap3A_38], %swap3A_41 {strides = array<i32>} : memref<1x1x4096xf32, #tpu.memory_space<vmem>>, vector<1x1x4096xf32>,
    } else {
    }
    %eq3A_2 = arith.constant 1 : i32
    %eq3A_3 = arith.cmpi eq, %arg2, %eq3A_2 : i32
    %convert_element_type3A_4 = arith.extui %eq3A_3 : i1 to i32
    %cond3A_5 = arith.constant 0 : i32
    %cond3A_6 = arith.cmpi ne, %convert_element_type3A_4, %cond3A_5 : i32
    scf.if %cond3A_6 {
      %broadcast_in_dim3A = arith.constant 0xFF800000 : f32
      %broadcast_in_dim3A_7 = vector.broadcast %broadcast_in_dim3A : f32 to vector<8x4096xf32>
      %broadcast_in_dim3A_8 = arith.constant 0.000000e+00 : f32
      %broadcast_in_dim3A_9 = vector.broadcast %broadcast_in_dim3A_8 : f32 to vector<8x4096xf32>
      %scan3A = arith.constant 0 : i32
      %scan3A_10 = arith.constant 2 : i32
      %scan3A_11 = arith.addi %scan3A, %scan3A_10 : i32
      %scan3A_12 = arith.constant 1 : i32
      %scan3A_13:2 = scf.for %scan3A_42 = %scan3A to %scan3A_11 step %scan3A_12 iter_args(%scan3A_43 = %broadcast_in_dim3A_7, %scan3A_44 = %broadcast_in_dim3A_9) -> (vector<8x4096xf32>, vector<8x4096xf32>)  : i32 {
        %mul3A_45 = arith.constant 2048 : i32
        %mul3A_46 = arith.muli %scan3A_42, %mul3A_45 : i32
        %multiple_of3A = tpu.assume_multiple %mul3A_46, 2048 : i32
        %get3A = arith.constant 0 : index
        %get3A_47 = arith.constant 0 : index
        %get3A_48 = arith.index_cast %multiple_of3A : i32 to index
        %get3A_49 = vector.load %arg4[%get3A, %get3A_47, %get3A_48] : memref<1x64x4096xf32, #tpu.memory_space<vmem>>, vector<1x64x2048xf32>
        %get3A_50 = vector.shape_cast %get3A_49 : vector<1x64x2048xf32> to vector<64x2048xf32>
        %get3A_51 = arith.constant 0 : index
        %get3A_52 = arith.constant 0 : index
        %get3A_53 = arith.constant 0 : index
        %get3A_54 = vector.load %arg5[%get3A_51, %get3A_52, %get3A_53] : memref<1x64x4096xf32, #tpu.memory_space<vmem>>, vector<1x64x4096xf32>
        %get3A_55 = vector.shape_cast %get3A_54 : vector<1x64x4096xf32> to vector<64x4096xf32>
        %dot_general3A = arith.constant dense<0.000000e+00> : vector<2048x4096xf32>
        %dot_general3A_56 = tpu.matmul %get3A_50, %get3A_55, %dot_general3A {dimension_numbers = #tpu.dot_dimension_numbers<[0], [0], [1], [1], [0, 1, 1, 1], [], []>, transpose_lhs_hint = false} : vector<64x2048xf32>, vector<64x4096xf32>, vector<2048x4096xf32> -> vector<2048x4096xf32>
        %slice3A = vector.extract_strided_slice %dot_general3A_56 {offsets = [0, 0], sizes = [8, 4096], strides = [1, 1]} : vector<2048x4096xf32> to vector<8x4096xf32>
        %mul3A_57 = arith.constant 256 : i32
        %mul3A_58 = arith.muli %scan3A_42, %mul3A_57 : i32
        %add3A_59 = arith.constant 0 : i32
        %add3A_60 = arith.addi %mul3A_58, %add3A_59 : i32
        %convert_element_type3A_61 = arith.sitofp %add3A_60 : i32 to f32
        %gt3A = arith.cmpf ogt, %slice3A, %scan3A_43 : vector<8x4096xf32>
        %max3A = arith.maximumf %slice3A, %scan3A_43 : vector<8x4096xf32>
        %broadcast_in_dim3A_62 = vector.broadcast %convert_element_type3A_61 : f32 to vector<8x4096xf32>
        %select_n3A_63 = arith.select %gt3A, %broadcast_in_dim3A_62, %scan3A_44 : vector<8x4096xi1>, vector<8x4096xf32>
        %slice3A_64 = vector.extract_strided_slice %dot_general3A_56 {offsets = [8, 0], sizes = [8, 4096], strides = [1, 1]} : vector<2048x4096xf32> to vector<8x4096xf32>
        %mul3A_65 = arith.constant 256 : i32
        %mul3A_66 = arith.muli %scan3A_42, %mul3A_65 : i32
        %add3A_67 = arith.constant 1 : i32
        %add3A_68 = arith.addi %mul3A_66, %add3A_67 : i32
        %convert_element_type3A_69 = arith.sitofp %add3A_68 : i32 to f32
        %gt3A_70 = arith.cmpf ogt, %slice3A_64, %max3A : vector<8x4096xf32>
        %max3A_71 = arith.maximumf %slice3A_64, %max3A : vector<8x4096xf32>
        %broadcast_in_dim3A_72 = vector.broadcast %convert_element_type3A_69 : f32 to vector<8x4096xf32>
        %select_n3A_73 = arith.select %gt3A_70, %broadcast_in_dim3A_72, %select_n3A_63 : vector<8x4096xi1>, vector<8x4096xf32>
        %slice3A_74 = vector.extract_strided_slice %dot_general3A_56 {offsets = [16, 0], sizes = [8, 4096], strides = [1, 1]} : vector<2048x4096xf32> to vector<8x4096xf32>
        %mul3A_75 = arith.constant 256 : i32
        %mul3A_76 = arith.muli %scan3A_42, %mul3A_75 : i32
        %add3A_77 = arith.constant 2 : i32
        %add3A_78 = arith.addi %mul3A_76, %add3A_77 : i32
        %convert_element_type3A_79 = arith.sitofp %add3A_78 : i32 to f32
        %gt3A_80 = arith.cmpf ogt, %slice3A_74, %max3A_71 : vector<8x4096xf32>
        %max3A_81 = arith.maximumf %slice3A_74, %max3A_71 : vector<8x4096xf32>
        %broadcast_in_dim3A_82 = vector.broadcast %convert_element_type3A_79 : f32 to vector<8x4096xf32>
        %select_n3A_83 = arith.select %gt3A_80, %broadcast_in_dim3A_82, %select_n3A_73 : vector<8x4096xi1>, vector<8x4096xf32>
        %slice3A_84 = vector.extract_strided_slice %dot_general3A_56 {offsets = [24, 0], sizes = [8, 4096], strides = [1, 1]} : vector<2048x4096xf32> to vector<8x4096xf32>
        %mul3A_85 = arith.constant 256 : i32
        %mul3A_86 = arith.muli %scan3A_42, %mul3A_85 : i32
        %add3A_87 = arith.constant 3 : i32
        %add3A_88 = arith.addi %mul3A_86, %add3A_87 : i32
        %convert_element_type3A_89 = arith.sitofp %add3A_88 : i32 to f32
        %gt3A_90 = arith.cmpf ogt, %slice3A_84, %max3A_81 : vector<8x4096xf32>
        %max3A_91 = arith.maximumf %slice3A_84, %max3A_81 : vector<8x4096xf32>
        %broadcast_in_dim3A_92 = vector.broadcast %convert_element_type3A_89 : f32 to vector<8x4096xf32>
        %select_n3A_93 = arith.select %gt3A_90, %broadcast_in_dim3A_92, %select_n3A_83 : vector<8x4096xi1>, vector<8x4096xf32>
        %slice3A_94 = vector.extract_strided_slice %dot_general3A_56 {offsets = [32, 0], sizes = [8, 4096], strides = [1, 1]} : vector<2048x4096xf32> to vector<8x4096xf32>
        %mul3A_95 = arith.constant 256 : i32
        %mul3A_96 = arith.muli %scan3A_42, %mul3A_95 : i32
        %add3A_97 = arith.constant 4 : i32
        %add3A_98 = arith.addi %mul3A_96, %add3A_97 : i32
        %convert_element_type3A_99 = arith.sitofp %add3A_98 : i32 to f32
        %gt3A_100 = arith.cmpf ogt, %slice3A_94, %max3A_91 : vector<8x4096xf32>
        %max3A_101 = arith.maximumf %slice3A_94, %max3A_91 : vector<8x4096xf32>
        %broadcast_in_dim3A_102 = vector.broadcast %convert_element_type3A_99 : f32 to vector<8x4096xf32>
        %select_n3A_103 = arith.select %gt3A_100, %broadcast_in_dim3A_102, %select_n3A_93 : vector<8x4096xi1>, vector<8x4096xf32>
        %slice3A_104 = vector.extract_strided_slice %dot_general3A_56 {offsets = [40, 0], sizes = [8, 4096], strides = [1, 1]} : vector<2048x4096xf32> to vector<8x4096xf32>
        %mul3A_105 = arith.constant 256 : i32
        %mul3A_106 = arith.muli %scan3A_42, %mul3A_105 : i32
        %add3A_107 = arith.constant 5 : i32
        %add3A_108 = arith.addi %mul3A_106, %add3A_107 : i32
        %convert_element_type3A_109 = arith.sitofp %add3A_108 : i32 to f32
        %gt3A_110 = arith.cmpf ogt, %slice3A_104, %max3A_101 : vector<8x4096xf32>
        %max3A_111 = arith.maximumf %slice3A_104, %max3A_101 : vector<8x4096xf32>
        %broadcast_in_dim3A_112 = vector.broadcast %convert_element_type3A_109 : f32 to vector<8x4096xf32>
        %select_n3A_113 = arith.select %gt3A_110, %broadcast_in_dim3A_112, %select_n3A_103 : vector<8x4096xi1>, vector<8x4096xf32>
        %slice3A_114 = vector.extract_strided_slice %dot_general3A_56 {offsets = [48, 0], sizes = [8, 4096], strides = [1, 1]} : vector<2048x4096xf32> to vector<8x4096xf32>
        %mul3A_115 = arith.constant 256 : i32
        %mul3A_116 = arith.muli %scan3A_42, %mul3A_115 : i32
        %add3A_117 = arith.constant 6 : i32
        %add3A_118 = arith.addi %mul3A_116, %add3A_117 : i32
        %convert_element_type3A_119 = arith.sitofp %add3A_118 : i32 to f32
        %gt3A_120 = arith.cmpf ogt, %slice3A_114, %max3A_111 : vector<8x4096xf32>
        %max3A_121 = arith.maximumf %slice3A_114, %max3A_111 : vector<8x4096xf32>
        %broadcast_in_dim3A_122 = vector.broadcast %convert_element_type3A_119 : f32 to vector<8x4096xf32>
        %select_n3A_123 = arith.select %gt3A_120, %broadcast_in_dim3A_122, %select_n3A_113 : vector<8x4096xi1>, vector<8x4096xf32>
        %slice3A_124 = vector.extract_strided_slice %dot_general3A_56 {offsets = [56, 0], sizes = [8, 4096], strides = [1, 1]} : vector<2048x4096xf32> to vector<8x4096xf32>
        %mul3A_125 = arith.constant 256 : i32
        %mul3A_126 = arith.muli %scan3A_42, %mul3A_125 : i32
        %add3A_127 = arith.constant 7 : i32
        %add3A_128 = arith.addi %mul3A_126, %add3A_127 : i32
        %convert_element_type3A_129 = arith.sitofp %add3A_128 : i32 to f32
        %gt3A_130 = arith.cmpf ogt, %slice3A_124, %max3A_121 : vector<8x4096xf32>
        %max3A_131 = arith.maximumf %slice3A_124, %max3A_121 : vector<8x4096xf32>
        %broadcast_in_dim3A_132 = vector.broadcast %convert_element_type3A_129 : f32 to vector<8x4096xf32>
        %select_n3A_133 = arith.select %gt3A_130, %broadcast_in_dim3A_132, %select_n3A_123 : vector<8x4096xi1>, vector<8x4096xf32>
        %slice3A_134 = vector.extract_strided_slice %dot_general3A_56 {offsets = [64, 0], sizes = [8, 4096], strides = [1, 1]} : vector<2048x4096xf32> to vector<8x4096xf32>
        %mul3A_135 = arith.constant 256 : i32
        %mul3A_136 = arith.muli %scan3A_42, %mul3A_135 : i32
        %add3A_137 = arith.constant 8 : i32
        %add3A_138 = arith.addi %mul3A_136, %add3A_137 : i32
        %convert_element_type3A_139 = arith.sitofp %add3A_138 : i32 to f32
        %gt3A_140 = arith.cmpf ogt, %slice3A_134, %max3A_131 : vector<8x4096xf32>
        %max3A_141 = arith.maximumf %slice3A_134, %max3A_131 : vector<8x4096xf32>
        %broadcast_in_dim3A_142 = vector.broadcast %convert_element_type3A_139 : f32 to vector<8x4096xf32>
        %select_n3A_143 = arith.select %gt3A_140, %broadcast_in_dim3A_142, %select_n3A_133 : vector<8x4096xi1>, vector<8x4096xf32>
        %slice3A_144 = vector.extract_strided_slice %dot_general3A_56 {offsets = [72, 0], sizes = [8, 4096], strides = [1, 1]} : vector<2048x4096xf32> to vector<8x4096xf32>
        %mul3A_145 = arith.constant 256 : i32
        %mul3A_146 = arith.muli %scan3A_42, %mul3A_145 : i32
        %add3A_147 = arith.constant 9 : i32
        %add3A_148 = arith.addi %mul3A_146, %add3A_147 : i32
        %convert_element_type3A_149 = arith.sitofp %add3A_148 : i32 to f32
        %gt3A_150 = arith.cmpf ogt, %slice3A_144, %max3A_141 : vector<8x4096xf32>
        %max3A_151 = arith.maximumf %slice3A_144, %max3A_141 : vector<8x4096xf32>
        %broadcast_in_dim3A_152 = vector.broadcast %convert_element_type3A_149 : f32 to vector<8x4096xf32>
        %select_n3A_153 = arith.select %gt3A_150, %broadcast_in_dim3A_152, %select_n3A_143 : vector<8x4096xi1>, vector<8x4096xf32>
        %slice3A_154 = vector.extract_strided_slice %dot_general3A_56 {offsets = [80, 0], sizes = [8, 4096], strides = [1, 1]} : vector<2048x4096xf32> to vector<8x4096xf32>
        %mul3A_155 = arith.constant 256 : i32
        %mul3A_156 = arith.muli %scan3A_42, %mul3A_155 : i32
        %add3A_157 = arith.constant 10 : i32
        %add3A_158 = arith.addi %mul3A_156, %add3A_157 : i32
        %convert_element_type3A_159 = arith.sitofp %add3A_158 : i32 to f32
        %gt3A_160 = arith.cmpf ogt, %slice3A_154, %max3A_151 : vector<8x4096xf32>
        %max3A_161 = arith.maximumf %slice3A_154, %max3A_151 : vector<8x4096xf32>
        %broadcast_in_dim3A_162 = vector.broadcast %convert_element_type3A_159 : f32 to vector<8x4096xf32>
        %select_n3A_163 = arith.select %gt3A_160, %broadcast_in_dim3A_162, %select_n3A_153 : vector<8x4096xi1>, vector<8x4096xf32>
        %slice3A_164 = vector.extract_strided_slice %dot_general3A_56 {offsets = [88, 0], sizes = [8, 4096], strides = [1, 1]} : vector<2048x4096xf32> to vector<8x4096xf32>
        %mul3A_165 = arith.constant 256 : i32
        %mul3A_166 = arith.muli %scan3A_42, %mul3A_165 : i32
        %add3A_167 = arith.constant 11 : i32
        %add3A_168 = arith.addi %mul3A_166, %add3A_167 : i32
        %convert_element_type3A_169 = arith.sitofp %add3A_168 : i32 to f32
        %gt3A_170 = arith.cmpf ogt, %slice3A_164, %max3A_161 : vector<8x4096xf32>
        %max3A_171 = arith.maximumf %slice3A_164, %max3A_161 : vector<8x4096xf32>
        %broadcast_in_dim3A_172 = vector.broadcast %convert_element_type3A_169 : f32 to vector<8x4096xf32>
        %select_n3A_173 = arith.select %gt3A_170, %broadcast_in_dim3A_172, %select_n3A_163 : vector<8x4096xi1>, vector<8x4096xf32>
        %slice3A_174 = vector.extract_strided_slice %dot_general3A_56 {offsets = [96, 0], sizes = [8, 4096], strides = [1, 1]} : vector<2048x4096xf32> to vector<8x4096xf32>
        %mul3A_175 = arith.constant 256 : i32
        %mul3A_176 = arith.muli %scan3A_42, %mul3A_175 : i32
        %add3A_177 = arith.constant 12 : i32
        %add3A_178 = arith.addi %mul3A_176, %add3A_177 : i32
        %convert_element_type3A_179 = arith.sitofp %add3A_178 : i32 to f32
        %gt3A_180 = arith.cmpf ogt, %slice3A_174, %max3A_171 : vector<8x4096xf32>
        %max3A_181 = arith.maximumf %slice3A_174, %max3A_171 : vector<8x4096xf32>
        %broadcast_in_dim3A_182 = vector.broadcast %convert_element_type3A_179 : f32 to vector<8x4096xf32>
        %select_n3A_183 = arith.select %gt3A_180, %broadcast_in_dim3A_182, %select_n3A_173 : vector<8x4096xi1>, vector<8x4096xf32>
        %slice3A_184 = vector.extract_strided_slice %dot_general3A_56 {offsets = [104, 0], sizes = [8, 4096], strides = [1, 1]} : vector<2048x4096xf32> to vector<8x4096xf32>
        %mul3A_185 = arith.constant 256 : i32
        %mul3A_186 = arith.muli %scan3A_42, %mul3A_185 : i32
        %add3A_187 = arith.constant 13 : i32
        %add3A_188 = arith.addi %mul3A_186, %add3A_187 : i32
        %convert_element_type3A_189 = arith.sitofp %add3A_188 : i32 to f32
        %gt3A_190 = arith.cmpf ogt, %slice3A_184, %max3A_181 : vector<8x4096xf32>
        %max3A_191 = arith.maximumf %slice3A_184, %max3A_181 : vector<8x4096xf32>
        %broadcast_in_dim3A_192 = vector.broadcast %convert_element_type3A_189 : f32 to vector<8x4096xf32>
        %select_n3A_193 = arith.select %gt3A_190, %broadcast_in_dim3A_192, %select_n3A_183 : vector<8x4096xi1>, vector<8x4096xf32>
        %slice3A_194 = vector.extract_strided_slice %dot_general3A_56 {offsets = [112, 0], sizes = [8, 4096], strides = [1, 1]} : vector<2048x4096xf32> to vector<8x4096xf32>
        %mul3A_195 = arith.constant 256 : i32
        %mul3A_196 = arith.muli %scan3A_42, %mul3A_195 : i32
        %add3A_197 = arith.constant 14 : i32
        %add3A_198 = arith.addi %mul3A_196, %add3A_197 : i32
        %convert_element_type3A_199 = arith.sitofp %add3A_198 : i32 to f32
        %gt3A_200 = arith.cmpf ogt, %slice3A_194, %max3A_191 : vector<8x4096xf32>
        %max3A_201 = arith.maximumf %slice3A_194, %max3A_191 : vector<8x4096xf32>
        %broadcast_in_dim3A_202 = vector.broadcast %convert_element_type3A_199 : f32 to vector<8x4096xf32>
        %select_n3A_203 = arith.select %gt3A_200, %broadcast_in_dim3A_202, %select_n3A_193 : vector<8x4096xi1>, vector<8x4096xf32>
        %slice3A_204 = vector.extract_strided_slice %dot_general3A_56 {offsets = [120, 0], sizes = [8, 4096], strides = [1, 1]} : vector<2048x4096xf32> to vector<8x4096xf32>
        %mul3A_205 = arith.constant 256 : i32
        %mul3A_206 = arith.muli %scan3A_42, %mul3A_205 : i32
        %add3A_207 = arith.constant 15 : i32
        %add3A_208 = arith.addi %mul3A_206, %add3A_207 : i32
        %convert_element_type3A_209 = arith.sitofp %add3A_208 : i32 to f32
        %gt3A_210 = arith.cmpf ogt, %slice3A_204, %max3A_201 : vector<8x4096xf32>
        %max3A_211 = arith.maximumf %slice3A_204, %max3A_201 : vector<8x4096xf32>
        %broadcast_in_dim3A_212 = vector.broadcast %convert_element_type3A_209 : f32 to vector<8x4096xf32>
        %select_n3A_213 = arith.select %gt3A_210, %broadcast_in_dim3A_212, %select_n3A_203 : vector<8x4096xi1>, vector<8x4096xf32>
        %slice3A_214 = vector.extract_strided_slice %dot_general3A_56 {offsets = [128, 0], sizes = [8, 4096], strides = [1, 1]} : vector<2048x4096xf32> to vector<8x4096xf32>
        %mul3A_215 = arith.constant 256 : i32
        %mul3A_216 = arith.muli %scan3A_42, %mul3A_215 : i32
        %add3A_217 = arith.constant 16 : i32
        %add3A_218 = arith.addi %mul3A_216, %add3A_217 : i32
        %convert_element_type3A_219 = arith.sitofp %add3A_218 : i32 to f32
        %gt3A_220 = arith.cmpf ogt, %slice3A_214, %max3A_211 : vector<8x4096xf32>
        %max3A_221 = arith.maximumf %slice3A_214, %max3A_211 : vector<8x4096xf32>
        %broadcast_in_dim3A_222 = vector.broadcast %convert_element_type3A_219 : f32 to vector<8x4096xf32>
        %select_n3A_223 = arith.select %gt3A_220, %broadcast_in_dim3A_222, %select_n3A_213 : vector<8x4096xi1>, vector<8x4096xf32>
        %slice3A_224 = vector.extract_strided_slice %dot_general3A_56 {offsets = [136, 0], sizes = [8, 4096], strides = [1, 1]} : vector<2048x4096xf32> to vector<8x4096xf32>
        %mul3A_225 = arith.constant 256 : i32
        %mul3A_226 = arith.muli %scan3A_42, %mul3A_225 : i32
        %add3A_227 = arith.constant 17 : i32
        %add3A_228 = arith.addi %mul3A_226, %add3A_227 : i32
        %convert_element_type3A_229 = arith.sitofp %add3A_228 : i32 to f32
        %gt3A_230 = arith.cmpf ogt, %slice3A_224, %max3A_221 : vector<8x4096xf32>
        %max3A_231 = arith.maximumf %slice3A_224, %max3A_221 : vector<8x4096xf32>
        %broadcast_in_dim3A_232 = vector.broadcast %convert_element_type3A_229 : f32 to vector<8x4096xf32>
        %select_n3A_233 = arith.select %gt3A_230, %broadcast_in_dim3A_232, %select_n3A_223 : vector<8x4096xi1>, vector<8x4096xf32>
        %slice3A_234 = vector.extract_strided_slice %dot_general3A_56 {offsets = [144, 0], sizes = [8, 4096], strides = [1, 1]} : vector<2048x4096xf32> to vector<8x4096xf32>
        %mul3A_235 = arith.constant 256 : i32
        %mul3A_236 = arith.muli %scan3A_42, %mul3A_235 : i32
        %add3A_237 = arith.constant 18 : i32
        %add3A_238 = arith.addi %mul3A_236, %add3A_237 : i32
        %convert_element_type3A_239 = arith.sitofp %add3A_238 : i32 to f32
        %gt3A_240 = arith.cmpf ogt, %slice3A_234, %max3A_231 : vector<8x4096xf32>
        %max3A_241 = arith.maximumf %slice3A_234, %max3A_231 : vector<8x4096xf32>
        %broadcast_in_dim3A_242 = vector.broadcast %convert_element_type3A_239 : f32 to vector<8x4096xf32>
        %select_n3A_243 = arith.select %gt3A_240, %broadcast_in_dim3A_242, %select_n3A_233 : vector<8x4096xi1>, vector<8x4096xf32>
        %slice3A_244 = vector.extract_strided_slice %dot_general3A_56 {offsets = [152, 0], sizes = [8, 4096], strides = [1, 1]} : vector<2048x4096xf32> to vector<8x4096xf32>
        %mul3A_245 = arith.constant 256 : i32
        %mul3A_246 = arith.muli %scan3A_42, %mul3A_245 : i32
        %add3A_247 = arith.constant 19 : i32
        %add3A_248 = arith.addi %mul3A_246, %add3A_247 : i32
        %convert_element_type3A_249 = arith.sitofp %add3A_248 : i32 to f32
        %gt3A_250 = arith.cmpf ogt, %slice3A_244, %max3A_241 : vector<8x4096xf32>
        %max3A_251 = arith.maximumf %slice3A_244, %max3A_241 : vector<8x4096xf32>
        %broadcast_in_dim3A_252 = vector.broadcast %convert_element_type3A_249 : f32 to vector<8x4096xf32>
        %select_n3A_253 = arith.select %gt3A_250, %broadcast_in_dim3A_252, %select_n3A_243 : vector<8x4096xi1>, vector<8x4096xf32>
        %slice3A_254 = vector.extract_strided_slice %dot_general3A_56 {offsets = [160, 0], sizes = [8, 4096], strides = [1, 1]} : vector<2048x4096xf32> to vector<8x4096xf32>
        %mul3A_255 = arith.constant 256 : i32
        %mul3A_256 = arith.muli %scan3A_42, %mul3A_255 : i32
        %add3A_257 = arith.constant 20 : i32
        %add3A_258 = arith.addi %mul3A_256, %add3A_257 : i32
        %convert_element_type3A_259 = arith.sitofp %add3A_258 : i32 to f32
        %gt3A_260 = arith.cmpf ogt, %slice3A_254, %max3A_251 : vector<8x4096xf32>
        %max3A_261 = arith.maximumf %slice3A_254, %max3A_251 : vector<8x4096xf32>
        %broadcast_in_dim3A_262 = vector.broadcast %convert_element_type3A_259 : f32 to vector<8x4096xf32>
        %select_n3A_263 = arith.select %gt3A_260, %broadcast_in_dim3A_262, %select_n3A_253 : vector<8x4096xi1>, vector<8x4096xf32>
        %slice3A_264 = vector.extract_strided_slice %dot_general3A_56 {offsets = [168, 0], sizes = [8, 4096], strides = [1, 1]} : vector<2048x4096xf32> to vector<8x4096xf32>
        %mul3A_265 = arith.constant 256 : i32
        %mul3A_266 = arith.muli %scan3A_42, %mul3A_265 : i32
        %add3A_267 = arith.constant 21 : i32
        %add3A_268 = arith.addi %mul3A_266, %add3A_267 : i32
        %convert_element_type3A_269 = arith.sitofp %add3A_268 : i32 to f32
        %gt3A_270 = arith.cmpf ogt, %slice3A_264, %max3A_261 : vector<8x4096xf32>
        %max3A_271 = arith.maximumf %slice3A_264, %max3A_261 : vector<8x4096xf32>
        %broadcast_in_dim3A_272 = vector.broadcast %convert_element_type3A_269 : f32 to vector<8x4096xf32>
        %select_n3A_273 = arith.select %gt3A_270, %broadcast_in_dim3A_272, %select_n3A_263 : vector<8x4096xi1>, vector<8x4096xf32>
        %slice3A_274 = vector.extract_strided_slice %dot_general3A_56 {offsets = [176, 0], sizes = [8, 4096], strides = [1, 1]} : vector<2048x4096xf32> to vector<8x4096xf32>
        %mul3A_275 = arith.constant 256 : i32
        %mul3A_276 = arith.muli %scan3A_42, %mul3A_275 : i32
        %add3A_277 = arith.constant 22 : i32
        %add3A_278 = arith.addi %mul3A_276, %add3A_277 : i32
        %convert_element_type3A_279 = arith.sitofp %add3A_278 : i32 to f32
        %gt3A_280 = arith.cmpf ogt, %slice3A_274, %max3A_271 : vector<8x4096xf32>
        %max3A_281 = arith.maximumf %slice3A_274, %max3A_271 : vector<8x4096xf32>
        %broadcast_in_dim3A_282 = vector.broadcast %convert_element_type3A_279 : f32 to vector<8x4096xf32>
        %select_n3A_283 = arith.select %gt3A_280, %broadcast_in_dim3A_282, %select_n3A_273 : vector<8x4096xi1>, vector<8x4096xf32>
        %slice3A_284 = vector.extract_strided_slice %dot_general3A_56 {offsets = [184, 0], sizes = [8, 4096], strides = [1, 1]} : vector<2048x4096xf32> to vector<8x4096xf32>
        %mul3A_285 = arith.constant 256 : i32
        %mul3A_286 = arith.muli %scan3A_42, %mul3A_285 : i32
        %add3A_287 = arith.constant 23 : i32
        %add3A_288 = arith.addi %mul3A_286, %add3A_287 : i32
        %convert_element_type3A_289 = arith.sitofp %add3A_288 : i32 to f32
        %gt3A_290 = arith.cmpf ogt, %slice3A_284, %max3A_281 : vector<8x4096xf32>
        %max3A_291 = arith.maximumf %slice3A_284, %max3A_281 : vector<8x4096xf32>
        %broadcast_in_dim3A_292 = vector.broadcast %convert_element_type3A_289 : f32 to vector<8x4096xf32>
        %select_n3A_293 = arith.select %gt3A_290, %broadcast_in_dim3A_292, %select_n3A_283 : vector<8x4096xi1>, vector<8x4096xf32>
        %slice3A_294 = vector.extract_strided_slice %dot_general3A_56 {offsets = [192, 0], sizes = [8, 4096], strides = [1, 1]} : vector<2048x4096xf32> to vector<8x4096xf32>
        %mul3A_295 = arith.constant 256 : i32
        %mul3A_296 = arith.muli %scan3A_42, %mul3A_295 : i32
        %add3A_297 = arith.constant 24 : i32
        %add3A_298 = arith.addi %mul3A_296, %add3A_297 : i32
        %convert_element_type3A_299 = arith.sitofp %add3A_298 : i32 to f32
        %gt3A_300 = arith.cmpf ogt, %slice3A_294, %max3A_291 : vector<8x4096xf32>
        %max3A_301 = arith.maximumf %slice3A_294, %max3A_291 : vector<8x4096xf32>
        %broadcast_in_dim3A_302 = vector.broadcast %convert_element_type3A_299 : f32 to vector<8x4096xf32>
        %select_n3A_303 = arith.select %gt3A_300, %broadcast_in_dim3A_302, %select_n3A_293 : vector<8x4096xi1>, vector<8x4096xf32>
        %slice3A_304 = vector.extract_strided_slice %dot_general3A_56 {offsets = [200, 0], sizes = [8, 4096], strides = [1, 1]} : vector<2048x4096xf32> to vector<8x4096xf32>
        %mul3A_305 = arith.constant 256 : i32
        %mul3A_306 = arith.muli %scan3A_42, %mul3A_305 : i32
        %add3A_307 = arith.constant 25 : i32
        %add3A_308 = arith.addi %mul3A_306, %add3A_307 : i32
        %convert_element_type3A_309 = arith.sitofp %add3A_308 : i32 to f32
        %gt3A_310 = arith.cmpf ogt, %slice3A_304, %max3A_301 : vector<8x4096xf32>
        %max3A_311 = arith.maximumf %slice3A_304, %max3A_301 : vector<8x4096xf32>
        %broadcast_in_dim3A_312 = vector.broadcast %convert_element_type3A_309 : f32 to vector<8x4096xf32>
        %select_n3A_313 = arith.select %gt3A_310, %broadcast_in_dim3A_312, %select_n3A_303 : vector<8x4096xi1>, vector<8x4096xf32>
        %slice3A_314 = vector.extract_strided_slice %dot_general3A_56 {offsets = [208, 0], sizes = [8, 4096], strides = [1, 1]} : vector<2048x4096xf32> to vector<8x4096xf32>
        %mul3A_315 = arith.constant 256 : i32
        %mul3A_316 = arith.muli %scan3A_42, %mul3A_315 : i32
        %add3A_317 = arith.constant 26 : i32
        %add3A_318 = arith.addi %mul3A_316, %add3A_317 : i32
        %convert_element_type3A_319 = arith.sitofp %add3A_318 : i32 to f32
        %gt3A_320 = arith.cmpf ogt, %slice3A_314, %max3A_311 : vector<8x4096xf32>
        %max3A_321 = arith.maximumf %slice3A_314, %max3A_311 : vector<8x4096xf32>
        %broadcast_in_dim3A_322 = vector.broadcast %convert_element_type3A_319 : f32 to vector<8x4096xf32>
        %select_n3A_323 = arith.select %gt3A_320, %broadcast_in_dim3A_322, %select_n3A_313 : vector<8x4096xi1>, vector<8x4096xf32>
        %slice3A_324 = vector.extract_strided_slice %dot_general3A_56 {offsets = [216, 0], sizes = [8, 4096], strides = [1, 1]} : vector<2048x4096xf32> to vector<8x4096xf32>
        %mul3A_325 = arith.constant 256 : i32
        %mul3A_326 = arith.muli %scan3A_42, %mul3A_325 : i32
        %add3A_327 = arith.constant 27 : i32
        %add3A_328 = arith.addi %mul3A_326, %add3A_327 : i32
        %convert_element_type3A_329 = arith.sitofp %add3A_328 : i32 to f32
        %gt3A_330 = arith.cmpf ogt, %slice3A_324, %max3A_321 : vector<8x4096xf32>
        %max3A_331 = arith.maximumf %slice3A_324, %max3A_321 : vector<8x4096xf32>
        %broadcast_in_dim3A_332 = vector.broadcast %convert_element_type3A_329 : f32 to vector<8x4096xf32>
        %select_n3A_333 = arith.select %gt3A_330, %broadcast_in_dim3A_332, %select_n3A_323 : vector<8x4096xi1>, vector<8x4096xf32>
        %slice3A_334 = vector.extract_strided_slice %dot_general3A_56 {offsets = [224, 0], sizes = [8, 4096], strides = [1, 1]} : vector<2048x4096xf32> to vector<8x4096xf32>
        %mul3A_335 = arith.constant 256 : i32
        %mul3A_336 = arith.muli %scan3A_42, %mul3A_335 : i32
        %add3A_337 = arith.constant 28 : i32
        %add3A_338 = arith.addi %mul3A_336, %add3A_337 : i32
        %convert_element_type3A_339 = arith.sitofp %add3A_338 : i32 to f32
        %gt3A_340 = arith.cmpf ogt, %slice3A_334, %max3A_331 : vector<8x4096xf32>
        %max3A_341 = arith.maximumf %slice3A_334, %max3A_331 : vector<8x4096xf32>
        %broadcast_in_dim3A_342 = vector.broadcast %convert_element_type3A_339 : f32 to vector<8x4096xf32>
        %select_n3A_343 = arith.select %gt3A_340, %broadcast_in_dim3A_342, %select_n3A_333 : vector<8x4096xi1>, vector<8x4096xf32>
        %slice3A_344 = vector.extract_strided_slice %dot_general3A_56 {offsets = [232, 0], sizes = [8, 4096], strides = [1, 1]} : vector<2048x4096xf32> to vector<8x4096xf32>
        %mul3A_345 = arith.constant 256 : i32
        %mul3A_346 = arith.muli %scan3A_42, %mul3A_345 : i32
        %add3A_347 = arith.constant 29 : i32
        %add3A_348 = arith.addi %mul3A_346, %add3A_347 : i32
        %convert_element_type3A_349 = arith.sitofp %add3A_348 : i32 to f32
        %gt3A_350 = arith.cmpf ogt, %slice3A_344, %max3A_341 : vector<8x4096xf32>
        %max3A_351 = arith.maximumf %slice3A_344, %max3A_341 : vector<8x4096xf32>
        %broadcast_in_dim3A_352 = vector.broadcast %convert_element_type3A_349 : f32 to vector<8x4096xf32>
        %select_n3A_353 = arith.select %gt3A_350, %broadcast_in_dim3A_352, %select_n3A_343 : vector<8x4096xi1>, vector<8x4096xf32>
        %slice3A_354 = vector.extract_strided_slice %dot_general3A_56 {offsets = [240, 0], sizes = [8, 4096], strides = [1, 1]} : vector<2048x4096xf32> to vector<8x4096xf32>
        %mul3A_355 = arith.constant 256 : i32
        %mul3A_356 = arith.muli %scan3A_42, %mul3A_355 : i32
        %add3A_357 = arith.constant 30 : i32
        %add3A_358 = arith.addi %mul3A_356, %add3A_357 : i32
        %convert_element_type3A_359 = arith.sitofp %add3A_358 : i32 to f32
        %gt3A_360 = arith.cmpf ogt, %slice3A_354, %max3A_351 : vector<8x4096xf32>
        %max3A_361 = arith.maximumf %slice3A_354, %max3A_351 : vector<8x4096xf32>
        %broadcast_in_dim3A_362 = vector.broadcast %convert_element_type3A_359 : f32 to vector<8x4096xf32>
        %select_n3A_363 = arith.select %gt3A_360, %broadcast_in_dim3A_362, %select_n3A_353 : vector<8x4096xi1>, vector<8x4096xf32>
        %slice3A_364 = vector.extract_strided_slice %dot_general3A_56 {offsets = [248, 0], sizes = [8, 4096], strides = [1, 1]} : vector<2048x4096xf32> to vector<8x4096xf32>
        %mul3A_365 = arith.constant 256 : i32
        %mul3A_366 = arith.muli %scan3A_42, %mul3A_365 : i32
        %add3A_367 = arith.constant 31 : i32
        %add3A_368 = arith.addi %mul3A_366, %add3A_367 : i32
        %convert_element_type3A_369 = arith.sitofp %add3A_368 : i32 to f32
        %gt3A_370 = arith.cmpf ogt, %slice3A_364, %max3A_361 : vector<8x4096xf32>
        %max3A_371 = arith.maximumf %slice3A_364, %max3A_361 : vector<8x4096xf32>
        %broadcast_in_dim3A_372 = vector.broadcast %convert_element_type3A_369 : f32 to vector<8x4096xf32>
        %select_n3A_373 = arith.select %gt3A_370, %broadcast_in_dim3A_372, %select_n3A_363 : vector<8x4096xi1>, vector<8x4096xf32>
        %slice3A_374 = vector.extract_strided_slice %dot_general3A_56 {offsets = [256, 0], sizes = [8, 4096], strides = [1, 1]} : vector<2048x4096xf32> to vector<8x4096xf32>
        %mul3A_375 = arith.constant 256 : i32
        %mul3A_376 = arith.muli %scan3A_42, %mul3A_375 : i32
        %add3A_377 = arith.constant 32 : i32
        %add3A_378 = arith.addi %mul3A_376, %add3A_377 : i32
        %convert_element_type3A_379 = arith.sitofp %add3A_378 : i32 to f32
        %gt3A_380 = arith.cmpf ogt, %slice3A_374, %max3A_371 : vector<8x4096xf32>
        %max3A_381 = arith.maximumf %slice3A_374, %max3A_371 : vector<8x4096xf32>
        %broadcast_in_dim3A_382 = vector.broadcast %convert_element_type3A_379 : f32 to vector<8x4096xf32>
        %select_n3A_383 = arith.select %gt3A_380, %broadcast_in_dim3A_382, %select_n3A_373 : vector<8x4096xi1>, vector<8x4096xf32>
        %slice3A_384 = vector.extract_strided_slice %dot_general3A_56 {offsets = [264, 0], sizes = [8, 4096], strides = [1, 1]} : vector<2048x4096xf32> to vector<8x4096xf32>
        %mul3A_385 = arith.constant 256 : i32
        %mul3A_386 = arith.muli %scan3A_42, %mul3A_385 : i32
        %add3A_387 = arith.constant 33 : i32
        %add3A_388 = arith.addi %mul3A_386, %add3A_387 : i32
        %convert_element_type3A_389 = arith.sitofp %add3A_388 : i32 to f32
        %gt3A_390 = arith.cmpf ogt, %slice3A_384, %max3A_381 : vector<8x4096xf32>
        %max3A_391 = arith.maximumf %slice3A_384, %max3A_381 : vector<8x4096xf32>
        %broadcast_in_dim3A_392 = vector.broadcast %convert_element_type3A_389 : f32 to vector<8x4096xf32>
        %select_n3A_393 = arith.select %gt3A_390, %broadcast_in_dim3A_392, %select_n3A_383 : vector<8x4096xi1>, vector<8x4096xf32>
        %slice3A_394 = vector.extract_strided_slice %dot_general3A_56 {offsets = [272, 0], sizes = [8, 4096], strides = [1, 1]} : vector<2048x4096xf32> to vector<8x4096xf32>
        %mul3A_395 = arith.constant 256 : i32
        %mul3A_396 = arith.muli %scan3A_42, %mul3A_395 : i32
        %add3A_397 = arith.constant 34 : i32
        %add3A_398 = arith.addi %mul3A_396, %add3A_397 : i32
        %convert_element_type3A_399 = arith.sitofp %add3A_398 : i32 to f32
        %gt3A_400 = arith.cmpf ogt, %slice3A_394, %max3A_391 : vector<8x4096xf32>
        %max3A_401 = arith.maximumf %slice3A_394, %max3A_391 : vector<8x4096xf32>
        %broadcast_in_dim3A_402 = vector.broadcast %convert_element_type3A_399 : f32 to vector<8x4096xf32>
        %select_n3A_403 = arith.select %gt3A_400, %broadcast_in_dim3A_402, %select_n3A_393 : vector<8x4096xi1>, vector<8x4096xf32>
        %slice3A_404 = vector.extract_strided_slice %dot_general3A_56 {offsets = [280, 0], sizes = [8, 4096], strides = [1, 1]} : vector<2048x4096xf32> to vector<8x4096xf32>
        %mul3A_405 = arith.constant 256 : i32
        %mul3A_406 = arith.muli %scan3A_42, %mul3A_405 : i32
        %add3A_407 = arith.constant 35 : i32
        %add3A_408 = arith.addi %mul3A_406, %add3A_407 : i32
        %convert_element_type3A_409 = arith.sitofp %add3A_408 : i32 to f32
        %gt3A_410 = arith.cmpf ogt, %slice3A_404, %max3A_401 : vector<8x4096xf32>
        %max3A_411 = arith.maximumf %slice3A_404, %max3A_401 : vector<8x4096xf32>
        %broadcast_in_dim3A_412 = vector.broadcast %convert_element_type3A_409 : f32 to vector<8x4096xf32>
        %select_n3A_413 = arith.select %gt3A_410, %broadcast_in_dim3A_412, %select_n3A_403 : vector<8x4096xi1>, vector<8x4096xf32>
        %slice3A_414 = vector.extract_strided_slice %dot_general3A_56 {offsets = [288, 0], sizes = [8, 4096], strides = [1, 1]} : vector<2048x4096xf32> to vector<8x4096xf32>
        %mul3A_415 = arith.constant 256 : i32
        %mul3A_416 = arith.muli %scan3A_42, %mul3A_415 : i32
        %add3A_417 = arith.constant 36 : i32
        %add3A_418 = arith.addi %mul3A_416, %add3A_417 : i32
        %convert_element_type3A_419 = arith.sitofp %add3A_418 : i32 to f32
        %gt3A_420 = arith.cmpf ogt, %slice3A_414, %max3A_411 : vector<8x4096xf32>
        %max3A_421 = arith.maximumf %slice3A_414, %max3A_411 : vector<8x4096xf32>
        %broadcast_in_dim3A_422 = vector.broadcast %convert_element_type3A_419 : f32 to vector<8x4096xf32>
        %select_n3A_423 = arith.select %gt3A_420, %broadcast_in_dim3A_422, %select_n3A_413 : vector<8x4096xi1>, vector<8x4096xf32>
        %slice3A_424 = vector.extract_strided_slice %dot_general3A_56 {offsets = [296, 0], sizes = [8, 4096], strides = [1, 1]} : vector<2048x4096xf32> to vector<8x4096xf32>
        %mul3A_425 = arith.constant 256 : i32
        %mul3A_426 = arith.muli %scan3A_42, %mul3A_425 : i32
        %add3A_427 = arith.constant 37 : i32
        %add3A_428 = arith.addi %mul3A_426, %add3A_427 : i32
        %convert_element_type3A_429 = arith.sitofp %add3A_428 : i32 to f32
        %gt3A_430 = arith.cmpf ogt, %slice3A_424, %max3A_421 : vector<8x4096xf32>
        %max3A_431 = arith.maximumf %slice3A_424, %max3A_421 : vector<8x4096xf32>
        %broadcast_in_dim3A_432 = vector.broadcast %convert_element_type3A_429 : f32 to vector<8x4096xf32>
        %select_n3A_433 = arith.select %gt3A_430, %broadcast_in_dim3A_432, %select_n3A_423 : vector<8x4096xi1>, vector<8x4096xf32>
        %slice3A_434 = vector.extract_strided_slice %dot_general3A_56 {offsets = [304, 0], sizes = [8, 4096], strides = [1, 1]} : vector<2048x4096xf32> to vector<8x4096xf32>
        %mul3A_435 = arith.constant 256 : i32
        %mul3A_436 = arith.muli %scan3A_42, %mul3A_435 : i32
        %add3A_437 = arith.constant 38 : i32
        %add3A_438 = arith.addi %mul3A_436, %add3A_437 : i32
        %convert_element_type3A_439 = arith.sitofp %add3A_438 : i32 to f32
        %gt3A_440 = arith.cmpf ogt, %slice3A_434, %max3A_431 : vector<8x4096xf32>
        %max3A_441 = arith.maximumf %slice3A_434, %max3A_431 : vector<8x4096xf32>
        %broadcast_in_dim3A_442 = vector.broadcast %convert_element_type3A_439 : f32 to vector<8x4096xf32>
        %select_n3A_443 = arith.select %gt3A_440, %broadcast_in_dim3A_442, %select_n3A_433 : vector<8x4096xi1>, vector<8x4096xf32>
        %slice3A_444 = vector.extract_strided_slice %dot_general3A_56 {offsets = [312, 0], sizes = [8, 4096], strides = [1, 1]} : vector<2048x4096xf32> to vector<8x4096xf32>
        %mul3A_445 = arith.constant 256 : i32
        %mul3A_446 = arith.muli %scan3A_42, %mul3A_445 : i32
        %add3A_447 = arith.constant 39 : i32
        %add3A_448 = arith.addi %mul3A_446, %add3A_447 : i32
        %convert_element_type3A_449 = arith.sitofp %add3A_448 : i32 to f32
        %gt3A_450 = arith.cmpf ogt, %slice3A_444, %max3A_441 : vector<8x4096xf32>
        %max3A_451 = arith.maximumf %slice3A_444, %max3A_441 : vector<8x4096xf32>
        %broadcast_in_dim3A_452 = vector.broadcast %convert_element_type3A_449 : f32 to vector<8x4096xf32>
        %select_n3A_453 = arith.select %gt3A_450, %broadcast_in_dim3A_452, %select_n3A_443 : vector<8x4096xi1>, vector<8x4096xf32>
        %slice3A_454 = vector.extract_strided_slice %dot_general3A_56 {offsets = [320, 0], sizes = [8, 4096], strides = [1, 1]} : vector<2048x4096xf32> to vector<8x4096xf32>
        %mul3A_455 = arith.constant 256 : i32
        %mul3A_456 = arith.muli %scan3A_42, %mul3A_455 : i32
        %add3A_457 = arith.constant 40 : i32
        %add3A_458 = arith.addi %mul3A_456, %add3A_457 : i32
        %convert_element_type3A_459 = arith.sitofp %add3A_458 : i32 to f32
        %gt3A_460 = arith.cmpf ogt, %slice3A_454, %max3A_451 : vector<8x4096xf32>
        %max3A_461 = arith.maximumf %slice3A_454, %max3A_451 : vector<8x4096xf32>
        %broadcast_in_dim3A_462 = vector.broadcast %convert_element_type3A_459 : f32 to vector<8x4096xf32>
        %select_n3A_463 = arith.select %gt3A_460, %broadcast_in_dim3A_462, %select_n3A_453 : vector<8x4096xi1>, vector<8x4096xf32>
        %slice3A_464 = vector.extract_strided_slice %dot_general3A_56 {offsets = [328, 0], sizes = [8, 4096], strides = [1, 1]} : vector<2048x4096xf32> to vector<8x4096xf32>
        %mul3A_465 = arith.constant 256 : i32
        %mul3A_466 = arith.muli %scan3A_42, %mul3A_465 : i32
        %add3A_467 = arith.constant 41 : i32
        %add3A_468 = arith.addi %mul3A_466, %add3A_467 : i32
        %convert_element_type3A_469 = arith.sitofp %add3A_468 : i32 to f32
        %gt3A_470 = arith.cmpf ogt, %slice3A_464, %max3A_461 : vector<8x4096xf32>
        %max3A_471 = arith.maximumf %slice3A_464, %max3A_461 : vector<8x4096xf32>
        %broadcast_in_dim3A_472 = vector.broadcast %convert_element_type3A_469 : f32 to vector<8x4096xf32>
        %select_n3A_473 = arith.select %gt3A_470, %broadcast_in_dim3A_472, %select_n3A_463 : vector<8x4096xi1>, vector<8x4096xf32>
        %slice3A_474 = vector.extract_strided_slice %dot_general3A_56 {offsets = [336, 0], sizes = [8, 4096], strides = [1, 1]} : vector<2048x4096xf32> to vector<8x4096xf32>
        %mul3A_475 = arith.constant 256 : i32
        %mul3A_476 = arith.muli %scan3A_42, %mul3A_475 : i32
        %add3A_477 = arith.constant 42 : i32
        %add3A_478 = arith.addi %mul3A_476, %add3A_477 : i32
        %convert_element_type3A_479 = arith.sitofp %add3A_478 : i32 to f32
        %gt3A_480 = arith.cmpf ogt, %slice3A_474, %max3A_471 : vector<8x4096xf32>
        %max3A_481 = arith.maximumf %slice3A_474, %max3A_471 : vector<8x4096xf32>
        %broadcast_in_dim3A_482 = vector.broadcast %convert_element_type3A_479 : f32 to vector<8x4096xf32>
        %select_n3A_483 = arith.select %gt3A_480, %broadcast_in_dim3A_482, %select_n3A_473 : vector<8x4096xi1>, vector<8x4096xf32>
        %slice3A_484 = vector.extract_strided_slice %dot_general3A_56 {offsets = [344, 0], sizes = [8, 4096], strides = [1, 1]} : vector<2048x4096xf32> to vector<8x4096xf32>
        %mul3A_485 = arith.constant 256 : i32
        %mul3A_486 = arith.muli %scan3A_42, %mul3A_485 : i32
        %add3A_487 = arith.constant 43 : i32
        %add3A_488 = arith.addi %mul3A_486, %add3A_487 : i32
        %convert_element_type3A_489 = arith.sitofp %add3A_488 : i32 to f32
        %gt3A_490 = arith.cmpf ogt, %slice3A_484, %max3A_481 : vector<8x4096xf32>
        %max3A_491 = arith.maximumf %slice3A_484, %max3A_481 : vector<8x4096xf32>
        %broadcast_in_dim3A_492 = vector.broadcast %convert_element_type3A_489 : f32 to vector<8x4096xf32>
        %select_n3A_493 = arith.select %gt3A_490, %broadcast_in_dim3A_492, %select_n3A_483 : vector<8x4096xi1>, vector<8x4096xf32>
        %slice3A_494 = vector.extract_strided_slice %dot_general3A_56 {offsets = [352, 0], sizes = [8, 4096], strides = [1, 1]} : vector<2048x4096xf32> to vector<8x4096xf32>
        %mul3A_495 = arith.constant 256 : i32
        %mul3A_496 = arith.muli %scan3A_42, %mul3A_495 : i32
        %add3A_497 = arith.constant 44 : i32
        %add3A_498 = arith.addi %mul3A_496, %add3A_497 : i32
        %convert_element_type3A_499 = arith.sitofp %add3A_498 : i32 to f32
        %gt3A_500 = arith.cmpf ogt, %slice3A_494, %max3A_491 : vector<8x4096xf32>
        %max3A_501 = arith.maximumf %slice3A_494, %max3A_491 : vector<8x4096xf32>
        %broadcast_in_dim3A_502 = vector.broadcast %convert_element_type3A_499 : f32 to vector<8x4096xf32>
        %select_n3A_503 = arith.select %gt3A_500, %broadcast_in_dim3A_502, %select_n3A_493 : vector<8x4096xi1>, vector<8x4096xf32>
        %slice3A_504 = vector.extract_strided_slice %dot_general3A_56 {offsets = [360, 0], sizes = [8, 4096], strides = [1, 1]} : vector<2048x4096xf32> to vector<8x4096xf32>
        %mul3A_505 = arith.constant 256 : i32
        %mul3A_506 = arith.muli %scan3A_42, %mul3A_505 : i32
        %add3A_507 = arith.constant 45 : i32
        %add3A_508 = arith.addi %mul3A_506, %add3A_507 : i32
        %convert_element_type3A_509 = arith.sitofp %add3A_508 : i32 to f32
        %gt3A_510 = arith.cmpf ogt, %slice3A_504, %max3A_501 : vector<8x4096xf32>
        %max3A_511 = arith.maximumf %slice3A_504, %max3A_501 : vector<8x4096xf32>
        %broadcast_in_dim3A_512 = vector.broadcast %convert_element_type3A_509 : f32 to vector<8x4096xf32>
        %select_n3A_513 = arith.select %gt3A_510, %broadcast_in_dim3A_512, %select_n3A_503 : vector<8x4096xi1>, vector<8x4096xf32>
        %slice3A_514 = vector.extract_strided_slice %dot_general3A_56 {offsets = [368, 0], sizes = [8, 4096], strides = [1, 1]} : vector<2048x4096xf32> to vector<8x4096xf32>
        %mul3A_515 = arith.constant 256 : i32
        %mul3A_516 = arith.muli %scan3A_42, %mul3A_515 : i32
        %add3A_517 = arith.constant 46 : i32
        %add3A_518 = arith.addi %mul3A_516, %add3A_517 : i32
        %convert_element_type3A_519 = arith.sitofp %add3A_518 : i32 to f32
        %gt3A_520 = arith.cmpf ogt, %slice3A_514, %max3A_511 : vector<8x4096xf32>
        %max3A_521 = arith.maximumf %slice3A_514, %max3A_511 : vector<8x4096xf32>
        %broadcast_in_dim3A_522 = vector.broadcast %convert_element_type3A_519 : f32 to vector<8x4096xf32>
        %select_n3A_523 = arith.select %gt3A_520, %broadcast_in_dim3A_522, %select_n3A_513 : vector<8x4096xi1>, vector<8x4096xf32>
        %slice3A_524 = vector.extract_strided_slice %dot_general3A_56 {offsets = [376, 0], sizes = [8, 4096], strides = [1, 1]} : vector<2048x4096xf32> to vector<8x4096xf32>
        %mul3A_525 = arith.constant 256 : i32
        %mul3A_526 = arith.muli %scan3A_42, %mul3A_525 : i32
        %add3A_527 = arith.constant 47 : i32
        %add3A_528 = arith.addi %mul3A_526, %add3A_527 : i32
        %convert_element_type3A_529 = arith.sitofp %add3A_528 : i32 to f32
        %gt3A_530 = arith.cmpf ogt, %slice3A_524, %max3A_521 : vector<8x4096xf32>
        %max3A_531 = arith.maximumf %slice3A_524, %max3A_521 : vector<8x4096xf32>
        %broadcast_in_dim3A_532 = vector.broadcast %convert_element_type3A_529 : f32 to vector<8x4096xf32>
        %select_n3A_533 = arith.select %gt3A_530, %broadcast_in_dim3A_532, %select_n3A_523 : vector<8x4096xi1>, vector<8x4096xf32>
        %slice3A_534 = vector.extract_strided_slice %dot_general3A_56 {offsets = [384, 0], sizes = [8, 4096], strides = [1, 1]} : vector<2048x4096xf32> to vector<8x4096xf32>
        %mul3A_535 = arith.constant 256 : i32
        %mul3A_536 = arith.muli %scan3A_42, %mul3A_535 : i32
        %add3A_537 = arith.constant 48 : i32
        %add3A_538 = arith.addi %mul3A_536, %add3A_537 : i32
        %convert_element_type3A_539 = arith.sitofp %add3A_538 : i32 to f32
        %gt3A_540 = arith.cmpf ogt, %slice3A_534, %max3A_531 : vector<8x4096xf32>
        %max3A_541 = arith.maximumf %slice3A_534, %max3A_531 : vector<8x4096xf32>
        %broadcast_in_dim3A_542 = vector.broadcast %convert_element_type3A_539 : f32 to vector<8x4096xf32>
        %select_n3A_543 = arith.select %gt3A_540, %broadcast_in_dim3A_542, %select_n3A_533 : vector<8x4096xi1>, vector<8x4096xf32>
        %slice3A_544 = vector.extract_strided_slice %dot_general3A_56 {offsets = [392, 0], sizes = [8, 4096], strides = [1, 1]} : vector<2048x4096xf32> to vector<8x4096xf32>
        %mul3A_545 = arith.constant 256 : i32
        %mul3A_546 = arith.muli %scan3A_42, %mul3A_545 : i32
        %add3A_547 = arith.constant 49 : i32
        %add3A_548 = arith.addi %mul3A_546, %add3A_547 : i32
        %convert_element_type3A_549 = arith.sitofp %add3A_548 : i32 to f32
        %gt3A_550 = arith.cmpf ogt, %slice3A_544, %max3A_541 : vector<8x4096xf32>
        %max3A_551 = arith.maximumf %slice3A_544, %max3A_541 : vector<8x4096xf32>
        %broadcast_in_dim3A_552 = vector.broadcast %convert_element_type3A_549 : f32 to vector<8x4096xf32>
        %select_n3A_553 = arith.select %gt3A_550, %broadcast_in_dim3A_552, %select_n3A_543 : vector<8x4096xi1>, vector<8x4096xf32>
        %slice3A_554 = vector.extract_strided_slice %dot_general3A_56 {offsets = [400, 0], sizes = [8, 4096], strides = [1, 1]} : vector<2048x4096xf32> to vector<8x4096xf32>
        %mul3A_555 = arith.constant 256 : i32
        %mul3A_556 = arith.muli %scan3A_42, %mul3A_555 : i32
        %add3A_557 = arith.constant 50 : i32
        %add3A_558 = arith.addi %mul3A_556, %add3A_557 : i32
        %convert_element_type3A_559 = arith.sitofp %add3A_558 : i32 to f32
        %gt3A_560 = arith.cmpf ogt, %slice3A_554, %max3A_551 : vector<8x4096xf32>
        %max3A_561 = arith.maximumf %slice3A_554, %max3A_551 : vector<8x4096xf32>
        %broadcast_in_dim3A_562 = vector.broadcast %convert_element_type3A_559 : f32 to vector<8x4096xf32>
        %select_n3A_563 = arith.select %gt3A_560, %broadcast_in_dim3A_562, %select_n3A_553 : vector<8x4096xi1>, vector<8x4096xf32>
        %slice3A_564 = vector.extract_strided_slice %dot_general3A_56 {offsets = [408, 0], sizes = [8, 4096], strides = [1, 1]} : vector<2048x4096xf32> to vector<8x4096xf32>
        %mul3A_565 = arith.constant 256 : i32
        %mul3A_566 = arith.muli %scan3A_42, %mul3A_565 : i32
        %add3A_567 = arith.constant 51 : i32
        %add3A_568 = arith.addi %mul3A_566, %add3A_567 : i32
        %convert_element_type3A_569 = arith.sitofp %add3A_568 : i32 to f32
        %gt3A_570 = arith.cmpf ogt, %slice3A_564, %max3A_561 : vector<8x4096xf32>
        %max3A_571 = arith.maximumf %slice3A_564, %max3A_561 : vector<8x4096xf32>
        %broadcast_in_dim3A_572 = vector.broadcast %convert_element_type3A_569 : f32 to vector<8x4096xf32>
        %select_n3A_573 = arith.select %gt3A_570, %broadcast_in_dim3A_572, %select_n3A_563 : vector<8x4096xi1>, vector<8x4096xf32>
        %slice3A_574 = vector.extract_strided_slice %dot_general3A_56 {offsets = [416, 0], sizes = [8, 4096], strides = [1, 1]} : vector<2048x4096xf32> to vector<8x4096xf32>
        %mul3A_575 = arith.constant 256 : i32
        %mul3A_576 = arith.muli %scan3A_42, %mul3A_575 : i32
        %add3A_577 = arith.constant 52 : i32
        %add3A_578 = arith.addi %mul3A_576, %add3A_577 : i32
        %convert_element_type3A_579 = arith.sitofp %add3A_578 : i32 to f32
        %gt3A_580 = arith.cmpf ogt, %slice3A_574, %max3A_571 : vector<8x4096xf32>
        %max3A_581 = arith.maximumf %slice3A_574, %max3A_571 : vector<8x4096xf32>
        %broadcast_in_dim3A_582 = vector.broadcast %convert_element_type3A_579 : f32 to vector<8x4096xf32>
        %select_n3A_583 = arith.select %gt3A_580, %broadcast_in_dim3A_582, %select_n3A_573 : vector<8x4096xi1>, vector<8x4096xf32>
        %slice3A_584 = vector.extract_strided_slice %dot_general3A_56 {offsets = [424, 0], sizes = [8, 4096], strides = [1, 1]} : vector<2048x4096xf32> to vector<8x4096xf32>
        %mul3A_585 = arith.constant 256 : i32
        %mul3A_586 = arith.muli %scan3A_42, %mul3A_585 : i32
        %add3A_587 = arith.constant 53 : i32
        %add3A_588 = arith.addi %mul3A_586, %add3A_587 : i32
        %convert_element_type3A_589 = arith.sitofp %add3A_588 : i32 to f32
        %gt3A_590 = arith.cmpf ogt, %slice3A_584, %max3A_581 : vector<8x4096xf32>
        %max3A_591 = arith.maximumf %slice3A_584, %max3A_581 : vector<8x4096xf32>
        %broadcast_in_dim3A_592 = vector.broadcast %convert_element_type3A_589 : f32 to vector<8x4096xf32>
        %select_n3A_593 = arith.select %gt3A_590, %broadcast_in_dim3A_592, %select_n3A_583 : vector<8x4096xi1>, vector<8x4096xf32>
        %slice3A_594 = vector.extract_strided_slice %dot_general3A_56 {offsets = [432, 0], sizes = [8, 4096], strides = [1, 1]} : vector<2048x4096xf32> to vector<8x4096xf32>
        %mul3A_595 = arith.constant 256 : i32
        %mul3A_596 = arith.muli %scan3A_42, %mul3A_595 : i32
        %add3A_597 = arith.constant 54 : i32
        %add3A_598 = arith.addi %mul3A_596, %add3A_597 : i32
        %convert_element_type3A_599 = arith.sitofp %add3A_598 : i32 to f32
        %gt3A_600 = arith.cmpf ogt, %slice3A_594, %max3A_591 : vector<8x4096xf32>
        %max3A_601 = arith.maximumf %slice3A_594, %max3A_591 : vector<8x4096xf32>
        %broadcast_in_dim3A_602 = vector.broadcast %convert_element_type3A_599 : f32 to vector<8x4096xf32>
        %select_n3A_603 = arith.select %gt3A_600, %broadcast_in_dim3A_602, %select_n3A_593 : vector<8x4096xi1>, vector<8x4096xf32>
        %slice3A_604 = vector.extract_strided_slice %dot_general3A_56 {offsets = [440, 0], sizes = [8, 4096], strides = [1, 1]} : vector<2048x4096xf32> to vector<8x4096xf32>
        %mul3A_605 = arith.constant 256 : i32
        %mul3A_606 = arith.muli %scan3A_42, %mul3A_605 : i32
        %add3A_607 = arith.constant 55 : i32
        %add3A_608 = arith.addi %mul3A_606, %add3A_607 : i32
        %convert_element_type3A_609 = arith.sitofp %add3A_608 : i32 to f32
        %gt3A_610 = arith.cmpf ogt, %slice3A_604, %max3A_601 : vector<8x4096xf32>
        %max3A_611 = arith.maximumf %slice3A_604, %max3A_601 : vector<8x4096xf32>
        %broadcast_in_dim3A_612 = vector.broadcast %convert_element_type3A_609 : f32 to vector<8x4096xf32>
        %select_n3A_613 = arith.select %gt3A_610, %broadcast_in_dim3A_612, %select_n3A_603 : vector<8x4096xi1>, vector<8x4096xf32>
        %slice3A_614 = vector.extract_strided_slice %dot_general3A_56 {offsets = [448, 0], sizes = [8, 4096], strides = [1, 1]} : vector<2048x4096xf32> to vector<8x4096xf32>
        %mul3A_615 = arith.constant 256 : i32
        %mul3A_616 = arith.muli %scan3A_42, %mul3A_615 : i32
        %add3A_617 = arith.constant 56 : i32
        %add3A_618 = arith.addi %mul3A_616, %add3A_617 : i32
        %convert_element_type3A_619 = arith.sitofp %add3A_618 : i32 to f32
        %gt3A_620 = arith.cmpf ogt, %slice3A_614, %max3A_611 : vector<8x4096xf32>
        %max3A_621 = arith.maximumf %slice3A_614, %max3A_611 : vector<8x4096xf32>
        %broadcast_in_dim3A_622 = vector.broadcast %convert_element_type3A_619 : f32 to vector<8x4096xf32>
        %select_n3A_623 = arith.select %gt3A_620, %broadcast_in_dim3A_622, %select_n3A_613 : vector<8x4096xi1>, vector<8x4096xf32>
        %slice3A_624 = vector.extract_strided_slice %dot_general3A_56 {offsets = [456, 0], sizes = [8, 4096], strides = [1, 1]} : vector<2048x4096xf32> to vector<8x4096xf32>
        %mul3A_625 = arith.constant 256 : i32
        %mul3A_626 = arith.muli %scan3A_42, %mul3A_625 : i32
        %add3A_627 = arith.constant 57 : i32
        %add3A_628 = arith.addi %mul3A_626, %add3A_627 : i32
        %convert_element_type3A_629 = arith.sitofp %add3A_628 : i32 to f32
        %gt3A_630 = arith.cmpf ogt, %slice3A_624, %max3A_621 : vector<8x4096xf32>
        %max3A_631 = arith.maximumf %slice3A_624, %max3A_621 : vector<8x4096xf32>
        %broadcast_in_dim3A_632 = vector.broadcast %convert_element_type3A_629 : f32 to vector<8x4096xf32>
        %select_n3A_633 = arith.select %gt3A_630, %broadcast_in_dim3A_632, %select_n3A_623 : vector<8x4096xi1>, vector<8x4096xf32>
        %slice3A_634 = vector.extract_strided_slice %dot_general3A_56 {offsets = [464, 0], sizes = [8, 4096], strides = [1, 1]} : vector<2048x4096xf32> to vector<8x4096xf32>
        %mul3A_635 = arith.constant 256 : i32
        %mul3A_636 = arith.muli %scan3A_42, %mul3A_635 : i32
        %add3A_637 = arith.constant 58 : i32
        %add3A_638 = arith.addi %mul3A_636, %add3A_637 : i32
        %convert_element_type3A_639 = arith.sitofp %add3A_638 : i32 to f32
        %gt3A_640 = arith.cmpf ogt, %slice3A_634, %max3A_631 : vector<8x4096xf32>
        %max3A_641 = arith.maximumf %slice3A_634, %max3A_631 : vector<8x4096xf32>
        %broadcast_in_dim3A_642 = vector.broadcast %convert_element_type3A_639 : f32 to vector<8x4096xf32>
        %select_n3A_643 = arith.select %gt3A_640, %broadcast_in_dim3A_642, %select_n3A_633 : vector<8x4096xi1>, vector<8x4096xf32>
        %slice3A_644 = vector.extract_strided_slice %dot_general3A_56 {offsets = [472, 0], sizes = [8, 4096], strides = [1, 1]} : vector<2048x4096xf32> to vector<8x4096xf32>
        %mul3A_645 = arith.constant 256 : i32
        %mul3A_646 = arith.muli %scan3A_42, %mul3A_645 : i32
        %add3A_647 = arith.constant 59 : i32
        %add3A_648 = arith.addi %mul3A_646, %add3A_647 : i32
        %convert_element_type3A_649 = arith.sitofp %add3A_648 : i32 to f32
        %gt3A_650 = arith.cmpf ogt, %slice3A_644, %max3A_641 : vector<8x4096xf32>
        %max3A_651 = arith.maximumf %slice3A_644, %max3A_641 : vector<8x4096xf32>
        %broadcast_in_dim3A_652 = vector.broadcast %convert_element_type3A_649 : f32 to vector<8x4096xf32>
        %select_n3A_653 = arith.select %gt3A_650, %broadcast_in_dim3A_652, %select_n3A_643 : vector<8x4096xi1>, vector<8x4096xf32>
        %slice3A_654 = vector.extract_strided_slice %dot_general3A_56 {offsets = [480, 0], sizes = [8, 4096], strides = [1, 1]} : vector<2048x4096xf32> to vector<8x4096xf32>
        %mul3A_655 = arith.constant 256 : i32
        %mul3A_656 = arith.muli %scan3A_42, %mul3A_655 : i32
        %add3A_657 = arith.constant 60 : i32
        %add3A_658 = arith.addi %mul3A_656, %add3A_657 : i32
        %convert_element_type3A_659 = arith.sitofp %add3A_658 : i32 to f32
        %gt3A_660 = arith.cmpf ogt, %slice3A_654, %max3A_651 : vector<8x4096xf32>
        %max3A_661 = arith.maximumf %slice3A_654, %max3A_651 : vector<8x4096xf32>
        %broadcast_in_dim3A_662 = vector.broadcast %convert_element_type3A_659 : f32 to vector<8x4096xf32>
        %select_n3A_663 = arith.select %gt3A_660, %broadcast_in_dim3A_662, %select_n3A_653 : vector<8x4096xi1>, vector<8x4096xf32>
        %slice3A_664 = vector.extract_strided_slice %dot_general3A_56 {offsets = [488, 0], sizes = [8, 4096], strides = [1, 1]} : vector<2048x4096xf32> to vector<8x4096xf32>
        %mul3A_665 = arith.constant 256 : i32
        %mul3A_666 = arith.muli %scan3A_42, %mul3A_665 : i32
        %add3A_667 = arith.constant 61 : i32
        %add3A_668 = arith.addi %mul3A_666, %add3A_667 : i32
        %convert_element_type3A_669 = arith.sitofp %add3A_668 : i32 to f32
        %gt3A_670 = arith.cmpf ogt, %slice3A_664, %max3A_661 : vector<8x4096xf32>
        %max3A_671 = arith.maximumf %slice3A_664, %max3A_661 : vector<8x4096xf32>
        %broadcast_in_dim3A_672 = vector.broadcast %convert_element_type3A_669 : f32 to vector<8x4096xf32>
        %select_n3A_673 = arith.select %gt3A_670, %broadcast_in_dim3A_672, %select_n3A_663 : vector<8x4096xi1>, vector<8x4096xf32>
        %slice3A_674 = vector.extract_strided_slice %dot_general3A_56 {offsets = [496, 0], sizes = [8, 4096], strides = [1, 1]} : vector<2048x4096xf32> to vector<8x4096xf32>
        %mul3A_675 = arith.constant 256 : i32
        %mul3A_676 = arith.muli %scan3A_42, %mul3A_675 : i32
        %add3A_677 = arith.constant 62 : i32
        %add3A_678 = arith.addi %mul3A_676, %add3A_677 : i32
        %convert_element_type3A_679 = arith.sitofp %add3A_678 : i32 to f32
        %gt3A_680 = arith.cmpf ogt, %slice3A_674, %max3A_671 : vector<8x4096xf32>
        %max3A_681 = arith.maximumf %slice3A_674, %max3A_671 : vector<8x4096xf32>
        %broadcast_in_dim3A_682 = vector.broadcast %convert_element_type3A_679 : f32 to vector<8x4096xf32>
        %select_n3A_683 = arith.select %gt3A_680, %broadcast_in_dim3A_682, %select_n3A_673 : vector<8x4096xi1>, vector<8x4096xf32>
        %slice3A_684 = vector.extract_strided_slice %dot_general3A_56 {offsets = [504, 0], sizes = [8, 4096], strides = [1, 1]} : vector<2048x4096xf32> to vector<8x4096xf32>
        %mul3A_685 = arith.constant 256 : i32
        %mul3A_686 = arith.muli %scan3A_42, %mul3A_685 : i32
        %add3A_687 = arith.constant 63 : i32
        %add3A_688 = arith.addi %mul3A_686, %add3A_687 : i32
        %convert_element_type3A_689 = arith.sitofp %add3A_688 : i32 to f32
        %gt3A_690 = arith.cmpf ogt, %slice3A_684, %max3A_681 : vector<8x4096xf32>
        %max3A_691 = arith.maximumf %slice3A_684, %max3A_681 : vector<8x4096xf32>
        %broadcast_in_dim3A_692 = vector.broadcast %convert_element_type3A_689 : f32 to vector<8x4096xf32>
        %select_n3A_693 = arith.select %gt3A_690, %broadcast_in_dim3A_692, %select_n3A_683 : vector<8x4096xi1>, vector<8x4096xf32>
        %slice3A_694 = vector.extract_strided_slice %dot_general3A_56 {offsets = [512, 0], sizes = [8, 4096], strides = [1, 1]} : vector<2048x4096xf32> to vector<8x4096xf32>
        %mul3A_695 = arith.constant 256 : i32
        %mul3A_696 = arith.muli %scan3A_42, %mul3A_695 : i32
        %add3A_697 = arith.constant 64 : i32
        %add3A_698 = arith.addi %mul3A_696, %add3A_697 : i32
        %convert_element_type3A_699 = arith.sitofp %add3A_698 : i32 to f32
        %gt3A_700 = arith.cmpf ogt, %slice3A_694, %max3A_691 : vector<8x4096xf32>
        %max3A_701 = arith.maximumf %slice3A_694, %max3A_691 : vector<8x4096xf32>
        %broadcast_in_dim3A_702 = vector.broadcast %convert_element_type3A_699 : f32 to vector<8x4096xf32>
        %select_n3A_703 = arith.select %gt3A_700, %broadcast_in_dim3A_702, %select_n3A_693 : vector<8x4096xi1>, vector<8x4096xf32>
        %slice3A_704 = vector.extract_strided_slice %dot_general3A_56 {offsets = [520, 0], sizes = [8, 4096], strides = [1, 1]} : vector<2048x4096xf32> to vector<8x4096xf32>
        %mul3A_705 = arith.constant 256 : i32
        %mul3A_706 = arith.muli %scan3A_42, %mul3A_705 : i32
        %add3A_707 = arith.constant 65 : i32
        %add3A_708 = arith.addi %mul3A_706, %add3A_707 : i32
        %convert_element_type3A_709 = arith.sitofp %add3A_708 : i32 to f32
        %gt3A_710 = arith.cmpf ogt, %slice3A_704, %max3A_701 : vector<8x4096xf32>
        %max3A_711 = arith.maximumf %slice3A_704, %max3A_701 : vector<8x4096xf32>
        %broadcast_in_dim3A_712 = vector.broadcast %convert_element_type3A_709 : f32 to vector<8x4096xf32>
        %select_n3A_713 = arith.select %gt3A_710, %broadcast_in_dim3A_712, %select_n3A_703 : vector<8x4096xi1>, vector<8x4096xf32>
        %slice3A_714 = vector.extract_strided_slice %dot_general3A_56 {offsets = [528, 0], sizes = [8, 4096], strides = [1, 1]} : vector<2048x4096xf32> to vector<8x4096xf32>
        %mul3A_715 = arith.constant 256 : i32
        %mul3A_716 = arith.muli %scan3A_42, %mul3A_715 : i32
        %add3A_717 = arith.constant 66 : i32
        %add3A_718 = arith.addi %mul3A_716, %add3A_717 : i32
        %convert_element_type3A_719 = arith.sitofp %add3A_718 : i32 to f32
        %gt3A_720 = arith.cmpf ogt, %slice3A_714, %max3A_711 : vector<8x4096xf32>
        %max3A_721 = arith.maximumf %slice3A_714, %max3A_711 : vector<8x4096xf32>
        %broadcast_in_dim3A_722 = vector.broadcast %convert_element_type3A_719 : f32 to vector<8x4096xf32>
        %select_n3A_723 = arith.select %gt3A_720, %broadcast_in_dim3A_722, %select_n3A_713 : vector<8x4096xi1>, vector<8x4096xf32>
        %slice3A_724 = vector.extract_strided_slice %dot_general3A_56 {offsets = [536, 0], sizes = [8, 4096], strides = [1, 1]} : vector<2048x4096xf32> to vector<8x4096xf32>
        %mul3A_725 = arith.constant 256 : i32
        %mul3A_726 = arith.muli %scan3A_42, %mul3A_725 : i32
        %add3A_727 = arith.constant 67 : i32
        %add3A_728 = arith.addi %mul3A_726, %add3A_727 : i32
        %convert_element_type3A_729 = arith.sitofp %add3A_728 : i32 to f32
        %gt3A_730 = arith.cmpf ogt, %slice3A_724, %max3A_721 : vector<8x4096xf32>
        %max3A_731 = arith.maximumf %slice3A_724, %max3A_721 : vector<8x4096xf32>
        %broadcast_in_dim3A_732 = vector.broadcast %convert_element_type3A_729 : f32 to vector<8x4096xf32>
        %select_n3A_733 = arith.select %gt3A_730, %broadcast_in_dim3A_732, %select_n3A_723 : vector<8x4096xi1>, vector<8x4096xf32>
        %slice3A_734 = vector.extract_strided_slice %dot_general3A_56 {offsets = [544, 0], sizes = [8, 4096], strides = [1, 1]} : vector<2048x4096xf32> to vector<8x4096xf32>
        %mul3A_735 = arith.constant 256 : i32
        %mul3A_736 = arith.muli %scan3A_42, %mul3A_735 : i32
        %add3A_737 = arith.constant 68 : i32
        %add3A_738 = arith.addi %mul3A_736, %add3A_737 : i32
        %convert_element_type3A_739 = arith.sitofp %add3A_738 : i32 to f32
        %gt3A_740 = arith.cmpf ogt, %slice3A_734, %max3A_731 : vector<8x4096xf32>
        %max3A_741 = arith.maximumf %slice3A_734, %max3A_731 : vector<8x4096xf32>
        %broadcast_in_dim3A_742 = vector.broadcast %convert_element_type3A_739 : f32 to vector<8x4096xf32>
        %select_n3A_743 = arith.select %gt3A_740, %broadcast_in_dim3A_742, %select_n3A_733 : vector<8x4096xi1>, vector<8x4096xf32>
        %slice3A_744 = vector.extract_strided_slice %dot_general3A_56 {offsets = [552, 0], sizes = [8, 4096], strides = [1, 1]} : vector<2048x4096xf32> to vector<8x4096xf32>
        %mul3A_745 = arith.constant 256 : i32
        %mul3A_746 = arith.muli %scan3A_42, %mul3A_745 : i32
        %add3A_747 = arith.constant 69 : i32
        %add3A_748 = arith.addi %mul3A_746, %add3A_747 : i32
        %convert_element_type3A_749 = arith.sitofp %add3A_748 : i32 to f32
        %gt3A_750 = arith.cmpf ogt, %slice3A_744, %max3A_741 : vector<8x4096xf32>
        %max3A_751 = arith.maximumf %slice3A_744, %max3A_741 : vector<8x4096xf32>
        %broadcast_in_dim3A_752 = vector.broadcast %convert_element_type3A_749 : f32 to vector<8x4096xf32>
        %select_n3A_753 = arith.select %gt3A_750, %broadcast_in_dim3A_752, %select_n3A_743 : vector<8x4096xi1>, vector<8x4096xf32>
        %slice3A_754 = vector.extract_strided_slice %dot_general3A_56 {offsets = [560, 0], sizes = [8, 4096], strides = [1, 1]} : vector<2048x4096xf32> to vector<8x4096xf32>
        %mul3A_755 = arith.constant 256 : i32
        %mul3A_756 = arith.muli %scan3A_42, %mul3A_755 : i32
        %add3A_757 = arith.constant 70 : i32
        %add3A_758 = arith.addi %mul3A_756, %add3A_757 : i32
        %convert_element_type3A_759 = arith.sitofp %add3A_758 : i32 to f32
        %gt3A_760 = arith.cmpf ogt, %slice3A_754, %max3A_751 : vector<8x4096xf32>
        %max3A_761 = arith.maximumf %slice3A_754, %max3A_751 : vector<8x4096xf32>
        %broadcast_in_dim3A_762 = vector.broadcast %convert_element_type3A_759 : f32 to vector<8x4096xf32>
        %select_n3A_763 = arith.select %gt3A_760, %broadcast_in_dim3A_762, %select_n3A_753 : vector<8x4096xi1>, vector<8x4096xf32>
        %slice3A_764 = vector.extract_strided_slice %dot_general3A_56 {offsets = [568, 0], sizes = [8, 4096], strides = [1, 1]} : vector<2048x4096xf32> to vector<8x4096xf32>
        %mul3A_765 = arith.constant 256 : i32
        %mul3A_766 = arith.muli %scan3A_42, %mul3A_765 : i32
        %add3A_767 = arith.constant 71 : i32
        %add3A_768 = arith.addi %mul3A_766, %add3A_767 : i32
        %convert_element_type3A_769 = arith.sitofp %add3A_768 : i32 to f32
        %gt3A_770 = arith.cmpf ogt, %slice3A_764, %max3A_761 : vector<8x4096xf32>
        %max3A_771 = arith.maximumf %slice3A_764, %max3A_761 : vector<8x4096xf32>
        %broadcast_in_dim3A_772 = vector.broadcast %convert_element_type3A_769 : f32 to vector<8x4096xf32>
        %select_n3A_773 = arith.select %gt3A_770, %broadcast_in_dim3A_772, %select_n3A_763 : vector<8x4096xi1>, vector<8x4096xf32>
        %slice3A_774 = vector.extract_strided_slice %dot_general3A_56 {offsets = [576, 0], sizes = [8, 4096], strides = [1, 1]} : vector<2048x4096xf32> to vector<8x4096xf32>
        %mul3A_775 = arith.constant 256 : i32
        %mul3A_776 = arith.muli %scan3A_42, %mul3A_775 : i32
        %add3A_777 = arith.constant 72 : i32
        %add3A_778 = arith.addi %mul3A_776, %add3A_777 : i32
        %convert_element_type3A_779 = arith.sitofp %add3A_778 : i32 to f32
        %gt3A_780 = arith.cmpf ogt, %slice3A_774, %max3A_771 : vector<8x4096xf32>
        %max3A_781 = arith.maximumf %slice3A_774, %max3A_771 : vector<8x4096xf32>
        %broadcast_in_dim3A_782 = vector.broadcast %convert_element_type3A_779 : f32 to vector<8x4096xf32>
        %select_n3A_783 = arith.select %gt3A_780, %broadcast_in_dim3A_782, %select_n3A_773 : vector<8x4096xi1>, vector<8x4096xf32>
        %slice3A_784 = vector.extract_strided_slice %dot_general3A_56 {offsets = [584, 0], sizes = [8, 4096], strides = [1, 1]} : vector<2048x4096xf32> to vector<8x4096xf32>
        %mul3A_785 = arith.constant 256 : i32
        %mul3A_786 = arith.muli %scan3A_42, %mul3A_785 : i32
        %add3A_787 = arith.constant 73 : i32
        %add3A_788 = arith.addi %mul3A_786, %add3A_787 : i32
        %convert_element_type3A_789 = arith.sitofp %add3A_788 : i32 to f32
        %gt3A_790 = arith.cmpf ogt, %slice3A_784, %max3A_781 : vector<8x4096xf32>
        %max3A_791 = arith.maximumf %slice3A_784, %max3A_781 : vector<8x4096xf32>
        %broadcast_in_dim3A_792 = vector.broadcast %convert_element_type3A_789 : f32 to vector<8x4096xf32>
        %select_n3A_793 = arith.select %gt3A_790, %broadcast_in_dim3A_792, %select_n3A_783 : vector<8x4096xi1>, vector<8x4096xf32>
        %slice3A_794 = vector.extract_strided_slice %dot_general3A_56 {offsets = [592, 0], sizes = [8, 4096], strides = [1, 1]} : vector<2048x4096xf32> to vector<8x4096xf32>
        %mul3A_795 = arith.constant 256 : i32
        %mul3A_796 = arith.muli %scan3A_42, %mul3A_795 : i32
        %add3A_797 = arith.constant 74 : i32
        %add3A_798 = arith.addi %mul3A_796, %add3A_797 : i32
        %convert_element_type3A_799 = arith.sitofp %add3A_798 : i32 to f32
        %gt3A_800 = arith.cmpf ogt, %slice3A_794, %max3A_791 : vector<8x4096xf32>
        %max3A_801 = arith.maximumf %slice3A_794, %max3A_791 : vector<8x4096xf32>
        %broadcast_in_dim3A_802 = vector.broadcast %convert_element_type3A_799 : f32 to vector<8x4096xf32>
        %select_n3A_803 = arith.select %gt3A_800, %broadcast_in_dim3A_802, %select_n3A_793 : vector<8x4096xi1>, vector<8x4096xf32>
        %slice3A_804 = vector.extract_strided_slice %dot_general3A_56 {offsets = [600, 0], sizes = [8, 4096], strides = [1, 1]} : vector<2048x4096xf32> to vector<8x4096xf32>
        %mul3A_805 = arith.constant 256 : i32
        %mul3A_806 = arith.muli %scan3A_42, %mul3A_805 : i32
        %add3A_807 = arith.constant 75 : i32
        %add3A_808 = arith.addi %mul3A_806, %add3A_807 : i32
        %convert_element_type3A_809 = arith.sitofp %add3A_808 : i32 to f32
        %gt3A_810 = arith.cmpf ogt, %slice3A_804, %max3A_801 : vector<8x4096xf32>
        %max3A_811 = arith.maximumf %slice3A_804, %max3A_801 : vector<8x4096xf32>
        %broadcast_in_dim3A_812 = vector.broadcast %convert_element_type3A_809 : f32 to vector<8x4096xf32>
        %select_n3A_813 = arith.select %gt3A_810, %broadcast_in_dim3A_812, %select_n3A_803 : vector<8x4096xi1>, vector<8x4096xf32>
        %slice3A_814 = vector.extract_strided_slice %dot_general3A_56 {offsets = [608, 0], sizes = [8, 4096], strides = [1, 1]} : vector<2048x4096xf32> to vector<8x4096xf32>
        %mul3A_815 = arith.constant 256 : i32
        %mul3A_816 = arith.muli %scan3A_42, %mul3A_815 : i32
        %add3A_817 = arith.constant 76 : i32
        %add3A_818 = arith.addi %mul3A_816, %add3A_817 : i32
        %convert_element_type3A_819 = arith.sitofp %add3A_818 : i32 to f32
        %gt3A_820 = arith.cmpf ogt, %slice3A_814, %max3A_811 : vector<8x4096xf32>
        %max3A_821 = arith.maximumf %slice3A_814, %max3A_811 : vector<8x4096xf32>
        %broadcast_in_dim3A_822 = vector.broadcast %convert_element_type3A_819 : f32 to vector<8x4096xf32>
        %select_n3A_823 = arith.select %gt3A_820, %broadcast_in_dim3A_822, %select_n3A_813 : vector<8x4096xi1>, vector<8x4096xf32>
        %slice3A_824 = vector.extract_strided_slice %dot_general3A_56 {offsets = [616, 0], sizes = [8, 4096], strides = [1, 1]} : vector<2048x4096xf32> to vector<8x4096xf32>
        %mul3A_825 = arith.constant 256 : i32
        %mul3A_826 = arith.muli %scan3A_42, %mul3A_825 : i32
        %add3A_827 = arith.constant 77 : i32
        %add3A_828 = arith.addi %mul3A_826, %add3A_827 : i32
        %convert_element_type3A_829 = arith.sitofp %add3A_828 : i32 to f32
        %gt3A_830 = arith.cmpf ogt, %slice3A_824, %max3A_821 : vector<8x4096xf32>
        %max3A_831 = arith.maximumf %slice3A_824, %max3A_821 : vector<8x4096xf32>
        %broadcast_in_dim3A_832 = vector.broadcast %convert_element_type3A_829 : f32 to vector<8x4096xf32>
        %select_n3A_833 = arith.select %gt3A_830, %broadcast_in_dim3A_832, %select_n3A_823 : vector<8x4096xi1>, vector<8x4096xf32>
        %slice3A_834 = vector.extract_strided_slice %dot_general3A_56 {offsets = [624, 0], sizes = [8, 4096], strides = [1, 1]} : vector<2048x4096xf32> to vector<8x4096xf32>
        %mul3A_835 = arith.constant 256 : i32
        %mul3A_836 = arith.muli %scan3A_42, %mul3A_835 : i32
        %add3A_837 = arith.constant 78 : i32
        %add3A_838 = arith.addi %mul3A_836, %add3A_837 : i32
        %convert_element_type3A_839 = arith.sitofp %add3A_838 : i32 to f32
        %gt3A_840 = arith.cmpf ogt, %slice3A_834, %max3A_831 : vector<8x4096xf32>
        %max3A_841 = arith.maximumf %slice3A_834, %max3A_831 : vector<8x4096xf32>
        %broadcast_in_dim3A_842 = vector.broadcast %convert_element_type3A_839 : f32 to vector<8x4096xf32>
        %select_n3A_843 = arith.select %gt3A_840, %broadcast_in_dim3A_842, %select_n3A_833 : vector<8x4096xi1>, vector<8x4096xf32>
        %slice3A_844 = vector.extract_strided_slice %dot_general3A_56 {offsets = [632, 0], sizes = [8, 4096], strides = [1, 1]} : vector<2048x4096xf32> to vector<8x4096xf32>
        %mul3A_845 = arith.constant 256 : i32
        %mul3A_846 = arith.muli %scan3A_42, %mul3A_845 : i32
        %add3A_847 = arith.constant 79 : i32
        %add3A_848 = arith.addi %mul3A_846, %add3A_847 : i32
        %convert_element_type3A_849 = arith.sitofp %add3A_848 : i32 to f32
        %gt3A_850 = arith.cmpf ogt, %slice3A_844, %max3A_841 : vector<8x4096xf32>
        %max3A_851 = arith.maximumf %slice3A_844, %max3A_841 : vector<8x4096xf32>
        %broadcast_in_dim3A_852 = vector.broadcast %convert_element_type3A_849 : f32 to vector<8x4096xf32>
        %select_n3A_853 = arith.select %gt3A_850, %broadcast_in_dim3A_852, %select_n3A_843 : vector<8x4096xi1>, vector<8x4096xf32>
        %slice3A_854 = vector.extract_strided_slice %dot_general3A_56 {offsets = [640, 0], sizes = [8, 4096], strides = [1, 1]} : vector<2048x4096xf32> to vector<8x4096xf32>
        %mul3A_855 = arith.constant 256 : i32
        %mul3A_856 = arith.muli %scan3A_42, %mul3A_855 : i32
        %add3A_857 = arith.constant 80 : i32
        %add3A_858 = arith.addi %mul3A_856, %add3A_857 : i32
        %convert_element_type3A_859 = arith.sitofp %add3A_858 : i32 to f32
        %gt3A_860 = arith.cmpf ogt, %slice3A_854, %max3A_851 : vector<8x4096xf32>
        %max3A_861 = arith.maximumf %slice3A_854, %max3A_851 : vector<8x4096xf32>
        %broadcast_in_dim3A_862 = vector.broadcast %convert_element_type3A_859 : f32 to vector<8x4096xf32>
        %select_n3A_863 = arith.select %gt3A_860, %broadcast_in_dim3A_862, %select_n3A_853 : vector<8x4096xi1>, vector<8x4096xf32>
        %slice3A_864 = vector.extract_strided_slice %dot_general3A_56 {offsets = [648, 0], sizes = [8, 4096], strides = [1, 1]} : vector<2048x4096xf32> to vector<8x4096xf32>
        %mul3A_865 = arith.constant 256 : i32
        %mul3A_866 = arith.muli %scan3A_42, %mul3A_865 : i32
        %add3A_867 = arith.constant 81 : i32
        %add3A_868 = arith.addi %mul3A_866, %add3A_867 : i32
        %convert_element_type3A_869 = arith.sitofp %add3A_868 : i32 to f32
        %gt3A_870 = arith.cmpf ogt, %slice3A_864, %max3A_861 : vector<8x4096xf32>
        %max3A_871 = arith.maximumf %slice3A_864, %max3A_861 : vector<8x4096xf32>
        %broadcast_in_dim3A_872 = vector.broadcast %convert_element_type3A_869 : f32 to vector<8x4096xf32>
        %select_n3A_873 = arith.select %gt3A_870, %broadcast_in_dim3A_872, %select_n3A_863 : vector<8x4096xi1>, vector<8x4096xf32>
        %slice3A_874 = vector.extract_strided_slice %dot_general3A_56 {offsets = [656, 0], sizes = [8, 4096], strides = [1, 1]} : vector<2048x4096xf32> to vector<8x4096xf32>
        %mul3A_875 = arith.constant 256 : i32
        %mul3A_876 = arith.muli %scan3A_42, %mul3A_875 : i32
        %add3A_877 = arith.constant 82 : i32
        %add3A_878 = arith.addi %mul3A_876, %add3A_877 : i32
        %convert_element_type3A_879 = arith.sitofp %add3A_878 : i32 to f32
        %gt3A_880 = arith.cmpf ogt, %slice3A_874, %max3A_871 : vector<8x4096xf32>
        %max3A_881 = arith.maximumf %slice3A_874, %max3A_871 : vector<8x4096xf32>
        %broadcast_in_dim3A_882 = vector.broadcast %convert_element_type3A_879 : f32 to vector<8x4096xf32>
        %select_n3A_883 = arith.select %gt3A_880, %broadcast_in_dim3A_882, %select_n3A_873 : vector<8x4096xi1>, vector<8x4096xf32>
        %slice3A_884 = vector.extract_strided_slice %dot_general3A_56 {offsets = [664, 0], sizes = [8, 4096], strides = [1, 1]} : vector<2048x4096xf32> to vector<8x4096xf32>
        %mul3A_885 = arith.constant 256 : i32
        %mul3A_886 = arith.muli %scan3A_42, %mul3A_885 : i32
        %add3A_887 = arith.constant 83 : i32
        %add3A_888 = arith.addi %mul3A_886, %add3A_887 : i32
        %convert_element_type3A_889 = arith.sitofp %add3A_888 : i32 to f32
        %gt3A_890 = arith.cmpf ogt, %slice3A_884, %max3A_881 : vector<8x4096xf32>
        %max3A_891 = arith.maximumf %slice3A_884, %max3A_881 : vector<8x4096xf32>
        %broadcast_in_dim3A_892 = vector.broadcast %convert_element_type3A_889 : f32 to vector<8x4096xf32>
        %select_n3A_893 = arith.select %gt3A_890, %broadcast_in_dim3A_892, %select_n3A_883 : vector<8x4096xi1>, vector<8x4096xf32>
        %slice3A_894 = vector.extract_strided_slice %dot_general3A_56 {offsets = [672, 0], sizes = [8, 4096], strides = [1, 1]} : vector<2048x4096xf32> to vector<8x4096xf32>
        %mul3A_895 = arith.constant 256 : i32
        %mul3A_896 = arith.muli %scan3A_42, %mul3A_895 : i32
        %add3A_897 = arith.constant 84 : i32
        %add3A_898 = arith.addi %mul3A_896, %add3A_897 : i32
        %convert_element_type3A_899 = arith.sitofp %add3A_898 : i32 to f32
        %gt3A_900 = arith.cmpf ogt, %slice3A_894, %max3A_891 : vector<8x4096xf32>
        %max3A_901 = arith.maximumf %slice3A_894, %max3A_891 : vector<8x4096xf32>
        %broadcast_in_dim3A_902 = vector.broadcast %convert_element_type3A_899 : f32 to vector<8x4096xf32>
        %select_n3A_903 = arith.select %gt3A_900, %broadcast_in_dim3A_902, %select_n3A_893 : vector<8x4096xi1>, vector<8x4096xf32>
        %slice3A_904 = vector.extract_strided_slice %dot_general3A_56 {offsets = [680, 0], sizes = [8, 4096], strides = [1, 1]} : vector<2048x4096xf32> to vector<8x4096xf32>
        %mul3A_905 = arith.constant 256 : i32
        %mul3A_906 = arith.muli %scan3A_42, %mul3A_905 : i32
        %add3A_907 = arith.constant 85 : i32
        %add3A_908 = arith.addi %mul3A_906, %add3A_907 : i32
        %convert_element_type3A_909 = arith.sitofp %add3A_908 : i32 to f32
        %gt3A_910 = arith.cmpf ogt, %slice3A_904, %max3A_901 : vector<8x4096xf32>
        %max3A_911 = arith.maximumf %slice3A_904, %max3A_901 : vector<8x4096xf32>
        %broadcast_in_dim3A_912 = vector.broadcast %convert_element_type3A_909 : f32 to vector<8x4096xf32>
        %select_n3A_913 = arith.select %gt3A_910, %broadcast_in_dim3A_912, %select_n3A_903 : vector<8x4096xi1>, vector<8x4096xf32>
        %slice3A_914 = vector.extract_strided_slice %dot_general3A_56 {offsets = [688, 0], sizes = [8, 4096], strides = [1, 1]} : vector<2048x4096xf32> to vector<8x4096xf32>
        %mul3A_915 = arith.constant 256 : i32
        %mul3A_916 = arith.muli %scan3A_42, %mul3A_915 : i32
        %add3A_917 = arith.constant 86 : i32
        %add3A_918 = arith.addi %mul3A_916, %add3A_917 : i32
        %convert_element_type3A_919 = arith.sitofp %add3A_918 : i32 to f32
        %gt3A_920 = arith.cmpf ogt, %slice3A_914, %max3A_911 : vector<8x4096xf32>
        %max3A_921 = arith.maximumf %slice3A_914, %max3A_911 : vector<8x4096xf32>
        %broadcast_in_dim3A_922 = vector.broadcast %convert_element_type3A_919 : f32 to vector<8x4096xf32>
        %select_n3A_923 = arith.select %gt3A_920, %broadcast_in_dim3A_922, %select_n3A_913 : vector<8x4096xi1>, vector<8x4096xf32>
        %slice3A_924 = vector.extract_strided_slice %dot_general3A_56 {offsets = [696, 0], sizes = [8, 4096], strides = [1, 1]} : vector<2048x4096xf32> to vector<8x4096xf32>
        %mul3A_925 = arith.constant 256 : i32
        %mul3A_926 = arith.muli %scan3A_42, %mul3A_925 : i32
        %add3A_927 = arith.constant 87 : i32
        %add3A_928 = arith.addi %mul3A_926, %add3A_927 : i32
        %convert_element_type3A_929 = arith.sitofp %add3A_928 : i32 to f32
        %gt3A_930 = arith.cmpf ogt, %slice3A_924, %max3A_921 : vector<8x4096xf32>
        %max3A_931 = arith.maximumf %slice3A_924, %max3A_921 : vector<8x4096xf32>
        %broadcast_in_dim3A_932 = vector.broadcast %convert_element_type3A_929 : f32 to vector<8x4096xf32>
        %select_n3A_933 = arith.select %gt3A_930, %broadcast_in_dim3A_932, %select_n3A_923 : vector<8x4096xi1>, vector<8x4096xf32>
        %slice3A_934 = vector.extract_strided_slice %dot_general3A_56 {offsets = [704, 0], sizes = [8, 4096], strides = [1, 1]} : vector<2048x4096xf32> to vector<8x4096xf32>
        %mul3A_935 = arith.constant 256 : i32
        %mul3A_936 = arith.muli %scan3A_42, %mul3A_935 : i32
        %add3A_937 = arith.constant 88 : i32
        %add3A_938 = arith.addi %mul3A_936, %add3A_937 : i32
        %convert_element_type3A_939 = arith.sitofp %add3A_938 : i32 to f32
        %gt3A_940 = arith.cmpf ogt, %slice3A_934, %max3A_931 : vector<8x4096xf32>
        %max3A_941 = arith.maximumf %slice3A_934, %max3A_931 : vector<8x4096xf32>
        %broadcast_in_dim3A_942 = vector.broadcast %convert_element_type3A_939 : f32 to vector<8x4096xf32>
        %select_n3A_943 = arith.select %gt3A_940, %broadcast_in_dim3A_942, %select_n3A_933 : vector<8x4096xi1>, vector<8x4096xf32>
        %slice3A_944 = vector.extract_strided_slice %dot_general3A_56 {offsets = [712, 0], sizes = [8, 4096], strides = [1, 1]} : vector<2048x4096xf32> to vector<8x4096xf32>
        %mul3A_945 = arith.constant 256 : i32
        %mul3A_946 = arith.muli %scan3A_42, %mul3A_945 : i32
        %add3A_947 = arith.constant 89 : i32
        %add3A_948 = arith.addi %mul3A_946, %add3A_947 : i32
        %convert_element_type3A_949 = arith.sitofp %add3A_948 : i32 to f32
        %gt3A_950 = arith.cmpf ogt, %slice3A_944, %max3A_941 : vector<8x4096xf32>
        %max3A_951 = arith.maximumf %slice3A_944, %max3A_941 : vector<8x4096xf32>
        %broadcast_in_dim3A_952 = vector.broadcast %convert_element_type3A_949 : f32 to vector<8x4096xf32>
        %select_n3A_953 = arith.select %gt3A_950, %broadcast_in_dim3A_952, %select_n3A_943 : vector<8x4096xi1>, vector<8x4096xf32>
        %slice3A_954 = vector.extract_strided_slice %dot_general3A_56 {offsets = [720, 0], sizes = [8, 4096], strides = [1, 1]} : vector<2048x4096xf32> to vector<8x4096xf32>
        %mul3A_955 = arith.constant 256 : i32
        %mul3A_956 = arith.muli %scan3A_42, %mul3A_955 : i32
        %add3A_957 = arith.constant 90 : i32
        %add3A_958 = arith.addi %mul3A_956, %add3A_957 : i32
        %convert_element_type3A_959 = arith.sitofp %add3A_958 : i32 to f32
        %gt3A_960 = arith.cmpf ogt, %slice3A_954, %max3A_951 : vector<8x4096xf32>
        %max3A_961 = arith.maximumf %slice3A_954, %max3A_951 : vector<8x4096xf32>
        %broadcast_in_dim3A_962 = vector.broadcast %convert_element_type3A_959 : f32 to vector<8x4096xf32>
        %select_n3A_963 = arith.select %gt3A_960, %broadcast_in_dim3A_962, %select_n3A_953 : vector<8x4096xi1>, vector<8x4096xf32>
        %slice3A_964 = vector.extract_strided_slice %dot_general3A_56 {offsets = [728, 0], sizes = [8, 4096], strides = [1, 1]} : vector<2048x4096xf32> to vector<8x4096xf32>
        %mul3A_965 = arith.constant 256 : i32
        %mul3A_966 = arith.muli %scan3A_42, %mul3A_965 : i32
        %add3A_967 = arith.constant 91 : i32
        %add3A_968 = arith.addi %mul3A_966, %add3A_967 : i32
        %convert_element_type3A_969 = arith.sitofp %add3A_968 : i32 to f32
        %gt3A_970 = arith.cmpf ogt, %slice3A_964, %max3A_961 : vector<8x4096xf32>
        %max3A_971 = arith.maximumf %slice3A_964, %max3A_961 : vector<8x4096xf32>
        %broadcast_in_dim3A_972 = vector.broadcast %convert_element_type3A_969 : f32 to vector<8x4096xf32>
        %select_n3A_973 = arith.select %gt3A_970, %broadcast_in_dim3A_972, %select_n3A_963 : vector<8x4096xi1>, vector<8x4096xf32>
        %slice3A_974 = vector.extract_strided_slice %dot_general3A_56 {offsets = [736, 0], sizes = [8, 4096], strides = [1, 1]} : vector<2048x4096xf32> to vector<8x4096xf32>
        %mul3A_975 = arith.constant 256 : i32
        %mul3A_976 = arith.muli %scan3A_42, %mul3A_975 : i32
        %add3A_977 = arith.constant 92 : i32
        %add3A_978 = arith.addi %mul3A_976, %add3A_977 : i32
        %convert_element_type3A_979 = arith.sitofp %add3A_978 : i32 to f32
        %gt3A_980 = arith.cmpf ogt, %slice3A_974, %max3A_971 : vector<8x4096xf32>
        %max3A_981 = arith.maximumf %slice3A_974, %max3A_971 : vector<8x4096xf32>
        %broadcast_in_dim3A_982 = vector.broadcast %convert_element_type3A_979 : f32 to vector<8x4096xf32>
        %select_n3A_983 = arith.select %gt3A_980, %broadcast_in_dim3A_982, %select_n3A_973 : vector<8x4096xi1>, vector<8x4096xf32>
        %slice3A_984 = vector.extract_strided_slice %dot_general3A_56 {offsets = [744, 0], sizes = [8, 4096], strides = [1, 1]} : vector<2048x4096xf32> to vector<8x4096xf32>
        %mul3A_985 = arith.constant 256 : i32
        %mul3A_986 = arith.muli %scan3A_42, %mul3A_985 : i32
        %add3A_987 = arith.constant 93 : i32
        %add3A_988 = arith.addi %mul3A_986, %add3A_987 : i32
        %convert_element_type3A_989 = arith.sitofp %add3A_988 : i32 to f32
        %gt3A_990 = arith.cmpf ogt, %slice3A_984, %max3A_981 : vector<8x4096xf32>
        %max3A_991 = arith.maximumf %slice3A_984, %max3A_981 : vector<8x4096xf32>
        %broadcast_in_dim3A_992 = vector.broadcast %convert_element_type3A_989 : f32 to vector<8x4096xf32>
        %select_n3A_993 = arith.select %gt3A_990, %broadcast_in_dim3A_992, %select_n3A_983 : vector<8x4096xi1>, vector<8x4096xf32>
        %slice3A_994 = vector.extract_strided_slice %dot_general3A_56 {offsets = [752, 0], sizes = [8, 4096], strides = [1, 1]} : vector<2048x4096xf32> to vector<8x4096xf32>
        %mul3A_995 = arith.constant 256 : i32
        %mul3A_996 = arith.muli %scan3A_42, %mul3A_995 : i32
        %add3A_997 = arith.constant 94 : i32
        %add3A_998 = arith.addi %mul3A_996, %add3A_997 : i32
        %convert_element_type3A_999 = arith.sitofp %add3A_998 : i32 to f32
        %gt3A_1000 = arith.cmpf ogt, %slice3A_994, %max3A_991 : vector<8x4096xf32>
        %max3A_1001 = arith.maximumf %slice3A_994, %max3A_991 : vector<8x4096xf32>
        %broadcast_in_dim3A_1002 = vector.broadcast %convert_element_type3A_999 : f32 to vector<8x4096xf32>
        %select_n3A_1003 = arith.select %gt3A_1000, %broadcast_in_dim3A_1002, %select_n3A_993 : vector<8x4096xi1>, vector<8x4096xf32>
        %slice3A_1004 = vector.extract_strided_slice %dot_general3A_56 {offsets = [760, 0], sizes = [8, 4096], strides = [1, 1]} : vector<2048x4096xf32> to vector<8x4096xf32>
        %mul3A_1005 = arith.constant 256 : i32
        %mul3A_1006 = arith.muli %scan3A_42, %mul3A_1005 : i32
        %add3A_1007 = arith.constant 95 : i32
        %add3A_1008 = arith.addi %mul3A_1006, %add3A_1007 : i32
        %convert_element_type3A_1009 = arith.sitofp %add3A_1008 : i32 to f32
        %gt3A_1010 = arith.cmpf ogt, %slice3A_1004, %max3A_1001 : vector<8x4096xf32>
        %max3A_1011 = arith.maximumf %slice3A_1004, %max3A_1001 : vector<8x4096xf32>
        %broadcast_in_dim3A_1012 = vector.broadcast %convert_element_type3A_1009 : f32 to vector<8x4096xf32>
        %select_n3A_1013 = arith.select %gt3A_1010, %broadcast_in_dim3A_1012, %select_n3A_1003 : vector<8x4096xi1>, vector<8x4096xf32>
        %slice3A_1014 = vector.extract_strided_slice %dot_general3A_56 {offsets = [768, 0], sizes = [8, 4096], strides = [1, 1]} : vector<2048x4096xf32> to vector<8x4096xf32>
        %mul3A_1015 = arith.constant 256 : i32
        %mul3A_1016 = arith.muli %scan3A_42, %mul3A_1015 : i32
        %add3A_1017 = arith.constant 96 : i32
        %add3A_1018 = arith.addi %mul3A_1016, %add3A_1017 : i32
        %convert_element_type3A_1019 = arith.sitofp %add3A_1018 : i32 to f32
        %gt3A_1020 = arith.cmpf ogt, %slice3A_1014, %max3A_1011 : vector<8x4096xf32>
        %max3A_1021 = arith.maximumf %slice3A_1014, %max3A_1011 : vector<8x4096xf32>
        %broadcast_in_dim3A_1022 = vector.broadcast %convert_element_type3A_1019 : f32 to vector<8x4096xf32>
        %select_n3A_1023 = arith.select %gt3A_1020, %broadcast_in_dim3A_1022, %select_n3A_1013 : vector<8x4096xi1>, vector<8x4096xf32>
        %slice3A_1024 = vector.extract_strided_slice %dot_general3A_56 {offsets = [776, 0], sizes = [8, 4096], strides = [1, 1]} : vector<2048x4096xf32> to vector<8x4096xf32>
        %mul3A_1025 = arith.constant 256 : i32
        %mul3A_1026 = arith.muli %scan3A_42, %mul3A_1025 : i32
        %add3A_1027 = arith.constant 97 : i32
        %add3A_1028 = arith.addi %mul3A_1026, %add3A_1027 : i32
        %convert_element_type3A_1029 = arith.sitofp %add3A_1028 : i32 to f32
        %gt3A_1030 = arith.cmpf ogt, %slice3A_1024, %max3A_1021 : vector<8x4096xf32>
        %max3A_1031 = arith.maximumf %slice3A_1024, %max3A_1021 : vector<8x4096xf32>
        %broadcast_in_dim3A_1032 = vector.broadcast %convert_element_type3A_1029 : f32 to vector<8x4096xf32>
        %select_n3A_1033 = arith.select %gt3A_1030, %broadcast_in_dim3A_1032, %select_n3A_1023 : vector<8x4096xi1>, vector<8x4096xf32>
        %slice3A_1034 = vector.extract_strided_slice %dot_general3A_56 {offsets = [784, 0], sizes = [8, 4096], strides = [1, 1]} : vector<2048x4096xf32> to vector<8x4096xf32>
        %mul3A_1035 = arith.constant 256 : i32
        %mul3A_1036 = arith.muli %scan3A_42, %mul3A_1035 : i32
        %add3A_1037 = arith.constant 98 : i32
        %add3A_1038 = arith.addi %mul3A_1036, %add3A_1037 : i32
        %convert_element_type3A_1039 = arith.sitofp %add3A_1038 : i32 to f32
        %gt3A_1040 = arith.cmpf ogt, %slice3A_1034, %max3A_1031 : vector<8x4096xf32>
        %max3A_1041 = arith.maximumf %slice3A_1034, %max3A_1031 : vector<8x4096xf32>
        %broadcast_in_dim3A_1042 = vector.broadcast %convert_element_type3A_1039 : f32 to vector<8x4096xf32>
        %select_n3A_1043 = arith.select %gt3A_1040, %broadcast_in_dim3A_1042, %select_n3A_1033 : vector<8x4096xi1>, vector<8x4096xf32>
        %slice3A_1044 = vector.extract_strided_slice %dot_general3A_56 {offsets = [792, 0], sizes = [8, 4096], strides = [1, 1]} : vector<2048x4096xf32> to vector<8x4096xf32>
        %mul3A_1045 = arith.constant 256 : i32
        %mul3A_1046 = arith.muli %scan3A_42, %mul3A_1045 : i32
        %add3A_1047 = arith.constant 99 : i32
        %add3A_1048 = arith.addi %mul3A_1046, %add3A_1047 : i32
        %convert_element_type3A_1049 = arith.sitofp %add3A_1048 : i32 to f32
        %gt3A_1050 = arith.cmpf ogt, %slice3A_1044, %max3A_1041 : vector<8x4096xf32>
        %max3A_1051 = arith.maximumf %slice3A_1044, %max3A_1041 : vector<8x4096xf32>
        %broadcast_in_dim3A_1052 = vector.broadcast %convert_element_type3A_1049 : f32 to vector<8x4096xf32>
        %select_n3A_1053 = arith.select %gt3A_1050, %broadcast_in_dim3A_1052, %select_n3A_1043 : vector<8x4096xi1>, vector<8x4096xf32>
        %slice3A_1054 = vector.extract_strided_slice %dot_general3A_56 {offsets = [800, 0], sizes = [8, 4096], strides = [1, 1]} : vector<2048x4096xf32> to vector<8x4096xf32>
        %mul3A_1055 = arith.constant 256 : i32
        %mul3A_1056 = arith.muli %scan3A_42, %mul3A_1055 : i32
        %add3A_1057 = arith.constant 100 : i32
        %add3A_1058 = arith.addi %mul3A_1056, %add3A_1057 : i32
        %convert_element_type3A_1059 = arith.sitofp %add3A_1058 : i32 to f32
        %gt3A_1060 = arith.cmpf ogt, %slice3A_1054, %max3A_1051 : vector<8x4096xf32>
        %max3A_1061 = arith.maximumf %slice3A_1054, %max3A_1051 : vector<8x4096xf32>
        %broadcast_in_dim3A_1062 = vector.broadcast %convert_element_type3A_1059 : f32 to vector<8x4096xf32>
        %select_n3A_1063 = arith.select %gt3A_1060, %broadcast_in_dim3A_1062, %select_n3A_1053 : vector<8x4096xi1>, vector<8x4096xf32>
        %slice3A_1064 = vector.extract_strided_slice %dot_general3A_56 {offsets = [808, 0], sizes = [8, 4096], strides = [1, 1]} : vector<2048x4096xf32> to vector<8x4096xf32>
        %mul3A_1065 = arith.constant 256 : i32
        %mul3A_1066 = arith.muli %scan3A_42, %mul3A_1065 : i32
        %add3A_1067 = arith.constant 101 : i32
        %add3A_1068 = arith.addi %mul3A_1066, %add3A_1067 : i32
        %convert_element_type3A_1069 = arith.sitofp %add3A_1068 : i32 to f32
        %gt3A_1070 = arith.cmpf ogt, %slice3A_1064, %max3A_1061 : vector<8x4096xf32>
        %max3A_1071 = arith.maximumf %slice3A_1064, %max3A_1061 : vector<8x4096xf32>
        %broadcast_in_dim3A_1072 = vector.broadcast %convert_element_type3A_1069 : f32 to vector<8x4096xf32>
        %select_n3A_1073 = arith.select %gt3A_1070, %broadcast_in_dim3A_1072, %select_n3A_1063 : vector<8x4096xi1>, vector<8x4096xf32>
        %slice3A_1074 = vector.extract_strided_slice %dot_general3A_56 {offsets = [816, 0], sizes = [8, 4096], strides = [1, 1]} : vector<2048x4096xf32> to vector<8x4096xf32>
        %mul3A_1075 = arith.constant 256 : i32
        %mul3A_1076 = arith.muli %scan3A_42, %mul3A_1075 : i32
        %add3A_1077 = arith.constant 102 : i32
        %add3A_1078 = arith.addi %mul3A_1076, %add3A_1077 : i32
        %convert_element_type3A_1079 = arith.sitofp %add3A_1078 : i32 to f32
        %gt3A_1080 = arith.cmpf ogt, %slice3A_1074, %max3A_1071 : vector<8x4096xf32>
        %max3A_1081 = arith.maximumf %slice3A_1074, %max3A_1071 : vector<8x4096xf32>
        %broadcast_in_dim3A_1082 = vector.broadcast %convert_element_type3A_1079 : f32 to vector<8x4096xf32>
        %select_n3A_1083 = arith.select %gt3A_1080, %broadcast_in_dim3A_1082, %select_n3A_1073 : vector<8x4096xi1>, vector<8x4096xf32>
        %slice3A_1084 = vector.extract_strided_slice %dot_general3A_56 {offsets = [824, 0], sizes = [8, 4096], strides = [1, 1]} : vector<2048x4096xf32> to vector<8x4096xf32>
        %mul3A_1085 = arith.constant 256 : i32
        %mul3A_1086 = arith.muli %scan3A_42, %mul3A_1085 : i32
        %add3A_1087 = arith.constant 103 : i32
        %add3A_1088 = arith.addi %mul3A_1086, %add3A_1087 : i32
        %convert_element_type3A_1089 = arith.sitofp %add3A_1088 : i32 to f32
        %gt3A_1090 = arith.cmpf ogt, %slice3A_1084, %max3A_1081 : vector<8x4096xf32>
        %max3A_1091 = arith.maximumf %slice3A_1084, %max3A_1081 : vector<8x4096xf32>
        %broadcast_in_dim3A_1092 = vector.broadcast %convert_element_type3A_1089 : f32 to vector<8x4096xf32>
        %select_n3A_1093 = arith.select %gt3A_1090, %broadcast_in_dim3A_1092, %select_n3A_1083 : vector<8x4096xi1>, vector<8x4096xf32>
        %slice3A_1094 = vector.extract_strided_slice %dot_general3A_56 {offsets = [832, 0], sizes = [8, 4096], strides = [1, 1]} : vector<2048x4096xf32> to vector<8x4096xf32>
        %mul3A_1095 = arith.constant 256 : i32
        %mul3A_1096 = arith.muli %scan3A_42, %mul3A_1095 : i32
        %add3A_1097 = arith.constant 104 : i32
        %add3A_1098 = arith.addi %mul3A_1096, %add3A_1097 : i32
        %convert_element_type3A_1099 = arith.sitofp %add3A_1098 : i32 to f32
        %gt3A_1100 = arith.cmpf ogt, %slice3A_1094, %max3A_1091 : vector<8x4096xf32>
        %max3A_1101 = arith.maximumf %slice3A_1094, %max3A_1091 : vector<8x4096xf32>
        %broadcast_in_dim3A_1102 = vector.broadcast %convert_element_type3A_1099 : f32 to vector<8x4096xf32>
        %select_n3A_1103 = arith.select %gt3A_1100, %broadcast_in_dim3A_1102, %select_n3A_1093 : vector<8x4096xi1>, vector<8x4096xf32>
        %slice3A_1104 = vector.extract_strided_slice %dot_general3A_56 {offsets = [840, 0], sizes = [8, 4096], strides = [1, 1]} : vector<2048x4096xf32> to vector<8x4096xf32>
        %mul3A_1105 = arith.constant 256 : i32
        %mul3A_1106 = arith.muli %scan3A_42, %mul3A_1105 : i32
        %add3A_1107 = arith.constant 105 : i32
        %add3A_1108 = arith.addi %mul3A_1106, %add3A_1107 : i32
        %convert_element_type3A_1109 = arith.sitofp %add3A_1108 : i32 to f32
        %gt3A_1110 = arith.cmpf ogt, %slice3A_1104, %max3A_1101 : vector<8x4096xf32>
        %max3A_1111 = arith.maximumf %slice3A_1104, %max3A_1101 : vector<8x4096xf32>
        %broadcast_in_dim3A_1112 = vector.broadcast %convert_element_type3A_1109 : f32 to vector<8x4096xf32>
        %select_n3A_1113 = arith.select %gt3A_1110, %broadcast_in_dim3A_1112, %select_n3A_1103 : vector<8x4096xi1>, vector<8x4096xf32>
        %slice3A_1114 = vector.extract_strided_slice %dot_general3A_56 {offsets = [848, 0], sizes = [8, 4096], strides = [1, 1]} : vector<2048x4096xf32> to vector<8x4096xf32>
        %mul3A_1115 = arith.constant 256 : i32
        %mul3A_1116 = arith.muli %scan3A_42, %mul3A_1115 : i32
        %add3A_1117 = arith.constant 106 : i32
        %add3A_1118 = arith.addi %mul3A_1116, %add3A_1117 : i32
        %convert_element_type3A_1119 = arith.sitofp %add3A_1118 : i32 to f32
        %gt3A_1120 = arith.cmpf ogt, %slice3A_1114, %max3A_1111 : vector<8x4096xf32>
        %max3A_1121 = arith.maximumf %slice3A_1114, %max3A_1111 : vector<8x4096xf32>
        %broadcast_in_dim3A_1122 = vector.broadcast %convert_element_type3A_1119 : f32 to vector<8x4096xf32>
        %select_n3A_1123 = arith.select %gt3A_1120, %broadcast_in_dim3A_1122, %select_n3A_1113 : vector<8x4096xi1>, vector<8x4096xf32>
        %slice3A_1124 = vector.extract_strided_slice %dot_general3A_56 {offsets = [856, 0], sizes = [8, 4096], strides = [1, 1]} : vector<2048x4096xf32> to vector<8x4096xf32>
        %mul3A_1125 = arith.constant 256 : i32
        %mul3A_1126 = arith.muli %scan3A_42, %mul3A_1125 : i32
        %add3A_1127 = arith.constant 107 : i32
        %add3A_1128 = arith.addi %mul3A_1126, %add3A_1127 : i32
        %convert_element_type3A_1129 = arith.sitofp %add3A_1128 : i32 to f32
        %gt3A_1130 = arith.cmpf ogt, %slice3A_1124, %max3A_1121 : vector<8x4096xf32>
        %max3A_1131 = arith.maximumf %slice3A_1124, %max3A_1121 : vector<8x4096xf32>
        %broadcast_in_dim3A_1132 = vector.broadcast %convert_element_type3A_1129 : f32 to vector<8x4096xf32>
        %select_n3A_1133 = arith.select %gt3A_1130, %broadcast_in_dim3A_1132, %select_n3A_1123 : vector<8x4096xi1>, vector<8x4096xf32>
        %slice3A_1134 = vector.extract_strided_slice %dot_general3A_56 {offsets = [864, 0], sizes = [8, 4096], strides = [1, 1]} : vector<2048x4096xf32> to vector<8x4096xf32>
        %mul3A_1135 = arith.constant 256 : i32
        %mul3A_1136 = arith.muli %scan3A_42, %mul3A_1135 : i32
        %add3A_1137 = arith.constant 108 : i32
        %add3A_1138 = arith.addi %mul3A_1136, %add3A_1137 : i32
        %convert_element_type3A_1139 = arith.sitofp %add3A_1138 : i32 to f32
        %gt3A_1140 = arith.cmpf ogt, %slice3A_1134, %max3A_1131 : vector<8x4096xf32>
        %max3A_1141 = arith.maximumf %slice3A_1134, %max3A_1131 : vector<8x4096xf32>
        %broadcast_in_dim3A_1142 = vector.broadcast %convert_element_type3A_1139 : f32 to vector<8x4096xf32>
        %select_n3A_1143 = arith.select %gt3A_1140, %broadcast_in_dim3A_1142, %select_n3A_1133 : vector<8x4096xi1>, vector<8x4096xf32>
        %slice3A_1144 = vector.extract_strided_slice %dot_general3A_56 {offsets = [872, 0], sizes = [8, 4096], strides = [1, 1]} : vector<2048x4096xf32> to vector<8x4096xf32>
        %mul3A_1145 = arith.constant 256 : i32
        %mul3A_1146 = arith.muli %scan3A_42, %mul3A_1145 : i32
        %add3A_1147 = arith.constant 109 : i32
        %add3A_1148 = arith.addi %mul3A_1146, %add3A_1147 : i32
        %convert_element_type3A_1149 = arith.sitofp %add3A_1148 : i32 to f32
        %gt3A_1150 = arith.cmpf ogt, %slice3A_1144, %max3A_1141 : vector<8x4096xf32>
        %max3A_1151 = arith.maximumf %slice3A_1144, %max3A_1141 : vector<8x4096xf32>
        %broadcast_in_dim3A_1152 = vector.broadcast %convert_element_type3A_1149 : f32 to vector<8x4096xf32>
        %select_n3A_1153 = arith.select %gt3A_1150, %broadcast_in_dim3A_1152, %select_n3A_1143 : vector<8x4096xi1>, vector<8x4096xf32>
        %slice3A_1154 = vector.extract_strided_slice %dot_general3A_56 {offsets = [880, 0], sizes = [8, 4096], strides = [1, 1]} : vector<2048x4096xf32> to vector<8x4096xf32>
        %mul3A_1155 = arith.constant 256 : i32
        %mul3A_1156 = arith.muli %scan3A_42, %mul3A_1155 : i32
        %add3A_1157 = arith.constant 110 : i32
        %add3A_1158 = arith.addi %mul3A_1156, %add3A_1157 : i32
        %convert_element_type3A_1159 = arith.sitofp %add3A_1158 : i32 to f32
        %gt3A_1160 = arith.cmpf ogt, %slice3A_1154, %max3A_1151 : vector<8x4096xf32>
        %max3A_1161 = arith.maximumf %slice3A_1154, %max3A_1151 : vector<8x4096xf32>
        %broadcast_in_dim3A_1162 = vector.broadcast %convert_element_type3A_1159 : f32 to vector<8x4096xf32>
        %select_n3A_1163 = arith.select %gt3A_1160, %broadcast_in_dim3A_1162, %select_n3A_1153 : vector<8x4096xi1>, vector<8x4096xf32>
        %slice3A_1164 = vector.extract_strided_slice %dot_general3A_56 {offsets = [888, 0], sizes = [8, 4096], strides = [1, 1]} : vector<2048x4096xf32> to vector<8x4096xf32>
        %mul3A_1165 = arith.constant 256 : i32
        %mul3A_1166 = arith.muli %scan3A_42, %mul3A_1165 : i32
        %add3A_1167 = arith.constant 111 : i32
        %add3A_1168 = arith.addi %mul3A_1166, %add3A_1167 : i32
        %convert_element_type3A_1169 = arith.sitofp %add3A_1168 : i32 to f32
        %gt3A_1170 = arith.cmpf ogt, %slice3A_1164, %max3A_1161 : vector<8x4096xf32>
        %max3A_1171 = arith.maximumf %slice3A_1164, %max3A_1161 : vector<8x4096xf32>
        %broadcast_in_dim3A_1172 = vector.broadcast %convert_element_type3A_1169 : f32 to vector<8x4096xf32>
        %select_n3A_1173 = arith.select %gt3A_1170, %broadcast_in_dim3A_1172, %select_n3A_1163 : vector<8x4096xi1>, vector<8x4096xf32>
        %slice3A_1174 = vector.extract_strided_slice %dot_general3A_56 {offsets = [896, 0], sizes = [8, 4096], strides = [1, 1]} : vector<2048x4096xf32> to vector<8x4096xf32>
        %mul3A_1175 = arith.constant 256 : i32
        %mul3A_1176 = arith.muli %scan3A_42, %mul3A_1175 : i32
        %add3A_1177 = arith.constant 112 : i32
        %add3A_1178 = arith.addi %mul3A_1176, %add3A_1177 : i32
        %convert_element_type3A_1179 = arith.sitofp %add3A_1178 : i32 to f32
        %gt3A_1180 = arith.cmpf ogt, %slice3A_1174, %max3A_1171 : vector<8x4096xf32>
        %max3A_1181 = arith.maximumf %slice3A_1174, %max3A_1171 : vector<8x4096xf32>
        %broadcast_in_dim3A_1182 = vector.broadcast %convert_element_type3A_1179 : f32 to vector<8x4096xf32>
        %select_n3A_1183 = arith.select %gt3A_1180, %broadcast_in_dim3A_1182, %select_n3A_1173 : vector<8x4096xi1>, vector<8x4096xf32>
        %slice3A_1184 = vector.extract_strided_slice %dot_general3A_56 {offsets = [904, 0], sizes = [8, 4096], strides = [1, 1]} : vector<2048x4096xf32> to vector<8x4096xf32>
        %mul3A_1185 = arith.constant 256 : i32
        %mul3A_1186 = arith.muli %scan3A_42, %mul3A_1185 : i32
        %add3A_1187 = arith.constant 113 : i32
        %add3A_1188 = arith.addi %mul3A_1186, %add3A_1187 : i32
        %convert_element_type3A_1189 = arith.sitofp %add3A_1188 : i32 to f32
        %gt3A_1190 = arith.cmpf ogt, %slice3A_1184, %max3A_1181 : vector<8x4096xf32>
        %max3A_1191 = arith.maximumf %slice3A_1184, %max3A_1181 : vector<8x4096xf32>
        %broadcast_in_dim3A_1192 = vector.broadcast %convert_element_type3A_1189 : f32 to vector<8x4096xf32>
        %select_n3A_1193 = arith.select %gt3A_1190, %broadcast_in_dim3A_1192, %select_n3A_1183 : vector<8x4096xi1>, vector<8x4096xf32>
        %slice3A_1194 = vector.extract_strided_slice %dot_general3A_56 {offsets = [912, 0], sizes = [8, 4096], strides = [1, 1]} : vector<2048x4096xf32> to vector<8x4096xf32>
        %mul3A_1195 = arith.constant 256 : i32
        %mul3A_1196 = arith.muli %scan3A_42, %mul3A_1195 : i32
        %add3A_1197 = arith.constant 114 : i32
        %add3A_1198 = arith.addi %mul3A_1196, %add3A_1197 : i32
        %convert_element_type3A_1199 = arith.sitofp %add3A_1198 : i32 to f32
        %gt3A_1200 = arith.cmpf ogt, %slice3A_1194, %max3A_1191 : vector<8x4096xf32>
        %max3A_1201 = arith.maximumf %slice3A_1194, %max3A_1191 : vector<8x4096xf32>
        %broadcast_in_dim3A_1202 = vector.broadcast %convert_element_type3A_1199 : f32 to vector<8x4096xf32>
        %select_n3A_1203 = arith.select %gt3A_1200, %broadcast_in_dim3A_1202, %select_n3A_1193 : vector<8x4096xi1>, vector<8x4096xf32>
        %slice3A_1204 = vector.extract_strided_slice %dot_general3A_56 {offsets = [920, 0], sizes = [8, 4096], strides = [1, 1]} : vector<2048x4096xf32> to vector<8x4096xf32>
        %mul3A_1205 = arith.constant 256 : i32
        %mul3A_1206 = arith.muli %scan3A_42, %mul3A_1205 : i32
        %add3A_1207 = arith.constant 115 : i32
        %add3A_1208 = arith.addi %mul3A_1206, %add3A_1207 : i32
        %convert_element_type3A_1209 = arith.sitofp %add3A_1208 : i32 to f32
        %gt3A_1210 = arith.cmpf ogt, %slice3A_1204, %max3A_1201 : vector<8x4096xf32>
        %max3A_1211 = arith.maximumf %slice3A_1204, %max3A_1201 : vector<8x4096xf32>
        %broadcast_in_dim3A_1212 = vector.broadcast %convert_element_type3A_1209 : f32 to vector<8x4096xf32>
        %select_n3A_1213 = arith.select %gt3A_1210, %broadcast_in_dim3A_1212, %select_n3A_1203 : vector<8x4096xi1>, vector<8x4096xf32>
        %slice3A_1214 = vector.extract_strided_slice %dot_general3A_56 {offsets = [928, 0], sizes = [8, 4096], strides = [1, 1]} : vector<2048x4096xf32> to vector<8x4096xf32>
        %mul3A_1215 = arith.constant 256 : i32
        %mul3A_1216 = arith.muli %scan3A_42, %mul3A_1215 : i32
        %add3A_1217 = arith.constant 116 : i32
        %add3A_1218 = arith.addi %mul3A_1216, %add3A_1217 : i32
        %convert_element_type3A_1219 = arith.sitofp %add3A_1218 : i32 to f32
        %gt3A_1220 = arith.cmpf ogt, %slice3A_1214, %max3A_1211 : vector<8x4096xf32>
        %max3A_1221 = arith.maximumf %slice3A_1214, %max3A_1211 : vector<8x4096xf32>
        %broadcast_in_dim3A_1222 = vector.broadcast %convert_element_type3A_1219 : f32 to vector<8x4096xf32>
        %select_n3A_1223 = arith.select %gt3A_1220, %broadcast_in_dim3A_1222, %select_n3A_1213 : vector<8x4096xi1>, vector<8x4096xf32>
        %slice3A_1224 = vector.extract_strided_slice %dot_general3A_56 {offsets = [936, 0], sizes = [8, 4096], strides = [1, 1]} : vector<2048x4096xf32> to vector<8x4096xf32>
        %mul3A_1225 = arith.constant 256 : i32
        %mul3A_1226 = arith.muli %scan3A_42, %mul3A_1225 : i32
        %add3A_1227 = arith.constant 117 : i32
        %add3A_1228 = arith.addi %mul3A_1226, %add3A_1227 : i32
        %convert_element_type3A_1229 = arith.sitofp %add3A_1228 : i32 to f32
        %gt3A_1230 = arith.cmpf ogt, %slice3A_1224, %max3A_1221 : vector<8x4096xf32>
        %max3A_1231 = arith.maximumf %slice3A_1224, %max3A_1221 : vector<8x4096xf32>
        %broadcast_in_dim3A_1232 = vector.broadcast %convert_element_type3A_1229 : f32 to vector<8x4096xf32>
        %select_n3A_1233 = arith.select %gt3A_1230, %broadcast_in_dim3A_1232, %select_n3A_1223 : vector<8x4096xi1>, vector<8x4096xf32>
        %slice3A_1234 = vector.extract_strided_slice %dot_general3A_56 {offsets = [944, 0], sizes = [8, 4096], strides = [1, 1]} : vector<2048x4096xf32> to vector<8x4096xf32>
        %mul3A_1235 = arith.constant 256 : i32
        %mul3A_1236 = arith.muli %scan3A_42, %mul3A_1235 : i32
        %add3A_1237 = arith.constant 118 : i32
        %add3A_1238 = arith.addi %mul3A_1236, %add3A_1237 : i32
        %convert_element_type3A_1239 = arith.sitofp %add3A_1238 : i32 to f32
        %gt3A_1240 = arith.cmpf ogt, %slice3A_1234, %max3A_1231 : vector<8x4096xf32>
        %max3A_1241 = arith.maximumf %slice3A_1234, %max3A_1231 : vector<8x4096xf32>
        %broadcast_in_dim3A_1242 = vector.broadcast %convert_element_type3A_1239 : f32 to vector<8x4096xf32>
        %select_n3A_1243 = arith.select %gt3A_1240, %broadcast_in_dim3A_1242, %select_n3A_1233 : vector<8x4096xi1>, vector<8x4096xf32>
        %slice3A_1244 = vector.extract_strided_slice %dot_general3A_56 {offsets = [952, 0], sizes = [8, 4096], strides = [1, 1]} : vector<2048x4096xf32> to vector<8x4096xf32>
        %mul3A_1245 = arith.constant 256 : i32
        %mul3A_1246 = arith.muli %scan3A_42, %mul3A_1245 : i32
        %add3A_1247 = arith.constant 119 : i32
        %add3A_1248 = arith.addi %mul3A_1246, %add3A_1247 : i32
        %convert_element_type3A_1249 = arith.sitofp %add3A_1248 : i32 to f32
        %gt3A_1250 = arith.cmpf ogt, %slice3A_1244, %max3A_1241 : vector<8x4096xf32>
        %max3A_1251 = arith.maximumf %slice3A_1244, %max3A_1241 : vector<8x4096xf32>
        %broadcast_in_dim3A_1252 = vector.broadcast %convert_element_type3A_1249 : f32 to vector<8x4096xf32>
        %select_n3A_1253 = arith.select %gt3A_1250, %broadcast_in_dim3A_1252, %select_n3A_1243 : vector<8x4096xi1>, vector<8x4096xf32>
        %slice3A_1254 = vector.extract_strided_slice %dot_general3A_56 {offsets = [960, 0], sizes = [8, 4096], strides = [1, 1]} : vector<2048x4096xf32> to vector<8x4096xf32>
        %mul3A_1255 = arith.constant 256 : i32
        %mul3A_1256 = arith.muli %scan3A_42, %mul3A_1255 : i32
        %add3A_1257 = arith.constant 120 : i32
        %add3A_1258 = arith.addi %mul3A_1256, %add3A_1257 : i32
        %convert_element_type3A_1259 = arith.sitofp %add3A_1258 : i32 to f32
        %gt3A_1260 = arith.cmpf ogt, %slice3A_1254, %max3A_1251 : vector<8x4096xf32>
        %max3A_1261 = arith.maximumf %slice3A_1254, %max3A_1251 : vector<8x4096xf32>
        %broadcast_in_dim3A_1262 = vector.broadcast %convert_element_type3A_1259 : f32 to vector<8x4096xf32>
        %select_n3A_1263 = arith.select %gt3A_1260, %broadcast_in_dim3A_1262, %select_n3A_1253 : vector<8x4096xi1>, vector<8x4096xf32>
        %slice3A_1264 = vector.extract_strided_slice %dot_general3A_56 {offsets = [968, 0], sizes = [8, 4096], strides = [1, 1]} : vector<2048x4096xf32> to vector<8x4096xf32>
        %mul3A_1265 = arith.constant 256 : i32
        %mul3A_1266 = arith.muli %scan3A_42, %mul3A_1265 : i32
        %add3A_1267 = arith.constant 121 : i32
        %add3A_1268 = arith.addi %mul3A_1266, %add3A_1267 : i32
        %convert_element_type3A_1269 = arith.sitofp %add3A_1268 : i32 to f32
        %gt3A_1270 = arith.cmpf ogt, %slice3A_1264, %max3A_1261 : vector<8x4096xf32>
        %max3A_1271 = arith.maximumf %slice3A_1264, %max3A_1261 : vector<8x4096xf32>
        %broadcast_in_dim3A_1272 = vector.broadcast %convert_element_type3A_1269 : f32 to vector<8x4096xf32>
        %select_n3A_1273 = arith.select %gt3A_1270, %broadcast_in_dim3A_1272, %select_n3A_1263 : vector<8x4096xi1>, vector<8x4096xf32>
        %slice3A_1274 = vector.extract_strided_slice %dot_general3A_56 {offsets = [976, 0], sizes = [8, 4096], strides = [1, 1]} : vector<2048x4096xf32> to vector<8x4096xf32>
        %mul3A_1275 = arith.constant 256 : i32
        %mul3A_1276 = arith.muli %scan3A_42, %mul3A_1275 : i32
        %add3A_1277 = arith.constant 122 : i32
        %add3A_1278 = arith.addi %mul3A_1276, %add3A_1277 : i32
        %convert_element_type3A_1279 = arith.sitofp %add3A_1278 : i32 to f32
        %gt3A_1280 = arith.cmpf ogt, %slice3A_1274, %max3A_1271 : vector<8x4096xf32>
        %max3A_1281 = arith.maximumf %slice3A_1274, %max3A_1271 : vector<8x4096xf32>
        %broadcast_in_dim3A_1282 = vector.broadcast %convert_element_type3A_1279 : f32 to vector<8x4096xf32>
        %select_n3A_1283 = arith.select %gt3A_1280, %broadcast_in_dim3A_1282, %select_n3A_1273 : vector<8x4096xi1>, vector<8x4096xf32>
        %slice3A_1284 = vector.extract_strided_slice %dot_general3A_56 {offsets = [984, 0], sizes = [8, 4096], strides = [1, 1]} : vector<2048x4096xf32> to vector<8x4096xf32>
        %mul3A_1285 = arith.constant 256 : i32
        %mul3A_1286 = arith.muli %scan3A_42, %mul3A_1285 : i32
        %add3A_1287 = arith.constant 123 : i32
        %add3A_1288 = arith.addi %mul3A_1286, %add3A_1287 : i32
        %convert_element_type3A_1289 = arith.sitofp %add3A_1288 : i32 to f32
        %gt3A_1290 = arith.cmpf ogt, %slice3A_1284, %max3A_1281 : vector<8x4096xf32>
        %max3A_1291 = arith.maximumf %slice3A_1284, %max3A_1281 : vector<8x4096xf32>
        %broadcast_in_dim3A_1292 = vector.broadcast %convert_element_type3A_1289 : f32 to vector<8x4096xf32>
        %select_n3A_1293 = arith.select %gt3A_1290, %broadcast_in_dim3A_1292, %select_n3A_1283 : vector<8x4096xi1>, vector<8x4096xf32>
        %slice3A_1294 = vector.extract_strided_slice %dot_general3A_56 {offsets = [992, 0], sizes = [8, 4096], strides = [1, 1]} : vector<2048x4096xf32> to vector<8x4096xf32>
        %mul3A_1295 = arith.constant 256 : i32
        %mul3A_1296 = arith.muli %scan3A_42, %mul3A_1295 : i32
        %add3A_1297 = arith.constant 124 : i32
        %add3A_1298 = arith.addi %mul3A_1296, %add3A_1297 : i32
        %convert_element_type3A_1299 = arith.sitofp %add3A_1298 : i32 to f32
        %gt3A_1300 = arith.cmpf ogt, %slice3A_1294, %max3A_1291 : vector<8x4096xf32>
        %max3A_1301 = arith.maximumf %slice3A_1294, %max3A_1291 : vector<8x4096xf32>
        %broadcast_in_dim3A_1302 = vector.broadcast %convert_element_type3A_1299 : f32 to vector<8x4096xf32>
        %select_n3A_1303 = arith.select %gt3A_1300, %broadcast_in_dim3A_1302, %select_n3A_1293 : vector<8x4096xi1>, vector<8x4096xf32>
        %slice3A_1304 = vector.extract_strided_slice %dot_general3A_56 {offsets = [1000, 0], sizes = [8, 4096], strides = [1, 1]} : vector<2048x4096xf32> to vector<8x4096xf32>
        %mul3A_1305 = arith.constant 256 : i32
        %mul3A_1306 = arith.muli %scan3A_42, %mul3A_1305 : i32
        %add3A_1307 = arith.constant 125 : i32
        %add3A_1308 = arith.addi %mul3A_1306, %add3A_1307 : i32
        %convert_element_type3A_1309 = arith.sitofp %add3A_1308 : i32 to f32
        %gt3A_1310 = arith.cmpf ogt, %slice3A_1304, %max3A_1301 : vector<8x4096xf32>
        %max3A_1311 = arith.maximumf %slice3A_1304, %max3A_1301 : vector<8x4096xf32>
        %broadcast_in_dim3A_1312 = vector.broadcast %convert_element_type3A_1309 : f32 to vector<8x4096xf32>
        %select_n3A_1313 = arith.select %gt3A_1310, %broadcast_in_dim3A_1312, %select_n3A_1303 : vector<8x4096xi1>, vector<8x4096xf32>
        %slice3A_1314 = vector.extract_strided_slice %dot_general3A_56 {offsets = [1008, 0], sizes = [8, 4096], strides = [1, 1]} : vector<2048x4096xf32> to vector<8x4096xf32>
        %mul3A_1315 = arith.constant 256 : i32
        %mul3A_1316 = arith.muli %scan3A_42, %mul3A_1315 : i32
        %add3A_1317 = arith.constant 126 : i32
        %add3A_1318 = arith.addi %mul3A_1316, %add3A_1317 : i32
        %convert_element_type3A_1319 = arith.sitofp %add3A_1318 : i32 to f32
        %gt3A_1320 = arith.cmpf ogt, %slice3A_1314, %max3A_1311 : vector<8x4096xf32>
        %max3A_1321 = arith.maximumf %slice3A_1314, %max3A_1311 : vector<8x4096xf32>
        %broadcast_in_dim3A_1322 = vector.broadcast %convert_element_type3A_1319 : f32 to vector<8x4096xf32>
        %select_n3A_1323 = arith.select %gt3A_1320, %broadcast_in_dim3A_1322, %select_n3A_1313 : vector<8x4096xi1>, vector<8x4096xf32>
        %slice3A_1324 = vector.extract_strided_slice %dot_general3A_56 {offsets = [1016, 0], sizes = [8, 4096], strides = [1, 1]} : vector<2048x4096xf32> to vector<8x4096xf32>
        %mul3A_1325 = arith.constant 256 : i32
        %mul3A_1326 = arith.muli %scan3A_42, %mul3A_1325 : i32
        %add3A_1327 = arith.constant 127 : i32
        %add3A_1328 = arith.addi %mul3A_1326, %add3A_1327 : i32
        %convert_element_type3A_1329 = arith.sitofp %add3A_1328 : i32 to f32
        %gt3A_1330 = arith.cmpf ogt, %slice3A_1324, %max3A_1321 : vector<8x4096xf32>
        %max3A_1331 = arith.maximumf %slice3A_1324, %max3A_1321 : vector<8x4096xf32>
        %broadcast_in_dim3A_1332 = vector.broadcast %convert_element_type3A_1329 : f32 to vector<8x4096xf32>
        %select_n3A_1333 = arith.select %gt3A_1330, %broadcast_in_dim3A_1332, %select_n3A_1323 : vector<8x4096xi1>, vector<8x4096xf32>
        %slice3A_1334 = vector.extract_strided_slice %dot_general3A_56 {offsets = [1024, 0], sizes = [8, 4096], strides = [1, 1]} : vector<2048x4096xf32> to vector<8x4096xf32>
        %mul3A_1335 = arith.constant 256 : i32
        %mul3A_1336 = arith.muli %scan3A_42, %mul3A_1335 : i32
        %add3A_1337 = arith.constant 128 : i32
        %add3A_1338 = arith.addi %mul3A_1336, %add3A_1337 : i32
        %convert_element_type3A_1339 = arith.sitofp %add3A_1338 : i32 to f32
        %gt3A_1340 = arith.cmpf ogt, %slice3A_1334, %max3A_1331 : vector<8x4096xf32>
        %max3A_1341 = arith.maximumf %slice3A_1334, %max3A_1331 : vector<8x4096xf32>
        %broadcast_in_dim3A_1342 = vector.broadcast %convert_element_type3A_1339 : f32 to vector<8x4096xf32>
        %select_n3A_1343 = arith.select %gt3A_1340, %broadcast_in_dim3A_1342, %select_n3A_1333 : vector<8x4096xi1>, vector<8x4096xf32>
        %slice3A_1344 = vector.extract_strided_slice %dot_general3A_56 {offsets = [1032, 0], sizes = [8, 4096], strides = [1, 1]} : vector<2048x4096xf32> to vector<8x4096xf32>
        %mul3A_1345 = arith.constant 256 : i32
        %mul3A_1346 = arith.muli %scan3A_42, %mul3A_1345 : i32
        %add3A_1347 = arith.constant 129 : i32
        %add3A_1348 = arith.addi %mul3A_1346, %add3A_1347 : i32
        %convert_element_type3A_1349 = arith.sitofp %add3A_1348 : i32 to f32
        %gt3A_1350 = arith.cmpf ogt, %slice3A_1344, %max3A_1341 : vector<8x4096xf32>
        %max3A_1351 = arith.maximumf %slice3A_1344, %max3A_1341 : vector<8x4096xf32>
        %broadcast_in_dim3A_1352 = vector.broadcast %convert_element_type3A_1349 : f32 to vector<8x4096xf32>
        %select_n3A_1353 = arith.select %gt3A_1350, %broadcast_in_dim3A_1352, %select_n3A_1343 : vector<8x4096xi1>, vector<8x4096xf32>
        %slice3A_1354 = vector.extract_strided_slice %dot_general3A_56 {offsets = [1040, 0], sizes = [8, 4096], strides = [1, 1]} : vector<2048x4096xf32> to vector<8x4096xf32>
        %mul3A_1355 = arith.constant 256 : i32
        %mul3A_1356 = arith.muli %scan3A_42, %mul3A_1355 : i32
        %add3A_1357 = arith.constant 130 : i32
        %add3A_1358 = arith.addi %mul3A_1356, %add3A_1357 : i32
        %convert_element_type3A_1359 = arith.sitofp %add3A_1358 : i32 to f32
        %gt3A_1360 = arith.cmpf ogt, %slice3A_1354, %max3A_1351 : vector<8x4096xf32>
        %max3A_1361 = arith.maximumf %slice3A_1354, %max3A_1351 : vector<8x4096xf32>
        %broadcast_in_dim3A_1362 = vector.broadcast %convert_element_type3A_1359 : f32 to vector<8x4096xf32>
        %select_n3A_1363 = arith.select %gt3A_1360, %broadcast_in_dim3A_1362, %select_n3A_1353 : vector<8x4096xi1>, vector<8x4096xf32>
        %slice3A_1364 = vector.extract_strided_slice %dot_general3A_56 {offsets = [1048, 0], sizes = [8, 4096], strides = [1, 1]} : vector<2048x4096xf32> to vector<8x4096xf32>
        %mul3A_1365 = arith.constant 256 : i32
        %mul3A_1366 = arith.muli %scan3A_42, %mul3A_1365 : i32
        %add3A_1367 = arith.constant 131 : i32
        %add3A_1368 = arith.addi %mul3A_1366, %add3A_1367 : i32
        %convert_element_type3A_1369 = arith.sitofp %add3A_1368 : i32 to f32
        %gt3A_1370 = arith.cmpf ogt, %slice3A_1364, %max3A_1361 : vector<8x4096xf32>
        %max3A_1371 = arith.maximumf %slice3A_1364, %max3A_1361 : vector<8x4096xf32>
        %broadcast_in_dim3A_1372 = vector.broadcast %convert_element_type3A_1369 : f32 to vector<8x4096xf32>
        %select_n3A_1373 = arith.select %gt3A_1370, %broadcast_in_dim3A_1372, %select_n3A_1363 : vector<8x4096xi1>, vector<8x4096xf32>
        %slice3A_1374 = vector.extract_strided_slice %dot_general3A_56 {offsets = [1056, 0], sizes = [8, 4096], strides = [1, 1]} : vector<2048x4096xf32> to vector<8x4096xf32>
        %mul3A_1375 = arith.constant 256 : i32
        %mul3A_1376 = arith.muli %scan3A_42, %mul3A_1375 : i32
        %add3A_1377 = arith.constant 132 : i32
        %add3A_1378 = arith.addi %mul3A_1376, %add3A_1377 : i32
        %convert_element_type3A_1379 = arith.sitofp %add3A_1378 : i32 to f32
        %gt3A_1380 = arith.cmpf ogt, %slice3A_1374, %max3A_1371 : vector<8x4096xf32>
        %max3A_1381 = arith.maximumf %slice3A_1374, %max3A_1371 : vector<8x4096xf32>
        %broadcast_in_dim3A_1382 = vector.broadcast %convert_element_type3A_1379 : f32 to vector<8x4096xf32>
        %select_n3A_1383 = arith.select %gt3A_1380, %broadcast_in_dim3A_1382, %select_n3A_1373 : vector<8x4096xi1>, vector<8x4096xf32>
        %slice3A_1384 = vector.extract_strided_slice %dot_general3A_56 {offsets = [1064, 0], sizes = [8, 4096], strides = [1, 1]} : vector<2048x4096xf32> to vector<8x4096xf32>
        %mul3A_1385 = arith.constant 256 : i32
        %mul3A_1386 = arith.muli %scan3A_42, %mul3A_1385 : i32
        %add3A_1387 = arith.constant 133 : i32
        %add3A_1388 = arith.addi %mul3A_1386, %add3A_1387 : i32
        %convert_element_type3A_1389 = arith.sitofp %add3A_1388 : i32 to f32
        %gt3A_1390 = arith.cmpf ogt, %slice3A_1384, %max3A_1381 : vector<8x4096xf32>
        %max3A_1391 = arith.maximumf %slice3A_1384, %max3A_1381 : vector<8x4096xf32>
        %broadcast_in_dim3A_1392 = vector.broadcast %convert_element_type3A_1389 : f32 to vector<8x4096xf32>
        %select_n3A_1393 = arith.select %gt3A_1390, %broadcast_in_dim3A_1392, %select_n3A_1383 : vector<8x4096xi1>, vector<8x4096xf32>
        %slice3A_1394 = vector.extract_strided_slice %dot_general3A_56 {offsets = [1072, 0], sizes = [8, 4096], strides = [1, 1]} : vector<2048x4096xf32> to vector<8x4096xf32>
        %mul3A_1395 = arith.constant 256 : i32
        %mul3A_1396 = arith.muli %scan3A_42, %mul3A_1395 : i32
        %add3A_1397 = arith.constant 134 : i32
        %add3A_1398 = arith.addi %mul3A_1396, %add3A_1397 : i32
        %convert_element_type3A_1399 = arith.sitofp %add3A_1398 : i32 to f32
        %gt3A_1400 = arith.cmpf ogt, %slice3A_1394, %max3A_1391 : vector<8x4096xf32>
        %max3A_1401 = arith.maximumf %slice3A_1394, %max3A_1391 : vector<8x4096xf32>
        %broadcast_in_dim3A_1402 = vector.broadcast %convert_element_type3A_1399 : f32 to vector<8x4096xf32>
        %select_n3A_1403 = arith.select %gt3A_1400, %broadcast_in_dim3A_1402, %select_n3A_1393 : vector<8x4096xi1>, vector<8x4096xf32>
        %slice3A_1404 = vector.extract_strided_slice %dot_general3A_56 {offsets = [1080, 0], sizes = [8, 4096], strides = [1, 1]} : vector<2048x4096xf32> to vector<8x4096xf32>
        %mul3A_1405 = arith.constant 256 : i32
        %mul3A_1406 = arith.muli %scan3A_42, %mul3A_1405 : i32
        %add3A_1407 = arith.constant 135 : i32
        %add3A_1408 = arith.addi %mul3A_1406, %add3A_1407 : i32
        %convert_element_type3A_1409 = arith.sitofp %add3A_1408 : i32 to f32
        %gt3A_1410 = arith.cmpf ogt, %slice3A_1404, %max3A_1401 : vector<8x4096xf32>
        %max3A_1411 = arith.maximumf %slice3A_1404, %max3A_1401 : vector<8x4096xf32>
        %broadcast_in_dim3A_1412 = vector.broadcast %convert_element_type3A_1409 : f32 to vector<8x4096xf32>
        %select_n3A_1413 = arith.select %gt3A_1410, %broadcast_in_dim3A_1412, %select_n3A_1403 : vector<8x4096xi1>, vector<8x4096xf32>
        %slice3A_1414 = vector.extract_strided_slice %dot_general3A_56 {offsets = [1088, 0], sizes = [8, 4096], strides = [1, 1]} : vector<2048x4096xf32> to vector<8x4096xf32>
        %mul3A_1415 = arith.constant 256 : i32
        %mul3A_1416 = arith.muli %scan3A_42, %mul3A_1415 : i32
        %add3A_1417 = arith.constant 136 : i32
        %add3A_1418 = arith.addi %mul3A_1416, %add3A_1417 : i32
        %convert_element_type3A_1419 = arith.sitofp %add3A_1418 : i32 to f32
        %gt3A_1420 = arith.cmpf ogt, %slice3A_1414, %max3A_1411 : vector<8x4096xf32>
        %max3A_1421 = arith.maximumf %slice3A_1414, %max3A_1411 : vector<8x4096xf32>
        %broadcast_in_dim3A_1422 = vector.broadcast %convert_element_type3A_1419 : f32 to vector<8x4096xf32>
        %select_n3A_1423 = arith.select %gt3A_1420, %broadcast_in_dim3A_1422, %select_n3A_1413 : vector<8x4096xi1>, vector<8x4096xf32>
        %slice3A_1424 = vector.extract_strided_slice %dot_general3A_56 {offsets = [1096, 0], sizes = [8, 4096], strides = [1, 1]} : vector<2048x4096xf32> to vector<8x4096xf32>
        %mul3A_1425 = arith.constant 256 : i32
        %mul3A_1426 = arith.muli %scan3A_42, %mul3A_1425 : i32
        %add3A_1427 = arith.constant 137 : i32
        %add3A_1428 = arith.addi %mul3A_1426, %add3A_1427 : i32
        %convert_element_type3A_1429 = arith.sitofp %add3A_1428 : i32 to f32
        %gt3A_1430 = arith.cmpf ogt, %slice3A_1424, %max3A_1421 : vector<8x4096xf32>
        %max3A_1431 = arith.maximumf %slice3A_1424, %max3A_1421 : vector<8x4096xf32>
        %broadcast_in_dim3A_1432 = vector.broadcast %convert_element_type3A_1429 : f32 to vector<8x4096xf32>
        %select_n3A_1433 = arith.select %gt3A_1430, %broadcast_in_dim3A_1432, %select_n3A_1423 : vector<8x4096xi1>, vector<8x4096xf32>
        %slice3A_1434 = vector.extract_strided_slice %dot_general3A_56 {offsets = [1104, 0], sizes = [8, 4096], strides = [1, 1]} : vector<2048x4096xf32> to vector<8x4096xf32>
        %mul3A_1435 = arith.constant 256 : i32
        %mul3A_1436 = arith.muli %scan3A_42, %mul3A_1435 : i32
        %add3A_1437 = arith.constant 138 : i32
        %add3A_1438 = arith.addi %mul3A_1436, %add3A_1437 : i32
        %convert_element_type3A_1439 = arith.sitofp %add3A_1438 : i32 to f32
        %gt3A_1440 = arith.cmpf ogt, %slice3A_1434, %max3A_1431 : vector<8x4096xf32>
        %max3A_1441 = arith.maximumf %slice3A_1434, %max3A_1431 : vector<8x4096xf32>
        %broadcast_in_dim3A_1442 = vector.broadcast %convert_element_type3A_1439 : f32 to vector<8x4096xf32>
        %select_n3A_1443 = arith.select %gt3A_1440, %broadcast_in_dim3A_1442, %select_n3A_1433 : vector<8x4096xi1>, vector<8x4096xf32>
        %slice3A_1444 = vector.extract_strided_slice %dot_general3A_56 {offsets = [1112, 0], sizes = [8, 4096], strides = [1, 1]} : vector<2048x4096xf32> to vector<8x4096xf32>
        %mul3A_1445 = arith.constant 256 : i32
        %mul3A_1446 = arith.muli %scan3A_42, %mul3A_1445 : i32
        %add3A_1447 = arith.constant 139 : i32
        %add3A_1448 = arith.addi %mul3A_1446, %add3A_1447 : i32
        %convert_element_type3A_1449 = arith.sitofp %add3A_1448 : i32 to f32
        %gt3A_1450 = arith.cmpf ogt, %slice3A_1444, %max3A_1441 : vector<8x4096xf32>
        %max3A_1451 = arith.maximumf %slice3A_1444, %max3A_1441 : vector<8x4096xf32>
        %broadcast_in_dim3A_1452 = vector.broadcast %convert_element_type3A_1449 : f32 to vector<8x4096xf32>
        %select_n3A_1453 = arith.select %gt3A_1450, %broadcast_in_dim3A_1452, %select_n3A_1443 : vector<8x4096xi1>, vector<8x4096xf32>
        %slice3A_1454 = vector.extract_strided_slice %dot_general3A_56 {offsets = [1120, 0], sizes = [8, 4096], strides = [1, 1]} : vector<2048x4096xf32> to vector<8x4096xf32>
        %mul3A_1455 = arith.constant 256 : i32
        %mul3A_1456 = arith.muli %scan3A_42, %mul3A_1455 : i32
        %add3A_1457 = arith.constant 140 : i32
        %add3A_1458 = arith.addi %mul3A_1456, %add3A_1457 : i32
        %convert_element_type3A_1459 = arith.sitofp %add3A_1458 : i32 to f32
        %gt3A_1460 = arith.cmpf ogt, %slice3A_1454, %max3A_1451 : vector<8x4096xf32>
        %max3A_1461 = arith.maximumf %slice3A_1454, %max3A_1451 : vector<8x4096xf32>
        %broadcast_in_dim3A_1462 = vector.broadcast %convert_element_type3A_1459 : f32 to vector<8x4096xf32>
        %select_n3A_1463 = arith.select %gt3A_1460, %broadcast_in_dim3A_1462, %select_n3A_1453 : vector<8x4096xi1>, vector<8x4096xf32>
        %slice3A_1464 = vector.extract_strided_slice %dot_general3A_56 {offsets = [1128, 0], sizes = [8, 4096], strides = [1, 1]} : vector<2048x4096xf32> to vector<8x4096xf32>
        %mul3A_1465 = arith.constant 256 : i32
        %mul3A_1466 = arith.muli %scan3A_42, %mul3A_1465 : i32
        %add3A_1467 = arith.constant 141 : i32
        %add3A_1468 = arith.addi %mul3A_1466, %add3A_1467 : i32
        %convert_element_type3A_1469 = arith.sitofp %add3A_1468 : i32 to f32
        %gt3A_1470 = arith.cmpf ogt, %slice3A_1464, %max3A_1461 : vector<8x4096xf32>
        %max3A_1471 = arith.maximumf %slice3A_1464, %max3A_1461 : vector<8x4096xf32>
        %broadcast_in_dim3A_1472 = vector.broadcast %convert_element_type3A_1469 : f32 to vector<8x4096xf32>
        %select_n3A_1473 = arith.select %gt3A_1470, %broadcast_in_dim3A_1472, %select_n3A_1463 : vector<8x4096xi1>, vector<8x4096xf32>
        %slice3A_1474 = vector.extract_strided_slice %dot_general3A_56 {offsets = [1136, 0], sizes = [8, 4096], strides = [1, 1]} : vector<2048x4096xf32> to vector<8x4096xf32>
        %mul3A_1475 = arith.constant 256 : i32
        %mul3A_1476 = arith.muli %scan3A_42, %mul3A_1475 : i32
        %add3A_1477 = arith.constant 142 : i32
        %add3A_1478 = arith.addi %mul3A_1476, %add3A_1477 : i32
        %convert_element_type3A_1479 = arith.sitofp %add3A_1478 : i32 to f32
        %gt3A_1480 = arith.cmpf ogt, %slice3A_1474, %max3A_1471 : vector<8x4096xf32>
        %max3A_1481 = arith.maximumf %slice3A_1474, %max3A_1471 : vector<8x4096xf32>
        %broadcast_in_dim3A_1482 = vector.broadcast %convert_element_type3A_1479 : f32 to vector<8x4096xf32>
        %select_n3A_1483 = arith.select %gt3A_1480, %broadcast_in_dim3A_1482, %select_n3A_1473 : vector<8x4096xi1>, vector<8x4096xf32>
        %slice3A_1484 = vector.extract_strided_slice %dot_general3A_56 {offsets = [1144, 0], sizes = [8, 4096], strides = [1, 1]} : vector<2048x4096xf32> to vector<8x4096xf32>
        %mul3A_1485 = arith.constant 256 : i32
        %mul3A_1486 = arith.muli %scan3A_42, %mul3A_1485 : i32
        %add3A_1487 = arith.constant 143 : i32
        %add3A_1488 = arith.addi %mul3A_1486, %add3A_1487 : i32
        %convert_element_type3A_1489 = arith.sitofp %add3A_1488 : i32 to f32
        %gt3A_1490 = arith.cmpf ogt, %slice3A_1484, %max3A_1481 : vector<8x4096xf32>
        %max3A_1491 = arith.maximumf %slice3A_1484, %max3A_1481 : vector<8x4096xf32>
        %broadcast_in_dim3A_1492 = vector.broadcast %convert_element_type3A_1489 : f32 to vector<8x4096xf32>
        %select_n3A_1493 = arith.select %gt3A_1490, %broadcast_in_dim3A_1492, %select_n3A_1483 : vector<8x4096xi1>, vector<8x4096xf32>
        %slice3A_1494 = vector.extract_strided_slice %dot_general3A_56 {offsets = [1152, 0], sizes = [8, 4096], strides = [1, 1]} : vector<2048x4096xf32> to vector<8x4096xf32>
        %mul3A_1495 = arith.constant 256 : i32
        %mul3A_1496 = arith.muli %scan3A_42, %mul3A_1495 : i32
        %add3A_1497 = arith.constant 144 : i32
        %add3A_1498 = arith.addi %mul3A_1496, %add3A_1497 : i32
        %convert_element_type3A_1499 = arith.sitofp %add3A_1498 : i32 to f32
        %gt3A_1500 = arith.cmpf ogt, %slice3A_1494, %max3A_1491 : vector<8x4096xf32>
        %max3A_1501 = arith.maximumf %slice3A_1494, %max3A_1491 : vector<8x4096xf32>
        %broadcast_in_dim3A_1502 = vector.broadcast %convert_element_type3A_1499 : f32 to vector<8x4096xf32>
        %select_n3A_1503 = arith.select %gt3A_1500, %broadcast_in_dim3A_1502, %select_n3A_1493 : vector<8x4096xi1>, vector<8x4096xf32>
        %slice3A_1504 = vector.extract_strided_slice %dot_general3A_56 {offsets = [1160, 0], sizes = [8, 4096], strides = [1, 1]} : vector<2048x4096xf32> to vector<8x4096xf32>
        %mul3A_1505 = arith.constant 256 : i32
        %mul3A_1506 = arith.muli %scan3A_42, %mul3A_1505 : i32
        %add3A_1507 = arith.constant 145 : i32
        %add3A_1508 = arith.addi %mul3A_1506, %add3A_1507 : i32
        %convert_element_type3A_1509 = arith.sitofp %add3A_1508 : i32 to f32
        %gt3A_1510 = arith.cmpf ogt, %slice3A_1504, %max3A_1501 : vector<8x4096xf32>
        %max3A_1511 = arith.maximumf %slice3A_1504, %max3A_1501 : vector<8x4096xf32>
        %broadcast_in_dim3A_1512 = vector.broadcast %convert_element_type3A_1509 : f32 to vector<8x4096xf32>
        %select_n3A_1513 = arith.select %gt3A_1510, %broadcast_in_dim3A_1512, %select_n3A_1503 : vector<8x4096xi1>, vector<8x4096xf32>
        %slice3A_1514 = vector.extract_strided_slice %dot_general3A_56 {offsets = [1168, 0], sizes = [8, 4096], strides = [1, 1]} : vector<2048x4096xf32> to vector<8x4096xf32>
        %mul3A_1515 = arith.constant 256 : i32
        %mul3A_1516 = arith.muli %scan3A_42, %mul3A_1515 : i32
        %add3A_1517 = arith.constant 146 : i32
        %add3A_1518 = arith.addi %mul3A_1516, %add3A_1517 : i32
        %convert_element_type3A_1519 = arith.sitofp %add3A_1518 : i32 to f32
        %gt3A_1520 = arith.cmpf ogt, %slice3A_1514, %max3A_1511 : vector<8x4096xf32>
        %max3A_1521 = arith.maximumf %slice3A_1514, %max3A_1511 : vector<8x4096xf32>
        %broadcast_in_dim3A_1522 = vector.broadcast %convert_element_type3A_1519 : f32 to vector<8x4096xf32>
        %select_n3A_1523 = arith.select %gt3A_1520, %broadcast_in_dim3A_1522, %select_n3A_1513 : vector<8x4096xi1>, vector<8x4096xf32>
        %slice3A_1524 = vector.extract_strided_slice %dot_general3A_56 {offsets = [1176, 0], sizes = [8, 4096], strides = [1, 1]} : vector<2048x4096xf32> to vector<8x4096xf32>
        %mul3A_1525 = arith.constant 256 : i32
        %mul3A_1526 = arith.muli %scan3A_42, %mul3A_1525 : i32
        %add3A_1527 = arith.constant 147 : i32
        %add3A_1528 = arith.addi %mul3A_1526, %add3A_1527 : i32
        %convert_element_type3A_1529 = arith.sitofp %add3A_1528 : i32 to f32
        %gt3A_1530 = arith.cmpf ogt, %slice3A_1524, %max3A_1521 : vector<8x4096xf32>
        %max3A_1531 = arith.maximumf %slice3A_1524, %max3A_1521 : vector<8x4096xf32>
        %broadcast_in_dim3A_1532 = vector.broadcast %convert_element_type3A_1529 : f32 to vector<8x4096xf32>
        %select_n3A_1533 = arith.select %gt3A_1530, %broadcast_in_dim3A_1532, %select_n3A_1523 : vector<8x4096xi1>, vector<8x4096xf32>
        %slice3A_1534 = vector.extract_strided_slice %dot_general3A_56 {offsets = [1184, 0], sizes = [8, 4096], strides = [1, 1]} : vector<2048x4096xf32> to vector<8x4096xf32>
        %mul3A_1535 = arith.constant 256 : i32
        %mul3A_1536 = arith.muli %scan3A_42, %mul3A_1535 : i32
        %add3A_1537 = arith.constant 148 : i32
        %add3A_1538 = arith.addi %mul3A_1536, %add3A_1537 : i32
        %convert_element_type3A_1539 = arith.sitofp %add3A_1538 : i32 to f32
        %gt3A_1540 = arith.cmpf ogt, %slice3A_1534, %max3A_1531 : vector<8x4096xf32>
        %max3A_1541 = arith.maximumf %slice3A_1534, %max3A_1531 : vector<8x4096xf32>
        %broadcast_in_dim3A_1542 = vector.broadcast %convert_element_type3A_1539 : f32 to vector<8x4096xf32>
        %select_n3A_1543 = arith.select %gt3A_1540, %broadcast_in_dim3A_1542, %select_n3A_1533 : vector<8x4096xi1>, vector<8x4096xf32>
        %slice3A_1544 = vector.extract_strided_slice %dot_general3A_56 {offsets = [1192, 0], sizes = [8, 4096], strides = [1, 1]} : vector<2048x4096xf32> to vector<8x4096xf32>
        %mul3A_1545 = arith.constant 256 : i32
        %mul3A_1546 = arith.muli %scan3A_42, %mul3A_1545 : i32
        %add3A_1547 = arith.constant 149 : i32
        %add3A_1548 = arith.addi %mul3A_1546, %add3A_1547 : i32
        %convert_element_type3A_1549 = arith.sitofp %add3A_1548 : i32 to f32
        %gt3A_1550 = arith.cmpf ogt, %slice3A_1544, %max3A_1541 : vector<8x4096xf32>
        %max3A_1551 = arith.maximumf %slice3A_1544, %max3A_1541 : vector<8x4096xf32>
        %broadcast_in_dim3A_1552 = vector.broadcast %convert_element_type3A_1549 : f32 to vector<8x4096xf32>
        %select_n3A_1553 = arith.select %gt3A_1550, %broadcast_in_dim3A_1552, %select_n3A_1543 : vector<8x4096xi1>, vector<8x4096xf32>
        %slice3A_1554 = vector.extract_strided_slice %dot_general3A_56 {offsets = [1200, 0], sizes = [8, 4096], strides = [1, 1]} : vector<2048x4096xf32> to vector<8x4096xf32>
        %mul3A_1555 = arith.constant 256 : i32
        %mul3A_1556 = arith.muli %scan3A_42, %mul3A_1555 : i32
        %add3A_1557 = arith.constant 150 : i32
        %add3A_1558 = arith.addi %mul3A_1556, %add3A_1557 : i32
        %convert_element_type3A_1559 = arith.sitofp %add3A_1558 : i32 to f32
        %gt3A_1560 = arith.cmpf ogt, %slice3A_1554, %max3A_1551 : vector<8x4096xf32>
        %max3A_1561 = arith.maximumf %slice3A_1554, %max3A_1551 : vector<8x4096xf32>
        %broadcast_in_dim3A_1562 = vector.broadcast %convert_element_type3A_1559 : f32 to vector<8x4096xf32>
        %select_n3A_1563 = arith.select %gt3A_1560, %broadcast_in_dim3A_1562, %select_n3A_1553 : vector<8x4096xi1>, vector<8x4096xf32>
        %slice3A_1564 = vector.extract_strided_slice %dot_general3A_56 {offsets = [1208, 0], sizes = [8, 4096], strides = [1, 1]} : vector<2048x4096xf32> to vector<8x4096xf32>
        %mul3A_1565 = arith.constant 256 : i32
        %mul3A_1566 = arith.muli %scan3A_42, %mul3A_1565 : i32
        %add3A_1567 = arith.constant 151 : i32
        %add3A_1568 = arith.addi %mul3A_1566, %add3A_1567 : i32
        %convert_element_type3A_1569 = arith.sitofp %add3A_1568 : i32 to f32
        %gt3A_1570 = arith.cmpf ogt, %slice3A_1564, %max3A_1561 : vector<8x4096xf32>
        %max3A_1571 = arith.maximumf %slice3A_1564, %max3A_1561 : vector<8x4096xf32>
        %broadcast_in_dim3A_1572 = vector.broadcast %convert_element_type3A_1569 : f32 to vector<8x4096xf32>
        %select_n3A_1573 = arith.select %gt3A_1570, %broadcast_in_dim3A_1572, %select_n3A_1563 : vector<8x4096xi1>, vector<8x4096xf32>
        %slice3A_1574 = vector.extract_strided_slice %dot_general3A_56 {offsets = [1216, 0], sizes = [8, 4096], strides = [1, 1]} : vector<2048x4096xf32> to vector<8x4096xf32>
        %mul3A_1575 = arith.constant 256 : i32
        %mul3A_1576 = arith.muli %scan3A_42, %mul3A_1575 : i32
        %add3A_1577 = arith.constant 152 : i32
        %add3A_1578 = arith.addi %mul3A_1576, %add3A_1577 : i32
        %convert_element_type3A_1579 = arith.sitofp %add3A_1578 : i32 to f32
        %gt3A_1580 = arith.cmpf ogt, %slice3A_1574, %max3A_1571 : vector<8x4096xf32>
        %max3A_1581 = arith.maximumf %slice3A_1574, %max3A_1571 : vector<8x4096xf32>
        %broadcast_in_dim3A_1582 = vector.broadcast %convert_element_type3A_1579 : f32 to vector<8x4096xf32>
        %select_n3A_1583 = arith.select %gt3A_1580, %broadcast_in_dim3A_1582, %select_n3A_1573 : vector<8x4096xi1>, vector<8x4096xf32>
        %slice3A_1584 = vector.extract_strided_slice %dot_general3A_56 {offsets = [1224, 0], sizes = [8, 4096], strides = [1, 1]} : vector<2048x4096xf32> to vector<8x4096xf32>
        %mul3A_1585 = arith.constant 256 : i32
        %mul3A_1586 = arith.muli %scan3A_42, %mul3A_1585 : i32
        %add3A_1587 = arith.constant 153 : i32
        %add3A_1588 = arith.addi %mul3A_1586, %add3A_1587 : i32
        %convert_element_type3A_1589 = arith.sitofp %add3A_1588 : i32 to f32
        %gt3A_1590 = arith.cmpf ogt, %slice3A_1584, %max3A_1581 : vector<8x4096xf32>
        %max3A_1591 = arith.maximumf %slice3A_1584, %max3A_1581 : vector<8x4096xf32>
        %broadcast_in_dim3A_1592 = vector.broadcast %convert_element_type3A_1589 : f32 to vector<8x4096xf32>
        %select_n3A_1593 = arith.select %gt3A_1590, %broadcast_in_dim3A_1592, %select_n3A_1583 : vector<8x4096xi1>, vector<8x4096xf32>
        %slice3A_1594 = vector.extract_strided_slice %dot_general3A_56 {offsets = [1232, 0], sizes = [8, 4096], strides = [1, 1]} : vector<2048x4096xf32> to vector<8x4096xf32>
        %mul3A_1595 = arith.constant 256 : i32
        %mul3A_1596 = arith.muli %scan3A_42, %mul3A_1595 : i32
        %add3A_1597 = arith.constant 154 : i32
        %add3A_1598 = arith.addi %mul3A_1596, %add3A_1597 : i32
        %convert_element_type3A_1599 = arith.sitofp %add3A_1598 : i32 to f32
        %gt3A_1600 = arith.cmpf ogt, %slice3A_1594, %max3A_1591 : vector<8x4096xf32>
        %max3A_1601 = arith.maximumf %slice3A_1594, %max3A_1591 : vector<8x4096xf32>
        %broadcast_in_dim3A_1602 = vector.broadcast %convert_element_type3A_1599 : f32 to vector<8x4096xf32>
        %select_n3A_1603 = arith.select %gt3A_1600, %broadcast_in_dim3A_1602, %select_n3A_1593 : vector<8x4096xi1>, vector<8x4096xf32>
        %slice3A_1604 = vector.extract_strided_slice %dot_general3A_56 {offsets = [1240, 0], sizes = [8, 4096], strides = [1, 1]} : vector<2048x4096xf32> to vector<8x4096xf32>
        %mul3A_1605 = arith.constant 256 : i32
        %mul3A_1606 = arith.muli %scan3A_42, %mul3A_1605 : i32
        %add3A_1607 = arith.constant 155 : i32
        %add3A_1608 = arith.addi %mul3A_1606, %add3A_1607 : i32
        %convert_element_type3A_1609 = arith.sitofp %add3A_1608 : i32 to f32
        %gt3A_1610 = arith.cmpf ogt, %slice3A_1604, %max3A_1601 : vector<8x4096xf32>
        %max3A_1611 = arith.maximumf %slice3A_1604, %max3A_1601 : vector<8x4096xf32>
        %broadcast_in_dim3A_1612 = vector.broadcast %convert_element_type3A_1609 : f32 to vector<8x4096xf32>
        %select_n3A_1613 = arith.select %gt3A_1610, %broadcast_in_dim3A_1612, %select_n3A_1603 : vector<8x4096xi1>, vector<8x4096xf32>
        %slice3A_1614 = vector.extract_strided_slice %dot_general3A_56 {offsets = [1248, 0], sizes = [8, 4096], strides = [1, 1]} : vector<2048x4096xf32> to vector<8x4096xf32>
        %mul3A_1615 = arith.constant 256 : i32
        %mul3A_1616 = arith.muli %scan3A_42, %mul3A_1615 : i32
        %add3A_1617 = arith.constant 156 : i32
        %add3A_1618 = arith.addi %mul3A_1616, %add3A_1617 : i32
        %convert_element_type3A_1619 = arith.sitofp %add3A_1618 : i32 to f32
        %gt3A_1620 = arith.cmpf ogt, %slice3A_1614, %max3A_1611 : vector<8x4096xf32>
        %max3A_1621 = arith.maximumf %slice3A_1614, %max3A_1611 : vector<8x4096xf32>
        %broadcast_in_dim3A_1622 = vector.broadcast %convert_element_type3A_1619 : f32 to vector<8x4096xf32>
        %select_n3A_1623 = arith.select %gt3A_1620, %broadcast_in_dim3A_1622, %select_n3A_1613 : vector<8x4096xi1>, vector<8x4096xf32>
        %slice3A_1624 = vector.extract_strided_slice %dot_general3A_56 {offsets = [1256, 0], sizes = [8, 4096], strides = [1, 1]} : vector<2048x4096xf32> to vector<8x4096xf32>
        %mul3A_1625 = arith.constant 256 : i32
        %mul3A_1626 = arith.muli %scan3A_42, %mul3A_1625 : i32
        %add3A_1627 = arith.constant 157 : i32
        %add3A_1628 = arith.addi %mul3A_1626, %add3A_1627 : i32
        %convert_element_type3A_1629 = arith.sitofp %add3A_1628 : i32 to f32
        %gt3A_1630 = arith.cmpf ogt, %slice3A_1624, %max3A_1621 : vector<8x4096xf32>
        %max3A_1631 = arith.maximumf %slice3A_1624, %max3A_1621 : vector<8x4096xf32>
        %broadcast_in_dim3A_1632 = vector.broadcast %convert_element_type3A_1629 : f32 to vector<8x4096xf32>
        %select_n3A_1633 = arith.select %gt3A_1630, %broadcast_in_dim3A_1632, %select_n3A_1623 : vector<8x4096xi1>, vector<8x4096xf32>
        %slice3A_1634 = vector.extract_strided_slice %dot_general3A_56 {offsets = [1264, 0], sizes = [8, 4096], strides = [1, 1]} : vector<2048x4096xf32> to vector<8x4096xf32>
        %mul3A_1635 = arith.constant 256 : i32
        %mul3A_1636 = arith.muli %scan3A_42, %mul3A_1635 : i32
        %add3A_1637 = arith.constant 158 : i32
        %add3A_1638 = arith.addi %mul3A_1636, %add3A_1637 : i32
        %convert_element_type3A_1639 = arith.sitofp %add3A_1638 : i32 to f32
        %gt3A_1640 = arith.cmpf ogt, %slice3A_1634, %max3A_1631 : vector<8x4096xf32>
        %max3A_1641 = arith.maximumf %slice3A_1634, %max3A_1631 : vector<8x4096xf32>
        %broadcast_in_dim3A_1642 = vector.broadcast %convert_element_type3A_1639 : f32 to vector<8x4096xf32>
        %select_n3A_1643 = arith.select %gt3A_1640, %broadcast_in_dim3A_1642, %select_n3A_1633 : vector<8x4096xi1>, vector<8x4096xf32>
        %slice3A_1644 = vector.extract_strided_slice %dot_general3A_56 {offsets = [1272, 0], sizes = [8, 4096], strides = [1, 1]} : vector<2048x4096xf32> to vector<8x4096xf32>
        %mul3A_1645 = arith.constant 256 : i32
        %mul3A_1646 = arith.muli %scan3A_42, %mul3A_1645 : i32
        %add3A_1647 = arith.constant 159 : i32
        %add3A_1648 = arith.addi %mul3A_1646, %add3A_1647 : i32
        %convert_element_type3A_1649 = arith.sitofp %add3A_1648 : i32 to f32
        %gt3A_1650 = arith.cmpf ogt, %slice3A_1644, %max3A_1641 : vector<8x4096xf32>
        %max3A_1651 = arith.maximumf %slice3A_1644, %max3A_1641 : vector<8x4096xf32>
        %broadcast_in_dim3A_1652 = vector.broadcast %convert_element_type3A_1649 : f32 to vector<8x4096xf32>
        %select_n3A_1653 = arith.select %gt3A_1650, %broadcast_in_dim3A_1652, %select_n3A_1643 : vector<8x4096xi1>, vector<8x4096xf32>
        %slice3A_1654 = vector.extract_strided_slice %dot_general3A_56 {offsets = [1280, 0], sizes = [8, 4096], strides = [1, 1]} : vector<2048x4096xf32> to vector<8x4096xf32>
        %mul3A_1655 = arith.constant 256 : i32
        %mul3A_1656 = arith.muli %scan3A_42, %mul3A_1655 : i32
        %add3A_1657 = arith.constant 160 : i32
        %add3A_1658 = arith.addi %mul3A_1656, %add3A_1657 : i32
        %convert_element_type3A_1659 = arith.sitofp %add3A_1658 : i32 to f32
        %gt3A_1660 = arith.cmpf ogt, %slice3A_1654, %max3A_1651 : vector<8x4096xf32>
        %max3A_1661 = arith.maximumf %slice3A_1654, %max3A_1651 : vector<8x4096xf32>
        %broadcast_in_dim3A_1662 = vector.broadcast %convert_element_type3A_1659 : f32 to vector<8x4096xf32>
        %select_n3A_1663 = arith.select %gt3A_1660, %broadcast_in_dim3A_1662, %select_n3A_1653 : vector<8x4096xi1>, vector<8x4096xf32>
        %slice3A_1664 = vector.extract_strided_slice %dot_general3A_56 {offsets = [1288, 0], sizes = [8, 4096], strides = [1, 1]} : vector<2048x4096xf32> to vector<8x4096xf32>
        %mul3A_1665 = arith.constant 256 : i32
        %mul3A_1666 = arith.muli %scan3A_42, %mul3A_1665 : i32
        %add3A_1667 = arith.constant 161 : i32
        %add3A_1668 = arith.addi %mul3A_1666, %add3A_1667 : i32
        %convert_element_type3A_1669 = arith.sitofp %add3A_1668 : i32 to f32
        %gt3A_1670 = arith.cmpf ogt, %slice3A_1664, %max3A_1661 : vector<8x4096xf32>
        %max3A_1671 = arith.maximumf %slice3A_1664, %max3A_1661 : vector<8x4096xf32>
        %broadcast_in_dim3A_1672 = vector.broadcast %convert_element_type3A_1669 : f32 to vector<8x4096xf32>
        %select_n3A_1673 = arith.select %gt3A_1670, %broadcast_in_dim3A_1672, %select_n3A_1663 : vector<8x4096xi1>, vector<8x4096xf32>
        %slice3A_1674 = vector.extract_strided_slice %dot_general3A_56 {offsets = [1296, 0], sizes = [8, 4096], strides = [1, 1]} : vector<2048x4096xf32> to vector<8x4096xf32>
        %mul3A_1675 = arith.constant 256 : i32
        %mul3A_1676 = arith.muli %scan3A_42, %mul3A_1675 : i32
        %add3A_1677 = arith.constant 162 : i32
        %add3A_1678 = arith.addi %mul3A_1676, %add3A_1677 : i32
        %convert_element_type3A_1679 = arith.sitofp %add3A_1678 : i32 to f32
        %gt3A_1680 = arith.cmpf ogt, %slice3A_1674, %max3A_1671 : vector<8x4096xf32>
        %max3A_1681 = arith.maximumf %slice3A_1674, %max3A_1671 : vector<8x4096xf32>
        %broadcast_in_dim3A_1682 = vector.broadcast %convert_element_type3A_1679 : f32 to vector<8x4096xf32>
        %select_n3A_1683 = arith.select %gt3A_1680, %broadcast_in_dim3A_1682, %select_n3A_1673 : vector<8x4096xi1>, vector<8x4096xf32>
        %slice3A_1684 = vector.extract_strided_slice %dot_general3A_56 {offsets = [1304, 0], sizes = [8, 4096], strides = [1, 1]} : vector<2048x4096xf32> to vector<8x4096xf32>
        %mul3A_1685 = arith.constant 256 : i32
        %mul3A_1686 = arith.muli %scan3A_42, %mul3A_1685 : i32
        %add3A_1687 = arith.constant 163 : i32
        %add3A_1688 = arith.addi %mul3A_1686, %add3A_1687 : i32
        %convert_element_type3A_1689 = arith.sitofp %add3A_1688 : i32 to f32
        %gt3A_1690 = arith.cmpf ogt, %slice3A_1684, %max3A_1681 : vector<8x4096xf32>
        %max3A_1691 = arith.maximumf %slice3A_1684, %max3A_1681 : vector<8x4096xf32>
        %broadcast_in_dim3A_1692 = vector.broadcast %convert_element_type3A_1689 : f32 to vector<8x4096xf32>
        %select_n3A_1693 = arith.select %gt3A_1690, %broadcast_in_dim3A_1692, %select_n3A_1683 : vector<8x4096xi1>, vector<8x4096xf32>
        %slice3A_1694 = vector.extract_strided_slice %dot_general3A_56 {offsets = [1312, 0], sizes = [8, 4096], strides = [1, 1]} : vector<2048x4096xf32> to vector<8x4096xf32>
        %mul3A_1695 = arith.constant 256 : i32
        %mul3A_1696 = arith.muli %scan3A_42, %mul3A_1695 : i32
        %add3A_1697 = arith.constant 164 : i32
        %add3A_1698 = arith.addi %mul3A_1696, %add3A_1697 : i32
        %convert_element_type3A_1699 = arith.sitofp %add3A_1698 : i32 to f32
        %gt3A_1700 = arith.cmpf ogt, %slice3A_1694, %max3A_1691 : vector<8x4096xf32>
        %max3A_1701 = arith.maximumf %slice3A_1694, %max3A_1691 : vector<8x4096xf32>
        %broadcast_in_dim3A_1702 = vector.broadcast %convert_element_type3A_1699 : f32 to vector<8x4096xf32>
        %select_n3A_1703 = arith.select %gt3A_1700, %broadcast_in_dim3A_1702, %select_n3A_1693 : vector<8x4096xi1>, vector<8x4096xf32>
        %slice3A_1704 = vector.extract_strided_slice %dot_general3A_56 {offsets = [1320, 0], sizes = [8, 4096], strides = [1, 1]} : vector<2048x4096xf32> to vector<8x4096xf32>
        %mul3A_1705 = arith.constant 256 : i32
        %mul3A_1706 = arith.muli %scan3A_42, %mul3A_1705 : i32
        %add3A_1707 = arith.constant 165 : i32
        %add3A_1708 = arith.addi %mul3A_1706, %add3A_1707 : i32
        %convert_element_type3A_1709 = arith.sitofp %add3A_1708 : i32 to f32
        %gt3A_1710 = arith.cmpf ogt, %slice3A_1704, %max3A_1701 : vector<8x4096xf32>
        %max3A_1711 = arith.maximumf %slice3A_1704, %max3A_1701 : vector<8x4096xf32>
        %broadcast_in_dim3A_1712 = vector.broadcast %convert_element_type3A_1709 : f32 to vector<8x4096xf32>
        %select_n3A_1713 = arith.select %gt3A_1710, %broadcast_in_dim3A_1712, %select_n3A_1703 : vector<8x4096xi1>, vector<8x4096xf32>
        %slice3A_1714 = vector.extract_strided_slice %dot_general3A_56 {offsets = [1328, 0], sizes = [8, 4096], strides = [1, 1]} : vector<2048x4096xf32> to vector<8x4096xf32>
        %mul3A_1715 = arith.constant 256 : i32
        %mul3A_1716 = arith.muli %scan3A_42, %mul3A_1715 : i32
        %add3A_1717 = arith.constant 166 : i32
        %add3A_1718 = arith.addi %mul3A_1716, %add3A_1717 : i32
        %convert_element_type3A_1719 = arith.sitofp %add3A_1718 : i32 to f32
        %gt3A_1720 = arith.cmpf ogt, %slice3A_1714, %max3A_1711 : vector<8x4096xf32>
        %max3A_1721 = arith.maximumf %slice3A_1714, %max3A_1711 : vector<8x4096xf32>
        %broadcast_in_dim3A_1722 = vector.broadcast %convert_element_type3A_1719 : f32 to vector<8x4096xf32>
        %select_n3A_1723 = arith.select %gt3A_1720, %broadcast_in_dim3A_1722, %select_n3A_1713 : vector<8x4096xi1>, vector<8x4096xf32>
        %slice3A_1724 = vector.extract_strided_slice %dot_general3A_56 {offsets = [1336, 0], sizes = [8, 4096], strides = [1, 1]} : vector<2048x4096xf32> to vector<8x4096xf32>
        %mul3A_1725 = arith.constant 256 : i32
        %mul3A_1726 = arith.muli %scan3A_42, %mul3A_1725 : i32
        %add3A_1727 = arith.constant 167 : i32
        %add3A_1728 = arith.addi %mul3A_1726, %add3A_1727 : i32
        %convert_element_type3A_1729 = arith.sitofp %add3A_1728 : i32 to f32
        %gt3A_1730 = arith.cmpf ogt, %slice3A_1724, %max3A_1721 : vector<8x4096xf32>
        %max3A_1731 = arith.maximumf %slice3A_1724, %max3A_1721 : vector<8x4096xf32>
        %broadcast_in_dim3A_1732 = vector.broadcast %convert_element_type3A_1729 : f32 to vector<8x4096xf32>
        %select_n3A_1733 = arith.select %gt3A_1730, %broadcast_in_dim3A_1732, %select_n3A_1723 : vector<8x4096xi1>, vector<8x4096xf32>
        %slice3A_1734 = vector.extract_strided_slice %dot_general3A_56 {offsets = [1344, 0], sizes = [8, 4096], strides = [1, 1]} : vector<2048x4096xf32> to vector<8x4096xf32>
        %mul3A_1735 = arith.constant 256 : i32
        %mul3A_1736 = arith.muli %scan3A_42, %mul3A_1735 : i32
        %add3A_1737 = arith.constant 168 : i32
        %add3A_1738 = arith.addi %mul3A_1736, %add3A_1737 : i32
        %convert_element_type3A_1739 = arith.sitofp %add3A_1738 : i32 to f32
        %gt3A_1740 = arith.cmpf ogt, %slice3A_1734, %max3A_1731 : vector<8x4096xf32>
        %max3A_1741 = arith.maximumf %slice3A_1734, %max3A_1731 : vector<8x4096xf32>
        %broadcast_in_dim3A_1742 = vector.broadcast %convert_element_type3A_1739 : f32 to vector<8x4096xf32>
        %select_n3A_1743 = arith.select %gt3A_1740, %broadcast_in_dim3A_1742, %select_n3A_1733 : vector<8x4096xi1>, vector<8x4096xf32>
        %slice3A_1744 = vector.extract_strided_slice %dot_general3A_56 {offsets = [1352, 0], sizes = [8, 4096], strides = [1, 1]} : vector<2048x4096xf32> to vector<8x4096xf32>
        %mul3A_1745 = arith.constant 256 : i32
        %mul3A_1746 = arith.muli %scan3A_42, %mul3A_1745 : i32
        %add3A_1747 = arith.constant 169 : i32
        %add3A_1748 = arith.addi %mul3A_1746, %add3A_1747 : i32
        %convert_element_type3A_1749 = arith.sitofp %add3A_1748 : i32 to f32
        %gt3A_1750 = arith.cmpf ogt, %slice3A_1744, %max3A_1741 : vector<8x4096xf32>
        %max3A_1751 = arith.maximumf %slice3A_1744, %max3A_1741 : vector<8x4096xf32>
        %broadcast_in_dim3A_1752 = vector.broadcast %convert_element_type3A_1749 : f32 to vector<8x4096xf32>
        %select_n3A_1753 = arith.select %gt3A_1750, %broadcast_in_dim3A_1752, %select_n3A_1743 : vector<8x4096xi1>, vector<8x4096xf32>
        %slice3A_1754 = vector.extract_strided_slice %dot_general3A_56 {offsets = [1360, 0], sizes = [8, 4096], strides = [1, 1]} : vector<2048x4096xf32> to vector<8x4096xf32>
        %mul3A_1755 = arith.constant 256 : i32
        %mul3A_1756 = arith.muli %scan3A_42, %mul3A_1755 : i32
        %add3A_1757 = arith.constant 170 : i32
        %add3A_1758 = arith.addi %mul3A_1756, %add3A_1757 : i32
        %convert_element_type3A_1759 = arith.sitofp %add3A_1758 : i32 to f32
        %gt3A_1760 = arith.cmpf ogt, %slice3A_1754, %max3A_1751 : vector<8x4096xf32>
        %max3A_1761 = arith.maximumf %slice3A_1754, %max3A_1751 : vector<8x4096xf32>
        %broadcast_in_dim3A_1762 = vector.broadcast %convert_element_type3A_1759 : f32 to vector<8x4096xf32>
        %select_n3A_1763 = arith.select %gt3A_1760, %broadcast_in_dim3A_1762, %select_n3A_1753 : vector<8x4096xi1>, vector<8x4096xf32>
        %slice3A_1764 = vector.extract_strided_slice %dot_general3A_56 {offsets = [1368, 0], sizes = [8, 4096], strides = [1, 1]} : vector<2048x4096xf32> to vector<8x4096xf32>
        %mul3A_1765 = arith.constant 256 : i32
        %mul3A_1766 = arith.muli %scan3A_42, %mul3A_1765 : i32
        %add3A_1767 = arith.constant 171 : i32
        %add3A_1768 = arith.addi %mul3A_1766, %add3A_1767 : i32
        %convert_element_type3A_1769 = arith.sitofp %add3A_1768 : i32 to f32
        %gt3A_1770 = arith.cmpf ogt, %slice3A_1764, %max3A_1761 : vector<8x4096xf32>
        %max3A_1771 = arith.maximumf %slice3A_1764, %max3A_1761 : vector<8x4096xf32>
        %broadcast_in_dim3A_1772 = vector.broadcast %convert_element_type3A_1769 : f32 to vector<8x4096xf32>
        %select_n3A_1773 = arith.select %gt3A_1770, %broadcast_in_dim3A_1772, %select_n3A_1763 : vector<8x4096xi1>, vector<8x4096xf32>
        %slice3A_1774 = vector.extract_strided_slice %dot_general3A_56 {offsets = [1376, 0], sizes = [8, 4096], strides = [1, 1]} : vector<2048x4096xf32> to vector<8x4096xf32>
        %mul3A_1775 = arith.constant 256 : i32
        %mul3A_1776 = arith.muli %scan3A_42, %mul3A_1775 : i32
        %add3A_1777 = arith.constant 172 : i32
        %add3A_1778 = arith.addi %mul3A_1776, %add3A_1777 : i32
        %convert_element_type3A_1779 = arith.sitofp %add3A_1778 : i32 to f32
        %gt3A_1780 = arith.cmpf ogt, %slice3A_1774, %max3A_1771 : vector<8x4096xf32>
        %max3A_1781 = arith.maximumf %slice3A_1774, %max3A_1771 : vector<8x4096xf32>
        %broadcast_in_dim3A_1782 = vector.broadcast %convert_element_type3A_1779 : f32 to vector<8x4096xf32>
        %select_n3A_1783 = arith.select %gt3A_1780, %broadcast_in_dim3A_1782, %select_n3A_1773 : vector<8x4096xi1>, vector<8x4096xf32>
        %slice3A_1784 = vector.extract_strided_slice %dot_general3A_56 {offsets = [1384, 0], sizes = [8, 4096], strides = [1, 1]} : vector<2048x4096xf32> to vector<8x4096xf32>
        %mul3A_1785 = arith.constant 256 : i32
        %mul3A_1786 = arith.muli %scan3A_42, %mul3A_1785 : i32
        %add3A_1787 = arith.constant 173 : i32
        %add3A_1788 = arith.addi %mul3A_1786, %add3A_1787 : i32
        %convert_element_type3A_1789 = arith.sitofp %add3A_1788 : i32 to f32
        %gt3A_1790 = arith.cmpf ogt, %slice3A_1784, %max3A_1781 : vector<8x4096xf32>
        %max3A_1791 = arith.maximumf %slice3A_1784, %max3A_1781 : vector<8x4096xf32>
        %broadcast_in_dim3A_1792 = vector.broadcast %convert_element_type3A_1789 : f32 to vector<8x4096xf32>
        %select_n3A_1793 = arith.select %gt3A_1790, %broadcast_in_dim3A_1792, %select_n3A_1783 : vector<8x4096xi1>, vector<8x4096xf32>
        %slice3A_1794 = vector.extract_strided_slice %dot_general3A_56 {offsets = [1392, 0], sizes = [8, 4096], strides = [1, 1]} : vector<2048x4096xf32> to vector<8x4096xf32>
        %mul3A_1795 = arith.constant 256 : i32
        %mul3A_1796 = arith.muli %scan3A_42, %mul3A_1795 : i32
        %add3A_1797 = arith.constant 174 : i32
        %add3A_1798 = arith.addi %mul3A_1796, %add3A_1797 : i32
        %convert_element_type3A_1799 = arith.sitofp %add3A_1798 : i32 to f32
        %gt3A_1800 = arith.cmpf ogt, %slice3A_1794, %max3A_1791 : vector<8x4096xf32>
        %max3A_1801 = arith.maximumf %slice3A_1794, %max3A_1791 : vector<8x4096xf32>
        %broadcast_in_dim3A_1802 = vector.broadcast %convert_element_type3A_1799 : f32 to vector<8x4096xf32>
        %select_n3A_1803 = arith.select %gt3A_1800, %broadcast_in_dim3A_1802, %select_n3A_1793 : vector<8x4096xi1>, vector<8x4096xf32>
        %slice3A_1804 = vector.extract_strided_slice %dot_general3A_56 {offsets = [1400, 0], sizes = [8, 4096], strides = [1, 1]} : vector<2048x4096xf32> to vector<8x4096xf32>
        %mul3A_1805 = arith.constant 256 : i32
        %mul3A_1806 = arith.muli %scan3A_42, %mul3A_1805 : i32
        %add3A_1807 = arith.constant 175 : i32
        %add3A_1808 = arith.addi %mul3A_1806, %add3A_1807 : i32
        %convert_element_type3A_1809 = arith.sitofp %add3A_1808 : i32 to f32
        %gt3A_1810 = arith.cmpf ogt, %slice3A_1804, %max3A_1801 : vector<8x4096xf32>
        %max3A_1811 = arith.maximumf %slice3A_1804, %max3A_1801 : vector<8x4096xf32>
        %broadcast_in_dim3A_1812 = vector.broadcast %convert_element_type3A_1809 : f32 to vector<8x4096xf32>
        %select_n3A_1813 = arith.select %gt3A_1810, %broadcast_in_dim3A_1812, %select_n3A_1803 : vector<8x4096xi1>, vector<8x4096xf32>
        %slice3A_1814 = vector.extract_strided_slice %dot_general3A_56 {offsets = [1408, 0], sizes = [8, 4096], strides = [1, 1]} : vector<2048x4096xf32> to vector<8x4096xf32>
        %mul3A_1815 = arith.constant 256 : i32
        %mul3A_1816 = arith.muli %scan3A_42, %mul3A_1815 : i32
        %add3A_1817 = arith.constant 176 : i32
        %add3A_1818 = arith.addi %mul3A_1816, %add3A_1817 : i32
        %convert_element_type3A_1819 = arith.sitofp %add3A_1818 : i32 to f32
        %gt3A_1820 = arith.cmpf ogt, %slice3A_1814, %max3A_1811 : vector<8x4096xf32>
        %max3A_1821 = arith.maximumf %slice3A_1814, %max3A_1811 : vector<8x4096xf32>
        %broadcast_in_dim3A_1822 = vector.broadcast %convert_element_type3A_1819 : f32 to vector<8x4096xf32>
        %select_n3A_1823 = arith.select %gt3A_1820, %broadcast_in_dim3A_1822, %select_n3A_1813 : vector<8x4096xi1>, vector<8x4096xf32>
        %slice3A_1824 = vector.extract_strided_slice %dot_general3A_56 {offsets = [1416, 0], sizes = [8, 4096], strides = [1, 1]} : vector<2048x4096xf32> to vector<8x4096xf32>
        %mul3A_1825 = arith.constant 256 : i32
        %mul3A_1826 = arith.muli %scan3A_42, %mul3A_1825 : i32
        %add3A_1827 = arith.constant 177 : i32
        %add3A_1828 = arith.addi %mul3A_1826, %add3A_1827 : i32
        %convert_element_type3A_1829 = arith.sitofp %add3A_1828 : i32 to f32
        %gt3A_1830 = arith.cmpf ogt, %slice3A_1824, %max3A_1821 : vector<8x4096xf32>
        %max3A_1831 = arith.maximumf %slice3A_1824, %max3A_1821 : vector<8x4096xf32>
        %broadcast_in_dim3A_1832 = vector.broadcast %convert_element_type3A_1829 : f32 to vector<8x4096xf32>
        %select_n3A_1833 = arith.select %gt3A_1830, %broadcast_in_dim3A_1832, %select_n3A_1823 : vector<8x4096xi1>, vector<8x4096xf32>
        %slice3A_1834 = vector.extract_strided_slice %dot_general3A_56 {offsets = [1424, 0], sizes = [8, 4096], strides = [1, 1]} : vector<2048x4096xf32> to vector<8x4096xf32>
        %mul3A_1835 = arith.constant 256 : i32
        %mul3A_1836 = arith.muli %scan3A_42, %mul3A_1835 : i32
        %add3A_1837 = arith.constant 178 : i32
        %add3A_1838 = arith.addi %mul3A_1836, %add3A_1837 : i32
        %convert_element_type3A_1839 = arith.sitofp %add3A_1838 : i32 to f32
        %gt3A_1840 = arith.cmpf ogt, %slice3A_1834, %max3A_1831 : vector<8x4096xf32>
        %max3A_1841 = arith.maximumf %slice3A_1834, %max3A_1831 : vector<8x4096xf32>
        %broadcast_in_dim3A_1842 = vector.broadcast %convert_element_type3A_1839 : f32 to vector<8x4096xf32>
        %select_n3A_1843 = arith.select %gt3A_1840, %broadcast_in_dim3A_1842, %select_n3A_1833 : vector<8x4096xi1>, vector<8x4096xf32>
        %slice3A_1844 = vector.extract_strided_slice %dot_general3A_56 {offsets = [1432, 0], sizes = [8, 4096], strides = [1, 1]} : vector<2048x4096xf32> to vector<8x4096xf32>
        %mul3A_1845 = arith.constant 256 : i32
        %mul3A_1846 = arith.muli %scan3A_42, %mul3A_1845 : i32
        %add3A_1847 = arith.constant 179 : i32
        %add3A_1848 = arith.addi %mul3A_1846, %add3A_1847 : i32
        %convert_element_type3A_1849 = arith.sitofp %add3A_1848 : i32 to f32
        %gt3A_1850 = arith.cmpf ogt, %slice3A_1844, %max3A_1841 : vector<8x4096xf32>
        %max3A_1851 = arith.maximumf %slice3A_1844, %max3A_1841 : vector<8x4096xf32>
        %broadcast_in_dim3A_1852 = vector.broadcast %convert_element_type3A_1849 : f32 to vector<8x4096xf32>
        %select_n3A_1853 = arith.select %gt3A_1850, %broadcast_in_dim3A_1852, %select_n3A_1843 : vector<8x4096xi1>, vector<8x4096xf32>
        %slice3A_1854 = vector.extract_strided_slice %dot_general3A_56 {offsets = [1440, 0], sizes = [8, 4096], strides = [1, 1]} : vector<2048x4096xf32> to vector<8x4096xf32>
        %mul3A_1855 = arith.constant 256 : i32
        %mul3A_1856 = arith.muli %scan3A_42, %mul3A_1855 : i32
        %add3A_1857 = arith.constant 180 : i32
        %add3A_1858 = arith.addi %mul3A_1856, %add3A_1857 : i32
        %convert_element_type3A_1859 = arith.sitofp %add3A_1858 : i32 to f32
        %gt3A_1860 = arith.cmpf ogt, %slice3A_1854, %max3A_1851 : vector<8x4096xf32>
        %max3A_1861 = arith.maximumf %slice3A_1854, %max3A_1851 : vector<8x4096xf32>
        %broadcast_in_dim3A_1862 = vector.broadcast %convert_element_type3A_1859 : f32 to vector<8x4096xf32>
        %select_n3A_1863 = arith.select %gt3A_1860, %broadcast_in_dim3A_1862, %select_n3A_1853 : vector<8x4096xi1>, vector<8x4096xf32>
        %slice3A_1864 = vector.extract_strided_slice %dot_general3A_56 {offsets = [1448, 0], sizes = [8, 4096], strides = [1, 1]} : vector<2048x4096xf32> to vector<8x4096xf32>
        %mul3A_1865 = arith.constant 256 : i32
        %mul3A_1866 = arith.muli %scan3A_42, %mul3A_1865 : i32
        %add3A_1867 = arith.constant 181 : i32
        %add3A_1868 = arith.addi %mul3A_1866, %add3A_1867 : i32
        %convert_element_type3A_1869 = arith.sitofp %add3A_1868 : i32 to f32
        %gt3A_1870 = arith.cmpf ogt, %slice3A_1864, %max3A_1861 : vector<8x4096xf32>
        %max3A_1871 = arith.maximumf %slice3A_1864, %max3A_1861 : vector<8x4096xf32>
        %broadcast_in_dim3A_1872 = vector.broadcast %convert_element_type3A_1869 : f32 to vector<8x4096xf32>
        %select_n3A_1873 = arith.select %gt3A_1870, %broadcast_in_dim3A_1872, %select_n3A_1863 : vector<8x4096xi1>, vector<8x4096xf32>
        %slice3A_1874 = vector.extract_strided_slice %dot_general3A_56 {offsets = [1456, 0], sizes = [8, 4096], strides = [1, 1]} : vector<2048x4096xf32> to vector<8x4096xf32>
        %mul3A_1875 = arith.constant 256 : i32
        %mul3A_1876 = arith.muli %scan3A_42, %mul3A_1875 : i32
        %add3A_1877 = arith.constant 182 : i32
        %add3A_1878 = arith.addi %mul3A_1876, %add3A_1877 : i32
        %convert_element_type3A_1879 = arith.sitofp %add3A_1878 : i32 to f32
        %gt3A_1880 = arith.cmpf ogt, %slice3A_1874, %max3A_1871 : vector<8x4096xf32>
        %max3A_1881 = arith.maximumf %slice3A_1874, %max3A_1871 : vector<8x4096xf32>
        %broadcast_in_dim3A_1882 = vector.broadcast %convert_element_type3A_1879 : f32 to vector<8x4096xf32>
        %select_n3A_1883 = arith.select %gt3A_1880, %broadcast_in_dim3A_1882, %select_n3A_1873 : vector<8x4096xi1>, vector<8x4096xf32>
        %slice3A_1884 = vector.extract_strided_slice %dot_general3A_56 {offsets = [1464, 0], sizes = [8, 4096], strides = [1, 1]} : vector<2048x4096xf32> to vector<8x4096xf32>
        %mul3A_1885 = arith.constant 256 : i32
        %mul3A_1886 = arith.muli %scan3A_42, %mul3A_1885 : i32
        %add3A_1887 = arith.constant 183 : i32
        %add3A_1888 = arith.addi %mul3A_1886, %add3A_1887 : i32
        %convert_element_type3A_1889 = arith.sitofp %add3A_1888 : i32 to f32
        %gt3A_1890 = arith.cmpf ogt, %slice3A_1884, %max3A_1881 : vector<8x4096xf32>
        %max3A_1891 = arith.maximumf %slice3A_1884, %max3A_1881 : vector<8x4096xf32>
        %broadcast_in_dim3A_1892 = vector.broadcast %convert_element_type3A_1889 : f32 to vector<8x4096xf32>
        %select_n3A_1893 = arith.select %gt3A_1890, %broadcast_in_dim3A_1892, %select_n3A_1883 : vector<8x4096xi1>, vector<8x4096xf32>
        %slice3A_1894 = vector.extract_strided_slice %dot_general3A_56 {offsets = [1472, 0], sizes = [8, 4096], strides = [1, 1]} : vector<2048x4096xf32> to vector<8x4096xf32>
        %mul3A_1895 = arith.constant 256 : i32
        %mul3A_1896 = arith.muli %scan3A_42, %mul3A_1895 : i32
        %add3A_1897 = arith.constant 184 : i32
        %add3A_1898 = arith.addi %mul3A_1896, %add3A_1897 : i32
        %convert_element_type3A_1899 = arith.sitofp %add3A_1898 : i32 to f32
        %gt3A_1900 = arith.cmpf ogt, %slice3A_1894, %max3A_1891 : vector<8x4096xf32>
        %max3A_1901 = arith.maximumf %slice3A_1894, %max3A_1891 : vector<8x4096xf32>
        %broadcast_in_dim3A_1902 = vector.broadcast %convert_element_type3A_1899 : f32 to vector<8x4096xf32>
        %select_n3A_1903 = arith.select %gt3A_1900, %broadcast_in_dim3A_1902, %select_n3A_1893 : vector<8x4096xi1>, vector<8x4096xf32>
        %slice3A_1904 = vector.extract_strided_slice %dot_general3A_56 {offsets = [1480, 0], sizes = [8, 4096], strides = [1, 1]} : vector<2048x4096xf32> to vector<8x4096xf32>
        %mul3A_1905 = arith.constant 256 : i32
        %mul3A_1906 = arith.muli %scan3A_42, %mul3A_1905 : i32
        %add3A_1907 = arith.constant 185 : i32
        %add3A_1908 = arith.addi %mul3A_1906, %add3A_1907 : i32
        %convert_element_type3A_1909 = arith.sitofp %add3A_1908 : i32 to f32
        %gt3A_1910 = arith.cmpf ogt, %slice3A_1904, %max3A_1901 : vector<8x4096xf32>
        %max3A_1911 = arith.maximumf %slice3A_1904, %max3A_1901 : vector<8x4096xf32>
        %broadcast_in_dim3A_1912 = vector.broadcast %convert_element_type3A_1909 : f32 to vector<8x4096xf32>
        %select_n3A_1913 = arith.select %gt3A_1910, %broadcast_in_dim3A_1912, %select_n3A_1903 : vector<8x4096xi1>, vector<8x4096xf32>
        %slice3A_1914 = vector.extract_strided_slice %dot_general3A_56 {offsets = [1488, 0], sizes = [8, 4096], strides = [1, 1]} : vector<2048x4096xf32> to vector<8x4096xf32>
        %mul3A_1915 = arith.constant 256 : i32
        %mul3A_1916 = arith.muli %scan3A_42, %mul3A_1915 : i32
        %add3A_1917 = arith.constant 186 : i32
        %add3A_1918 = arith.addi %mul3A_1916, %add3A_1917 : i32
        %convert_element_type3A_1919 = arith.sitofp %add3A_1918 : i32 to f32
        %gt3A_1920 = arith.cmpf ogt, %slice3A_1914, %max3A_1911 : vector<8x4096xf32>
        %max3A_1921 = arith.maximumf %slice3A_1914, %max3A_1911 : vector<8x4096xf32>
        %broadcast_in_dim3A_1922 = vector.broadcast %convert_element_type3A_1919 : f32 to vector<8x4096xf32>
        %select_n3A_1923 = arith.select %gt3A_1920, %broadcast_in_dim3A_1922, %select_n3A_1913 : vector<8x4096xi1>, vector<8x4096xf32>
        %slice3A_1924 = vector.extract_strided_slice %dot_general3A_56 {offsets = [1496, 0], sizes = [8, 4096], strides = [1, 1]} : vector<2048x4096xf32> to vector<8x4096xf32>
        %mul3A_1925 = arith.constant 256 : i32
        %mul3A_1926 = arith.muli %scan3A_42, %mul3A_1925 : i32
        %add3A_1927 = arith.constant 187 : i32
        %add3A_1928 = arith.addi %mul3A_1926, %add3A_1927 : i32
        %convert_element_type3A_1929 = arith.sitofp %add3A_1928 : i32 to f32
        %gt3A_1930 = arith.cmpf ogt, %slice3A_1924, %max3A_1921 : vector<8x4096xf32>
        %max3A_1931 = arith.maximumf %slice3A_1924, %max3A_1921 : vector<8x4096xf32>
        %broadcast_in_dim3A_1932 = vector.broadcast %convert_element_type3A_1929 : f32 to vector<8x4096xf32>
        %select_n3A_1933 = arith.select %gt3A_1930, %broadcast_in_dim3A_1932, %select_n3A_1923 : vector<8x4096xi1>, vector<8x4096xf32>
        %slice3A_1934 = vector.extract_strided_slice %dot_general3A_56 {offsets = [1504, 0], sizes = [8, 4096], strides = [1, 1]} : vector<2048x4096xf32> to vector<8x4096xf32>
        %mul3A_1935 = arith.constant 256 : i32
        %mul3A_1936 = arith.muli %scan3A_42, %mul3A_1935 : i32
        %add3A_1937 = arith.constant 188 : i32
        %add3A_1938 = arith.addi %mul3A_1936, %add3A_1937 : i32
        %convert_element_type3A_1939 = arith.sitofp %add3A_1938 : i32 to f32
        %gt3A_1940 = arith.cmpf ogt, %slice3A_1934, %max3A_1931 : vector<8x4096xf32>
        %max3A_1941 = arith.maximumf %slice3A_1934, %max3A_1931 : vector<8x4096xf32>
        %broadcast_in_dim3A_1942 = vector.broadcast %convert_element_type3A_1939 : f32 to vector<8x4096xf32>
        %select_n3A_1943 = arith.select %gt3A_1940, %broadcast_in_dim3A_1942, %select_n3A_1933 : vector<8x4096xi1>, vector<8x4096xf32>
        %slice3A_1944 = vector.extract_strided_slice %dot_general3A_56 {offsets = [1512, 0], sizes = [8, 4096], strides = [1, 1]} : vector<2048x4096xf32> to vector<8x4096xf32>
        %mul3A_1945 = arith.constant 256 : i32
        %mul3A_1946 = arith.muli %scan3A_42, %mul3A_1945 : i32
        %add3A_1947 = arith.constant 189 : i32
        %add3A_1948 = arith.addi %mul3A_1946, %add3A_1947 : i32
        %convert_element_type3A_1949 = arith.sitofp %add3A_1948 : i32 to f32
        %gt3A_1950 = arith.cmpf ogt, %slice3A_1944, %max3A_1941 : vector<8x4096xf32>
        %max3A_1951 = arith.maximumf %slice3A_1944, %max3A_1941 : vector<8x4096xf32>
        %broadcast_in_dim3A_1952 = vector.broadcast %convert_element_type3A_1949 : f32 to vector<8x4096xf32>
        %select_n3A_1953 = arith.select %gt3A_1950, %broadcast_in_dim3A_1952, %select_n3A_1943 : vector<8x4096xi1>, vector<8x4096xf32>
        %slice3A_1954 = vector.extract_strided_slice %dot_general3A_56 {offsets = [1520, 0], sizes = [8, 4096], strides = [1, 1]} : vector<2048x4096xf32> to vector<8x4096xf32>
        %mul3A_1955 = arith.constant 256 : i32
        %mul3A_1956 = arith.muli %scan3A_42, %mul3A_1955 : i32
        %add3A_1957 = arith.constant 190 : i32
        %add3A_1958 = arith.addi %mul3A_1956, %add3A_1957 : i32
        %convert_element_type3A_1959 = arith.sitofp %add3A_1958 : i32 to f32
        %gt3A_1960 = arith.cmpf ogt, %slice3A_1954, %max3A_1951 : vector<8x4096xf32>
        %max3A_1961 = arith.maximumf %slice3A_1954, %max3A_1951 : vector<8x4096xf32>
        %broadcast_in_dim3A_1962 = vector.broadcast %convert_element_type3A_1959 : f32 to vector<8x4096xf32>
        %select_n3A_1963 = arith.select %gt3A_1960, %broadcast_in_dim3A_1962, %select_n3A_1953 : vector<8x4096xi1>, vector<8x4096xf32>
        %slice3A_1964 = vector.extract_strided_slice %dot_general3A_56 {offsets = [1528, 0], sizes = [8, 4096], strides = [1, 1]} : vector<2048x4096xf32> to vector<8x4096xf32>
        %mul3A_1965 = arith.constant 256 : i32
        %mul3A_1966 = arith.muli %scan3A_42, %mul3A_1965 : i32
        %add3A_1967 = arith.constant 191 : i32
        %add3A_1968 = arith.addi %mul3A_1966, %add3A_1967 : i32
        %convert_element_type3A_1969 = arith.sitofp %add3A_1968 : i32 to f32
        %gt3A_1970 = arith.cmpf ogt, %slice3A_1964, %max3A_1961 : vector<8x4096xf32>
        %max3A_1971 = arith.maximumf %slice3A_1964, %max3A_1961 : vector<8x4096xf32>
        %broadcast_in_dim3A_1972 = vector.broadcast %convert_element_type3A_1969 : f32 to vector<8x4096xf32>
        %select_n3A_1973 = arith.select %gt3A_1970, %broadcast_in_dim3A_1972, %select_n3A_1963 : vector<8x4096xi1>, vector<8x4096xf32>
        %slice3A_1974 = vector.extract_strided_slice %dot_general3A_56 {offsets = [1536, 0], sizes = [8, 4096], strides = [1, 1]} : vector<2048x4096xf32> to vector<8x4096xf32>
        %mul3A_1975 = arith.constant 256 : i32
        %mul3A_1976 = arith.muli %scan3A_42, %mul3A_1975 : i32
        %add3A_1977 = arith.constant 192 : i32
        %add3A_1978 = arith.addi %mul3A_1976, %add3A_1977 : i32
        %convert_element_type3A_1979 = arith.sitofp %add3A_1978 : i32 to f32
        %gt3A_1980 = arith.cmpf ogt, %slice3A_1974, %max3A_1971 : vector<8x4096xf32>
        %max3A_1981 = arith.maximumf %slice3A_1974, %max3A_1971 : vector<8x4096xf32>
        %broadcast_in_dim3A_1982 = vector.broadcast %convert_element_type3A_1979 : f32 to vector<8x4096xf32>
        %select_n3A_1983 = arith.select %gt3A_1980, %broadcast_in_dim3A_1982, %select_n3A_1973 : vector<8x4096xi1>, vector<8x4096xf32>
        %slice3A_1984 = vector.extract_strided_slice %dot_general3A_56 {offsets = [1544, 0], sizes = [8, 4096], strides = [1, 1]} : vector<2048x4096xf32> to vector<8x4096xf32>
        %mul3A_1985 = arith.constant 256 : i32
        %mul3A_1986 = arith.muli %scan3A_42, %mul3A_1985 : i32
        %add3A_1987 = arith.constant 193 : i32
        %add3A_1988 = arith.addi %mul3A_1986, %add3A_1987 : i32
        %convert_element_type3A_1989 = arith.sitofp %add3A_1988 : i32 to f32
        %gt3A_1990 = arith.cmpf ogt, %slice3A_1984, %max3A_1981 : vector<8x4096xf32>
        %max3A_1991 = arith.maximumf %slice3A_1984, %max3A_1981 : vector<8x4096xf32>
        %broadcast_in_dim3A_1992 = vector.broadcast %convert_element_type3A_1989 : f32 to vector<8x4096xf32>
        %select_n3A_1993 = arith.select %gt3A_1990, %broadcast_in_dim3A_1992, %select_n3A_1983 : vector<8x4096xi1>, vector<8x4096xf32>
        %slice3A_1994 = vector.extract_strided_slice %dot_general3A_56 {offsets = [1552, 0], sizes = [8, 4096], strides = [1, 1]} : vector<2048x4096xf32> to vector<8x4096xf32>
        %mul3A_1995 = arith.constant 256 : i32
        %mul3A_1996 = arith.muli %scan3A_42, %mul3A_1995 : i32
        %add3A_1997 = arith.constant 194 : i32
        %add3A_1998 = arith.addi %mul3A_1996, %add3A_1997 : i32
        %convert_element_type3A_1999 = arith.sitofp %add3A_1998 : i32 to f32
        %gt3A_2000 = arith.cmpf ogt, %slice3A_1994, %max3A_1991 : vector<8x4096xf32>
        %max3A_2001 = arith.maximumf %slice3A_1994, %max3A_1991 : vector<8x4096xf32>
        %broadcast_in_dim3A_2002 = vector.broadcast %convert_element_type3A_1999 : f32 to vector<8x4096xf32>
        %select_n3A_2003 = arith.select %gt3A_2000, %broadcast_in_dim3A_2002, %select_n3A_1993 : vector<8x4096xi1>, vector<8x4096xf32>
        %slice3A_2004 = vector.extract_strided_slice %dot_general3A_56 {offsets = [1560, 0], sizes = [8, 4096], strides = [1, 1]} : vector<2048x4096xf32> to vector<8x4096xf32>
        %mul3A_2005 = arith.constant 256 : i32
        %mul3A_2006 = arith.muli %scan3A_42, %mul3A_2005 : i32
        %add3A_2007 = arith.constant 195 : i32
        %add3A_2008 = arith.addi %mul3A_2006, %add3A_2007 : i32
        %convert_element_type3A_2009 = arith.sitofp %add3A_2008 : i32 to f32
        %gt3A_2010 = arith.cmpf ogt, %slice3A_2004, %max3A_2001 : vector<8x4096xf32>
        %max3A_2011 = arith.maximumf %slice3A_2004, %max3A_2001 : vector<8x4096xf32>
        %broadcast_in_dim3A_2012 = vector.broadcast %convert_element_type3A_2009 : f32 to vector<8x4096xf32>
        %select_n3A_2013 = arith.select %gt3A_2010, %broadcast_in_dim3A_2012, %select_n3A_2003 : vector<8x4096xi1>, vector<8x4096xf32>
        %slice3A_2014 = vector.extract_strided_slice %dot_general3A_56 {offsets = [1568, 0], sizes = [8, 4096], strides = [1, 1]} : vector<2048x4096xf32> to vector<8x4096xf32>
        %mul3A_2015 = arith.constant 256 : i32
        %mul3A_2016 = arith.muli %scan3A_42, %mul3A_2015 : i32
        %add3A_2017 = arith.constant 196 : i32
        %add3A_2018 = arith.addi %mul3A_2016, %add3A_2017 : i32
        %convert_element_type3A_2019 = arith.sitofp %add3A_2018 : i32 to f32
        %gt3A_2020 = arith.cmpf ogt, %slice3A_2014, %max3A_2011 : vector<8x4096xf32>
        %max3A_2021 = arith.maximumf %slice3A_2014, %max3A_2011 : vector<8x4096xf32>
        %broadcast_in_dim3A_2022 = vector.broadcast %convert_element_type3A_2019 : f32 to vector<8x4096xf32>
        %select_n3A_2023 = arith.select %gt3A_2020, %broadcast_in_dim3A_2022, %select_n3A_2013 : vector<8x4096xi1>, vector<8x4096xf32>
        %slice3A_2024 = vector.extract_strided_slice %dot_general3A_56 {offsets = [1576, 0], sizes = [8, 4096], strides = [1, 1]} : vector<2048x4096xf32> to vector<8x4096xf32>
        %mul3A_2025 = arith.constant 256 : i32
        %mul3A_2026 = arith.muli %scan3A_42, %mul3A_2025 : i32
        %add3A_2027 = arith.constant 197 : i32
        %add3A_2028 = arith.addi %mul3A_2026, %add3A_2027 : i32
        %convert_element_type3A_2029 = arith.sitofp %add3A_2028 : i32 to f32
        %gt3A_2030 = arith.cmpf ogt, %slice3A_2024, %max3A_2021 : vector<8x4096xf32>
        %max3A_2031 = arith.maximumf %slice3A_2024, %max3A_2021 : vector<8x4096xf32>
        %broadcast_in_dim3A_2032 = vector.broadcast %convert_element_type3A_2029 : f32 to vector<8x4096xf32>
        %select_n3A_2033 = arith.select %gt3A_2030, %broadcast_in_dim3A_2032, %select_n3A_2023 : vector<8x4096xi1>, vector<8x4096xf32>
        %slice3A_2034 = vector.extract_strided_slice %dot_general3A_56 {offsets = [1584, 0], sizes = [8, 4096], strides = [1, 1]} : vector<2048x4096xf32> to vector<8x4096xf32>
        %mul3A_2035 = arith.constant 256 : i32
        %mul3A_2036 = arith.muli %scan3A_42, %mul3A_2035 : i32
        %add3A_2037 = arith.constant 198 : i32
        %add3A_2038 = arith.addi %mul3A_2036, %add3A_2037 : i32
        %convert_element_type3A_2039 = arith.sitofp %add3A_2038 : i32 to f32
        %gt3A_2040 = arith.cmpf ogt, %slice3A_2034, %max3A_2031 : vector<8x4096xf32>
        %max3A_2041 = arith.maximumf %slice3A_2034, %max3A_2031 : vector<8x4096xf32>
        %broadcast_in_dim3A_2042 = vector.broadcast %convert_element_type3A_2039 : f32 to vector<8x4096xf32>
        %select_n3A_2043 = arith.select %gt3A_2040, %broadcast_in_dim3A_2042, %select_n3A_2033 : vector<8x4096xi1>, vector<8x4096xf32>
        %slice3A_2044 = vector.extract_strided_slice %dot_general3A_56 {offsets = [1592, 0], sizes = [8, 4096], strides = [1, 1]} : vector<2048x4096xf32> to vector<8x4096xf32>
        %mul3A_2045 = arith.constant 256 : i32
        %mul3A_2046 = arith.muli %scan3A_42, %mul3A_2045 : i32
        %add3A_2047 = arith.constant 199 : i32
        %add3A_2048 = arith.addi %mul3A_2046, %add3A_2047 : i32
        %convert_element_type3A_2049 = arith.sitofp %add3A_2048 : i32 to f32
        %gt3A_2050 = arith.cmpf ogt, %slice3A_2044, %max3A_2041 : vector<8x4096xf32>
        %max3A_2051 = arith.maximumf %slice3A_2044, %max3A_2041 : vector<8x4096xf32>
        %broadcast_in_dim3A_2052 = vector.broadcast %convert_element_type3A_2049 : f32 to vector<8x4096xf32>
        %select_n3A_2053 = arith.select %gt3A_2050, %broadcast_in_dim3A_2052, %select_n3A_2043 : vector<8x4096xi1>, vector<8x4096xf32>
        %slice3A_2054 = vector.extract_strided_slice %dot_general3A_56 {offsets = [1600, 0], sizes = [8, 4096], strides = [1, 1]} : vector<2048x4096xf32> to vector<8x4096xf32>
        %mul3A_2055 = arith.constant 256 : i32
        %mul3A_2056 = arith.muli %scan3A_42, %mul3A_2055 : i32
        %add3A_2057 = arith.constant 200 : i32
        %add3A_2058 = arith.addi %mul3A_2056, %add3A_2057 : i32
        %convert_element_type3A_2059 = arith.sitofp %add3A_2058 : i32 to f32
        %gt3A_2060 = arith.cmpf ogt, %slice3A_2054, %max3A_2051 : vector<8x4096xf32>
        %max3A_2061 = arith.maximumf %slice3A_2054, %max3A_2051 : vector<8x4096xf32>
        %broadcast_in_dim3A_2062 = vector.broadcast %convert_element_type3A_2059 : f32 to vector<8x4096xf32>
        %select_n3A_2063 = arith.select %gt3A_2060, %broadcast_in_dim3A_2062, %select_n3A_2053 : vector<8x4096xi1>, vector<8x4096xf32>
        %slice3A_2064 = vector.extract_strided_slice %dot_general3A_56 {offsets = [1608, 0], sizes = [8, 4096], strides = [1, 1]} : vector<2048x4096xf32> to vector<8x4096xf32>
        %mul3A_2065 = arith.constant 256 : i32
        %mul3A_2066 = arith.muli %scan3A_42, %mul3A_2065 : i32
        %add3A_2067 = arith.constant 201 : i32
        %add3A_2068 = arith.addi %mul3A_2066, %add3A_2067 : i32
        %convert_element_type3A_2069 = arith.sitofp %add3A_2068 : i32 to f32
        %gt3A_2070 = arith.cmpf ogt, %slice3A_2064, %max3A_2061 : vector<8x4096xf32>
        %max3A_2071 = arith.maximumf %slice3A_2064, %max3A_2061 : vector<8x4096xf32>
        %broadcast_in_dim3A_2072 = vector.broadcast %convert_element_type3A_2069 : f32 to vector<8x4096xf32>
        %select_n3A_2073 = arith.select %gt3A_2070, %broadcast_in_dim3A_2072, %select_n3A_2063 : vector<8x4096xi1>, vector<8x4096xf32>
        %slice3A_2074 = vector.extract_strided_slice %dot_general3A_56 {offsets = [1616, 0], sizes = [8, 4096], strides = [1, 1]} : vector<2048x4096xf32> to vector<8x4096xf32>
        %mul3A_2075 = arith.constant 256 : i32
        %mul3A_2076 = arith.muli %scan3A_42, %mul3A_2075 : i32
        %add3A_2077 = arith.constant 202 : i32
        %add3A_2078 = arith.addi %mul3A_2076, %add3A_2077 : i32
        %convert_element_type3A_2079 = arith.sitofp %add3A_2078 : i32 to f32
        %gt3A_2080 = arith.cmpf ogt, %slice3A_2074, %max3A_2071 : vector<8x4096xf32>
        %max3A_2081 = arith.maximumf %slice3A_2074, %max3A_2071 : vector<8x4096xf32>
        %broadcast_in_dim3A_2082 = vector.broadcast %convert_element_type3A_2079 : f32 to vector<8x4096xf32>
        %select_n3A_2083 = arith.select %gt3A_2080, %broadcast_in_dim3A_2082, %select_n3A_2073 : vector<8x4096xi1>, vector<8x4096xf32>
        %slice3A_2084 = vector.extract_strided_slice %dot_general3A_56 {offsets = [1624, 0], sizes = [8, 4096], strides = [1, 1]} : vector<2048x4096xf32> to vector<8x4096xf32>
        %mul3A_2085 = arith.constant 256 : i32
        %mul3A_2086 = arith.muli %scan3A_42, %mul3A_2085 : i32
        %add3A_2087 = arith.constant 203 : i32
        %add3A_2088 = arith.addi %mul3A_2086, %add3A_2087 : i32
        %convert_element_type3A_2089 = arith.sitofp %add3A_2088 : i32 to f32
        %gt3A_2090 = arith.cmpf ogt, %slice3A_2084, %max3A_2081 : vector<8x4096xf32>
        %max3A_2091 = arith.maximumf %slice3A_2084, %max3A_2081 : vector<8x4096xf32>
        %broadcast_in_dim3A_2092 = vector.broadcast %convert_element_type3A_2089 : f32 to vector<8x4096xf32>
        %select_n3A_2093 = arith.select %gt3A_2090, %broadcast_in_dim3A_2092, %select_n3A_2083 : vector<8x4096xi1>, vector<8x4096xf32>
        %slice3A_2094 = vector.extract_strided_slice %dot_general3A_56 {offsets = [1632, 0], sizes = [8, 4096], strides = [1, 1]} : vector<2048x4096xf32> to vector<8x4096xf32>
        %mul3A_2095 = arith.constant 256 : i32
        %mul3A_2096 = arith.muli %scan3A_42, %mul3A_2095 : i32
        %add3A_2097 = arith.constant 204 : i32
        %add3A_2098 = arith.addi %mul3A_2096, %add3A_2097 : i32
        %convert_element_type3A_2099 = arith.sitofp %add3A_2098 : i32 to f32
        %gt3A_2100 = arith.cmpf ogt, %slice3A_2094, %max3A_2091 : vector<8x4096xf32>
        %max3A_2101 = arith.maximumf %slice3A_2094, %max3A_2091 : vector<8x4096xf32>
        %broadcast_in_dim3A_2102 = vector.broadcast %convert_element_type3A_2099 : f32 to vector<8x4096xf32>
        %select_n3A_2103 = arith.select %gt3A_2100, %broadcast_in_dim3A_2102, %select_n3A_2093 : vector<8x4096xi1>, vector<8x4096xf32>
        %slice3A_2104 = vector.extract_strided_slice %dot_general3A_56 {offsets = [1640, 0], sizes = [8, 4096], strides = [1, 1]} : vector<2048x4096xf32> to vector<8x4096xf32>
        %mul3A_2105 = arith.constant 256 : i32
        %mul3A_2106 = arith.muli %scan3A_42, %mul3A_2105 : i32
        %add3A_2107 = arith.constant 205 : i32
        %add3A_2108 = arith.addi %mul3A_2106, %add3A_2107 : i32
        %convert_element_type3A_2109 = arith.sitofp %add3A_2108 : i32 to f32
        %gt3A_2110 = arith.cmpf ogt, %slice3A_2104, %max3A_2101 : vector<8x4096xf32>
        %max3A_2111 = arith.maximumf %slice3A_2104, %max3A_2101 : vector<8x4096xf32>
        %broadcast_in_dim3A_2112 = vector.broadcast %convert_element_type3A_2109 : f32 to vector<8x4096xf32>
        %select_n3A_2113 = arith.select %gt3A_2110, %broadcast_in_dim3A_2112, %select_n3A_2103 : vector<8x4096xi1>, vector<8x4096xf32>
        %slice3A_2114 = vector.extract_strided_slice %dot_general3A_56 {offsets = [1648, 0], sizes = [8, 4096], strides = [1, 1]} : vector<2048x4096xf32> to vector<8x4096xf32>
        %mul3A_2115 = arith.constant 256 : i32
        %mul3A_2116 = arith.muli %scan3A_42, %mul3A_2115 : i32
        %add3A_2117 = arith.constant 206 : i32
        %add3A_2118 = arith.addi %mul3A_2116, %add3A_2117 : i32
        %convert_element_type3A_2119 = arith.sitofp %add3A_2118 : i32 to f32
        %gt3A_2120 = arith.cmpf ogt, %slice3A_2114, %max3A_2111 : vector<8x4096xf32>
        %max3A_2121 = arith.maximumf %slice3A_2114, %max3A_2111 : vector<8x4096xf32>
        %broadcast_in_dim3A_2122 = vector.broadcast %convert_element_type3A_2119 : f32 to vector<8x4096xf32>
        %select_n3A_2123 = arith.select %gt3A_2120, %broadcast_in_dim3A_2122, %select_n3A_2113 : vector<8x4096xi1>, vector<8x4096xf32>
        %slice3A_2124 = vector.extract_strided_slice %dot_general3A_56 {offsets = [1656, 0], sizes = [8, 4096], strides = [1, 1]} : vector<2048x4096xf32> to vector<8x4096xf32>
        %mul3A_2125 = arith.constant 256 : i32
        %mul3A_2126 = arith.muli %scan3A_42, %mul3A_2125 : i32
        %add3A_2127 = arith.constant 207 : i32
        %add3A_2128 = arith.addi %mul3A_2126, %add3A_2127 : i32
        %convert_element_type3A_2129 = arith.sitofp %add3A_2128 : i32 to f32
        %gt3A_2130 = arith.cmpf ogt, %slice3A_2124, %max3A_2121 : vector<8x4096xf32>
        %max3A_2131 = arith.maximumf %slice3A_2124, %max3A_2121 : vector<8x4096xf32>
        %broadcast_in_dim3A_2132 = vector.broadcast %convert_element_type3A_2129 : f32 to vector<8x4096xf32>
        %select_n3A_2133 = arith.select %gt3A_2130, %broadcast_in_dim3A_2132, %select_n3A_2123 : vector<8x4096xi1>, vector<8x4096xf32>
        %slice3A_2134 = vector.extract_strided_slice %dot_general3A_56 {offsets = [1664, 0], sizes = [8, 4096], strides = [1, 1]} : vector<2048x4096xf32> to vector<8x4096xf32>
        %mul3A_2135 = arith.constant 256 : i32
        %mul3A_2136 = arith.muli %scan3A_42, %mul3A_2135 : i32
        %add3A_2137 = arith.constant 208 : i32
        %add3A_2138 = arith.addi %mul3A_2136, %add3A_2137 : i32
        %convert_element_type3A_2139 = arith.sitofp %add3A_2138 : i32 to f32
        %gt3A_2140 = arith.cmpf ogt, %slice3A_2134, %max3A_2131 : vector<8x4096xf32>
        %max3A_2141 = arith.maximumf %slice3A_2134, %max3A_2131 : vector<8x4096xf32>
        %broadcast_in_dim3A_2142 = vector.broadcast %convert_element_type3A_2139 : f32 to vector<8x4096xf32>
        %select_n3A_2143 = arith.select %gt3A_2140, %broadcast_in_dim3A_2142, %select_n3A_2133 : vector<8x4096xi1>, vector<8x4096xf32>
        %slice3A_2144 = vector.extract_strided_slice %dot_general3A_56 {offsets = [1672, 0], sizes = [8, 4096], strides = [1, 1]} : vector<2048x4096xf32> to vector<8x4096xf32>
        %mul3A_2145 = arith.constant 256 : i32
        %mul3A_2146 = arith.muli %scan3A_42, %mul3A_2145 : i32
        %add3A_2147 = arith.constant 209 : i32
        %add3A_2148 = arith.addi %mul3A_2146, %add3A_2147 : i32
        %convert_element_type3A_2149 = arith.sitofp %add3A_2148 : i32 to f32
        %gt3A_2150 = arith.cmpf ogt, %slice3A_2144, %max3A_2141 : vector<8x4096xf32>
        %max3A_2151 = arith.maximumf %slice3A_2144, %max3A_2141 : vector<8x4096xf32>
        %broadcast_in_dim3A_2152 = vector.broadcast %convert_element_type3A_2149 : f32 to vector<8x4096xf32>
        %select_n3A_2153 = arith.select %gt3A_2150, %broadcast_in_dim3A_2152, %select_n3A_2143 : vector<8x4096xi1>, vector<8x4096xf32>
        %slice3A_2154 = vector.extract_strided_slice %dot_general3A_56 {offsets = [1680, 0], sizes = [8, 4096], strides = [1, 1]} : vector<2048x4096xf32> to vector<8x4096xf32>
        %mul3A_2155 = arith.constant 256 : i32
        %mul3A_2156 = arith.muli %scan3A_42, %mul3A_2155 : i32
        %add3A_2157 = arith.constant 210 : i32
        %add3A_2158 = arith.addi %mul3A_2156, %add3A_2157 : i32
        %convert_element_type3A_2159 = arith.sitofp %add3A_2158 : i32 to f32
        %gt3A_2160 = arith.cmpf ogt, %slice3A_2154, %max3A_2151 : vector<8x4096xf32>
        %max3A_2161 = arith.maximumf %slice3A_2154, %max3A_2151 : vector<8x4096xf32>
        %broadcast_in_dim3A_2162 = vector.broadcast %convert_element_type3A_2159 : f32 to vector<8x4096xf32>
        %select_n3A_2163 = arith.select %gt3A_2160, %broadcast_in_dim3A_2162, %select_n3A_2153 : vector<8x4096xi1>, vector<8x4096xf32>
        %slice3A_2164 = vector.extract_strided_slice %dot_general3A_56 {offsets = [1688, 0], sizes = [8, 4096], strides = [1, 1]} : vector<2048x4096xf32> to vector<8x4096xf32>
        %mul3A_2165 = arith.constant 256 : i32
        %mul3A_2166 = arith.muli %scan3A_42, %mul3A_2165 : i32
        %add3A_2167 = arith.constant 211 : i32
        %add3A_2168 = arith.addi %mul3A_2166, %add3A_2167 : i32
        %convert_element_type3A_2169 = arith.sitofp %add3A_2168 : i32 to f32
        %gt3A_2170 = arith.cmpf ogt, %slice3A_2164, %max3A_2161 : vector<8x4096xf32>
        %max3A_2171 = arith.maximumf %slice3A_2164, %max3A_2161 : vector<8x4096xf32>
        %broadcast_in_dim3A_2172 = vector.broadcast %convert_element_type3A_2169 : f32 to vector<8x4096xf32>
        %select_n3A_2173 = arith.select %gt3A_2170, %broadcast_in_dim3A_2172, %select_n3A_2163 : vector<8x4096xi1>, vector<8x4096xf32>
        %slice3A_2174 = vector.extract_strided_slice %dot_general3A_56 {offsets = [1696, 0], sizes = [8, 4096], strides = [1, 1]} : vector<2048x4096xf32> to vector<8x4096xf32>
        %mul3A_2175 = arith.constant 256 : i32
        %mul3A_2176 = arith.muli %scan3A_42, %mul3A_2175 : i32
        %add3A_2177 = arith.constant 212 : i32
        %add3A_2178 = arith.addi %mul3A_2176, %add3A_2177 : i32
        %convert_element_type3A_2179 = arith.sitofp %add3A_2178 : i32 to f32
        %gt3A_2180 = arith.cmpf ogt, %slice3A_2174, %max3A_2171 : vector<8x4096xf32>
        %max3A_2181 = arith.maximumf %slice3A_2174, %max3A_2171 : vector<8x4096xf32>
        %broadcast_in_dim3A_2182 = vector.broadcast %convert_element_type3A_2179 : f32 to vector<8x4096xf32>
        %select_n3A_2183 = arith.select %gt3A_2180, %broadcast_in_dim3A_2182, %select_n3A_2173 : vector<8x4096xi1>, vector<8x4096xf32>
        %slice3A_2184 = vector.extract_strided_slice %dot_general3A_56 {offsets = [1704, 0], sizes = [8, 4096], strides = [1, 1]} : vector<2048x4096xf32> to vector<8x4096xf32>
        %mul3A_2185 = arith.constant 256 : i32
        %mul3A_2186 = arith.muli %scan3A_42, %mul3A_2185 : i32
        %add3A_2187 = arith.constant 213 : i32
        %add3A_2188 = arith.addi %mul3A_2186, %add3A_2187 : i32
        %convert_element_type3A_2189 = arith.sitofp %add3A_2188 : i32 to f32
        %gt3A_2190 = arith.cmpf ogt, %slice3A_2184, %max3A_2181 : vector<8x4096xf32>
        %max3A_2191 = arith.maximumf %slice3A_2184, %max3A_2181 : vector<8x4096xf32>
        %broadcast_in_dim3A_2192 = vector.broadcast %convert_element_type3A_2189 : f32 to vector<8x4096xf32>
        %select_n3A_2193 = arith.select %gt3A_2190, %broadcast_in_dim3A_2192, %select_n3A_2183 : vector<8x4096xi1>, vector<8x4096xf32>
        %slice3A_2194 = vector.extract_strided_slice %dot_general3A_56 {offsets = [1712, 0], sizes = [8, 4096], strides = [1, 1]} : vector<2048x4096xf32> to vector<8x4096xf32>
        %mul3A_2195 = arith.constant 256 : i32
        %mul3A_2196 = arith.muli %scan3A_42, %mul3A_2195 : i32
        %add3A_2197 = arith.constant 214 : i32
        %add3A_2198 = arith.addi %mul3A_2196, %add3A_2197 : i32
        %convert_element_type3A_2199 = arith.sitofp %add3A_2198 : i32 to f32
        %gt3A_2200 = arith.cmpf ogt, %slice3A_2194, %max3A_2191 : vector<8x4096xf32>
        %max3A_2201 = arith.maximumf %slice3A_2194, %max3A_2191 : vector<8x4096xf32>
        %broadcast_in_dim3A_2202 = vector.broadcast %convert_element_type3A_2199 : f32 to vector<8x4096xf32>
        %select_n3A_2203 = arith.select %gt3A_2200, %broadcast_in_dim3A_2202, %select_n3A_2193 : vector<8x4096xi1>, vector<8x4096xf32>
        %slice3A_2204 = vector.extract_strided_slice %dot_general3A_56 {offsets = [1720, 0], sizes = [8, 4096], strides = [1, 1]} : vector<2048x4096xf32> to vector<8x4096xf32>
        %mul3A_2205 = arith.constant 256 : i32
        %mul3A_2206 = arith.muli %scan3A_42, %mul3A_2205 : i32
        %add3A_2207 = arith.constant 215 : i32
        %add3A_2208 = arith.addi %mul3A_2206, %add3A_2207 : i32
        %convert_element_type3A_2209 = arith.sitofp %add3A_2208 : i32 to f32
        %gt3A_2210 = arith.cmpf ogt, %slice3A_2204, %max3A_2201 : vector<8x4096xf32>
        %max3A_2211 = arith.maximumf %slice3A_2204, %max3A_2201 : vector<8x4096xf32>
        %broadcast_in_dim3A_2212 = vector.broadcast %convert_element_type3A_2209 : f32 to vector<8x4096xf32>
        %select_n3A_2213 = arith.select %gt3A_2210, %broadcast_in_dim3A_2212, %select_n3A_2203 : vector<8x4096xi1>, vector<8x4096xf32>
        %slice3A_2214 = vector.extract_strided_slice %dot_general3A_56 {offsets = [1728, 0], sizes = [8, 4096], strides = [1, 1]} : vector<2048x4096xf32> to vector<8x4096xf32>
        %mul3A_2215 = arith.constant 256 : i32
        %mul3A_2216 = arith.muli %scan3A_42, %mul3A_2215 : i32
        %add3A_2217 = arith.constant 216 : i32
        %add3A_2218 = arith.addi %mul3A_2216, %add3A_2217 : i32
        %convert_element_type3A_2219 = arith.sitofp %add3A_2218 : i32 to f32
        %gt3A_2220 = arith.cmpf ogt, %slice3A_2214, %max3A_2211 : vector<8x4096xf32>
        %max3A_2221 = arith.maximumf %slice3A_2214, %max3A_2211 : vector<8x4096xf32>
        %broadcast_in_dim3A_2222 = vector.broadcast %convert_element_type3A_2219 : f32 to vector<8x4096xf32>
        %select_n3A_2223 = arith.select %gt3A_2220, %broadcast_in_dim3A_2222, %select_n3A_2213 : vector<8x4096xi1>, vector<8x4096xf32>
        %slice3A_2224 = vector.extract_strided_slice %dot_general3A_56 {offsets = [1736, 0], sizes = [8, 4096], strides = [1, 1]} : vector<2048x4096xf32> to vector<8x4096xf32>
        %mul3A_2225 = arith.constant 256 : i32
        %mul3A_2226 = arith.muli %scan3A_42, %mul3A_2225 : i32
        %add3A_2227 = arith.constant 217 : i32
        %add3A_2228 = arith.addi %mul3A_2226, %add3A_2227 : i32
        %convert_element_type3A_2229 = arith.sitofp %add3A_2228 : i32 to f32
        %gt3A_2230 = arith.cmpf ogt, %slice3A_2224, %max3A_2221 : vector<8x4096xf32>
        %max3A_2231 = arith.maximumf %slice3A_2224, %max3A_2221 : vector<8x4096xf32>
        %broadcast_in_dim3A_2232 = vector.broadcast %convert_element_type3A_2229 : f32 to vector<8x4096xf32>
        %select_n3A_2233 = arith.select %gt3A_2230, %broadcast_in_dim3A_2232, %select_n3A_2223 : vector<8x4096xi1>, vector<8x4096xf32>
        %slice3A_2234 = vector.extract_strided_slice %dot_general3A_56 {offsets = [1744, 0], sizes = [8, 4096], strides = [1, 1]} : vector<2048x4096xf32> to vector<8x4096xf32>
        %mul3A_2235 = arith.constant 256 : i32
        %mul3A_2236 = arith.muli %scan3A_42, %mul3A_2235 : i32
        %add3A_2237 = arith.constant 218 : i32
        %add3A_2238 = arith.addi %mul3A_2236, %add3A_2237 : i32
        %convert_element_type3A_2239 = arith.sitofp %add3A_2238 : i32 to f32
        %gt3A_2240 = arith.cmpf ogt, %slice3A_2234, %max3A_2231 : vector<8x4096xf32>
        %max3A_2241 = arith.maximumf %slice3A_2234, %max3A_2231 : vector<8x4096xf32>
        %broadcast_in_dim3A_2242 = vector.broadcast %convert_element_type3A_2239 : f32 to vector<8x4096xf32>
        %select_n3A_2243 = arith.select %gt3A_2240, %broadcast_in_dim3A_2242, %select_n3A_2233 : vector<8x4096xi1>, vector<8x4096xf32>
        %slice3A_2244 = vector.extract_strided_slice %dot_general3A_56 {offsets = [1752, 0], sizes = [8, 4096], strides = [1, 1]} : vector<2048x4096xf32> to vector<8x4096xf32>
        %mul3A_2245 = arith.constant 256 : i32
        %mul3A_2246 = arith.muli %scan3A_42, %mul3A_2245 : i32
        %add3A_2247 = arith.constant 219 : i32
        %add3A_2248 = arith.addi %mul3A_2246, %add3A_2247 : i32
        %convert_element_type3A_2249 = arith.sitofp %add3A_2248 : i32 to f32
        %gt3A_2250 = arith.cmpf ogt, %slice3A_2244, %max3A_2241 : vector<8x4096xf32>
        %max3A_2251 = arith.maximumf %slice3A_2244, %max3A_2241 : vector<8x4096xf32>
        %broadcast_in_dim3A_2252 = vector.broadcast %convert_element_type3A_2249 : f32 to vector<8x4096xf32>
        %select_n3A_2253 = arith.select %gt3A_2250, %broadcast_in_dim3A_2252, %select_n3A_2243 : vector<8x4096xi1>, vector<8x4096xf32>
        %slice3A_2254 = vector.extract_strided_slice %dot_general3A_56 {offsets = [1760, 0], sizes = [8, 4096], strides = [1, 1]} : vector<2048x4096xf32> to vector<8x4096xf32>
        %mul3A_2255 = arith.constant 256 : i32
        %mul3A_2256 = arith.muli %scan3A_42, %mul3A_2255 : i32
        %add3A_2257 = arith.constant 220 : i32
        %add3A_2258 = arith.addi %mul3A_2256, %add3A_2257 : i32
        %convert_element_type3A_2259 = arith.sitofp %add3A_2258 : i32 to f32
        %gt3A_2260 = arith.cmpf ogt, %slice3A_2254, %max3A_2251 : vector<8x4096xf32>
        %max3A_2261 = arith.maximumf %slice3A_2254, %max3A_2251 : vector<8x4096xf32>
        %broadcast_in_dim3A_2262 = vector.broadcast %convert_element_type3A_2259 : f32 to vector<8x4096xf32>
        %select_n3A_2263 = arith.select %gt3A_2260, %broadcast_in_dim3A_2262, %select_n3A_2253 : vector<8x4096xi1>, vector<8x4096xf32>
        %slice3A_2264 = vector.extract_strided_slice %dot_general3A_56 {offsets = [1768, 0], sizes = [8, 4096], strides = [1, 1]} : vector<2048x4096xf32> to vector<8x4096xf32>
        %mul3A_2265 = arith.constant 256 : i32
        %mul3A_2266 = arith.muli %scan3A_42, %mul3A_2265 : i32
        %add3A_2267 = arith.constant 221 : i32
        %add3A_2268 = arith.addi %mul3A_2266, %add3A_2267 : i32
        %convert_element_type3A_2269 = arith.sitofp %add3A_2268 : i32 to f32
        %gt3A_2270 = arith.cmpf ogt, %slice3A_2264, %max3A_2261 : vector<8x4096xf32>
        %max3A_2271 = arith.maximumf %slice3A_2264, %max3A_2261 : vector<8x4096xf32>
        %broadcast_in_dim3A_2272 = vector.broadcast %convert_element_type3A_2269 : f32 to vector<8x4096xf32>
        %select_n3A_2273 = arith.select %gt3A_2270, %broadcast_in_dim3A_2272, %select_n3A_2263 : vector<8x4096xi1>, vector<8x4096xf32>
        %slice3A_2274 = vector.extract_strided_slice %dot_general3A_56 {offsets = [1776, 0], sizes = [8, 4096], strides = [1, 1]} : vector<2048x4096xf32> to vector<8x4096xf32>
        %mul3A_2275 = arith.constant 256 : i32
        %mul3A_2276 = arith.muli %scan3A_42, %mul3A_2275 : i32
        %add3A_2277 = arith.constant 222 : i32
        %add3A_2278 = arith.addi %mul3A_2276, %add3A_2277 : i32
        %convert_element_type3A_2279 = arith.sitofp %add3A_2278 : i32 to f32
        %gt3A_2280 = arith.cmpf ogt, %slice3A_2274, %max3A_2271 : vector<8x4096xf32>
        %max3A_2281 = arith.maximumf %slice3A_2274, %max3A_2271 : vector<8x4096xf32>
        %broadcast_in_dim3A_2282 = vector.broadcast %convert_element_type3A_2279 : f32 to vector<8x4096xf32>
        %select_n3A_2283 = arith.select %gt3A_2280, %broadcast_in_dim3A_2282, %select_n3A_2273 : vector<8x4096xi1>, vector<8x4096xf32>
        %slice3A_2284 = vector.extract_strided_slice %dot_general3A_56 {offsets = [1784, 0], sizes = [8, 4096], strides = [1, 1]} : vector<2048x4096xf32> to vector<8x4096xf32>
        %mul3A_2285 = arith.constant 256 : i32
        %mul3A_2286 = arith.muli %scan3A_42, %mul3A_2285 : i32
        %add3A_2287 = arith.constant 223 : i32
        %add3A_2288 = arith.addi %mul3A_2286, %add3A_2287 : i32
        %convert_element_type3A_2289 = arith.sitofp %add3A_2288 : i32 to f32
        %gt3A_2290 = arith.cmpf ogt, %slice3A_2284, %max3A_2281 : vector<8x4096xf32>
        %max3A_2291 = arith.maximumf %slice3A_2284, %max3A_2281 : vector<8x4096xf32>
        %broadcast_in_dim3A_2292 = vector.broadcast %convert_element_type3A_2289 : f32 to vector<8x4096xf32>
        %select_n3A_2293 = arith.select %gt3A_2290, %broadcast_in_dim3A_2292, %select_n3A_2283 : vector<8x4096xi1>, vector<8x4096xf32>
        %slice3A_2294 = vector.extract_strided_slice %dot_general3A_56 {offsets = [1792, 0], sizes = [8, 4096], strides = [1, 1]} : vector<2048x4096xf32> to vector<8x4096xf32>
        %mul3A_2295 = arith.constant 256 : i32
        %mul3A_2296 = arith.muli %scan3A_42, %mul3A_2295 : i32
        %add3A_2297 = arith.constant 224 : i32
        %add3A_2298 = arith.addi %mul3A_2296, %add3A_2297 : i32
        %convert_element_type3A_2299 = arith.sitofp %add3A_2298 : i32 to f32
        %gt3A_2300 = arith.cmpf ogt, %slice3A_2294, %max3A_2291 : vector<8x4096xf32>
        %max3A_2301 = arith.maximumf %slice3A_2294, %max3A_2291 : vector<8x4096xf32>
        %broadcast_in_dim3A_2302 = vector.broadcast %convert_element_type3A_2299 : f32 to vector<8x4096xf32>
        %select_n3A_2303 = arith.select %gt3A_2300, %broadcast_in_dim3A_2302, %select_n3A_2293 : vector<8x4096xi1>, vector<8x4096xf32>
        %slice3A_2304 = vector.extract_strided_slice %dot_general3A_56 {offsets = [1800, 0], sizes = [8, 4096], strides = [1, 1]} : vector<2048x4096xf32> to vector<8x4096xf32>
        %mul3A_2305 = arith.constant 256 : i32
        %mul3A_2306 = arith.muli %scan3A_42, %mul3A_2305 : i32
        %add3A_2307 = arith.constant 225 : i32
        %add3A_2308 = arith.addi %mul3A_2306, %add3A_2307 : i32
        %convert_element_type3A_2309 = arith.sitofp %add3A_2308 : i32 to f32
        %gt3A_2310 = arith.cmpf ogt, %slice3A_2304, %max3A_2301 : vector<8x4096xf32>
        %max3A_2311 = arith.maximumf %slice3A_2304, %max3A_2301 : vector<8x4096xf32>
        %broadcast_in_dim3A_2312 = vector.broadcast %convert_element_type3A_2309 : f32 to vector<8x4096xf32>
        %select_n3A_2313 = arith.select %gt3A_2310, %broadcast_in_dim3A_2312, %select_n3A_2303 : vector<8x4096xi1>, vector<8x4096xf32>
        %slice3A_2314 = vector.extract_strided_slice %dot_general3A_56 {offsets = [1808, 0], sizes = [8, 4096], strides = [1, 1]} : vector<2048x4096xf32> to vector<8x4096xf32>
        %mul3A_2315 = arith.constant 256 : i32
        %mul3A_2316 = arith.muli %scan3A_42, %mul3A_2315 : i32
        %add3A_2317 = arith.constant 226 : i32
        %add3A_2318 = arith.addi %mul3A_2316, %add3A_2317 : i32
        %convert_element_type3A_2319 = arith.sitofp %add3A_2318 : i32 to f32
        %gt3A_2320 = arith.cmpf ogt, %slice3A_2314, %max3A_2311 : vector<8x4096xf32>
        %max3A_2321 = arith.maximumf %slice3A_2314, %max3A_2311 : vector<8x4096xf32>
        %broadcast_in_dim3A_2322 = vector.broadcast %convert_element_type3A_2319 : f32 to vector<8x4096xf32>
        %select_n3A_2323 = arith.select %gt3A_2320, %broadcast_in_dim3A_2322, %select_n3A_2313 : vector<8x4096xi1>, vector<8x4096xf32>
        %slice3A_2324 = vector.extract_strided_slice %dot_general3A_56 {offsets = [1816, 0], sizes = [8, 4096], strides = [1, 1]} : vector<2048x4096xf32> to vector<8x4096xf32>
        %mul3A_2325 = arith.constant 256 : i32
        %mul3A_2326 = arith.muli %scan3A_42, %mul3A_2325 : i32
        %add3A_2327 = arith.constant 227 : i32
        %add3A_2328 = arith.addi %mul3A_2326, %add3A_2327 : i32
        %convert_element_type3A_2329 = arith.sitofp %add3A_2328 : i32 to f32
        %gt3A_2330 = arith.cmpf ogt, %slice3A_2324, %max3A_2321 : vector<8x4096xf32>
        %max3A_2331 = arith.maximumf %slice3A_2324, %max3A_2321 : vector<8x4096xf32>
        %broadcast_in_dim3A_2332 = vector.broadcast %convert_element_type3A_2329 : f32 to vector<8x4096xf32>
        %select_n3A_2333 = arith.select %gt3A_2330, %broadcast_in_dim3A_2332, %select_n3A_2323 : vector<8x4096xi1>, vector<8x4096xf32>
        %slice3A_2334 = vector.extract_strided_slice %dot_general3A_56 {offsets = [1824, 0], sizes = [8, 4096], strides = [1, 1]} : vector<2048x4096xf32> to vector<8x4096xf32>
        %mul3A_2335 = arith.constant 256 : i32
        %mul3A_2336 = arith.muli %scan3A_42, %mul3A_2335 : i32
        %add3A_2337 = arith.constant 228 : i32
        %add3A_2338 = arith.addi %mul3A_2336, %add3A_2337 : i32
        %convert_element_type3A_2339 = arith.sitofp %add3A_2338 : i32 to f32
        %gt3A_2340 = arith.cmpf ogt, %slice3A_2334, %max3A_2331 : vector<8x4096xf32>
        %max3A_2341 = arith.maximumf %slice3A_2334, %max3A_2331 : vector<8x4096xf32>
        %broadcast_in_dim3A_2342 = vector.broadcast %convert_element_type3A_2339 : f32 to vector<8x4096xf32>
        %select_n3A_2343 = arith.select %gt3A_2340, %broadcast_in_dim3A_2342, %select_n3A_2333 : vector<8x4096xi1>, vector<8x4096xf32>
        %slice3A_2344 = vector.extract_strided_slice %dot_general3A_56 {offsets = [1832, 0], sizes = [8, 4096], strides = [1, 1]} : vector<2048x4096xf32> to vector<8x4096xf32>
        %mul3A_2345 = arith.constant 256 : i32
        %mul3A_2346 = arith.muli %scan3A_42, %mul3A_2345 : i32
        %add3A_2347 = arith.constant 229 : i32
        %add3A_2348 = arith.addi %mul3A_2346, %add3A_2347 : i32
        %convert_element_type3A_2349 = arith.sitofp %add3A_2348 : i32 to f32
        %gt3A_2350 = arith.cmpf ogt, %slice3A_2344, %max3A_2341 : vector<8x4096xf32>
        %max3A_2351 = arith.maximumf %slice3A_2344, %max3A_2341 : vector<8x4096xf32>
        %broadcast_in_dim3A_2352 = vector.broadcast %convert_element_type3A_2349 : f32 to vector<8x4096xf32>
        %select_n3A_2353 = arith.select %gt3A_2350, %broadcast_in_dim3A_2352, %select_n3A_2343 : vector<8x4096xi1>, vector<8x4096xf32>
        %slice3A_2354 = vector.extract_strided_slice %dot_general3A_56 {offsets = [1840, 0], sizes = [8, 4096], strides = [1, 1]} : vector<2048x4096xf32> to vector<8x4096xf32>
        %mul3A_2355 = arith.constant 256 : i32
        %mul3A_2356 = arith.muli %scan3A_42, %mul3A_2355 : i32
        %add3A_2357 = arith.constant 230 : i32
        %add3A_2358 = arith.addi %mul3A_2356, %add3A_2357 : i32
        %convert_element_type3A_2359 = arith.sitofp %add3A_2358 : i32 to f32
        %gt3A_2360 = arith.cmpf ogt, %slice3A_2354, %max3A_2351 : vector<8x4096xf32>
        %max3A_2361 = arith.maximumf %slice3A_2354, %max3A_2351 : vector<8x4096xf32>
        %broadcast_in_dim3A_2362 = vector.broadcast %convert_element_type3A_2359 : f32 to vector<8x4096xf32>
        %select_n3A_2363 = arith.select %gt3A_2360, %broadcast_in_dim3A_2362, %select_n3A_2353 : vector<8x4096xi1>, vector<8x4096xf32>
        %slice3A_2364 = vector.extract_strided_slice %dot_general3A_56 {offsets = [1848, 0], sizes = [8, 4096], strides = [1, 1]} : vector<2048x4096xf32> to vector<8x4096xf32>
        %mul3A_2365 = arith.constant 256 : i32
        %mul3A_2366 = arith.muli %scan3A_42, %mul3A_2365 : i32
        %add3A_2367 = arith.constant 231 : i32
        %add3A_2368 = arith.addi %mul3A_2366, %add3A_2367 : i32
        %convert_element_type3A_2369 = arith.sitofp %add3A_2368 : i32 to f32
        %gt3A_2370 = arith.cmpf ogt, %slice3A_2364, %max3A_2361 : vector<8x4096xf32>
        %max3A_2371 = arith.maximumf %slice3A_2364, %max3A_2361 : vector<8x4096xf32>
        %broadcast_in_dim3A_2372 = vector.broadcast %convert_element_type3A_2369 : f32 to vector<8x4096xf32>
        %select_n3A_2373 = arith.select %gt3A_2370, %broadcast_in_dim3A_2372, %select_n3A_2363 : vector<8x4096xi1>, vector<8x4096xf32>
        %slice3A_2374 = vector.extract_strided_slice %dot_general3A_56 {offsets = [1856, 0], sizes = [8, 4096], strides = [1, 1]} : vector<2048x4096xf32> to vector<8x4096xf32>
        %mul3A_2375 = arith.constant 256 : i32
        %mul3A_2376 = arith.muli %scan3A_42, %mul3A_2375 : i32
        %add3A_2377 = arith.constant 232 : i32
        %add3A_2378 = arith.addi %mul3A_2376, %add3A_2377 : i32
        %convert_element_type3A_2379 = arith.sitofp %add3A_2378 : i32 to f32
        %gt3A_2380 = arith.cmpf ogt, %slice3A_2374, %max3A_2371 : vector<8x4096xf32>
        %max3A_2381 = arith.maximumf %slice3A_2374, %max3A_2371 : vector<8x4096xf32>
        %broadcast_in_dim3A_2382 = vector.broadcast %convert_element_type3A_2379 : f32 to vector<8x4096xf32>
        %select_n3A_2383 = arith.select %gt3A_2380, %broadcast_in_dim3A_2382, %select_n3A_2373 : vector<8x4096xi1>, vector<8x4096xf32>
        %slice3A_2384 = vector.extract_strided_slice %dot_general3A_56 {offsets = [1864, 0], sizes = [8, 4096], strides = [1, 1]} : vector<2048x4096xf32> to vector<8x4096xf32>
        %mul3A_2385 = arith.constant 256 : i32
        %mul3A_2386 = arith.muli %scan3A_42, %mul3A_2385 : i32
        %add3A_2387 = arith.constant 233 : i32
        %add3A_2388 = arith.addi %mul3A_2386, %add3A_2387 : i32
        %convert_element_type3A_2389 = arith.sitofp %add3A_2388 : i32 to f32
        %gt3A_2390 = arith.cmpf ogt, %slice3A_2384, %max3A_2381 : vector<8x4096xf32>
        %max3A_2391 = arith.maximumf %slice3A_2384, %max3A_2381 : vector<8x4096xf32>
        %broadcast_in_dim3A_2392 = vector.broadcast %convert_element_type3A_2389 : f32 to vector<8x4096xf32>
        %select_n3A_2393 = arith.select %gt3A_2390, %broadcast_in_dim3A_2392, %select_n3A_2383 : vector<8x4096xi1>, vector<8x4096xf32>
        %slice3A_2394 = vector.extract_strided_slice %dot_general3A_56 {offsets = [1872, 0], sizes = [8, 4096], strides = [1, 1]} : vector<2048x4096xf32> to vector<8x4096xf32>
        %mul3A_2395 = arith.constant 256 : i32
        %mul3A_2396 = arith.muli %scan3A_42, %mul3A_2395 : i32
        %add3A_2397 = arith.constant 234 : i32
        %add3A_2398 = arith.addi %mul3A_2396, %add3A_2397 : i32
        %convert_element_type3A_2399 = arith.sitofp %add3A_2398 : i32 to f32
        %gt3A_2400 = arith.cmpf ogt, %slice3A_2394, %max3A_2391 : vector<8x4096xf32>
        %max3A_2401 = arith.maximumf %slice3A_2394, %max3A_2391 : vector<8x4096xf32>
        %broadcast_in_dim3A_2402 = vector.broadcast %convert_element_type3A_2399 : f32 to vector<8x4096xf32>
        %select_n3A_2403 = arith.select %gt3A_2400, %broadcast_in_dim3A_2402, %select_n3A_2393 : vector<8x4096xi1>, vector<8x4096xf32>
        %slice3A_2404 = vector.extract_strided_slice %dot_general3A_56 {offsets = [1880, 0], sizes = [8, 4096], strides = [1, 1]} : vector<2048x4096xf32> to vector<8x4096xf32>
        %mul3A_2405 = arith.constant 256 : i32
        %mul3A_2406 = arith.muli %scan3A_42, %mul3A_2405 : i32
        %add3A_2407 = arith.constant 235 : i32
        %add3A_2408 = arith.addi %mul3A_2406, %add3A_2407 : i32
        %convert_element_type3A_2409 = arith.sitofp %add3A_2408 : i32 to f32
        %gt3A_2410 = arith.cmpf ogt, %slice3A_2404, %max3A_2401 : vector<8x4096xf32>
        %max3A_2411 = arith.maximumf %slice3A_2404, %max3A_2401 : vector<8x4096xf32>
        %broadcast_in_dim3A_2412 = vector.broadcast %convert_element_type3A_2409 : f32 to vector<8x4096xf32>
        %select_n3A_2413 = arith.select %gt3A_2410, %broadcast_in_dim3A_2412, %select_n3A_2403 : vector<8x4096xi1>, vector<8x4096xf32>
        %slice3A_2414 = vector.extract_strided_slice %dot_general3A_56 {offsets = [1888, 0], sizes = [8, 4096], strides = [1, 1]} : vector<2048x4096xf32> to vector<8x4096xf32>
        %mul3A_2415 = arith.constant 256 : i32
        %mul3A_2416 = arith.muli %scan3A_42, %mul3A_2415 : i32
        %add3A_2417 = arith.constant 236 : i32
        %add3A_2418 = arith.addi %mul3A_2416, %add3A_2417 : i32
        %convert_element_type3A_2419 = arith.sitofp %add3A_2418 : i32 to f32
        %gt3A_2420 = arith.cmpf ogt, %slice3A_2414, %max3A_2411 : vector<8x4096xf32>
        %max3A_2421 = arith.maximumf %slice3A_2414, %max3A_2411 : vector<8x4096xf32>
        %broadcast_in_dim3A_2422 = vector.broadcast %convert_element_type3A_2419 : f32 to vector<8x4096xf32>
        %select_n3A_2423 = arith.select %gt3A_2420, %broadcast_in_dim3A_2422, %select_n3A_2413 : vector<8x4096xi1>, vector<8x4096xf32>
        %slice3A_2424 = vector.extract_strided_slice %dot_general3A_56 {offsets = [1896, 0], sizes = [8, 4096], strides = [1, 1]} : vector<2048x4096xf32> to vector<8x4096xf32>
        %mul3A_2425 = arith.constant 256 : i32
        %mul3A_2426 = arith.muli %scan3A_42, %mul3A_2425 : i32
        %add3A_2427 = arith.constant 237 : i32
        %add3A_2428 = arith.addi %mul3A_2426, %add3A_2427 : i32
        %convert_element_type3A_2429 = arith.sitofp %add3A_2428 : i32 to f32
        %gt3A_2430 = arith.cmpf ogt, %slice3A_2424, %max3A_2421 : vector<8x4096xf32>
        %max3A_2431 = arith.maximumf %slice3A_2424, %max3A_2421 : vector<8x4096xf32>
        %broadcast_in_dim3A_2432 = vector.broadcast %convert_element_type3A_2429 : f32 to vector<8x4096xf32>
        %select_n3A_2433 = arith.select %gt3A_2430, %broadcast_in_dim3A_2432, %select_n3A_2423 : vector<8x4096xi1>, vector<8x4096xf32>
        %slice3A_2434 = vector.extract_strided_slice %dot_general3A_56 {offsets = [1904, 0], sizes = [8, 4096], strides = [1, 1]} : vector<2048x4096xf32> to vector<8x4096xf32>
        %mul3A_2435 = arith.constant 256 : i32
        %mul3A_2436 = arith.muli %scan3A_42, %mul3A_2435 : i32
        %add3A_2437 = arith.constant 238 : i32
        %add3A_2438 = arith.addi %mul3A_2436, %add3A_2437 : i32
        %convert_element_type3A_2439 = arith.sitofp %add3A_2438 : i32 to f32
        %gt3A_2440 = arith.cmpf ogt, %slice3A_2434, %max3A_2431 : vector<8x4096xf32>
        %max3A_2441 = arith.maximumf %slice3A_2434, %max3A_2431 : vector<8x4096xf32>
        %broadcast_in_dim3A_2442 = vector.broadcast %convert_element_type3A_2439 : f32 to vector<8x4096xf32>
        %select_n3A_2443 = arith.select %gt3A_2440, %broadcast_in_dim3A_2442, %select_n3A_2433 : vector<8x4096xi1>, vector<8x4096xf32>
        %slice3A_2444 = vector.extract_strided_slice %dot_general3A_56 {offsets = [1912, 0], sizes = [8, 4096], strides = [1, 1]} : vector<2048x4096xf32> to vector<8x4096xf32>
        %mul3A_2445 = arith.constant 256 : i32
        %mul3A_2446 = arith.muli %scan3A_42, %mul3A_2445 : i32
        %add3A_2447 = arith.constant 239 : i32
        %add3A_2448 = arith.addi %mul3A_2446, %add3A_2447 : i32
        %convert_element_type3A_2449 = arith.sitofp %add3A_2448 : i32 to f32
        %gt3A_2450 = arith.cmpf ogt, %slice3A_2444, %max3A_2441 : vector<8x4096xf32>
        %max3A_2451 = arith.maximumf %slice3A_2444, %max3A_2441 : vector<8x4096xf32>
        %broadcast_in_dim3A_2452 = vector.broadcast %convert_element_type3A_2449 : f32 to vector<8x4096xf32>
        %select_n3A_2453 = arith.select %gt3A_2450, %broadcast_in_dim3A_2452, %select_n3A_2443 : vector<8x4096xi1>, vector<8x4096xf32>
        %slice3A_2454 = vector.extract_strided_slice %dot_general3A_56 {offsets = [1920, 0], sizes = [8, 4096], strides = [1, 1]} : vector<2048x4096xf32> to vector<8x4096xf32>
        %mul3A_2455 = arith.constant 256 : i32
        %mul3A_2456 = arith.muli %scan3A_42, %mul3A_2455 : i32
        %add3A_2457 = arith.constant 240 : i32
        %add3A_2458 = arith.addi %mul3A_2456, %add3A_2457 : i32
        %convert_element_type3A_2459 = arith.sitofp %add3A_2458 : i32 to f32
        %gt3A_2460 = arith.cmpf ogt, %slice3A_2454, %max3A_2451 : vector<8x4096xf32>
        %max3A_2461 = arith.maximumf %slice3A_2454, %max3A_2451 : vector<8x4096xf32>
        %broadcast_in_dim3A_2462 = vector.broadcast %convert_element_type3A_2459 : f32 to vector<8x4096xf32>
        %select_n3A_2463 = arith.select %gt3A_2460, %broadcast_in_dim3A_2462, %select_n3A_2453 : vector<8x4096xi1>, vector<8x4096xf32>
        %slice3A_2464 = vector.extract_strided_slice %dot_general3A_56 {offsets = [1928, 0], sizes = [8, 4096], strides = [1, 1]} : vector<2048x4096xf32> to vector<8x4096xf32>
        %mul3A_2465 = arith.constant 256 : i32
        %mul3A_2466 = arith.muli %scan3A_42, %mul3A_2465 : i32
        %add3A_2467 = arith.constant 241 : i32
        %add3A_2468 = arith.addi %mul3A_2466, %add3A_2467 : i32
        %convert_element_type3A_2469 = arith.sitofp %add3A_2468 : i32 to f32
        %gt3A_2470 = arith.cmpf ogt, %slice3A_2464, %max3A_2461 : vector<8x4096xf32>
        %max3A_2471 = arith.maximumf %slice3A_2464, %max3A_2461 : vector<8x4096xf32>
        %broadcast_in_dim3A_2472 = vector.broadcast %convert_element_type3A_2469 : f32 to vector<8x4096xf32>
        %select_n3A_2473 = arith.select %gt3A_2470, %broadcast_in_dim3A_2472, %select_n3A_2463 : vector<8x4096xi1>, vector<8x4096xf32>
        %slice3A_2474 = vector.extract_strided_slice %dot_general3A_56 {offsets = [1936, 0], sizes = [8, 4096], strides = [1, 1]} : vector<2048x4096xf32> to vector<8x4096xf32>
        %mul3A_2475 = arith.constant 256 : i32
        %mul3A_2476 = arith.muli %scan3A_42, %mul3A_2475 : i32
        %add3A_2477 = arith.constant 242 : i32
        %add3A_2478 = arith.addi %mul3A_2476, %add3A_2477 : i32
        %convert_element_type3A_2479 = arith.sitofp %add3A_2478 : i32 to f32
        %gt3A_2480 = arith.cmpf ogt, %slice3A_2474, %max3A_2471 : vector<8x4096xf32>
        %max3A_2481 = arith.maximumf %slice3A_2474, %max3A_2471 : vector<8x4096xf32>
        %broadcast_in_dim3A_2482 = vector.broadcast %convert_element_type3A_2479 : f32 to vector<8x4096xf32>
        %select_n3A_2483 = arith.select %gt3A_2480, %broadcast_in_dim3A_2482, %select_n3A_2473 : vector<8x4096xi1>, vector<8x4096xf32>
        %slice3A_2484 = vector.extract_strided_slice %dot_general3A_56 {offsets = [1944, 0], sizes = [8, 4096], strides = [1, 1]} : vector<2048x4096xf32> to vector<8x4096xf32>
        %mul3A_2485 = arith.constant 256 : i32
        %mul3A_2486 = arith.muli %scan3A_42, %mul3A_2485 : i32
        %add3A_2487 = arith.constant 243 : i32
        %add3A_2488 = arith.addi %mul3A_2486, %add3A_2487 : i32
        %convert_element_type3A_2489 = arith.sitofp %add3A_2488 : i32 to f32
        %gt3A_2490 = arith.cmpf ogt, %slice3A_2484, %max3A_2481 : vector<8x4096xf32>
        %max3A_2491 = arith.maximumf %slice3A_2484, %max3A_2481 : vector<8x4096xf32>
        %broadcast_in_dim3A_2492 = vector.broadcast %convert_element_type3A_2489 : f32 to vector<8x4096xf32>
        %select_n3A_2493 = arith.select %gt3A_2490, %broadcast_in_dim3A_2492, %select_n3A_2483 : vector<8x4096xi1>, vector<8x4096xf32>
        %slice3A_2494 = vector.extract_strided_slice %dot_general3A_56 {offsets = [1952, 0], sizes = [8, 4096], strides = [1, 1]} : vector<2048x4096xf32> to vector<8x4096xf32>
        %mul3A_2495 = arith.constant 256 : i32
        %mul3A_2496 = arith.muli %scan3A_42, %mul3A_2495 : i32
        %add3A_2497 = arith.constant 244 : i32
        %add3A_2498 = arith.addi %mul3A_2496, %add3A_2497 : i32
        %convert_element_type3A_2499 = arith.sitofp %add3A_2498 : i32 to f32
        %gt3A_2500 = arith.cmpf ogt, %slice3A_2494, %max3A_2491 : vector<8x4096xf32>
        %max3A_2501 = arith.maximumf %slice3A_2494, %max3A_2491 : vector<8x4096xf32>
        %broadcast_in_dim3A_2502 = vector.broadcast %convert_element_type3A_2499 : f32 to vector<8x4096xf32>
        %select_n3A_2503 = arith.select %gt3A_2500, %broadcast_in_dim3A_2502, %select_n3A_2493 : vector<8x4096xi1>, vector<8x4096xf32>
        %slice3A_2504 = vector.extract_strided_slice %dot_general3A_56 {offsets = [1960, 0], sizes = [8, 4096], strides = [1, 1]} : vector<2048x4096xf32> to vector<8x4096xf32>
        %mul3A_2505 = arith.constant 256 : i32
        %mul3A_2506 = arith.muli %scan3A_42, %mul3A_2505 : i32
        %add3A_2507 = arith.constant 245 : i32
        %add3A_2508 = arith.addi %mul3A_2506, %add3A_2507 : i32
        %convert_element_type3A_2509 = arith.sitofp %add3A_2508 : i32 to f32
        %gt3A_2510 = arith.cmpf ogt, %slice3A_2504, %max3A_2501 : vector<8x4096xf32>
        %max3A_2511 = arith.maximumf %slice3A_2504, %max3A_2501 : vector<8x4096xf32>
        %broadcast_in_dim3A_2512 = vector.broadcast %convert_element_type3A_2509 : f32 to vector<8x4096xf32>
        %select_n3A_2513 = arith.select %gt3A_2510, %broadcast_in_dim3A_2512, %select_n3A_2503 : vector<8x4096xi1>, vector<8x4096xf32>
        %slice3A_2514 = vector.extract_strided_slice %dot_general3A_56 {offsets = [1968, 0], sizes = [8, 4096], strides = [1, 1]} : vector<2048x4096xf32> to vector<8x4096xf32>
        %mul3A_2515 = arith.constant 256 : i32
        %mul3A_2516 = arith.muli %scan3A_42, %mul3A_2515 : i32
        %add3A_2517 = arith.constant 246 : i32
        %add3A_2518 = arith.addi %mul3A_2516, %add3A_2517 : i32
        %convert_element_type3A_2519 = arith.sitofp %add3A_2518 : i32 to f32
        %gt3A_2520 = arith.cmpf ogt, %slice3A_2514, %max3A_2511 : vector<8x4096xf32>
        %max3A_2521 = arith.maximumf %slice3A_2514, %max3A_2511 : vector<8x4096xf32>
        %broadcast_in_dim3A_2522 = vector.broadcast %convert_element_type3A_2519 : f32 to vector<8x4096xf32>
        %select_n3A_2523 = arith.select %gt3A_2520, %broadcast_in_dim3A_2522, %select_n3A_2513 : vector<8x4096xi1>, vector<8x4096xf32>
        %slice3A_2524 = vector.extract_strided_slice %dot_general3A_56 {offsets = [1976, 0], sizes = [8, 4096], strides = [1, 1]} : vector<2048x4096xf32> to vector<8x4096xf32>
        %mul3A_2525 = arith.constant 256 : i32
        %mul3A_2526 = arith.muli %scan3A_42, %mul3A_2525 : i32
        %add3A_2527 = arith.constant 247 : i32
        %add3A_2528 = arith.addi %mul3A_2526, %add3A_2527 : i32
        %convert_element_type3A_2529 = arith.sitofp %add3A_2528 : i32 to f32
        %gt3A_2530 = arith.cmpf ogt, %slice3A_2524, %max3A_2521 : vector<8x4096xf32>
        %max3A_2531 = arith.maximumf %slice3A_2524, %max3A_2521 : vector<8x4096xf32>
        %broadcast_in_dim3A_2532 = vector.broadcast %convert_element_type3A_2529 : f32 to vector<8x4096xf32>
        %select_n3A_2533 = arith.select %gt3A_2530, %broadcast_in_dim3A_2532, %select_n3A_2523 : vector<8x4096xi1>, vector<8x4096xf32>
        %slice3A_2534 = vector.extract_strided_slice %dot_general3A_56 {offsets = [1984, 0], sizes = [8, 4096], strides = [1, 1]} : vector<2048x4096xf32> to vector<8x4096xf32>
        %mul3A_2535 = arith.constant 256 : i32
        %mul3A_2536 = arith.muli %scan3A_42, %mul3A_2535 : i32
        %add3A_2537 = arith.constant 248 : i32
        %add3A_2538 = arith.addi %mul3A_2536, %add3A_2537 : i32
        %convert_element_type3A_2539 = arith.sitofp %add3A_2538 : i32 to f32
        %gt3A_2540 = arith.cmpf ogt, %slice3A_2534, %max3A_2531 : vector<8x4096xf32>
        %max3A_2541 = arith.maximumf %slice3A_2534, %max3A_2531 : vector<8x4096xf32>
        %broadcast_in_dim3A_2542 = vector.broadcast %convert_element_type3A_2539 : f32 to vector<8x4096xf32>
        %select_n3A_2543 = arith.select %gt3A_2540, %broadcast_in_dim3A_2542, %select_n3A_2533 : vector<8x4096xi1>, vector<8x4096xf32>
        %slice3A_2544 = vector.extract_strided_slice %dot_general3A_56 {offsets = [1992, 0], sizes = [8, 4096], strides = [1, 1]} : vector<2048x4096xf32> to vector<8x4096xf32>
        %mul3A_2545 = arith.constant 256 : i32
        %mul3A_2546 = arith.muli %scan3A_42, %mul3A_2545 : i32
        %add3A_2547 = arith.constant 249 : i32
        %add3A_2548 = arith.addi %mul3A_2546, %add3A_2547 : i32
        %convert_element_type3A_2549 = arith.sitofp %add3A_2548 : i32 to f32
        %gt3A_2550 = arith.cmpf ogt, %slice3A_2544, %max3A_2541 : vector<8x4096xf32>
        %max3A_2551 = arith.maximumf %slice3A_2544, %max3A_2541 : vector<8x4096xf32>
        %broadcast_in_dim3A_2552 = vector.broadcast %convert_element_type3A_2549 : f32 to vector<8x4096xf32>
        %select_n3A_2553 = arith.select %gt3A_2550, %broadcast_in_dim3A_2552, %select_n3A_2543 : vector<8x4096xi1>, vector<8x4096xf32>
        %slice3A_2554 = vector.extract_strided_slice %dot_general3A_56 {offsets = [2000, 0], sizes = [8, 4096], strides = [1, 1]} : vector<2048x4096xf32> to vector<8x4096xf32>
        %mul3A_2555 = arith.constant 256 : i32
        %mul3A_2556 = arith.muli %scan3A_42, %mul3A_2555 : i32
        %add3A_2557 = arith.constant 250 : i32
        %add3A_2558 = arith.addi %mul3A_2556, %add3A_2557 : i32
        %convert_element_type3A_2559 = arith.sitofp %add3A_2558 : i32 to f32
        %gt3A_2560 = arith.cmpf ogt, %slice3A_2554, %max3A_2551 : vector<8x4096xf32>
        %max3A_2561 = arith.maximumf %slice3A_2554, %max3A_2551 : vector<8x4096xf32>
        %broadcast_in_dim3A_2562 = vector.broadcast %convert_element_type3A_2559 : f32 to vector<8x4096xf32>
        %select_n3A_2563 = arith.select %gt3A_2560, %broadcast_in_dim3A_2562, %select_n3A_2553 : vector<8x4096xi1>, vector<8x4096xf32>
        %slice3A_2564 = vector.extract_strided_slice %dot_general3A_56 {offsets = [2008, 0], sizes = [8, 4096], strides = [1, 1]} : vector<2048x4096xf32> to vector<8x4096xf32>
        %mul3A_2565 = arith.constant 256 : i32
        %mul3A_2566 = arith.muli %scan3A_42, %mul3A_2565 : i32
        %add3A_2567 = arith.constant 251 : i32
        %add3A_2568 = arith.addi %mul3A_2566, %add3A_2567 : i32
        %convert_element_type3A_2569 = arith.sitofp %add3A_2568 : i32 to f32
        %gt3A_2570 = arith.cmpf ogt, %slice3A_2564, %max3A_2561 : vector<8x4096xf32>
        %max3A_2571 = arith.maximumf %slice3A_2564, %max3A_2561 : vector<8x4096xf32>
        %broadcast_in_dim3A_2572 = vector.broadcast %convert_element_type3A_2569 : f32 to vector<8x4096xf32>
        %select_n3A_2573 = arith.select %gt3A_2570, %broadcast_in_dim3A_2572, %select_n3A_2563 : vector<8x4096xi1>, vector<8x4096xf32>
        %slice3A_2574 = vector.extract_strided_slice %dot_general3A_56 {offsets = [2016, 0], sizes = [8, 4096], strides = [1, 1]} : vector<2048x4096xf32> to vector<8x4096xf32>
        %mul3A_2575 = arith.constant 256 : i32
        %mul3A_2576 = arith.muli %scan3A_42, %mul3A_2575 : i32
        %add3A_2577 = arith.constant 252 : i32
        %add3A_2578 = arith.addi %mul3A_2576, %add3A_2577 : i32
        %convert_element_type3A_2579 = arith.sitofp %add3A_2578 : i32 to f32
        %gt3A_2580 = arith.cmpf ogt, %slice3A_2574, %max3A_2571 : vector<8x4096xf32>
        %max3A_2581 = arith.maximumf %slice3A_2574, %max3A_2571 : vector<8x4096xf32>
        %broadcast_in_dim3A_2582 = vector.broadcast %convert_element_type3A_2579 : f32 to vector<8x4096xf32>
        %select_n3A_2583 = arith.select %gt3A_2580, %broadcast_in_dim3A_2582, %select_n3A_2573 : vector<8x4096xi1>, vector<8x4096xf32>
        %slice3A_2584 = vector.extract_strided_slice %dot_general3A_56 {offsets = [2024, 0], sizes = [8, 4096], strides = [1, 1]} : vector<2048x4096xf32> to vector<8x4096xf32>
        %mul3A_2585 = arith.constant 256 : i32
        %mul3A_2586 = arith.muli %scan3A_42, %mul3A_2585 : i32
        %add3A_2587 = arith.constant 253 : i32
        %add3A_2588 = arith.addi %mul3A_2586, %add3A_2587 : i32
        %convert_element_type3A_2589 = arith.sitofp %add3A_2588 : i32 to f32
        %gt3A_2590 = arith.cmpf ogt, %slice3A_2584, %max3A_2581 : vector<8x4096xf32>
        %max3A_2591 = arith.maximumf %slice3A_2584, %max3A_2581 : vector<8x4096xf32>
        %broadcast_in_dim3A_2592 = vector.broadcast %convert_element_type3A_2589 : f32 to vector<8x4096xf32>
        %select_n3A_2593 = arith.select %gt3A_2590, %broadcast_in_dim3A_2592, %select_n3A_2583 : vector<8x4096xi1>, vector<8x4096xf32>
        %slice3A_2594 = vector.extract_strided_slice %dot_general3A_56 {offsets = [2032, 0], sizes = [8, 4096], strides = [1, 1]} : vector<2048x4096xf32> to vector<8x4096xf32>
        %mul3A_2595 = arith.constant 256 : i32
        %mul3A_2596 = arith.muli %scan3A_42, %mul3A_2595 : i32
        %add3A_2597 = arith.constant 254 : i32
        %add3A_2598 = arith.addi %mul3A_2596, %add3A_2597 : i32
        %convert_element_type3A_2599 = arith.sitofp %add3A_2598 : i32 to f32
        %gt3A_2600 = arith.cmpf ogt, %slice3A_2594, %max3A_2591 : vector<8x4096xf32>
        %max3A_2601 = arith.maximumf %slice3A_2594, %max3A_2591 : vector<8x4096xf32>
        %broadcast_in_dim3A_2602 = vector.broadcast %convert_element_type3A_2599 : f32 to vector<8x4096xf32>
        %select_n3A_2603 = arith.select %gt3A_2600, %broadcast_in_dim3A_2602, %select_n3A_2593 : vector<8x4096xi1>, vector<8x4096xf32>
        %slice3A_2604 = vector.extract_strided_slice %dot_general3A_56 {offsets = [2040, 0], sizes = [8, 4096], strides = [1, 1]} : vector<2048x4096xf32> to vector<8x4096xf32>
        %mul3A_2605 = arith.constant 256 : i32
        %mul3A_2606 = arith.muli %scan3A_42, %mul3A_2605 : i32
        %add3A_2607 = arith.constant 255 : i32
        %add3A_2608 = arith.addi %mul3A_2606, %add3A_2607 : i32
        %convert_element_type3A_2609 = arith.sitofp %add3A_2608 : i32 to f32
        %gt3A_2610 = arith.cmpf ogt, %slice3A_2604, %max3A_2601 : vector<8x4096xf32>
        %max3A_2611 = arith.maximumf %slice3A_2604, %max3A_2601 : vector<8x4096xf32>
        %broadcast_in_dim3A_2612 = vector.broadcast %convert_element_type3A_2609 : f32 to vector<8x4096xf32>
        %select_n3A_2613 = arith.select %gt3A_2610, %broadcast_in_dim3A_2612, %select_n3A_2603 : vector<8x4096xi1>, vector<8x4096xf32>
        scf.yield %max3A_2611, %select_n3A_2613 : vector<8x4096xf32>, vector<8x4096xf32>
      }
      %scan3A_14 = arith.constant 2 : i32
      %iota3A = tpu.iota {dimensions = array<i32: 0>} : vector<8x4096xi32>
      %convert_element_type3A_15 = arith.sitofp %iota3A : vector<8x4096xi32> to vector<8x4096xf32>
      %mul3A = arith.constant 8.000000e+00 : f32
      %mul3A_16 = vector.broadcast %mul3A : f32 to vector<8x4096xf32>
      %mul3A_17 = arith.mulf %scan3A_13#1, %mul3A_16 : vector<8x4096xf32>
      %add3A = arith.addf %mul3A_17, %convert_element_type3A_15 : vector<8x4096xf32>
      %reduce_max3A = arith.constant dense<0xFF800000> : vector<4096xf32>
      %reduce_max3A_18 = vector.multi_reduction <maximumf>, %scan3A_13#0, %reduce_max3A [0] : vector<8x4096xf32> to vector<4096xf32>
      %broadcast_in_dim3A_19 = vector.shape_cast %reduce_max3A_18 : vector<4096xf32> to vector<1x4096xf32>
      %eq3A_20 = vector.broadcast %broadcast_in_dim3A_19 : vector<1x4096xf32> to vector<8x4096xf32>
      %eq3A_21 = arith.cmpf oeq, %scan3A_13#0, %eq3A_20 : vector<8x4096xf32>
      %jit3A = arith.constant 4.096000e+03 : f32
      %broadcast_in_dim3A_22 = vector.broadcast %jit3A : f32 to vector<8x4096xf32>
      %select_n3A = arith.select %eq3A_21, %add3A, %broadcast_in_dim3A_22 : vector<8x4096xi1>, vector<8x4096xf32>
      %reduce_min3A = arith.constant dense<0x7F800000> : vector<4096xf32>
      %reduce_min3A_23 = vector.multi_reduction <minimumf>, %select_n3A, %reduce_min3A [0] : vector<8x4096xf32> to vector<4096xf32>
      %convert_element_type3A_24 = arith.fptosi %reduce_min3A_23 : vector<4096xf32> to vector<4096xi32>
      %swap3A = arith.constant 0 : index
      %swap3A_25 = arith.constant 0 : index
      %swap3A_26 = arith.constant 0 : index
      %swap3A_27 = vector.load %arg9[%swap3A, %swap3A_25, %swap3A_26] : memref<1x1x4096xi32, #tpu.memory_space<vmem>>, vector<1x1x4096xi32>
      %swap3A_28 = vector.shape_cast %swap3A_27 : vector<1x1x4096xi32> to vector<4096xi32>
      %swap3A_29 = vector.shape_cast %convert_element_type3A_24 : vector<4096xi32> to vector<1x1x4096xi32>
      tpu.vector_store %arg9[%swap3A, %swap3A_25, %swap3A_26], %swap3A_29 {strides = array<i32>} : memref<1x1x4096xi32, #tpu.memory_space<vmem>>, vector<1x1x4096xi32>,
      %add3A_30 = arith.constant 1.000000e+00 : f32
      %add3A_31 = vector.broadcast %add3A_30 : f32 to vector<4096xf32>
      %add3A_32 = arith.addf %reduce_max3A_18, %add3A_31 : vector<4096xf32>
      %mul3A_33 = arith.constant 5.000000e-01 : f32
      %mul3A_34 = vector.broadcast %mul3A_33 : f32 to vector<4096xf32>
      %mul3A_35 = arith.mulf %add3A_32, %mul3A_34 : vector<4096xf32>
      %swap3A_36 = arith.constant 0 : index
      %swap3A_37 = arith.constant 0 : index
      %swap3A_38 = arith.constant 0 : index
      %swap3A_39 = vector.load %arg10[%swap3A_36, %swap3A_37, %swap3A_38] : memref<1x1x4096xf32, #tpu.memory_space<vmem>>, vector<1x1x4096xf32>
      %swap3A_40 = vector.shape_cast %swap3A_39 : vector<1x1x4096xf32> to vector<4096xf32>
      %swap3A_41 = vector.shape_cast %mul3A_35 : vector<4096xf32> to vector<1x1x4096xf32>
      tpu.vector_store %arg10[%swap3A_36, %swap3A_37, %swap3A_38], %swap3A_41 {strides = array<i32>} : memref<1x1x4096xf32, #tpu.memory_space<vmem>>, vector<1x1x4096xf32>,
    } else {
    }
    return
  }
  func.func @transform_0(%arg0: i32, %arg1: i32, %arg2: i32) -> (i32, i32, i32) {
    %c0_i32 = arith.constant 0 : i32
    %c0_i32_0 = arith.constant 0 : i32
    %c0_i32_1 = arith.constant 0 : i32
    return %arg0, %c0_i32, %c0_i32_0 : i32, i32, i32
  }
  func.func @transform_1(%arg0: i32, %arg1: i32, %arg2: i32) -> (i32, i32, i32) {
    %c0_i32 = arith.constant 0 : i32
    %c0_i32_0 = arith.constant 0 : i32
    %c0_i32_1 = arith.constant 0 : i32
    return %arg0, %c0_i32, %c0_i32_0 : i32, i32, i32
  }
  func.func @transform_2(%arg0: i32, %arg1: i32, %arg2: i32) -> (i32, i32, i32) {
    %c0_i32 = arith.constant 0 : i32
    %c0_i32_0 = arith.constant 0 : i32
    return %arg0, %c0_i32, %arg1 : i32, i32, i32
  }
  func.func @transform_3(%arg0: i32, %arg1: i32, %arg2: i32) -> (i32, i32, i32) {
    %c0_i32 = arith.constant 0 : i32
    %c0_i32_0 = arith.constant 0 : i32
    return %arg0, %c0_i32, %arg1 : i32, i32, i32
  }
  func.func @transform_4(%arg0: i32, %arg1: i32, %arg2: i32) -> (i32, i32, i32) {
    %c0_i32 = arith.constant 0 : i32
    %c0_i32_0 = arith.constant 0 : i32
    return %arg0, %c0_i32, %arg1 : i32, i32, i32
  }
  func.func @transform_5(%arg0: i32, %arg1: i32, %arg2: i32) -> (i32, i32, i32) {
    %c0_i32 = arith.constant 0 : i32
    %c0_i32_0 = arith.constant 0 : i32
    return %arg0, %c0_i32, %arg1 : i32, i32, i32
  }
  func.func @transform_6(%arg0: i32, %arg1: i32, %arg2: i32) -> (i32, i32, i32) {
    %c0_i32 = arith.constant 0 : i32
    %c0_i32_0 = arith.constant 0 : i32
    return %arg0, %c0_i32, %arg1 : i32, i32, i32
  }
  func.func @transform_7(%arg0: i32, %arg1: i32, %arg2: i32) -> (i32, i32, i32) {
    %c0_i32 = arith.constant 0 : i32
    %c0_i32_0 = arith.constant 0 : i32
    return %arg0, %c0_i32, %arg1 : i32, i32, i32
  }
}

</mosaic_0001>

<sc_bundles>
// kernel: kernel.4.cloned.1.call-start
scs
__scs_entry_jumppad:
0x0: {  	(pc) =	sbr.rel $0x88, $3  }
0x1: {  	(tag) =	ssettag $0x0;
	lr =	simm.s32 $0x1  }
0x2: {  	[smem:$0x3F9F] =	sst lr;
	_ =	strace $0xD0000000  }
0x3: {  	_ = 	snop  }
0x4: {  	_ = 	snop  }
0x5: {  	_ = 	snop  }
0x6: {  	_ = 	snop  }
0x7: {  	_ = 	snop  }
__scs_overlays_trampoline_lowered:
0x8: {  	[smem:$0x3FAE] =	sst s0  }
0x9: {  	[smem:$0x3FAF] =	sst s1  }
0xa: {  	[smem:$0x3FB0] =	sst s2  }
0xb: {  	[smem:$0x3FB1] =	sst s3  }
0xc: {  	[smem:$0x3FB2] =	sst s4  }
0xd: {  	[smem:$0x3FB3] =	sst s5  }
0xe: {  	[smem:$0x3FB4] =	sst s6  }
0xf: {  	[smem:$0x3FB5] =	sst s7  }
0x10: {  	[smem:$0x3FB6] =	sst s8  }
0x11: {  	[smem:$0x3FB7] =	sst s9;
	s0 =	simm.s32 @!p0 $0x0  }
0x12: {  	s1 =	sld [smem:$0x3F9D];
	s0 =	simm.s32 @p0 $0x1  }
0x13: {  	[smem:$0x3FB8] =	sst s0;
	s0 =	simm.s32 @!p1 $0x0  }
0x14: {  	s2 =	sld [smem:$0x3F9C];
	s0 =	simm.s32 @p1 $0x1  }
0x15: {  	[smem:$0x3FB9] =	sst s0;
	s0 =	simm.s32 @!p2 $0x0  }
0x16: {  	s3 =	sld [smem:$0x3FDB];
	s0 =	simm.s32 @p2 $0x1  }
0x17: {  	s4 =	simm.s32 $0x1BF5;
	[smem:$0x3FBB] =	sst s0  }
0x18: {  	s0 =	sld [smem:$0x3F9E];
	_ =	swait.ge [sflag:s4], $0x0  }
0x19: {  	s7 =	sld [smem:$0x3F9F]  }
0x1a: {  	s8 =	sadd.s32 $0xFFFFE003, lr  }
0x1b: {  	s9 =	sadd.s32 $0xFFFFFEF7, lr;
	s5 =	simm.s32 $0xFFFFFFFF;
	p2 =	slt.u32 s8, $0xFFFFF086  }
0x1c: {  	p1 =	slt.u32 s9, $0xF7A;
	s5 =	simm.s32 @!p2 $0x0  }
0x1d: {  	s5 =	simm.s32 @p1 $0x1;
	p0 =	seq.s32 s7, s2  }
0x1e: {  	s7 =	smul.u32 @!p0 $0xF7A, s2;
	p2 =	seq.s32 @!p0 s5, $0x0  }
0x1f: {  	s9 =	smul.u32 $0xF7A, s1;
	s8 =	simm.s32 @!p0 $0x1BF5;
	p2 =	por !p2, p0  }
0x20: {  	[sflag:s8] =	ssyncset.s32 @!p0 $0xFFFFF086;
	s6 =	sadd.s32 @!p0 s3, s7;
	s7 =	simm.s32 @!p0 $0x108  }
0x21: {  	s3 =	sadd.s32 s3, s9;
	s6 =	sadd.s32 @!p0 $0x88, s6;
	s7 =	simm.s32 @p2 $0x1082  }
0x22: {  	[simem:s7], [sflag:s8] =	dma.local @!p0 [hbm:s6], $0xF7A  }
0x23: {  	s9 =	sor.u32 $0xD0000000, s2;
	s6 =	simm.s32 $0x108;
	_ =	swait.ge @!p0 [sflag:s8], $0x0  }
0x24: {  	s3 =	sadd.s32 $0x88, s3;
	s6 =	simm.s32 @!p1 $0x1082;
	[sflag:s4] =	ssyncset.s32 $0xFFFFF086  }
0x25: {  	[simem:s6], [sflag:s4] =	dma.local [hbm:s3], $0xF7A  }
0x26: {  	[smem:$0x3F9F] =	sst s1;
	(tag) =	ssettag s2;
	_ =	strace s9  }
0x27: {  	s1 =	sld [smem:$0x3FAF]  }
0x28: {  	s2 =	sld [smem:$0x3FB0]  }
0x29: {  	s4 =	sld [smem:$0x3FB2]  }
0x2a: {  	p0 =	seq.s32 s5, $0x0;
	s5 =	sld [smem:$0x3FB3]  }
0x2b: {  	s6 =	sld [smem:$0x3FB4]  }
0x2c: {  	s7 =	sld [smem:$0x3FB5]  }
0x2d: {  	s3 =	simm.s32 $0x108;
	s8 =	sld [smem:$0x3FB6]  }
0x2e: {  	s3 =	simm.s32 @!p0 $0x1082;
	s9 =	sld [smem:$0x3FB7]  }
0x2f: {  	lr =	sadd.s32 s0, s3;
	s0 =	sld [smem:$0x3FAE]  }
0x30: {  	s3 =	sld [smem:$0x3FB1]  }
0x31: {  	[smem:$0x3FBA] =	sst s10  }
0x32: {  	s10 =	sld [smem:$0x3FB8];
	_ =	sdelay $0x3  }
0x33: {  	p0 =	seq.s32 s10, $0x1;
	s10 =	sld [smem:$0x3FBA];
	_ =	sdelay $0x3  }
0x34: {  	[smem:$0x3FBA] =	sst s10  }
0x35: {  	s10 =	sld [smem:$0x3FB9];
	_ =	sdelay $0x3  }
0x36: {  	p1 =	seq.s32 s10, $0x1;
	s10 =	sld [smem:$0x3FBA];
	_ =	sdelay $0x3  }
0x37: {  	[smem:$0x3FBA] =	sst s10  }
0x38: {  	s10 =	sld [smem:$0x3FBB]  }
0x39: {  	_ = 	snop;
	(pc) =	sbr.ind lr, $3  }
0x3a: {  	_ = 	snop  }
0x3b: {  	_ = 	snop  }
0x3c: {  	p2 =	seq.s32 s10, $0x1;
	s10 =	sld [smem:$0x3FBA]  }
0x3d: {  	_ =	shalt  }
0x3e: {  	_ =	shalt  }
0x3f: {  	_ =	shalt  }
0x40: {  	_ =	shalt  }
0x41: {  	_ =	shalt  }
0x42: {  	_ =	shalt  }
0x43: {  	_ =	shalt  }
0x44: {  	_ =	shalt  }
0x45: {  	_ =	shalt  }
0x46: {  	_ =	shalt  }
0x47: {  	_ =	shalt  }
0x48: {  	_ =	shalt  }
0x49: {  	_ =	shalt  }
0x4a: {  	_ =	shalt  }
0x4b: {  	_ =	shalt  }
0x4c: {  	_ =	shalt  }
0x4d: {  	_ =	shalt  }
0x4e: {  	_ =	shalt  }
0x4f: {  	_ =	shalt  }
0x50: {  	_ =	shalt  }
0x51: {  	_ =	shalt  }
0x52: {  	_ =	shalt  }
0x53: {  	_ =	shalt  }
0x54: {  	_ =	shalt  }
0x55: {  	_ =	shalt  }
0x56: {  	_ =	shalt  }
0x57: {  	_ =	shalt  }
0x58: {  	_ =	shalt  }
0x59: {  	_ =	shalt  }
0x5a: {  	_ =	shalt  }
0x5b: {  	_ =	shalt  }
0x5c: {  	_ =	shalt  }
0x5d: {  	_ =	shalt  }
0x5e: {  	_ =	shalt  }
0x5f: {  	_ =	shalt  }
0x60: {  	_ =	shalt  }
0x61: {  	_ =	shalt  }
0x62: {  	_ =	shalt  }
0x63: {  	_ =	shalt  }
0x64: {  	_ =	shalt  }
0x65: {  	_ =	shalt  }
0x66: {  	_ =	shalt  }
0x67: {  	_ =	shalt  }
0x68: {  	_ =	shalt  }
0x69: {  	_ =	shalt  }
0x6a: {  	_ =	shalt  }
0x6b: {  	_ =	shalt  }
0x6c: {  	_ =	shalt  }
0x6d: {  	_ =	shalt  }
0x6e: {  	_ =	shalt  }
0x6f: {  	_ =	shalt  }
0x70: {  	_ =	shalt  }
0x71: {  	_ =	shalt  }
0x72: {  	_ =	shalt  }
0x73: {  	_ =	shalt  }
0x74: {  	_ =	shalt  }
0x75: {  	_ =	shalt  }
0x76: {  	_ =	shalt  }
0x77: {  	_ =	shalt  }
0x78: {  	_ =	shalt  }
0x79: {  	_ =	shalt  }
0x7a: {  	_ =	shalt  }
0x7b: {  	_ =	shalt  }
0x7c: {  	_ =	shalt  }
0x7d: {  	_ =	shalt  }
0x7e: {  	_ =	shalt  }
0x7f: {  	_ =	shalt  }
0x80: {  	_ =	shalt  }
0x81: {  	_ =	shalt  }
0x82: {  	_ =	shalt  }
0x83: {  	_ =	shalt  }
0x84: {  	_ =	shalt  }
0x85: {  	_ =	shalt  }
0x86: {  	_ =	shalt  }
0x87: {  	_ =	shalt  }
.Lfunc_end0:
.L_simem_size_0:
called_computation_lowered:
.L_overlay_start_0:
0x88: {  	s2 =	sld [smem:$0x3FD9]  }
0x89: {  	s3 =	sld [smem:$0x3FFE];
	_ =	sdelay $0x1  }
0x8a: {  	s1 =	srdreg.scid  }
0x8b: {  	s0 =	sand.u32 $0x1, s1  }
0x8c: {  	s14 =	sshll.u32 s0, $0xA;
	s2 =	sadd.s32 s3, s2  }
0x8d: {  	s2 =	sadd.s32 s2, s14  }
0x8e: {  	[smem:$0x3FC6] =	sst s2  }
0x8f: {  	_ = 	snop  }
0x90: {  	s2 =	sld [smem:$0x3FD0];
	_ =	sdelay $0x2  }
0x91: {  	s15 =	simm.s32 $0xA;
	s4 =	simm.s32 $0x10  }
0x92: {  	[smem:s4], [sflag:s15] =	dma.local [hbm:s2], $0x1  }
0x93: {  	_ =	swait.eq [sflag:s15], $0x1  }
0x94: {  	[sflag:s15] =	ssyncset.done $0x0  }
0x95: {  	[sflag:s15] =	ssyncadd.s32 $0xFFFFFFFF  }
0x96: {  	s16 =	sld [smem:$0x10];
	(tm) =	ssettm $0x1  }
0x97: {  	s17 =	sld [smem:$0x3FFB];
	_ =	sdelay $0x3  }
0x98: {  	_ =	strace s17  }
0x99: {  	s3 =	sld [smem:$0x3FFC];
	_ =	sdelay $0x3  }
0x9a: {  	_ =	strace s3  }
0x9b: {  	s3 =	sld [smem:$0x3FFD];
	_ =	sdelay $0x3  }
0x9c: {  	_ =	strace s3  }
0x9d: {  	_ =	strace $0x8FFFFFFF  }
0x9e: {  	s18 =	sld [smem:$0x3FDB];
	_ =	sdelay $0x1  }
0x9f: {  	s19 =	simm.s32 $_scs_section_size  }
0xa0: {  	s5 =	simm.s32 $_size__tile_overlayer_lowered;
	s6 =	simm.s32 $_tile_overlayer_lowered  }
0xa1: {  	s22 =	simm.s32 $0x1BFF;
	s21 =	sshll.u32 s6, $0x1;
	s3 =	sadd.s32 s19, s18  }
0xa2: {  	s7 =	simm.s32 $0x0;
	s20 =	sshll.u32 s5, $0x1;
	s5 =	sadd.s32 s21, s3  }
0xa3: {  	[timem:s7], [sflag:s22] =	dma.local [hbm:s5], s20  }
0xa4: {  	_ =	swait.ge [sflag:s22], s20  }
0xa5: {  	s4 =	ssub.s32 $0x0, s20;
	[sflag:s22] =	ssyncset.done $0x0  }
0xa6: {  	[sflag:s22] =	ssyncadd.s32 s4;
	_ =	sdelay $0x1  }
0xa7: {  	s23 =	simm.s32 $0x1B8B  }
0xa8: {  	_ =	swait.ge [sflag:s23], $0x1  }
0xa9: {  	[sflag:s23] =	ssyncset.done $0x0  }
0xaa: {  	s25 =	simm.s32 $0x1B8E;
	s24 =	sld [smem:$0x3FFE];
	[sflag:s23] =	ssyncadd.s32 $0xFFFFFFFF  }
0xab: {  	s26 =	simm.s32 $execute0_lowered;
	[smem:$0x3FD2] =	sst s25  }
0xac: {  	s5 =	sshll.u32 s26, $0x1;
	_ =	strace $0x80000046;
	[dreg:$0x1] =	wrdreg $0xFFFFFFFF  }
0xad: {  	s28 =	simm.s32 $_size_execute0_lowered;
	s3 =	sadd.s32 s3, s5;
	[dreg:$0x0] =	wrdreg $0x0  }
0xae: {  	s5 =	sshll.u32 s28, $0x1;
	[dreg:$0x2] =	wrdreg s3  }
0xaf: {  	[dreg:$0x3] =	wrdreg s5  }
0xb0: {  	[dreg:$0x4] =	wrdreg $0xC0  }
0xb1: {  	_ =	task [dreg:s7], $0x5FFFF  }
0xb2: {  	[dreg:$0x1] =	wrdreg $0xFFFFFFFF  }
0xb3: {  	[dreg:$0x0] =	wrdreg $0x60  }
0xb4: {  	[dreg:$0x2] =	wrdreg s24  }
0xb5: {  	[dreg:$0x3] =	wrdreg s16  }
0xb6: {  	[dreg:$0x4] =	wrdreg $0x9  }
0xb7: {  	_ =	task.clear_ibuf [dreg:s7], $0x5FFFF;
	_ =	strace $0x90000046  }
0xb8: {  	s29 =	simm.s32 $0x9;
	_ =	strace $0x80000048  }
0xb9: {  	_ =	swait.ge [sflag:s29], $0x1  }
0xba: {  	[sflag:s29] =	ssyncadd.s32 $0xFFFFFFFF  }
0xbb: {  	_ =	strace $0x90000048  }
0xbc: {  	_ =	sfence  }
0xbd: {  	s30 =	sld [smem:$0x0];
	_ =	sdelay $0x2  }
0xbe: {  	s31 =	sshll.u32 s1, $0xD;
	s1 =	sshrl.u32 s1, $0x2  }
0xbf: {  	s3 =	sand.u32 $0x4000, s31;
	s1 =	sadd.s32 s1, s30  }
0xc0: {  	s0 =	sor.u32 s3, s0;
	s1 =	sshll.u32 s1, $0x11  }
0xc1: {  	s0 =	sor.u32 s1, s0  }
0xc2: {  	s0 =	sadd.s32 $0x8F2B, s0  }
0xc3: {  	[sflag:s0] =	ssyncadd.remote.s32 $0x1  }
0xc4: {  	_ =	sfence.sel $0xFFFF  }
0xc5: {  	[dreg:$0x0] =	wrdreg $0xFFFFFFFF;
	(pc) =	sbr.abs _section_cstart, $3  }
0xc6: {  	[dreg:$0x1] =	wrdreg $0xFFFFFFFF  }
0xc7: {  	_ =	task.clear_ibuf [dreg:s7], $0x2FFFF;
	_ =	strace $0x9FFFFFFF  }
0xc8: {  	(tm) =	ssettm $0x7FFFFFFF  }
0xc9: {  	_ =	shalt  }
tec
execute0_lowered:
.L_overlay_start_1:
0x0: {  	(tag) =	ssettag $0x1  }
0x1: {  	s5 =	rddreg [dreg:$0x0]  }
0x2: {  	s7 =	rddreg [dreg:$0x1]  }
0x3: {  	s0 =	rddreg [dreg:$0x2];
	s2 =	simm.s32 $0x0;
	s1 =	stileid.u32  }
0x4: {  	s3 =	srdreg.scid;
	[smem:$0x7FF] =	sst s2;
	s4 =	sshll.u32 s1, $0x1  }
0x5: {  	s10 =	sand.u32 $0x1, s3;
	s8 =	sshrl.u32 s1, $0x2;
	s16 =	sand.u32 $0x6, s4  }
0x6: {  	_ =	strace $0x80000047;
	s17 =	sshll.u32 s8, $0x9;
	s9 =	sor.u32 s10, s16  }
0x7: {  	s18 =	sshll.u32 s8, $0xC;
	s3 =	sadd.s32 s17, s5;
	s11 =	sshll.u32 s9, $0x9  }
0x8: {  	s4 =	sadd.s32 $0x1000, s3;
	s3 =	simm.s32 $0x1;
	s6 =	sor.u32 s18, s11  }
0x9: {  	[tilespmem:s2], [sflag:$0x1] =	stream.linear.gather [hbm4b:s4+s2], $0x1000, $0x38;
	[tilespmem:$0x1400] =	vst v63  }
0xa: {  	s6 =	sshrl.u32 s6, $0x3;
	_ =	swait.ge [sflag:s3], $0x1000  }
0xb: {  	s5 =	sadd.s32 s6, s5;
	[sflag:s3] =	ssyncset.done $0x0  }
0xc: {  	s6 =	simm.s32 $0x1000;
	s5 =	sadd.s32 $0x1800, s5;
	[sflag:s3] =	ssyncadd.s32 $0xFFFFF000  }
0xd: {  	[tilespmem:s6], [sflag:$0x1] =	stream.linear.gather [hbm4b:s5+s2], $0x200, $0x38;
	[tilespmem:$0x1400] =	vst v63  }
0xe: {  	_ =	swait.ge [sflag:s3], $0x200  }
0xf: {  	[sflag:s3] =	ssyncset.done $0x0  }
0x10: {  	[sflag:s3] =	ssyncadd.s32 $0xFFFFFE00  }
0x11: {  	v1 =	vld [tilespmem:$0x1000];
	_ =	sdelay $0x6  }
0x12: {  	v3 =	vld [tilespmem:$0x1010]  }
0x13: {  	v2 =	vld.idx.msk [tilespmem:v1+s2+$0x0], $0xffff;
	_ =	sdelay $0x2  }
0x14: {  	v31 =	vlaneseq.u32  }
0x15: {  	v0 =	vor.u32 s11, v31  }
0x16: {  	vm0 =	veq.s32 v2, v0  }
0x17: {  	v1 =	vnsel vm0, $0xFFFFFFFF, v1  }
0x18: {  	v4 =	vld [tilespmem:$0x1020];
	[tilespmem:$0x1200] =	vst v1  }
0x19: {  	v2 =	vld.idx.msk [tilespmem:v3+s2+$0x0], $0xffff;
	_ =	sdelay $0x2  }
0x1a: {  	s12 =	sor.u32 $0x10, s11  }
0x1b: {  	v1 =	vor.u32 s12, v31  }
0x1c: {  	vm9 =	veq.s32 v2, v1  }
0x1d: {  	v2 =	vnsel vm9, $0xFFFFFFFF, v3  }
0x1e: {  	v5 =	vld [tilespmem:$0x1030];
	[tilespmem:$0x1210] =	vst v2  }
0x1f: {  	v3 =	vld.idx.msk [tilespmem:v4+s2+$0x0], $0xffff;
	_ =	sdelay $0x2  }
0x20: {  	s19 =	sor.u32 $0x20, s11  }
0x21: {  	v2 =	vor.u32 s19, v31  }
0x22: {  	vm10 =	veq.s32 v3, v2  }
0x23: {  	v3 =	vnsel vm10, $0xFFFFFFFF, v4  }
0x24: {  	v6 =	vld [tilespmem:$0x1040];
	[tilespmem:$0x1220] =	vst v3  }
0x25: {  	v4 =	vld.idx.msk [tilespmem:v5+s2+$0x0], $0xffff;
	_ =	sdelay $0x2  }
0x26: {  	s20 =	sor.u32 $0x30, s11  }
0x27: {  	v3 =	vor.u32 s20, v31  }
0x28: {  	vm11 =	veq.s32 v4, v3  }
0x29: {  	v4 =	vnsel vm11, $0xFFFFFFFF, v5  }
0x2a: {  	v7 =	vld [tilespmem:$0x1050];
	[tilespmem:$0x1230] =	vst v4  }
0x2b: {  	v5 =	vld.idx.msk [tilespmem:v6+s2+$0x0], $0xffff;
	_ =	sdelay $0x2  }
0x2c: {  	s21 =	sor.u32 $0x40, s11  }
0x2d: {  	v4 =	vor.u32 s21, v31  }
0x2e: {  	vm12 =	veq.s32 v5, v4  }
0x2f: {  	v5 =	vnsel vm12, $0xFFFFFFFF, v6  }
0x30: {  	v8 =	vld [tilespmem:$0x1060];
	[tilespmem:$0x1240] =	vst v5  }
0x31: {  	v6 =	vld.idx.msk [tilespmem:v7+s2+$0x0], $0xffff;
	_ =	sdelay $0x2  }
0x32: {  	s22 =	sor.u32 $0x50, s11  }
0x33: {  	v5 =	vor.u32 s22, v31  }
0x34: {  	vm13 =	veq.s32 v6, v5  }
0x35: {  	v6 =	vnsel vm13, $0xFFFFFFFF, v7  }
0x36: {  	v9 =	vld [tilespmem:$0x1070];
	[tilespmem:$0x1250] =	vst v6  }
0x37: {  	v7 =	vld.idx.msk [tilespmem:v8+s2+$0x0], $0xffff;
	_ =	sdelay $0x2  }
0x38: {  	s23 =	sor.u32 $0x60, s11  }
0x39: {  	v6 =	vor.u32 s23, v31  }
0x3a: {  	vm14 =	veq.s32 v7, v6  }
0x3b: {  	v7 =	vnsel vm14, $0xFFFFFFFF, v8  }
0x3c: {  	v10 =	vld [tilespmem:$0x1080];
	[tilespmem:$0x1260] =	vst v7  }
0x3d: {  	v8 =	vld.idx.msk [tilespmem:v9+s2+$0x0], $0xffff;
	_ =	sdelay $0x2  }
0x3e: {  	s24 =	sor.u32 $0x70, s11  }
0x3f: {  	v7 =	vor.u32 s24, v31  }
0x40: {  	vm15 =	veq.s32 v8, v7  }
0x41: {  	v8 =	vnsel vm15, $0xFFFFFFFF, v9  }
0x42: {  	v11 =	vld [tilespmem:$0x1090];
	[tilespmem:$0x1270] =	vst v8  }
0x43: {  	v9 =	vld.idx.msk [tilespmem:v10+s2+$0x0], $0xffff;
	_ =	sdelay $0x2  }
0x44: {  	s25 =	sor.u32 $0x80, s11  }
0x45: {  	v8 =	vor.u32 s25, v31  }
0x46: {  	vm4 =	veq.s32 v9, v8  }
0x47: {  	v9 =	vnsel vm4, $0xFFFFFFFF, v10  }
0x48: {  	v12 =	vld [tilespmem:$0x10A0];
	[tilespmem:$0x1280] =	vst v9  }
0x49: {  	v10 =	vld.idx.msk [tilespmem:v11+s2+$0x0], $0xffff;
	_ =	sdelay $0x2  }
0x4a: {  	s26 =	sor.u32 $0x90, s11  }
0x4b: {  	v9 =	vor.u32 s26, v31  }
0x4c: {  	vm5 =	veq.s32 v10, v9  }
0x4d: {  	v10 =	vnsel vm5, $0xFFFFFFFF, v11  }
0x4e: {  	v13 =	vld [tilespmem:$0x10B0];
	[tilespmem:$0x1290] =	vst v10  }
0x4f: {  	v11 =	vld.idx.msk [tilespmem:v12+s2+$0x0], $0xffff;
	_ =	sdelay $0x2  }
0x50: {  	s28 =	sor.u32 $0xA0, s11  }
0x51: {  	v10 =	vor.u32 s28, v31  }
0x52: {  	vm6 =	veq.s32 v11, v10  }
0x53: {  	v11 =	vnsel vm6, $0xFFFFFFFF, v12  }
0x54: {  	v14 =	vld [tilespmem:$0x10C0];
	[tilespmem:$0x12A0] =	vst v11  }
0x55: {  	v12 =	vld.idx.msk [tilespmem:v13+s2+$0x0], $0xffff;
	_ =	sdelay $0x2  }
0x56: {  	s29 =	sor.u32 $0xB0, s11  }
0x57: {  	v11 =	vor.u32 s29, v31  }
0x58: {  	vm7 =	veq.s32 v12, v11  }
0x59: {  	v12 =	vnsel vm7, $0xFFFFFFFF, v13  }
0x5a: {  	v15 =	vld [tilespmem:$0x10D0];
	[tilespmem:$0x12B0] =	vst v12  }
0x5b: {  	v13 =	vld.idx.msk [tilespmem:v14+s2+$0x0], $0xffff;
	_ =	sdelay $0x2  }
0x5c: {  	s30 =	sor.u32 $0xC0, s11  }
0x5d: {  	v12 =	vor.u32 s30, v31  }
0x5e: {  	vm8 =	veq.s32 v13, v12  }
0x5f: {  	v13 =	vnsel vm8, $0xFFFFFFFF, v14  }
0x60: {  	v16 =	vld [tilespmem:$0x10E0];
	[tilespmem:$0x12C0] =	vst v13  }
0x61: {  	v14 =	vld.idx.msk [tilespmem:v15+s2+$0x0], $0xffff;
	_ =	sdelay $0x2  }
0x62: {  	s31 =	sor.u32 $0xD0, s11  }
0x63: {  	v13 =	vor.u32 s31, v31  }
0x64: {  	vm9 =	veq.s32 v14, v13  }
0x65: {  	v14 =	vnsel vm9, $0xFFFFFFFF, v15  }
0x66: {  	v17 =	vld [tilespmem:$0x10F0];
	[tilespmem:$0x12D0] =	vst v14  }
0x67: {  	v15 =	vld.idx.msk [tilespmem:v16+s2+$0x0], $0xffff;
	_ =	sdelay $0x2  }
0x68: {  	s13 =	sor.u32 $0xE0, s11  }
0x69: {  	v14 =	vor.u32 s13, v31  }
0x6a: {  	vm10 =	veq.s32 v15, v14  }
0x6b: {  	v15 =	vnsel vm10, $0xFFFFFFFF, v16  }
0x6c: {  	v18 =	vld [tilespmem:$0x1100];
	[tilespmem:$0x12E0] =	vst v15  }
0x6d: {  	v16 =	vld.idx.msk [tilespmem:v17+s2+$0x0], $0xffff;
	_ =	sdelay $0x2  }
0x6e: {  	s14 =	sor.u32 $0xF0, s11  }
0x6f: {  	v15 =	vor.u32 s14, v31  }
0x70: {  	vm11 =	veq.s32 v16, v15  }
0x71: {  	v16 =	vnsel vm11, $0xFFFFFFFF, v17  }
0x72: {  	v19 =	vld [tilespmem:$0x1110];
	[tilespmem:$0x12F0] =	vst v16  }
0x73: {  	v17 =	vld.idx.msk [tilespmem:v18+s2+$0x0], $0xffff;
	_ =	sdelay $0x2  }
0x74: {  	s15 =	sor.u32 $0x100, s11  }
0x75: {  	v16 =	vor.u32 s15, v31  }
0x76: {  	vm12 =	veq.s32 v17, v16  }
0x77: {  	v17 =	vnsel vm12, $0xFFFFFFFF, v18  }
0x78: {  	v20 =	vld [tilespmem:$0x1120];
	[tilespmem:$0x1300] =	vst v17  }
0x79: {  	v18 =	vld.idx.msk [tilespmem:v19+s2+$0x0], $0xffff;
	_ =	sdelay $0x2  }
0x7a: {  	s16 =	sor.u32 $0x110, s11  }
0x7b: {  	v17 =	vor.u32 s16, v31  }
0x7c: {  	vm13 =	veq.s32 v18, v17  }
0x7d: {  	v18 =	vnsel vm13, $0xFFFFFFFF, v19  }
0x7e: {  	v21 =	vld [tilespmem:$0x1130];
	[tilespmem:$0x1310] =	vst v18  }
0x7f: {  	v19 =	vld.idx.msk [tilespmem:v20+s2+$0x0], $0xffff;
	_ =	sdelay $0x2  }
0x80: {  	s17 =	sor.u32 $0x120, s11  }
0x81: {  	v18 =	vor.u32 s17, v31  }
0x82: {  	vm14 =	veq.s32 v19, v18  }
0x83: {  	v19 =	vnsel vm14, $0xFFFFFFFF, v20  }
0x84: {  	v22 =	vld [tilespmem:$0x1140];
	[tilespmem:$0x1320] =	vst v19  }
0x85: {  	v20 =	vld.idx.msk [tilespmem:v21+s2+$0x0], $0xffff;
	_ =	sdelay $0x2  }
0x86: {  	s18 =	sor.u32 $0x130, s11  }
0x87: {  	v19 =	vor.u32 s18, v31  }
0x88: {  	vm15 =	veq.s32 v20, v19  }
0x89: {  	v20 =	vnsel vm15, $0xFFFFFFFF, v21  }
0x8a: {  	v23 =	vld [tilespmem:$0x1150];
	[tilespmem:$0x1330] =	vst v20  }
0x8b: {  	v21 =	vld.idx.msk [tilespmem:v22+s2+$0x0], $0xffff;
	_ =	sdelay $0x2  }
0x8c: {  	s19 =	sor.u32 $0x140, s11  }
0x8d: {  	v20 =	vor.u32 s19, v31  }
0x8e: {  	vm4 =	veq.s32 v21, v20  }
0x8f: {  	v21 =	vnsel vm4, $0xFFFFFFFF, v22  }
0x90: {  	v24 =	vld [tilespmem:$0x1160];
	[tilespmem:$0x1340] =	vst v21  }
0x91: {  	v22 =	vld.idx.msk [tilespmem:v23+s2+$0x0], $0xffff;
	_ =	sdelay $0x2  }
0x92: {  	s20 =	sor.u32 $0x150, s11  }
0x93: {  	v21 =	vor.u32 s20, v31  }
0x94: {  	vm5 =	veq.s32 v22, v21  }
0x95: {  	v22 =	vnsel vm5, $0xFFFFFFFF, v23  }
0x96: {  	v25 =	vld [tilespmem:$0x1170];
	[tilespmem:$0x1350] =	vst v22  }
0x97: {  	v23 =	vld.idx.msk [tilespmem:v24+s2+$0x0], $0xffff;
	_ =	sdelay $0x2  }
0x98: {  	s21 =	sor.u32 $0x160, s11  }
0x99: {  	v22 =	vor.u32 s21, v31  }
0x9a: {  	vm6 =	veq.s32 v23, v22  }
0x9b: {  	v23 =	vnsel vm6, $0xFFFFFFFF, v24  }
0x9c: {  	v26 =	vld [tilespmem:$0x1180];
	[tilespmem:$0x1360] =	vst v23  }
0x9d: {  	v24 =	vld.idx.msk [tilespmem:v25+s2+$0x0], $0xffff;
	_ =	sdelay $0x2  }
0x9e: {  	s22 =	sor.u32 $0x170, s11  }
0x9f: {  	v23 =	vor.u32 s22, v31  }
0xa0: {  	vm7 =	veq.s32 v24, v23  }
0xa1: {  	v24 =	vnsel vm7, $0xFFFFFFFF, v25  }
0xa2: {  	v27 =	vld [tilespmem:$0x1190];
	[tilespmem:$0x1370] =	vst v24  }
0xa3: {  	v25 =	vld.idx.msk [tilespmem:v26+s2+$0x0], $0xffff;
	_ =	sdelay $0x2  }
0xa4: {  	s23 =	sor.u32 $0x180, s11  }
0xa5: {  	v24 =	vor.u32 s23, v31  }
0xa6: {  	vm8 =	veq.s32 v25, v24  }
0xa7: {  	v25 =	vnsel vm8, $0xFFFFFFFF, v26  }
0xa8: {  	v28 =	vld [tilespmem:$0x11A0];
	[tilespmem:$0x1380] =	vst v25  }
0xa9: {  	v26 =	vld.idx.msk [tilespmem:v27+s2+$0x0], $0xffff;
	_ =	sdelay $0x2  }
0xaa: {  	s24 =	sor.u32 $0x190, s11  }
0xab: {  	v25 =	vor.u32 s24, v31  }
0xac: {  	vm9 =	veq.s32 v26, v25  }
0xad: {  	v26 =	vnsel vm9, $0xFFFFFFFF, v27  }
0xae: {  	v29 =	vld [tilespmem:$0x11B0];
	[tilespmem:$0x1390] =	vst v26  }
0xaf: {  	v27 =	vld.idx.msk [tilespmem:v28+s2+$0x0], $0xffff;
	_ =	sdelay $0x2  }
0xb0: {  	s25 =	sor.u32 $0x1A0, s11  }
0xb1: {  	v26 =	vor.u32 s25, v31  }
0xb2: {  	vm10 =	veq.s32 v27, v26  }
0xb3: {  	v27 =	vnsel vm10, $0xFFFFFFFF, v28  }
0xb4: {  	v30 =	vld [tilespmem:$0x11C0];
	[tilespmem:$0x13A0] =	vst v27  }
0xb5: {  	v28 =	vld.idx.msk [tilespmem:v29+s2+$0x0], $0xffff;
	_ =	sdelay $0x2  }
0xb6: {  	s26 =	sor.u32 $0x1B0, s11  }
0xb7: {  	v27 =	vor.u32 s26, v31  }
0xb8: {  	vm11 =	veq.s32 v28, v27  }
0xb9: {  	v28 =	vnsel vm11, $0xFFFFFFFF, v29  }
0xba: {  	v32 =	vld [tilespmem:$0x11D0];
	[tilespmem:$0x13B0] =	vst v28  }
0xbb: {  	v29 =	vld.idx.msk [tilespmem:v30+s2+$0x0], $0xffff;
	_ =	sdelay $0x2  }
0xbc: {  	s28 =	sor.u32 $0x1C0, s11  }
0xbd: {  	v28 =	vor.u32 s28, v31  }
0xbe: {  	vm12 =	veq.s32 v29, v28  }
0xbf: {  	v29 =	vnsel vm12, $0xFFFFFFFF, v30  }
0xc0: {  	v33 =	vld [tilespmem:$0x11E0];
	[tilespmem:$0x13C0] =	vst v29  }
0xc1: {  	v30 =	vld.idx.msk [tilespmem:v32+s2+$0x0], $0xffff;
	_ =	sdelay $0x2  }
0xc2: {  	s29 =	sor.u32 $0x1D0, s11  }
0xc3: {  	v29 =	vor.u32 s29, v31  }
0xc4: {  	vm13 =	veq.s32 v30, v29  }
0xc5: {  	v30 =	vnsel vm13, $0xFFFFFFFF, v32  }
0xc6: {  	v34 =	vld [tilespmem:$0x11F0];
	[tilespmem:$0x13D0] =	vst v30  }
0xc7: {  	v63 =	vld.idx.msk [tilespmem:v33+s2+$0x0], $0xffff;
	_ =	sdelay $0x2  }
0xc8: {  	s30 =	sor.u32 $0x1E0, s11  }
0xc9: {  	v30 =	vor.u32 s30, v31  }
0xca: {  	vm14 =	veq.s32 v63, v30  }
0xcb: {  	v32 =	vnsel vm14, $0xFFFFFFFF, v33  }
0xcc: {  	[tilespmem:$0x13E0] =	vst v32  }
0xcd: {  	v32 =	vld.idx.msk [tilespmem:v34+s2+$0x0], $0xffff  }
0xce: {  	s10 =	ssub.s32 $0x2, s10  }
0xcf: {  	s31 =	sshrl.u32 s10, $0x1  }
0xd0: {  	s11 =	sor.u32 $0x1F0, s11;
	s10 =	ssub.s32 s10, s31  }
0xd1: {  	s8 =	sshll.u32 s8, $0x4;
	v31 =	vor.u32 s11, v31;
	s11 =	smax.u32 s10, $0x1  }
0xd2: {  	s7 =	sadd.s32 s7, s8;
	p0 =	sne.s32 s11, $0x1;
	vm15 =	veq.s32 v32, v31  }
.Ltmp0:
0xd3: {  	s8 =	simm.s32 $0x80;
	s9 =	sshll.u32 s9, $0x8;
	v32 =	vnsel vm15, $0xFFFFFFFF, v34;
	(pc) =	sbr.rel @!p0 .LBB2_2-.Ltmp0, $4  }
0xd4: {  	s7 =	sadd.s32 s9, s7;
	s9 =	simm.s32 $0x200;
	s10 =	simm.s32 $0x1200;
	[tilespmem:$0x13F0] =	vst v32  }
0xd5: {  	[hbm4b:s7+s8] =	stream.strided.scatter [tilespmem:s10], [sflag:$0x1], $0x200, s9, s8, $0x38;
	[tilespmem:$0x1400] =	vst v63  }
0xd6: {  	_ =	swait.ge [sflag:s3], $0x200  }
0xd7: {  	s11 =	sadd.s32 $0xFFFFFFFF, s11;
	[sflag:s3] =	ssyncset.done $0x0  }
.LBB2_1:
0xd8: {  	p0 =	sne.s32 s11, $0x1;
	s11 =	sadd.s32 $0xFFFFFFFF, s11;
	[sflag:s3] =	ssyncadd.s32 $0xFFFFFE00  }
0xd9: {  	[tilespmem:s2], [sflag:$0x1] =	stream.linear.gather [hbm4b:s4+s2], $0x1000, $0x38;
	[tilespmem:$0x1400] =	vst v63  }
0xda: {  	_ =	swait.ge [sflag:s3], $0x1000  }
0xdb: {  	[sflag:s3] =	ssyncset.done $0x0  }
0xdc: {  	[sflag:s3] =	ssyncadd.s32 $0xFFFFF000  }
0xdd: {  	[tilespmem:s6], [sflag:$0x1] =	stream.linear.gather [hbm4b:s5+s2], $0x200, $0x38;
	[tilespmem:$0x1400] =	vst v63  }
0xde: {  	_ =	swait.ge [sflag:s3], $0x200  }
0xdf: {  	[sflag:s3] =	ssyncset.done $0x0  }
0xe0: {  	[sflag:s3] =	ssyncadd.s32 $0xFFFFFE00  }
0xe1: {  	v32 =	vld [tilespmem:$0x1000];
	_ =	sdelay $0x7  }
0xe2: {  	v33 =	vld.idx.msk [tilespmem:v32+s2+$0x0], $0xffff  }
0xe3: {  	v34 =	vld [tilespmem:$0x1010];
	_ =	sdelay $0x4  }
0xe4: {  	vm0 =	veq.s32 v33, v0  }
0xe5: {  	v32 =	vnsel vm0, $0xFFFFFFFF, v32  }
0xe6: {  	[tilespmem:$0x1200] =	vst v32  }
0xe7: {  	v32 =	vld.idx.msk [tilespmem:v34+s2+$0x0], $0xffff  }
0xe8: {  	v33 =	vld [tilespmem:$0x1020];
	_ =	sdelay $0x4  }
0xe9: {  	vm0 =	veq.s32 v32, v1  }
0xea: {  	v32 =	vnsel vm0, $0xFFFFFFFF, v34  }
0xeb: {  	[tilespmem:$0x1210] =	vst v32  }
0xec: {  	v32 =	vld.idx.msk [tilespmem:v33+s2+$0x0], $0xffff  }
0xed: {  	v34 =	vld [tilespmem:$0x1030];
	_ =	sdelay $0x4  }
0xee: {  	vm0 =	veq.s32 v32, v2  }
0xef: {  	v32 =	vnsel vm0, $0xFFFFFFFF, v33  }
0xf0: {  	[tilespmem:$0x1220] =	vst v32  }
0xf1: {  	v32 =	vld.idx.msk [tilespmem:v34+s2+$0x0], $0xffff  }
0xf2: {  	v33 =	vld [tilespmem:$0x1040];
	_ =	sdelay $0x4  }
0xf3: {  	vm0 =	veq.s32 v32, v3  }
0xf4: {  	v32 =	vnsel vm0, $0xFFFFFFFF, v34  }
0xf5: {  	[tilespmem:$0x1230] =	vst v32  }
0xf6: {  	v32 =	vld.idx.msk [tilespmem:v33+s2+$0x0], $0xffff  }
0xf7: {  	v34 =	vld [tilespmem:$0x1050];
	_ =	sdelay $0x4  }
0xf8: {  	vm0 =	veq.s32 v32, v4  }
0xf9: {  	v32 =	vnsel vm0, $0xFFFFFFFF, v33  }
0xfa: {  	[tilespmem:$0x1240] =	vst v32  }
0xfb: {  	v32 =	vld.idx.msk [tilespmem:v34+s2+$0x0], $0xffff  }
0xfc: {  	v33 =	vld [tilespmem:$0x1060];
	_ =	sdelay $0x4  }
0xfd: {  	vm0 =	veq.s32 v32, v5  }
0xfe: {  	v32 =	vnsel vm0, $0xFFFFFFFF, v34  }
0xff: {  	[tilespmem:$0x1250] =	vst v32  }
0x100: {  	v32 =	vld.idx.msk [tilespmem:v33+s2+$0x0], $0xffff  }
0x101: {  	v34 =	vld [tilespmem:$0x1070];
	_ =	sdelay $0x4  }
0x102: {  	vm0 =	veq.s32 v32, v6  }
0x103: {  	v32 =	vnsel vm0, $0xFFFFFFFF, v33  }
0x104: {  	[tilespmem:$0x1260] =	vst v32  }
0x105: {  	v32 =	vld.idx.msk [tilespmem:v34+s2+$0x0], $0xffff  }
0x106: {  	v33 =	vld [tilespmem:$0x1080];
	_ =	sdelay $0x4  }
0x107: {  	vm0 =	veq.s32 v32, v7  }
0x108: {  	v32 =	vnsel vm0, $0xFFFFFFFF, v34  }
0x109: {  	[tilespmem:$0x1270] =	vst v32  }
0x10a: {  	v32 =	vld.idx.msk [tilespmem:v33+s2+$0x0], $0xffff  }
0x10b: {  	v34 =	vld [tilespmem:$0x1090];
	_ =	sdelay $0x4  }
0x10c: {  	vm0 =	veq.s32 v32, v8  }
0x10d: {  	v32 =	vnsel vm0, $0xFFFFFFFF, v33  }
0x10e: {  	[tilespmem:$0x1280] =	vst v32  }
0x10f: {  	v32 =	vld.idx.msk [tilespmem:v34+s2+$0x0], $0xffff  }
0x110: {  	v33 =	vld [tilespmem:$0x10A0];
	_ =	sdelay $0x4  }
0x111: {  	vm0 =	veq.s32 v32, v9  }
0x112: {  	v32 =	vnsel vm0, $0xFFFFFFFF, v34  }
0x113: {  	[tilespmem:$0x1290] =	vst v32  }
0x114: {  	v32 =	vld.idx.msk [tilespmem:v33+s2+$0x0], $0xffff  }
0x115: {  	v34 =	vld [tilespmem:$0x10B0];
	_ =	sdelay $0x4  }
0x116: {  	vm0 =	veq.s32 v32, v10  }
0x117: {  	v32 =	vnsel vm0, $0xFFFFFFFF, v33  }
0x118: {  	[tilespmem:$0x12A0] =	vst v32  }
0x119: {  	v32 =	vld.idx.msk [tilespmem:v34+s2+$0x0], $0xffff  }
0x11a: {  	v33 =	vld [tilespmem:$0x10C0];
	_ =	sdelay $0x4  }
0x11b: {  	vm0 =	veq.s32 v32, v11  }
0x11c: {  	v32 =	vnsel vm0, $0xFFFFFFFF, v34  }
0x11d: {  	[tilespmem:$0x12B0] =	vst v32  }
0x11e: {  	v32 =	vld.idx.msk [tilespmem:v33+s2+$0x0], $0xffff  }
0x11f: {  	v34 =	vld [tilespmem:$0x10D0];
	_ =	sdelay $0x4  }
0x120: {  	vm0 =	veq.s32 v32, v12  }
0x121: {  	v32 =	vnsel vm0, $0xFFFFFFFF, v33  }
0x122: {  	[tilespmem:$0x12C0] =	vst v32  }
0x123: {  	v32 =	vld.idx.msk [tilespmem:v34+s2+$0x0], $0xffff  }
0x124: {  	v33 =	vld [tilespmem:$0x10E0];
	_ =	sdelay $0x4  }
0x125: {  	vm0 =	veq.s32 v32, v13  }
0x126: {  	v32 =	vnsel vm0, $0xFFFFFFFF, v34  }
0x127: {  	[tilespmem:$0x12D0] =	vst v32  }
0x128: {  	v32 =	vld.idx.msk [tilespmem:v33+s2+$0x0], $0xffff  }
0x129: {  	v34 =	vld [tilespmem:$0x10F0];
	_ =	sdelay $0x4  }
0x12a: {  	vm0 =	veq.s32 v32, v14  }
0x12b: {  	v32 =	vnsel vm0, $0xFFFFFFFF, v33  }
0x12c: {  	[tilespmem:$0x12E0] =	vst v32  }
0x12d: {  	v32 =	vld.idx.msk [tilespmem:v34+s2+$0x0], $0xffff  }
0x12e: {  	v33 =	vld [tilespmem:$0x1100];
	_ =	sdelay $0x4  }
0x12f: {  	vm0 =	veq.s32 v32, v15  }
0x130: {  	v32 =	vnsel vm0, $0xFFFFFFFF, v34  }
0x131: {  	[tilespmem:$0x12F0] =	vst v32  }
0x132: {  	v32 =	vld.idx.msk [tilespmem:v33+s2+$0x0], $0xffff  }
0x133: {  	v34 =	vld [tilespmem:$0x1110];
	_ =	sdelay $0x4  }
0x134: {  	vm0 =	veq.s32 v32, v16  }
0x135: {  	v32 =	vnsel vm0, $0xFFFFFFFF, v33  }
0x136: {  	[tilespmem:$0x1300] =	vst v32  }
0x137: {  	v32 =	vld.idx.msk [tilespmem:v34+s2+$0x0], $0xffff  }
0x138: {  	v33 =	vld [tilespmem:$0x1120];
	_ =	sdelay $0x4  }
0x139: {  	vm0 =	veq.s32 v32, v17  }
0x13a: {  	v32 =	vnsel vm0, $0xFFFFFFFF, v34  }
0x13b: {  	[tilespmem:$0x1310] =	vst v32  }
0x13c: {  	v32 =	vld.idx.msk [tilespmem:v33+s2+$0x0], $0xffff  }
0x13d: {  	v34 =	vld [tilespmem:$0x1130];
	_ =	sdelay $0x4  }
0x13e: {  	vm0 =	veq.s32 v32, v18  }
0x13f: {  	v32 =	vnsel vm0, $0xFFFFFFFF, v33  }
0x140: {  	[tilespmem:$0x1320] =	vst v32  }
0x141: {  	v32 =	vld.idx.msk [tilespmem:v34+s2+$0x0], $0xffff  }
0x142: {  	v33 =	vld [tilespmem:$0x1140];
	_ =	sdelay $0x4  }
0x143: {  	vm0 =	veq.s32 v32, v19  }
0x144: {  	v32 =	vnsel vm0, $0xFFFFFFFF, v34  }
0x145: {  	[tilespmem:$0x1330] =	vst v32  }
0x146: {  	v32 =	vld.idx.msk [tilespmem:v33+s2+$0x0], $0xffff  }
0x147: {  	v34 =	vld [tilespmem:$0x1150];
	_ =	sdelay $0x4  }
0x148: {  	vm0 =	veq.s32 v32, v20  }
0x149: {  	v32 =	vnsel vm0, $0xFFFFFFFF, v33  }
0x14a: {  	[tilespmem:$0x1340] =	vst v32  }
0x14b: {  	v32 =	vld.idx.msk [tilespmem:v34+s2+$0x0], $0xffff  }
0x14c: {  	v33 =	vld [tilespmem:$0x1160];
	_ =	sdelay $0x4  }
0x14d: {  	vm0 =	veq.s32 v32, v21  }
0x14e: {  	v32 =	vnsel vm0, $0xFFFFFFFF, v34  }
0x14f: {  	[tilespmem:$0x1350] =	vst v32  }
0x150: {  	v32 =	vld.idx.msk [tilespmem:v33+s2+$0x0], $0xffff  }
0x151: {  	v34 =	vld [tilespmem:$0x1170];
	_ =	sdelay $0x4  }
0x152: {  	vm0 =	veq.s32 v32, v22  }
0x153: {  	v32 =	vnsel vm0, $0xFFFFFFFF, v33  }
0x154: {  	[tilespmem:$0x1360] =	vst v32  }
0x155: {  	v32 =	vld.idx.msk [tilespmem:v34+s2+$0x0], $0xffff  }
0x156: {  	v33 =	vld [tilespmem:$0x1180];
	_ =	sdelay $0x4  }
0x157: {  	vm0 =	veq.s32 v32, v23  }
0x158: {  	v32 =	vnsel vm0, $0xFFFFFFFF, v34  }
0x159: {  	[tilespmem:$0x1370] =	vst v32  }
0x15a: {  	v32 =	vld.idx.msk [tilespmem:v33+s2+$0x0], $0xffff  }
0x15b: {  	v34 =	vld [tilespmem:$0x1190];
	_ =	sdelay $0x4  }
0x15c: {  	vm0 =	veq.s32 v32, v24  }
0x15d: {  	v32 =	vnsel vm0, $0xFFFFFFFF, v33  }
0x15e: {  	[tilespmem:$0x1380] =	vst v32  }
0x15f: {  	v32 =	vld.idx.msk [tilespmem:v34+s2+$0x0], $0xffff  }
0x160: {  	v33 =	vld [tilespmem:$0x11A0];
	_ =	sdelay $0x4  }
0x161: {  	vm0 =	veq.s32 v32, v25  }
0x162: {  	v32 =	vnsel vm0, $0xFFFFFFFF, v34  }
0x163: {  	[tilespmem:$0x1390] =	vst v32  }
0x164: {  	v32 =	vld.idx.msk [tilespmem:v33+s2+$0x0], $0xffff  }
0x165: {  	v34 =	vld [tilespmem:$0x11B0];
	_ =	sdelay $0x4  }
0x166: {  	vm0 =	veq.s32 v32, v26  }
0x167: {  	v32 =	vnsel vm0, $0xFFFFFFFF, v33  }
0x168: {  	[tilespmem:$0x13A0] =	vst v32  }
0x169: {  	v32 =	vld.idx.msk [tilespmem:v34+s2+$0x0], $0xffff  }
0x16a: {  	v33 =	vld [tilespmem:$0x11C0];
	_ =	sdelay $0x4  }
0x16b: {  	vm0 =	veq.s32 v32, v27  }
0x16c: {  	v32 =	vnsel vm0, $0xFFFFFFFF, v34  }
0x16d: {  	[tilespmem:$0x13B0] =	vst v32  }
0x16e: {  	v32 =	vld.idx.msk [tilespmem:v33+s2+$0x0], $0xffff  }
0x16f: {  	v34 =	vld [tilespmem:$0x11D0];
	_ =	sdelay $0x4  }
0x170: {  	vm0 =	veq.s32 v32, v28  }
0x171: {  	v32 =	vnsel vm0, $0xFFFFFFFF, v33  }
0x172: {  	[tilespmem:$0x13C0] =	vst v32  }
0x173: {  	v32 =	vld.idx.msk [tilespmem:v34+s2+$0x0], $0xffff  }
0x174: {  	v33 =	vld [tilespmem:$0x11E0];
	_ =	sdelay $0x4  }
0x175: {  	vm0 =	veq.s32 v32, v29  }
0x176: {  	v32 =	vnsel vm0, $0xFFFFFFFF, v34  }
0x177: {  	[tilespmem:$0x13D0] =	vst v32  }
0x178: {  	v32 =	vld.idx.msk [tilespmem:v33+s2+$0x0], $0xffff  }
0x179: {  	v34 =	vld [tilespmem:$0x11F0];
	_ =	sdelay $0x4  }
0x17a: {  	vm0 =	veq.s32 v32, v30  }
0x17b: {  	v32 =	vnsel vm0, $0xFFFFFFFF, v33  }
0x17c: {  	[tilespmem:$0x13E0] =	vst v32  }
0x17d: {  	v32 =	vld.idx.msk [tilespmem:v34+s2+$0x0], $0xffff;
	_ =	sdelay $0x5  }
0x17e: {  	vm0 =	veq.s32 v32, v31  }
.Ltmp1:
0x17f: {  	v32 =	vnsel vm0, $0xFFFFFFFF, v34;
	(pc) =	sbr.rel @p0 .LBB2_1-.Ltmp1, $4  }
0x180: {  	[tilespmem:$0x13F0] =	vst v32  }
0x181: {  	[hbm4b:s7+s8] =	stream.strided.scatter [tilespmem:s10], [sflag:$0x1], $0x200, s9, s8, $0x38;
	[tilespmem:$0x1400] =	vst v63  }
0x182: {  	_ =	swait.ge [sflag:s3], $0x200  }
0x183: {  	[sflag:s3] =	ssyncset.done $0x0  }
.LBB2_2:
0x184: {  	[sflag:s3] =	ssyncadd.s32 $0xFFFFFE00  }
0x185: {  	_ =	sfence.sel $0x180000  }
0x186: {  	[bflag:$0x0] =	sbarrier.arrive $0xFFFF  }
0x187: {  	p0 =	sne.s32 s1, $0x0;
	_ =	strace $0x90000047  }
0x188: {  	s0 =	sadd.s32 @!p0 $0x100000, s0;
	[bflag:$0x2] =	sbarrier.arrive $0xFFFF  }
0x189: {  	[sflag:s0] =	ssyncadd.tile.s32 @!p0 $0x1;
	_ =	shalt  }
.Lfunc_end2:
_tile_overlayer_lowered:
.L_overlay_start_2:
0x18a: {  	(tag) =	ssettag $0x2  }
0x18b: {  	s0 =	rddreg [dreg:$0x0];
	s2 =	stileid.u32  }
0x18c: {  	s1 =	rddreg [dreg:$0x1];
	p0 =	sne.s32 s2, $0x0  }
0x18d: {  	s3 =	rddreg [dreg:$0x2];
	[bflag:$0x3] =	sbarrier.arrive $0xFFFF;
	s2 =	simm.s32 @!p0 $0x1C01  }
0x18e: {  	[timem:s3], [sflag:s2] =	dma.local @!p0 [hbm:s0], s1  }
0x18f: {  	s0 =	simm.s32 @!p0 $0x1  }
0x190: {  	_ =	swait.ge @!p0 [sflag:s0], s1  }
0x191: {  	s1 =	ssub.s32 @!p0 $0x0, s1;
	[sflag:s0] =	ssyncset.done @!p0 $0x0  }
0x192: {  	[sflag:s0] =	ssyncadd.s32 @!p0 s1  }
0x193: {  	[bflag:$0x3] =	sbarrier.arrive $0xFFFF  }
0x194: {  	_ =	shalt  }

</sc_bundles>
